<compile_context>
chip_gen: v7x
topology: tpu7x:2x2x1
jax: 0.10.2.dev20260603
libtpu: 0.0.44.dev20260713+nightly
codegen_flags: <defaults>
</compile_context>

<pallas_src>
import functools

import jax
import jax.numpy as jnp
from jax import lax
from jax.experimental import pallas as pl
from jax.experimental.pallas import tpu as pltpu
from jax.experimental.pallas import tpu_sc as plsc

N = 100000
K = 16
M = 20


_LSE_ROWS = 1000


def _lse_body(x_ref, o_ref):
    x = x_ref[...]
    m = jnp.max(x, axis=1, keepdims=True)
    s = jnp.sum(jnp.exp(x - m), axis=1, keepdims=True)
    o_ref[...] = m + jnp.log(s)


def _lse(logits):
    n, k2 = logits.shape
    grid = n // _LSE_ROWS
    return pl.pallas_call(
        _lse_body,
        grid=(grid,),
        in_specs=[pl.BlockSpec((_LSE_ROWS, k2), lambda i: (i, 0))],
        out_specs=pl.BlockSpec((_LSE_ROWS, 1), lambda i: (i, 0)),
        out_shape=jax.ShapeDtypeStruct((n, 1), jnp.float32),
    )(logits)



_CHUNK_ROWS = 100
_CHUNK_ELEMS = _CHUNK_ROWS * M
_CHUNK_WORDS = _CHUNK_ROWS * 256
_NUM_CHUNKS = N // _CHUNK_ROWS
_NW = 32
_GROUPS = _CHUNK_ELEMS // 16


def _gather_sc(logits_flat, a_flat, b_flat):
    mesh = plsc.VectorSubcoreMesh(core_axis_name="c", subcore_axis_name="s")

    @functools.partial(
        pl.kernel,
        mesh=mesh,
        out_type=jax.ShapeDtypeStruct((N * M,), jnp.float32),
        compiler_params=pltpu.CompilerParams(needs_layout_passes=False),
        scratch_types=[
            pltpu.VMEM((_CHUNK_WORDS,), jnp.float32),
            pltpu.VMEM((_CHUNK_ELEMS,), jnp.int32),
            pltpu.VMEM((_CHUNK_ELEMS,), jnp.int32),
            pltpu.VMEM((_CHUNK_ELEMS,), jnp.float32),
        ],
    )
    def k(lg_hbm, a_hbm, b_hbm, out_hbm, rows_v, a_v, b_v, out_v):
        wid = lax.axis_index("s") * 2 + lax.axis_index("c")
        iota = lax.iota(jnp.int32, 16)

        def chunk_body(i, _):
            c = wid + i * _NW

            @pl.when(c < _NUM_CHUNKS)
            def _():
                pltpu.sync_copy(
                    lg_hbm.at[pl.ds(c * _CHUNK_WORDS, _CHUNK_WORDS)], rows_v)
                pltpu.sync_copy(
                    a_hbm.at[pl.ds(c * _CHUNK_ELEMS, _CHUNK_ELEMS)], a_v)
                pltpu.sync_copy(
                    b_hbm.at[pl.ds(c * _CHUNK_ELEMS, _CHUNK_ELEMS)], b_v)
                for g in range(_GROUPS):
                    base = g * 16
                    r = ((iota + base) * 3277) >> 16
                    av = a_v[pl.ds(base, 16)]
                    bv = b_v[pl.ds(base, 16)]
                    idx = (r << 8) + (av << 4) + bv
                    out_v[pl.ds(base, 16)] = plsc.load_gather(rows_v, [idx])
                pltpu.sync_copy(
                    out_v, out_hbm.at[pl.ds(c * _CHUNK_ELEMS, _CHUNK_ELEMS)])

            return _

        lax.fori_loop(0, 32, chunk_body, None)

    return k(logits_flat, a_flat, b_flat)



_CMB_ROWS = 1000


def _combine_body(g_ref, l_ref, o_ref):
    o_ref[...] = g_ref[...] - l_ref[...]


def _combine(g, lse):
    n = g.shape[0]
    grid = n // _CMB_ROWS
    return pl.pallas_call(
        _combine_body,
        grid=(grid,),
        in_specs=[
            pl.BlockSpec((_CMB_ROWS, M), lambda i: (i, 0)),
            pl.BlockSpec((_CMB_ROWS, 1), lambda i: (i, 0)),
        ],
        out_specs=pl.BlockSpec((_CMB_ROWS, M), lambda i: (i, 0)),
        out_shape=jax.ShapeDtypeStruct((n, M), jnp.float32),
    )(g, lse)


def kernel(logits, a, b):
    lse = _lse(logits)
    g = _gather_sc(
        logits.reshape(-1),
        a.astype(jnp.int32).reshape(-1),
        b.astype(jnp.int32).reshape(-1),
    )
    out = _combine(g.reshape(N, M), lse)
    return out.reshape(-1)

# --- scband reference (transcript-rebuilt; emitter-appended) ---
"""Pipeline reference for scband-joint-module-70566312673925 (READ-ONLY COPY).

The authoritative reference and input builder live on the scoring server;
editing this copy changes nothing except your own understanding.
"""

import jax, jax.numpy as jnp
import numpy as np

N = 100000
K = 16
M = 20

def setup_inputs(seed: int = 0) -> dict:
    key = jax.random.key(seed)
    k_logits = jax.random.fold_in(key, 0)
    k_a = jax.random.fold_in(key, 1)
    k_b = jax.random.fold_in(key, 2)
    logits = jax.random.normal(k_logits, (N, K * K), dtype=jnp.float32)
    a = jax.random.randint(k_a, (N, M), 0, K, dtype=jnp.int64)
    b = jax.random.randint(k_b, (N, M), 0, K, dtype=jnp.int64)
    return {"logits": logits, "a": a, "b": b}

def reference(logits, a, b):
    n, k2 = logits.shape
    k = int(np.sqrt(k2))
    m = a.shape[1]
    rows = jnp.repeat(jnp.arange(n)[:, None], m, axis=1).reshape(-1)
    index = (a * k + b).reshape(-1)
    log_probs = jax.nn.log_softmax(logits, axis=1)
    return log_probs[rows, index]

if __name__ == "__main__":
    import jax
    _d = setup_inputs()
    print(jax.jit(kernel)(*tuple(_d.values())))

</pallas_src>

<mosaic_0001>
#map = affine_map<(d0, d1) -> (0)>
module attributes {stable_mosaic.version = 14 : i64} {
  func.func @k(%arg0: i32, %arg1: i32, %arg2: memref<25600000xf32, #tpu.memory_space<hbm>>, %arg3: memref<2000000xi32, #tpu.memory_space<hbm>>, %arg4: memref<2000000xi32, #tpu.memory_space<hbm>>, %arg5: memref<2000000xf32, #tpu.memory_space<hbm>>, %arg6: memref<25600xf32, #tpu.memory_space<vmem>>, %arg7: memref<2000xi32, #tpu.memory_space<vmem>>, %arg8: memref<2000xi32, #tpu.memory_space<vmem>>, %arg9: memref<2000xf32, #tpu.memory_space<vmem>>) attributes {dimension_semantics = [#tpu.dimension_semantics<core_parallel>, #tpu.dimension_semantics<subcore_parallel>], iteration_bounds = array<i64: 2, 16>, scalar_prefetch = 0 : i64, scratch_operands = 4 : i64, tpu.core_type = #tpu.core_type<sc_vector_subcore>, window_params = [{transform_indices = #map}, {transform_indices = #map}, {transform_indices = #map}, {transform_indices = #map}]} {
    %mul3A = arith.constant 2 : i32
    %mul3A_0 = arith.muli %arg1, %mul3A : i32
    %add3A = arith.addi %mul3A_0, %arg0 : i32
    %iota3A = tpu.iota {dimensions = array<i32: 0>} : vector<16xi32>
    %scan3A = arith.constant 0 : i32
    %scan3A_1 = arith.constant 32 : i32
    %scan3A_2 = arith.addi %scan3A, %scan3A_1 : i32
    %scan3A_3 = arith.constant 1 : i32
    scf.for %scan3A_5 = %scan3A to %scan3A_2 step %scan3A_3  : i32 {
      %mul3A_6 = arith.constant 32 : i32
      %mul3A_7 = arith.muli %scan3A_5, %mul3A_6 : i32
      %add3A_8 = arith.addi %add3A, %mul3A_7 : i32
      %lt3A = arith.constant 1000 : i32
      %lt3A_9 = arith.cmpi slt, %add3A_8, %lt3A : i32
      %convert_element_type3A = arith.extui %lt3A_9 : i1 to i32
      %cond3A = arith.constant 0 : i32
      %cond3A_10 = arith.cmpi ne, %convert_element_type3A, %cond3A : i32
      scf.if %cond3A_10 {
        %mul3A_11 = arith.constant 25600 : i32
        %mul3A_12 = arith.muli %add3A_8, %mul3A_11 : i32
        "tpu.region"() ({
          %run_scoped3A = tpu.sem_alloc : memref<!tpu.dma_semaphore, #tpu.memory_space<semaphore_mem>>
          %dma_start3A = tpu.memref_slice %arg2[%mul3A_12] : memref<25600000xf32, #tpu.memory_space<hbm>> -> memref<25600xf32, #tpu.memory_space<hbm>>
          %dma_start3A_3014 = tpu.memref_slice %arg2[%mul3A_12] : memref<25600000xf32, #tpu.memory_space<hbm>> -> memref<25600xf32, #tpu.memory_space<hbm>>
          tpu.enqueue_dma source(%dma_start3A_3014 : memref<25600xf32, #tpu.memory_space<hbm>>) target(%arg6 : memref<25600xf32, #tpu.memory_space<vmem>>) target_semaphore(%run_scoped3A : memref<!tpu.dma_semaphore, #tpu.memory_space<semaphore_mem>>)
          %dma_wait3A = tpu.memref_slice %arg2[%mul3A_12] : memref<25600000xf32, #tpu.memory_space<hbm>> -> memref<25600xf32, #tpu.memory_space<hbm>>
          %dma_wait3A_3015 = tpu.memref_slice %arg2[%mul3A_12] : memref<25600000xf32, #tpu.memory_space<hbm>> -> memref<25600xf32, #tpu.memory_space<hbm>>
          tpu.wait_dma2 semaphore(%run_scoped3A : memref<!tpu.dma_semaphore, #tpu.memory_space<semaphore_mem>>) src(%dma_wait3A_3015 : memref<25600xf32, #tpu.memory_space<hbm>>) dst(%arg6 : memref<25600xf32, #tpu.memory_space<vmem>>)
          tpu.yield
        }) : () -> ()
        %mul3A_13 = arith.constant 2000 : i32
        %mul3A_14 = arith.muli %add3A_8, %mul3A_13 : i32
        "tpu.region"() ({
          %run_scoped3A = tpu.sem_alloc : memref<!tpu.dma_semaphore, #tpu.memory_space<semaphore_mem>>
          %dma_start3A = tpu.memref_slice %arg3[%mul3A_14] : memref<2000000xi32, #tpu.memory_space<hbm>> -> memref<2000xi32, #tpu.memory_space<hbm>>
          %dma_start3A_3014 = tpu.memref_slice %arg3[%mul3A_14] : memref<2000000xi32, #tpu.memory_space<hbm>> -> memref<2000xi32, #tpu.memory_space<hbm>>
          tpu.enqueue_dma source(%dma_start3A_3014 : memref<2000xi32, #tpu.memory_space<hbm>>) target(%arg7 : memref<2000xi32, #tpu.memory_space<vmem>>) target_semaphore(%run_scoped3A : memref<!tpu.dma_semaphore, #tpu.memory_space<semaphore_mem>>)
          %dma_wait3A = tpu.memref_slice %arg3[%mul3A_14] : memref<2000000xi32, #tpu.memory_space<hbm>> -> memref<2000xi32, #tpu.memory_space<hbm>>
          %dma_wait3A_3015 = tpu.memref_slice %arg3[%mul3A_14] : memref<2000000xi32, #tpu.memory_space<hbm>> -> memref<2000xi32, #tpu.memory_space<hbm>>
          tpu.wait_dma2 semaphore(%run_scoped3A : memref<!tpu.dma_semaphore, #tpu.memory_space<semaphore_mem>>) src(%dma_wait3A_3015 : memref<2000xi32, #tpu.memory_space<hbm>>) dst(%arg7 : memref<2000xi32, #tpu.memory_space<vmem>>)
          tpu.yield
        }) : () -> ()
        %mul3A_15 = arith.constant 2000 : i32
        %mul3A_16 = arith.muli %add3A_8, %mul3A_15 : i32
        "tpu.region"() ({
          %run_scoped3A = tpu.sem_alloc : memref<!tpu.dma_semaphore, #tpu.memory_space<semaphore_mem>>
          %dma_start3A = tpu.memref_slice %arg4[%mul3A_16] : memref<2000000xi32, #tpu.memory_space<hbm>> -> memref<2000xi32, #tpu.memory_space<hbm>>
          %dma_start3A_3014 = tpu.memref_slice %arg4[%mul3A_16] : memref<2000000xi32, #tpu.memory_space<hbm>> -> memref<2000xi32, #tpu.memory_space<hbm>>
          tpu.enqueue_dma source(%dma_start3A_3014 : memref<2000xi32, #tpu.memory_space<hbm>>) target(%arg8 : memref<2000xi32, #tpu.memory_space<vmem>>) target_semaphore(%run_scoped3A : memref<!tpu.dma_semaphore, #tpu.memory_space<semaphore_mem>>)
          %dma_wait3A = tpu.memref_slice %arg4[%mul3A_16] : memref<2000000xi32, #tpu.memory_space<hbm>> -> memref<2000xi32, #tpu.memory_space<hbm>>
          %dma_wait3A_3015 = tpu.memref_slice %arg4[%mul3A_16] : memref<2000000xi32, #tpu.memory_space<hbm>> -> memref<2000xi32, #tpu.memory_space<hbm>>
          tpu.wait_dma2 semaphore(%run_scoped3A : memref<!tpu.dma_semaphore, #tpu.memory_space<semaphore_mem>>) src(%dma_wait3A_3015 : memref<2000xi32, #tpu.memory_space<hbm>>) dst(%arg8 : memref<2000xi32, #tpu.memory_space<vmem>>)
          tpu.yield
        }) : () -> ()
        %add3A_17 = arith.constant 0 : i32
        %add3A_18 = vector.broadcast %add3A_17 : i32 to vector<16xi32>
        %add3A_19 = arith.addi %iota3A, %add3A_18 : vector<16xi32>
        %mul3A_20 = arith.constant 3277 : i32
        %mul3A_21 = vector.broadcast %mul3A_20 : i32 to vector<16xi32>
        %mul3A_22 = arith.muli %add3A_19, %mul3A_21 : vector<16xi32>
        %shift_right_arithmetic3A = arith.constant 16 : i32
        %shift_right_arithmetic3A_23 = vector.broadcast %shift_right_arithmetic3A : i32 to vector<16xi32>
        %shift_right_arithmetic3A_24 = arith.shrsi %mul3A_22, %shift_right_arithmetic3A_23 : vector<16xi32>
        %get3A = arith.constant 0 : index
        %get3A_25 = tpu.vector_load %arg7[%get3A] {strides = array<i32>} : memref<2000xi32, #tpu.memory_space<vmem>>, vector<16xi32>,
        %get3A_26 = arith.constant 0 : index
        %get3A_27 = tpu.vector_load %arg8[%get3A_26] {strides = array<i32>} : memref<2000xi32, #tpu.memory_space<vmem>>, vector<16xi32>,
        %shift_left3A = arith.constant 8 : i32
        %shift_left3A_28 = vector.broadcast %shift_left3A : i32 to vector<16xi32>
        %shift_left3A_29 = arith.shli %shift_right_arithmetic3A_24, %shift_left3A_28 : vector<16xi32>
        %shift_left3A_30 = arith.constant 4 : i32
        %shift_left3A_31 = vector.broadcast %shift_left3A_30 : i32 to vector<16xi32>
        %shift_left3A_32 = arith.shli %get3A_25, %shift_left3A_31 : vector<16xi32>
        %add3A_33 = arith.addi %shift_left3A_29, %shift_left3A_32 : vector<16xi32>
        %add3A_34 = arith.addi %add3A_33, %get3A_27 : vector<16xi32>
        %gather3A = tpu.vector_load_idx %arg6[%add3A_34] : memref<25600xf32, #tpu.memory_space<vmem>>[vector<16xi32>], vector<16xf32>,
        %swap3A = arith.constant 0 : index
        %swap3A_35 = tpu.vector_load %arg9[%swap3A] {strides = array<i32>} : memref<2000xf32, #tpu.memory_space<vmem>>, vector<16xf32>,
        tpu.vector_store %arg9[%swap3A], %gather3A {strides = array<i32>} : memref<2000xf32, #tpu.memory_space<vmem>>, vector<16xf32>,
        %add3A_36 = arith.constant 16 : i32
        %add3A_37 = vector.broadcast %add3A_36 : i32 to vector<16xi32>
        %add3A_38 = arith.addi %iota3A, %add3A_37 : vector<16xi32>
        %mul3A_39 = arith.constant 3277 : i32
        %mul3A_40 = vector.broadcast %mul3A_39 : i32 to vector<16xi32>
        %mul3A_41 = arith.muli %add3A_38, %mul3A_40 : vector<16xi32>
        %shift_right_arithmetic3A_42 = arith.constant 16 : i32
        %shift_right_arithmetic3A_43 = vector.broadcast %shift_right_arithmetic3A_42 : i32 to vector<16xi32>
        %shift_right_arithmetic3A_44 = arith.shrsi %mul3A_41, %shift_right_arithmetic3A_43 : vector<16xi32>
        %get3A_45 = arith.constant 16 : index
        %get3A_46 = tpu.vector_load %arg7[%get3A_45] {strides = array<i32>} : memref<2000xi32, #tpu.memory_space<vmem>>, vector<16xi32>,
        %get3A_47 = arith.constant 16 : index
        %get3A_48 = tpu.vector_load %arg8[%get3A_47] {strides = array<i32>} : memref<2000xi32, #tpu.memory_space<vmem>>, vector<16xi32>,
        %shift_left3A_49 = arith.constant 8 : i32
        %shift_left3A_50 = vector.broadcast %shift_left3A_49 : i32 to vector<16xi32>
        %shift_left3A_51 = arith.shli %shift_right_arithmetic3A_44, %shift_left3A_50 : vector<16xi32>
        %shift_left3A_52 = arith.constant 4 : i32
        %shift_left3A_53 = vector.broadcast %shift_left3A_52 : i32 to vector<16xi32>
        %shift_left3A_54 = arith.shli %get3A_46, %shift_left3A_53 : vector<16xi32>
        %add3A_55 = arith.addi %shift_left3A_51, %shift_left3A_54 : vector<16xi32>
        %add3A_56 = arith.addi %add3A_55, %get3A_48 : vector<16xi32>
        %gather3A_57 = tpu.vector_load_idx %arg6[%add3A_56] : memref<25600xf32, #tpu.memory_space<vmem>>[vector<16xi32>], vector<16xf32>,
        %swap3A_58 = arith.constant 16 : index
        %swap3A_59 = tpu.vector_load %arg9[%swap3A_58] {strides = array<i32>} : memref<2000xf32, #tpu.memory_space<vmem>>, vector<16xf32>,
        tpu.vector_store %arg9[%swap3A_58], %gather3A_57 {strides = array<i32>} : memref<2000xf32, #tpu.memory_space<vmem>>, vector<16xf32>,
        %add3A_60 = arith.constant 32 : i32
        %add3A_61 = vector.broadcast %add3A_60 : i32 to vector<16xi32>
        %add3A_62 = arith.addi %iota3A, %add3A_61 : vector<16xi32>
        %mul3A_63 = arith.constant 3277 : i32
        %mul3A_64 = vector.broadcast %mul3A_63 : i32 to vector<16xi32>
        %mul3A_65 = arith.muli %add3A_62, %mul3A_64 : vector<16xi32>
        %shift_right_arithmetic3A_66 = arith.constant 16 : i32
        %shift_right_arithmetic3A_67 = vector.broadcast %shift_right_arithmetic3A_66 : i32 to vector<16xi32>
        %shift_right_arithmetic3A_68 = arith.shrsi %mul3A_65, %shift_right_arithmetic3A_67 : vector<16xi32>
        %get3A_69 = arith.constant 32 : index
        %get3A_70 = tpu.vector_load %arg7[%get3A_69] {strides = array<i32>} : memref<2000xi32, #tpu.memory_space<vmem>>, vector<16xi32>,
        %get3A_71 = arith.constant 32 : index
        %get3A_72 = tpu.vector_load %arg8[%get3A_71] {strides = array<i32>} : memref<2000xi32, #tpu.memory_space<vmem>>, vector<16xi32>,
        %shift_left3A_73 = arith.constant 8 : i32
        %shift_left3A_74 = vector.broadcast %shift_left3A_73 : i32 to vector<16xi32>
        %shift_left3A_75 = arith.shli %shift_right_arithmetic3A_68, %shift_left3A_74 : vector<16xi32>
        %shift_left3A_76 = arith.constant 4 : i32
        %shift_left3A_77 = vector.broadcast %shift_left3A_76 : i32 to vector<16xi32>
        %shift_left3A_78 = arith.shli %get3A_70, %shift_left3A_77 : vector<16xi32>
        %add3A_79 = arith.addi %shift_left3A_75, %shift_left3A_78 : vector<16xi32>
        %add3A_80 = arith.addi %add3A_79, %get3A_72 : vector<16xi32>
        %gather3A_81 = tpu.vector_load_idx %arg6[%add3A_80] : memref<25600xf32, #tpu.memory_space<vmem>>[vector<16xi32>], vector<16xf32>,
        %swap3A_82 = arith.constant 32 : index
        %swap3A_83 = tpu.vector_load %arg9[%swap3A_82] {strides = array<i32>} : memref<2000xf32, #tpu.memory_space<vmem>>, vector<16xf32>,
        tpu.vector_store %arg9[%swap3A_82], %gather3A_81 {strides = array<i32>} : memref<2000xf32, #tpu.memory_space<vmem>>, vector<16xf32>,
        %add3A_84 = arith.constant 48 : i32
        %add3A_85 = vector.broadcast %add3A_84 : i32 to vector<16xi32>
        %add3A_86 = arith.addi %iota3A, %add3A_85 : vector<16xi32>
        %mul3A_87 = arith.constant 3277 : i32
        %mul3A_88 = vector.broadcast %mul3A_87 : i32 to vector<16xi32>
        %mul3A_89 = arith.muli %add3A_86, %mul3A_88 : vector<16xi32>
        %shift_right_arithmetic3A_90 = arith.constant 16 : i32
        %shift_right_arithmetic3A_91 = vector.broadcast %shift_right_arithmetic3A_90 : i32 to vector<16xi32>
        %shift_right_arithmetic3A_92 = arith.shrsi %mul3A_89, %shift_right_arithmetic3A_91 : vector<16xi32>
        %get3A_93 = arith.constant 48 : index
        %get3A_94 = tpu.vector_load %arg7[%get3A_93] {strides = array<i32>} : memref<2000xi32, #tpu.memory_space<vmem>>, vector<16xi32>,
        %get3A_95 = arith.constant 48 : index
        %get3A_96 = tpu.vector_load %arg8[%get3A_95] {strides = array<i32>} : memref<2000xi32, #tpu.memory_space<vmem>>, vector<16xi32>,
        %shift_left3A_97 = arith.constant 8 : i32
        %shift_left3A_98 = vector.broadcast %shift_left3A_97 : i32 to vector<16xi32>
        %shift_left3A_99 = arith.shli %shift_right_arithmetic3A_92, %shift_left3A_98 : vector<16xi32>
        %shift_left3A_100 = arith.constant 4 : i32
        %shift_left3A_101 = vector.broadcast %shift_left3A_100 : i32 to vector<16xi32>
        %shift_left3A_102 = arith.shli %get3A_94, %shift_left3A_101 : vector<16xi32>
        %add3A_103 = arith.addi %shift_left3A_99, %shift_left3A_102 : vector<16xi32>
        %add3A_104 = arith.addi %add3A_103, %get3A_96 : vector<16xi32>
        %gather3A_105 = tpu.vector_load_idx %arg6[%add3A_104] : memref<25600xf32, #tpu.memory_space<vmem>>[vector<16xi32>], vector<16xf32>,
        %swap3A_106 = arith.constant 48 : index
        %swap3A_107 = tpu.vector_load %arg9[%swap3A_106] {strides = array<i32>} : memref<2000xf32, #tpu.memory_space<vmem>>, vector<16xf32>,
        tpu.vector_store %arg9[%swap3A_106], %gather3A_105 {strides = array<i32>} : memref<2000xf32, #tpu.memory_space<vmem>>, vector<16xf32>,
        %add3A_108 = arith.constant 64 : i32
        %add3A_109 = vector.broadcast %add3A_108 : i32 to vector<16xi32>
        %add3A_110 = arith.addi %iota3A, %add3A_109 : vector<16xi32>
        %mul3A_111 = arith.constant 3277 : i32
        %mul3A_112 = vector.broadcast %mul3A_111 : i32 to vector<16xi32>
        %mul3A_113 = arith.muli %add3A_110, %mul3A_112 : vector<16xi32>
        %shift_right_arithmetic3A_114 = arith.constant 16 : i32
        %shift_right_arithmetic3A_115 = vector.broadcast %shift_right_arithmetic3A_114 : i32 to vector<16xi32>
        %shift_right_arithmetic3A_116 = arith.shrsi %mul3A_113, %shift_right_arithmetic3A_115 : vector<16xi32>
        %get3A_117 = arith.constant 64 : index
        %get3A_118 = tpu.vector_load %arg7[%get3A_117] {strides = array<i32>} : memref<2000xi32, #tpu.memory_space<vmem>>, vector<16xi32>,
        %get3A_119 = arith.constant 64 : index
        %get3A_120 = tpu.vector_load %arg8[%get3A_119] {strides = array<i32>} : memref<2000xi32, #tpu.memory_space<vmem>>, vector<16xi32>,
        %shift_left3A_121 = arith.constant 8 : i32
        %shift_left3A_122 = vector.broadcast %shift_left3A_121 : i32 to vector<16xi32>
        %shift_left3A_123 = arith.shli %shift_right_arithmetic3A_116, %shift_left3A_122 : vector<16xi32>
        %shift_left3A_124 = arith.constant 4 : i32
        %shift_left3A_125 = vector.broadcast %shift_left3A_124 : i32 to vector<16xi32>
        %shift_left3A_126 = arith.shli %get3A_118, %shift_left3A_125 : vector<16xi32>
        %add3A_127 = arith.addi %shift_left3A_123, %shift_left3A_126 : vector<16xi32>
        %add3A_128 = arith.addi %add3A_127, %get3A_120 : vector<16xi32>
        %gather3A_129 = tpu.vector_load_idx %arg6[%add3A_128] : memref<25600xf32, #tpu.memory_space<vmem>>[vector<16xi32>], vector<16xf32>,
        %swap3A_130 = arith.constant 64 : index
        %swap3A_131 = tpu.vector_load %arg9[%swap3A_130] {strides = array<i32>} : memref<2000xf32, #tpu.memory_space<vmem>>, vector<16xf32>,
        tpu.vector_store %arg9[%swap3A_130], %gather3A_129 {strides = array<i32>} : memref<2000xf32, #tpu.memory_space<vmem>>, vector<16xf32>,
        %add3A_132 = arith.constant 80 : i32
        %add3A_133 = vector.broadcast %add3A_132 : i32 to vector<16xi32>
        %add3A_134 = arith.addi %iota3A, %add3A_133 : vector<16xi32>
        %mul3A_135 = arith.constant 3277 : i32
        %mul3A_136 = vector.broadcast %mul3A_135 : i32 to vector<16xi32>
        %mul3A_137 = arith.muli %add3A_134, %mul3A_136 : vector<16xi32>
        %shift_right_arithmetic3A_138 = arith.constant 16 : i32
        %shift_right_arithmetic3A_139 = vector.broadcast %shift_right_arithmetic3A_138 : i32 to vector<16xi32>
        %shift_right_arithmetic3A_140 = arith.shrsi %mul3A_137, %shift_right_arithmetic3A_139 : vector<16xi32>
        %get3A_141 = arith.constant 80 : index
        %get3A_142 = tpu.vector_load %arg7[%get3A_141] {strides = array<i32>} : memref<2000xi32, #tpu.memory_space<vmem>>, vector<16xi32>,
        %get3A_143 = arith.constant 80 : index
        %get3A_144 = tpu.vector_load %arg8[%get3A_143] {strides = array<i32>} : memref<2000xi32, #tpu.memory_space<vmem>>, vector<16xi32>,
        %shift_left3A_145 = arith.constant 8 : i32
        %shift_left3A_146 = vector.broadcast %shift_left3A_145 : i32 to vector<16xi32>
        %shift_left3A_147 = arith.shli %shift_right_arithmetic3A_140, %shift_left3A_146 : vector<16xi32>
        %shift_left3A_148 = arith.constant 4 : i32
        %shift_left3A_149 = vector.broadcast %shift_left3A_148 : i32 to vector<16xi32>
        %shift_left3A_150 = arith.shli %get3A_142, %shift_left3A_149 : vector<16xi32>
        %add3A_151 = arith.addi %shift_left3A_147, %shift_left3A_150 : vector<16xi32>
        %add3A_152 = arith.addi %add3A_151, %get3A_144 : vector<16xi32>
        %gather3A_153 = tpu.vector_load_idx %arg6[%add3A_152] : memref<25600xf32, #tpu.memory_space<vmem>>[vector<16xi32>], vector<16xf32>,
        %swap3A_154 = arith.constant 80 : index
        %swap3A_155 = tpu.vector_load %arg9[%swap3A_154] {strides = array<i32>} : memref<2000xf32, #tpu.memory_space<vmem>>, vector<16xf32>,
        tpu.vector_store %arg9[%swap3A_154], %gather3A_153 {strides = array<i32>} : memref<2000xf32, #tpu.memory_space<vmem>>, vector<16xf32>,
        %add3A_156 = arith.constant 96 : i32
        %add3A_157 = vector.broadcast %add3A_156 : i32 to vector<16xi32>
        %add3A_158 = arith.addi %iota3A, %add3A_157 : vector<16xi32>
        %mul3A_159 = arith.constant 3277 : i32
        %mul3A_160 = vector.broadcast %mul3A_159 : i32 to vector<16xi32>
        %mul3A_161 = arith.muli %add3A_158, %mul3A_160 : vector<16xi32>
        %shift_right_arithmetic3A_162 = arith.constant 16 : i32
        %shift_right_arithmetic3A_163 = vector.broadcast %shift_right_arithmetic3A_162 : i32 to vector<16xi32>
        %shift_right_arithmetic3A_164 = arith.shrsi %mul3A_161, %shift_right_arithmetic3A_163 : vector<16xi32>
        %get3A_165 = arith.constant 96 : index
        %get3A_166 = tpu.vector_load %arg7[%get3A_165] {strides = array<i32>} : memref<2000xi32, #tpu.memory_space<vmem>>, vector<16xi32>,
        %get3A_167 = arith.constant 96 : index
        %get3A_168 = tpu.vector_load %arg8[%get3A_167] {strides = array<i32>} : memref<2000xi32, #tpu.memory_space<vmem>>, vector<16xi32>,
        %shift_left3A_169 = arith.constant 8 : i32
        %shift_left3A_170 = vector.broadcast %shift_left3A_169 : i32 to vector<16xi32>
        %shift_left3A_171 = arith.shli %shift_right_arithmetic3A_164, %shift_left3A_170 : vector<16xi32>
        %shift_left3A_172 = arith.constant 4 : i32
        %shift_left3A_173 = vector.broadcast %shift_left3A_172 : i32 to vector<16xi32>
        %shift_left3A_174 = arith.shli %get3A_166, %shift_left3A_173 : vector<16xi32>
        %add3A_175 = arith.addi %shift_left3A_171, %shift_left3A_174 : vector<16xi32>
        %add3A_176 = arith.addi %add3A_175, %get3A_168 : vector<16xi32>
        %gather3A_177 = tpu.vector_load_idx %arg6[%add3A_176] : memref<25600xf32, #tpu.memory_space<vmem>>[vector<16xi32>], vector<16xf32>,
        %swap3A_178 = arith.constant 96 : index
        %swap3A_179 = tpu.vector_load %arg9[%swap3A_178] {strides = array<i32>} : memref<2000xf32, #tpu.memory_space<vmem>>, vector<16xf32>,
        tpu.vector_store %arg9[%swap3A_178], %gather3A_177 {strides = array<i32>} : memref<2000xf32, #tpu.memory_space<vmem>>, vector<16xf32>,
        %add3A_180 = arith.constant 112 : i32
        %add3A_181 = vector.broadcast %add3A_180 : i32 to vector<16xi32>
        %add3A_182 = arith.addi %iota3A, %add3A_181 : vector<16xi32>
        %mul3A_183 = arith.constant 3277 : i32
        %mul3A_184 = vector.broadcast %mul3A_183 : i32 to vector<16xi32>
        %mul3A_185 = arith.muli %add3A_182, %mul3A_184 : vector<16xi32>
        %shift_right_arithmetic3A_186 = arith.constant 16 : i32
        %shift_right_arithmetic3A_187 = vector.broadcast %shift_right_arithmetic3A_186 : i32 to vector<16xi32>
        %shift_right_arithmetic3A_188 = arith.shrsi %mul3A_185, %shift_right_arithmetic3A_187 : vector<16xi32>
        %get3A_189 = arith.constant 112 : index
        %get3A_190 = tpu.vector_load %arg7[%get3A_189] {strides = array<i32>} : memref<2000xi32, #tpu.memory_space<vmem>>, vector<16xi32>,
        %get3A_191 = arith.constant 112 : index
        %get3A_192 = tpu.vector_load %arg8[%get3A_191] {strides = array<i32>} : memref<2000xi32, #tpu.memory_space<vmem>>, vector<16xi32>,
        %shift_left3A_193 = arith.constant 8 : i32
        %shift_left3A_194 = vector.broadcast %shift_left3A_193 : i32 to vector<16xi32>
        %shift_left3A_195 = arith.shli %shift_right_arithmetic3A_188, %shift_left3A_194 : vector<16xi32>
        %shift_left3A_196 = arith.constant 4 : i32
        %shift_left3A_197 = vector.broadcast %shift_left3A_196 : i32 to vector<16xi32>
        %shift_left3A_198 = arith.shli %get3A_190, %shift_left3A_197 : vector<16xi32>
        %add3A_199 = arith.addi %shift_left3A_195, %shift_left3A_198 : vector<16xi32>
        %add3A_200 = arith.addi %add3A_199, %get3A_192 : vector<16xi32>
        %gather3A_201 = tpu.vector_load_idx %arg6[%add3A_200] : memref<25600xf32, #tpu.memory_space<vmem>>[vector<16xi32>], vector<16xf32>,
        %swap3A_202 = arith.constant 112 : index
        %swap3A_203 = tpu.vector_load %arg9[%swap3A_202] {strides = array<i32>} : memref<2000xf32, #tpu.memory_space<vmem>>, vector<16xf32>,
        tpu.vector_store %arg9[%swap3A_202], %gather3A_201 {strides = array<i32>} : memref<2000xf32, #tpu.memory_space<vmem>>, vector<16xf32>,
        %add3A_204 = arith.constant 128 : i32
        %add3A_205 = vector.broadcast %add3A_204 : i32 to vector<16xi32>
        %add3A_206 = arith.addi %iota3A, %add3A_205 : vector<16xi32>
        %mul3A_207 = arith.constant 3277 : i32
        %mul3A_208 = vector.broadcast %mul3A_207 : i32 to vector<16xi32>
        %mul3A_209 = arith.muli %add3A_206, %mul3A_208 : vector<16xi32>
        %shift_right_arithmetic3A_210 = arith.constant 16 : i32
        %shift_right_arithmetic3A_211 = vector.broadcast %shift_right_arithmetic3A_210 : i32 to vector<16xi32>
        %shift_right_arithmetic3A_212 = arith.shrsi %mul3A_209, %shift_right_arithmetic3A_211 : vector<16xi32>
        %get3A_213 = arith.constant 128 : index
        %get3A_214 = tpu.vector_load %arg7[%get3A_213] {strides = array<i32>} : memref<2000xi32, #tpu.memory_space<vmem>>, vector<16xi32>,
        %get3A_215 = arith.constant 128 : index
        %get3A_216 = tpu.vector_load %arg8[%get3A_215] {strides = array<i32>} : memref<2000xi32, #tpu.memory_space<vmem>>, vector<16xi32>,
        %shift_left3A_217 = arith.constant 8 : i32
        %shift_left3A_218 = vector.broadcast %shift_left3A_217 : i32 to vector<16xi32>
        %shift_left3A_219 = arith.shli %shift_right_arithmetic3A_212, %shift_left3A_218 : vector<16xi32>
        %shift_left3A_220 = arith.constant 4 : i32
        %shift_left3A_221 = vector.broadcast %shift_left3A_220 : i32 to vector<16xi32>
        %shift_left3A_222 = arith.shli %get3A_214, %shift_left3A_221 : vector<16xi32>
        %add3A_223 = arith.addi %shift_left3A_219, %shift_left3A_222 : vector<16xi32>
        %add3A_224 = arith.addi %add3A_223, %get3A_216 : vector<16xi32>
        %gather3A_225 = tpu.vector_load_idx %arg6[%add3A_224] : memref<25600xf32, #tpu.memory_space<vmem>>[vector<16xi32>], vector<16xf32>,
        %swap3A_226 = arith.constant 128 : index
        %swap3A_227 = tpu.vector_load %arg9[%swap3A_226] {strides = array<i32>} : memref<2000xf32, #tpu.memory_space<vmem>>, vector<16xf32>,
        tpu.vector_store %arg9[%swap3A_226], %gather3A_225 {strides = array<i32>} : memref<2000xf32, #tpu.memory_space<vmem>>, vector<16xf32>,
        %add3A_228 = arith.constant 144 : i32
        %add3A_229 = vector.broadcast %add3A_228 : i32 to vector<16xi32>
        %add3A_230 = arith.addi %iota3A, %add3A_229 : vector<16xi32>
        %mul3A_231 = arith.constant 3277 : i32
        %mul3A_232 = vector.broadcast %mul3A_231 : i32 to vector<16xi32>
        %mul3A_233 = arith.muli %add3A_230, %mul3A_232 : vector<16xi32>
        %shift_right_arithmetic3A_234 = arith.constant 16 : i32
        %shift_right_arithmetic3A_235 = vector.broadcast %shift_right_arithmetic3A_234 : i32 to vector<16xi32>
        %shift_right_arithmetic3A_236 = arith.shrsi %mul3A_233, %shift_right_arithmetic3A_235 : vector<16xi32>
        %get3A_237 = arith.constant 144 : index
        %get3A_238 = tpu.vector_load %arg7[%get3A_237] {strides = array<i32>} : memref<2000xi32, #tpu.memory_space<vmem>>, vector<16xi32>,
        %get3A_239 = arith.constant 144 : index
        %get3A_240 = tpu.vector_load %arg8[%get3A_239] {strides = array<i32>} : memref<2000xi32, #tpu.memory_space<vmem>>, vector<16xi32>,
        %shift_left3A_241 = arith.constant 8 : i32
        %shift_left3A_242 = vector.broadcast %shift_left3A_241 : i32 to vector<16xi32>
        %shift_left3A_243 = arith.shli %shift_right_arithmetic3A_236, %shift_left3A_242 : vector<16xi32>
        %shift_left3A_244 = arith.constant 4 : i32
        %shift_left3A_245 = vector.broadcast %shift_left3A_244 : i32 to vector<16xi32>
        %shift_left3A_246 = arith.shli %get3A_238, %shift_left3A_245 : vector<16xi32>
        %add3A_247 = arith.addi %shift_left3A_243, %shift_left3A_246 : vector<16xi32>
        %add3A_248 = arith.addi %add3A_247, %get3A_240 : vector<16xi32>
        %gather3A_249 = tpu.vector_load_idx %arg6[%add3A_248] : memref<25600xf32, #tpu.memory_space<vmem>>[vector<16xi32>], vector<16xf32>,
        %swap3A_250 = arith.constant 144 : index
        %swap3A_251 = tpu.vector_load %arg9[%swap3A_250] {strides = array<i32>} : memref<2000xf32, #tpu.memory_space<vmem>>, vector<16xf32>,
        tpu.vector_store %arg9[%swap3A_250], %gather3A_249 {strides = array<i32>} : memref<2000xf32, #tpu.memory_space<vmem>>, vector<16xf32>,
        %add3A_252 = arith.constant 160 : i32
        %add3A_253 = vector.broadcast %add3A_252 : i32 to vector<16xi32>
        %add3A_254 = arith.addi %iota3A, %add3A_253 : vector<16xi32>
        %mul3A_255 = arith.constant 3277 : i32
        %mul3A_256 = vector.broadcast %mul3A_255 : i32 to vector<16xi32>
        %mul3A_257 = arith.muli %add3A_254, %mul3A_256 : vector<16xi32>
        %shift_right_arithmetic3A_258 = arith.constant 16 : i32
        %shift_right_arithmetic3A_259 = vector.broadcast %shift_right_arithmetic3A_258 : i32 to vector<16xi32>
        %shift_right_arithmetic3A_260 = arith.shrsi %mul3A_257, %shift_right_arithmetic3A_259 : vector<16xi32>
        %get3A_261 = arith.constant 160 : index
        %get3A_262 = tpu.vector_load %arg7[%get3A_261] {strides = array<i32>} : memref<2000xi32, #tpu.memory_space<vmem>>, vector<16xi32>,
        %get3A_263 = arith.constant 160 : index
        %get3A_264 = tpu.vector_load %arg8[%get3A_263] {strides = array<i32>} : memref<2000xi32, #tpu.memory_space<vmem>>, vector<16xi32>,
        %shift_left3A_265 = arith.constant 8 : i32
        %shift_left3A_266 = vector.broadcast %shift_left3A_265 : i32 to vector<16xi32>
        %shift_left3A_267 = arith.shli %shift_right_arithmetic3A_260, %shift_left3A_266 : vector<16xi32>
        %shift_left3A_268 = arith.constant 4 : i32
        %shift_left3A_269 = vector.broadcast %shift_left3A_268 : i32 to vector<16xi32>
        %shift_left3A_270 = arith.shli %get3A_262, %shift_left3A_269 : vector<16xi32>
        %add3A_271 = arith.addi %shift_left3A_267, %shift_left3A_270 : vector<16xi32>
        %add3A_272 = arith.addi %add3A_271, %get3A_264 : vector<16xi32>
        %gather3A_273 = tpu.vector_load_idx %arg6[%add3A_272] : memref<25600xf32, #tpu.memory_space<vmem>>[vector<16xi32>], vector<16xf32>,
        %swap3A_274 = arith.constant 160 : index
        %swap3A_275 = tpu.vector_load %arg9[%swap3A_274] {strides = array<i32>} : memref<2000xf32, #tpu.memory_space<vmem>>, vector<16xf32>,
        tpu.vector_store %arg9[%swap3A_274], %gather3A_273 {strides = array<i32>} : memref<2000xf32, #tpu.memory_space<vmem>>, vector<16xf32>,
        %add3A_276 = arith.constant 176 : i32
        %add3A_277 = vector.broadcast %add3A_276 : i32 to vector<16xi32>
        %add3A_278 = arith.addi %iota3A, %add3A_277 : vector<16xi32>
        %mul3A_279 = arith.constant 3277 : i32
        %mul3A_280 = vector.broadcast %mul3A_279 : i32 to vector<16xi32>
        %mul3A_281 = arith.muli %add3A_278, %mul3A_280 : vector<16xi32>
        %shift_right_arithmetic3A_282 = arith.constant 16 : i32
        %shift_right_arithmetic3A_283 = vector.broadcast %shift_right_arithmetic3A_282 : i32 to vector<16xi32>
        %shift_right_arithmetic3A_284 = arith.shrsi %mul3A_281, %shift_right_arithmetic3A_283 : vector<16xi32>
        %get3A_285 = arith.constant 176 : index
        %get3A_286 = tpu.vector_load %arg7[%get3A_285] {strides = array<i32>} : memref<2000xi32, #tpu.memory_space<vmem>>, vector<16xi32>,
        %get3A_287 = arith.constant 176 : index
        %get3A_288 = tpu.vector_load %arg8[%get3A_287] {strides = array<i32>} : memref<2000xi32, #tpu.memory_space<vmem>>, vector<16xi32>,
        %shift_left3A_289 = arith.constant 8 : i32
        %shift_left3A_290 = vector.broadcast %shift_left3A_289 : i32 to vector<16xi32>
        %shift_left3A_291 = arith.shli %shift_right_arithmetic3A_284, %shift_left3A_290 : vector<16xi32>
        %shift_left3A_292 = arith.constant 4 : i32
        %shift_left3A_293 = vector.broadcast %shift_left3A_292 : i32 to vector<16xi32>
        %shift_left3A_294 = arith.shli %get3A_286, %shift_left3A_293 : vector<16xi32>
        %add3A_295 = arith.addi %shift_left3A_291, %shift_left3A_294 : vector<16xi32>
        %add3A_296 = arith.addi %add3A_295, %get3A_288 : vector<16xi32>
        %gather3A_297 = tpu.vector_load_idx %arg6[%add3A_296] : memref<25600xf32, #tpu.memory_space<vmem>>[vector<16xi32>], vector<16xf32>,
        %swap3A_298 = arith.constant 176 : index
        %swap3A_299 = tpu.vector_load %arg9[%swap3A_298] {strides = array<i32>} : memref<2000xf32, #tpu.memory_space<vmem>>, vector<16xf32>,
        tpu.vector_store %arg9[%swap3A_298], %gather3A_297 {strides = array<i32>} : memref<2000xf32, #tpu.memory_space<vmem>>, vector<16xf32>,
        %add3A_300 = arith.constant 192 : i32
        %add3A_301 = vector.broadcast %add3A_300 : i32 to vector<16xi32>
        %add3A_302 = arith.addi %iota3A, %add3A_301 : vector<16xi32>
        %mul3A_303 = arith.constant 3277 : i32
        %mul3A_304 = vector.broadcast %mul3A_303 : i32 to vector<16xi32>
        %mul3A_305 = arith.muli %add3A_302, %mul3A_304 : vector<16xi32>
        %shift_right_arithmetic3A_306 = arith.constant 16 : i32
        %shift_right_arithmetic3A_307 = vector.broadcast %shift_right_arithmetic3A_306 : i32 to vector<16xi32>
        %shift_right_arithmetic3A_308 = arith.shrsi %mul3A_305, %shift_right_arithmetic3A_307 : vector<16xi32>
        %get3A_309 = arith.constant 192 : index
        %get3A_310 = tpu.vector_load %arg7[%get3A_309] {strides = array<i32>} : memref<2000xi32, #tpu.memory_space<vmem>>, vector<16xi32>,
        %get3A_311 = arith.constant 192 : index
        %get3A_312 = tpu.vector_load %arg8[%get3A_311] {strides = array<i32>} : memref<2000xi32, #tpu.memory_space<vmem>>, vector<16xi32>,
        %shift_left3A_313 = arith.constant 8 : i32
        %shift_left3A_314 = vector.broadcast %shift_left3A_313 : i32 to vector<16xi32>
        %shift_left3A_315 = arith.shli %shift_right_arithmetic3A_308, %shift_left3A_314 : vector<16xi32>
        %shift_left3A_316 = arith.constant 4 : i32
        %shift_left3A_317 = vector.broadcast %shift_left3A_316 : i32 to vector<16xi32>
        %shift_left3A_318 = arith.shli %get3A_310, %shift_left3A_317 : vector<16xi32>
        %add3A_319 = arith.addi %shift_left3A_315, %shift_left3A_318 : vector<16xi32>
        %add3A_320 = arith.addi %add3A_319, %get3A_312 : vector<16xi32>
        %gather3A_321 = tpu.vector_load_idx %arg6[%add3A_320] : memref<25600xf32, #tpu.memory_space<vmem>>[vector<16xi32>], vector<16xf32>,
        %swap3A_322 = arith.constant 192 : index
        %swap3A_323 = tpu.vector_load %arg9[%swap3A_322] {strides = array<i32>} : memref<2000xf32, #tpu.memory_space<vmem>>, vector<16xf32>,
        tpu.vector_store %arg9[%swap3A_322], %gather3A_321 {strides = array<i32>} : memref<2000xf32, #tpu.memory_space<vmem>>, vector<16xf32>,
        %add3A_324 = arith.constant 208 : i32
        %add3A_325 = vector.broadcast %add3A_324 : i32 to vector<16xi32>
        %add3A_326 = arith.addi %iota3A, %add3A_325 : vector<16xi32>
        %mul3A_327 = arith.constant 3277 : i32
        %mul3A_328 = vector.broadcast %mul3A_327 : i32 to vector<16xi32>
        %mul3A_329 = arith.muli %add3A_326, %mul3A_328 : vector<16xi32>
        %shift_right_arithmetic3A_330 = arith.constant 16 : i32
        %shift_right_arithmetic3A_331 = vector.broadcast %shift_right_arithmetic3A_330 : i32 to vector<16xi32>
        %shift_right_arithmetic3A_332 = arith.shrsi %mul3A_329, %shift_right_arithmetic3A_331 : vector<16xi32>
        %get3A_333 = arith.constant 208 : index
        %get3A_334 = tpu.vector_load %arg7[%get3A_333] {strides = array<i32>} : memref<2000xi32, #tpu.memory_space<vmem>>, vector<16xi32>,
        %get3A_335 = arith.constant 208 : index
        %get3A_336 = tpu.vector_load %arg8[%get3A_335] {strides = array<i32>} : memref<2000xi32, #tpu.memory_space<vmem>>, vector<16xi32>,
        %shift_left3A_337 = arith.constant 8 : i32
        %shift_left3A_338 = vector.broadcast %shift_left3A_337 : i32 to vector<16xi32>
        %shift_left3A_339 = arith.shli %shift_right_arithmetic3A_332, %shift_left3A_338 : vector<16xi32>
        %shift_left3A_340 = arith.constant 4 : i32
        %shift_left3A_341 = vector.broadcast %shift_left3A_340 : i32 to vector<16xi32>
        %shift_left3A_342 = arith.shli %get3A_334, %shift_left3A_341 : vector<16xi32>
        %add3A_343 = arith.addi %shift_left3A_339, %shift_left3A_342 : vector<16xi32>
        %add3A_344 = arith.addi %add3A_343, %get3A_336 : vector<16xi32>
        %gather3A_345 = tpu.vector_load_idx %arg6[%add3A_344] : memref<25600xf32, #tpu.memory_space<vmem>>[vector<16xi32>], vector<16xf32>,
        %swap3A_346 = arith.constant 208 : index
        %swap3A_347 = tpu.vector_load %arg9[%swap3A_346] {strides = array<i32>} : memref<2000xf32, #tpu.memory_space<vmem>>, vector<16xf32>,
        tpu.vector_store %arg9[%swap3A_346], %gather3A_345 {strides = array<i32>} : memref<2000xf32, #tpu.memory_space<vmem>>, vector<16xf32>,
        %add3A_348 = arith.constant 224 : i32
        %add3A_349 = vector.broadcast %add3A_348 : i32 to vector<16xi32>
        %add3A_350 = arith.addi %iota3A, %add3A_349 : vector<16xi32>
        %mul3A_351 = arith.constant 3277 : i32
        %mul3A_352 = vector.broadcast %mul3A_351 : i32 to vector<16xi32>
        %mul3A_353 = arith.muli %add3A_350, %mul3A_352 : vector<16xi32>
        %shift_right_arithmetic3A_354 = arith.constant 16 : i32
        %shift_right_arithmetic3A_355 = vector.broadcast %shift_right_arithmetic3A_354 : i32 to vector<16xi32>
        %shift_right_arithmetic3A_356 = arith.shrsi %mul3A_353, %shift_right_arithmetic3A_355 : vector<16xi32>
        %get3A_357 = arith.constant 224 : index
        %get3A_358 = tpu.vector_load %arg7[%get3A_357] {strides = array<i32>} : memref<2000xi32, #tpu.memory_space<vmem>>, vector<16xi32>,
        %get3A_359 = arith.constant 224 : index
        %get3A_360 = tpu.vector_load %arg8[%get3A_359] {strides = array<i32>} : memref<2000xi32, #tpu.memory_space<vmem>>, vector<16xi32>,
        %shift_left3A_361 = arith.constant 8 : i32
        %shift_left3A_362 = vector.broadcast %shift_left3A_361 : i32 to vector<16xi32>
        %shift_left3A_363 = arith.shli %shift_right_arithmetic3A_356, %shift_left3A_362 : vector<16xi32>
        %shift_left3A_364 = arith.constant 4 : i32
        %shift_left3A_365 = vector.broadcast %shift_left3A_364 : i32 to vector<16xi32>
        %shift_left3A_366 = arith.shli %get3A_358, %shift_left3A_365 : vector<16xi32>
        %add3A_367 = arith.addi %shift_left3A_363, %shift_left3A_366 : vector<16xi32>
        %add3A_368 = arith.addi %add3A_367, %get3A_360 : vector<16xi32>
        %gather3A_369 = tpu.vector_load_idx %arg6[%add3A_368] : memref<25600xf32, #tpu.memory_space<vmem>>[vector<16xi32>], vector<16xf32>,
        %swap3A_370 = arith.constant 224 : index
        %swap3A_371 = tpu.vector_load %arg9[%swap3A_370] {strides = array<i32>} : memref<2000xf32, #tpu.memory_space<vmem>>, vector<16xf32>,
        tpu.vector_store %arg9[%swap3A_370], %gather3A_369 {strides = array<i32>} : memref<2000xf32, #tpu.memory_space<vmem>>, vector<16xf32>,
        %add3A_372 = arith.constant 240 : i32
        %add3A_373 = vector.broadcast %add3A_372 : i32 to vector<16xi32>
        %add3A_374 = arith.addi %iota3A, %add3A_373 : vector<16xi32>
        %mul3A_375 = arith.constant 3277 : i32
        %mul3A_376 = vector.broadcast %mul3A_375 : i32 to vector<16xi32>
        %mul3A_377 = arith.muli %add3A_374, %mul3A_376 : vector<16xi32>
        %shift_right_arithmetic3A_378 = arith.constant 16 : i32
        %shift_right_arithmetic3A_379 = vector.broadcast %shift_right_arithmetic3A_378 : i32 to vector<16xi32>
        %shift_right_arithmetic3A_380 = arith.shrsi %mul3A_377, %shift_right_arithmetic3A_379 : vector<16xi32>
        %get3A_381 = arith.constant 240 : index
        %get3A_382 = tpu.vector_load %arg7[%get3A_381] {strides = array<i32>} : memref<2000xi32, #tpu.memory_space<vmem>>, vector<16xi32>,
        %get3A_383 = arith.constant 240 : index
        %get3A_384 = tpu.vector_load %arg8[%get3A_383] {strides = array<i32>} : memref<2000xi32, #tpu.memory_space<vmem>>, vector<16xi32>,
        %shift_left3A_385 = arith.constant 8 : i32
        %shift_left3A_386 = vector.broadcast %shift_left3A_385 : i32 to vector<16xi32>
        %shift_left3A_387 = arith.shli %shift_right_arithmetic3A_380, %shift_left3A_386 : vector<16xi32>
        %shift_left3A_388 = arith.constant 4 : i32
        %shift_left3A_389 = vector.broadcast %shift_left3A_388 : i32 to vector<16xi32>
        %shift_left3A_390 = arith.shli %get3A_382, %shift_left3A_389 : vector<16xi32>
        %add3A_391 = arith.addi %shift_left3A_387, %shift_left3A_390 : vector<16xi32>
        %add3A_392 = arith.addi %add3A_391, %get3A_384 : vector<16xi32>
        %gather3A_393 = tpu.vector_load_idx %arg6[%add3A_392] : memref<25600xf32, #tpu.memory_space<vmem>>[vector<16xi32>], vector<16xf32>,
        %swap3A_394 = arith.constant 240 : index
        %swap3A_395 = tpu.vector_load %arg9[%swap3A_394] {strides = array<i32>} : memref<2000xf32, #tpu.memory_space<vmem>>, vector<16xf32>,
        tpu.vector_store %arg9[%swap3A_394], %gather3A_393 {strides = array<i32>} : memref<2000xf32, #tpu.memory_space<vmem>>, vector<16xf32>,
        %add3A_396 = arith.constant 256 : i32
        %add3A_397 = vector.broadcast %add3A_396 : i32 to vector<16xi32>
        %add3A_398 = arith.addi %iota3A, %add3A_397 : vector<16xi32>
        %mul3A_399 = arith.constant 3277 : i32
        %mul3A_400 = vector.broadcast %mul3A_399 : i32 to vector<16xi32>
        %mul3A_401 = arith.muli %add3A_398, %mul3A_400 : vector<16xi32>
        %shift_right_arithmetic3A_402 = arith.constant 16 : i32
        %shift_right_arithmetic3A_403 = vector.broadcast %shift_right_arithmetic3A_402 : i32 to vector<16xi32>
        %shift_right_arithmetic3A_404 = arith.shrsi %mul3A_401, %shift_right_arithmetic3A_403 : vector<16xi32>
        %get3A_405 = arith.constant 256 : index
        %get3A_406 = tpu.vector_load %arg7[%get3A_405] {strides = array<i32>} : memref<2000xi32, #tpu.memory_space<vmem>>, vector<16xi32>,
        %get3A_407 = arith.constant 256 : index
        %get3A_408 = tpu.vector_load %arg8[%get3A_407] {strides = array<i32>} : memref<2000xi32, #tpu.memory_space<vmem>>, vector<16xi32>,
        %shift_left3A_409 = arith.constant 8 : i32
        %shift_left3A_410 = vector.broadcast %shift_left3A_409 : i32 to vector<16xi32>
        %shift_left3A_411 = arith.shli %shift_right_arithmetic3A_404, %shift_left3A_410 : vector<16xi32>
        %shift_left3A_412 = arith.constant 4 : i32
        %shift_left3A_413 = vector.broadcast %shift_left3A_412 : i32 to vector<16xi32>
        %shift_left3A_414 = arith.shli %get3A_406, %shift_left3A_413 : vector<16xi32>
        %add3A_415 = arith.addi %shift_left3A_411, %shift_left3A_414 : vector<16xi32>
        %add3A_416 = arith.addi %add3A_415, %get3A_408 : vector<16xi32>
        %gather3A_417 = tpu.vector_load_idx %arg6[%add3A_416] : memref<25600xf32, #tpu.memory_space<vmem>>[vector<16xi32>], vector<16xf32>,
        %swap3A_418 = arith.constant 256 : index
        %swap3A_419 = tpu.vector_load %arg9[%swap3A_418] {strides = array<i32>} : memref<2000xf32, #tpu.memory_space<vmem>>, vector<16xf32>,
        tpu.vector_store %arg9[%swap3A_418], %gather3A_417 {strides = array<i32>} : memref<2000xf32, #tpu.memory_space<vmem>>, vector<16xf32>,
        %add3A_420 = arith.constant 272 : i32
        %add3A_421 = vector.broadcast %add3A_420 : i32 to vector<16xi32>
        %add3A_422 = arith.addi %iota3A, %add3A_421 : vector<16xi32>
        %mul3A_423 = arith.constant 3277 : i32
        %mul3A_424 = vector.broadcast %mul3A_423 : i32 to vector<16xi32>
        %mul3A_425 = arith.muli %add3A_422, %mul3A_424 : vector<16xi32>
        %shift_right_arithmetic3A_426 = arith.constant 16 : i32
        %shift_right_arithmetic3A_427 = vector.broadcast %shift_right_arithmetic3A_426 : i32 to vector<16xi32>
        %shift_right_arithmetic3A_428 = arith.shrsi %mul3A_425, %shift_right_arithmetic3A_427 : vector<16xi32>
        %get3A_429 = arith.constant 272 : index
        %get3A_430 = tpu.vector_load %arg7[%get3A_429] {strides = array<i32>} : memref<2000xi32, #tpu.memory_space<vmem>>, vector<16xi32>,
        %get3A_431 = arith.constant 272 : index
        %get3A_432 = tpu.vector_load %arg8[%get3A_431] {strides = array<i32>} : memref<2000xi32, #tpu.memory_space<vmem>>, vector<16xi32>,
        %shift_left3A_433 = arith.constant 8 : i32
        %shift_left3A_434 = vector.broadcast %shift_left3A_433 : i32 to vector<16xi32>
        %shift_left3A_435 = arith.shli %shift_right_arithmetic3A_428, %shift_left3A_434 : vector<16xi32>
        %shift_left3A_436 = arith.constant 4 : i32
        %shift_left3A_437 = vector.broadcast %shift_left3A_436 : i32 to vector<16xi32>
        %shift_left3A_438 = arith.shli %get3A_430, %shift_left3A_437 : vector<16xi32>
        %add3A_439 = arith.addi %shift_left3A_435, %shift_left3A_438 : vector<16xi32>
        %add3A_440 = arith.addi %add3A_439, %get3A_432 : vector<16xi32>
        %gather3A_441 = tpu.vector_load_idx %arg6[%add3A_440] : memref<25600xf32, #tpu.memory_space<vmem>>[vector<16xi32>], vector<16xf32>,
        %swap3A_442 = arith.constant 272 : index
        %swap3A_443 = tpu.vector_load %arg9[%swap3A_442] {strides = array<i32>} : memref<2000xf32, #tpu.memory_space<vmem>>, vector<16xf32>,
        tpu.vector_store %arg9[%swap3A_442], %gather3A_441 {strides = array<i32>} : memref<2000xf32, #tpu.memory_space<vmem>>, vector<16xf32>,
        %add3A_444 = arith.constant 288 : i32
        %add3A_445 = vector.broadcast %add3A_444 : i32 to vector<16xi32>
        %add3A_446 = arith.addi %iota3A, %add3A_445 : vector<16xi32>
        %mul3A_447 = arith.constant 3277 : i32
        %mul3A_448 = vector.broadcast %mul3A_447 : i32 to vector<16xi32>
        %mul3A_449 = arith.muli %add3A_446, %mul3A_448 : vector<16xi32>
        %shift_right_arithmetic3A_450 = arith.constant 16 : i32
        %shift_right_arithmetic3A_451 = vector.broadcast %shift_right_arithmetic3A_450 : i32 to vector<16xi32>
        %shift_right_arithmetic3A_452 = arith.shrsi %mul3A_449, %shift_right_arithmetic3A_451 : vector<16xi32>
        %get3A_453 = arith.constant 288 : index
        %get3A_454 = tpu.vector_load %arg7[%get3A_453] {strides = array<i32>} : memref<2000xi32, #tpu.memory_space<vmem>>, vector<16xi32>,
        %get3A_455 = arith.constant 288 : index
        %get3A_456 = tpu.vector_load %arg8[%get3A_455] {strides = array<i32>} : memref<2000xi32, #tpu.memory_space<vmem>>, vector<16xi32>,
        %shift_left3A_457 = arith.constant 8 : i32
        %shift_left3A_458 = vector.broadcast %shift_left3A_457 : i32 to vector<16xi32>
        %shift_left3A_459 = arith.shli %shift_right_arithmetic3A_452, %shift_left3A_458 : vector<16xi32>
        %shift_left3A_460 = arith.constant 4 : i32
        %shift_left3A_461 = vector.broadcast %shift_left3A_460 : i32 to vector<16xi32>
        %shift_left3A_462 = arith.shli %get3A_454, %shift_left3A_461 : vector<16xi32>
        %add3A_463 = arith.addi %shift_left3A_459, %shift_left3A_462 : vector<16xi32>
        %add3A_464 = arith.addi %add3A_463, %get3A_456 : vector<16xi32>
        %gather3A_465 = tpu.vector_load_idx %arg6[%add3A_464] : memref<25600xf32, #tpu.memory_space<vmem>>[vector<16xi32>], vector<16xf32>,
        %swap3A_466 = arith.constant 288 : index
        %swap3A_467 = tpu.vector_load %arg9[%swap3A_466] {strides = array<i32>} : memref<2000xf32, #tpu.memory_space<vmem>>, vector<16xf32>,
        tpu.vector_store %arg9[%swap3A_466], %gather3A_465 {strides = array<i32>} : memref<2000xf32, #tpu.memory_space<vmem>>, vector<16xf32>,
        %add3A_468 = arith.constant 304 : i32
        %add3A_469 = vector.broadcast %add3A_468 : i32 to vector<16xi32>
        %add3A_470 = arith.addi %iota3A, %add3A_469 : vector<16xi32>
        %mul3A_471 = arith.constant 3277 : i32
        %mul3A_472 = vector.broadcast %mul3A_471 : i32 to vector<16xi32>
        %mul3A_473 = arith.muli %add3A_470, %mul3A_472 : vector<16xi32>
        %shift_right_arithmetic3A_474 = arith.constant 16 : i32
        %shift_right_arithmetic3A_475 = vector.broadcast %shift_right_arithmetic3A_474 : i32 to vector<16xi32>
        %shift_right_arithmetic3A_476 = arith.shrsi %mul3A_473, %shift_right_arithmetic3A_475 : vector<16xi32>
        %get3A_477 = arith.constant 304 : index
        %get3A_478 = tpu.vector_load %arg7[%get3A_477] {strides = array<i32>} : memref<2000xi32, #tpu.memory_space<vmem>>, vector<16xi32>,
        %get3A_479 = arith.constant 304 : index
        %get3A_480 = tpu.vector_load %arg8[%get3A_479] {strides = array<i32>} : memref<2000xi32, #tpu.memory_space<vmem>>, vector<16xi32>,
        %shift_left3A_481 = arith.constant 8 : i32
        %shift_left3A_482 = vector.broadcast %shift_left3A_481 : i32 to vector<16xi32>
        %shift_left3A_483 = arith.shli %shift_right_arithmetic3A_476, %shift_left3A_482 : vector<16xi32>
        %shift_left3A_484 = arith.constant 4 : i32
        %shift_left3A_485 = vector.broadcast %shift_left3A_484 : i32 to vector<16xi32>
        %shift_left3A_486 = arith.shli %get3A_478, %shift_left3A_485 : vector<16xi32>
        %add3A_487 = arith.addi %shift_left3A_483, %shift_left3A_486 : vector<16xi32>
        %add3A_488 = arith.addi %add3A_487, %get3A_480 : vector<16xi32>
        %gather3A_489 = tpu.vector_load_idx %arg6[%add3A_488] : memref<25600xf32, #tpu.memory_space<vmem>>[vector<16xi32>], vector<16xf32>,
        %swap3A_490 = arith.constant 304 : index
        %swap3A_491 = tpu.vector_load %arg9[%swap3A_490] {strides = array<i32>} : memref<2000xf32, #tpu.memory_space<vmem>>, vector<16xf32>,
        tpu.vector_store %arg9[%swap3A_490], %gather3A_489 {strides = array<i32>} : memref<2000xf32, #tpu.memory_space<vmem>>, vector<16xf32>,
        %add3A_492 = arith.constant 320 : i32
        %add3A_493 = vector.broadcast %add3A_492 : i32 to vector<16xi32>
        %add3A_494 = arith.addi %iota3A, %add3A_493 : vector<16xi32>
        %mul3A_495 = arith.constant 3277 : i32
        %mul3A_496 = vector.broadcast %mul3A_495 : i32 to vector<16xi32>
        %mul3A_497 = arith.muli %add3A_494, %mul3A_496 : vector<16xi32>
        %shift_right_arithmetic3A_498 = arith.constant 16 : i32
        %shift_right_arithmetic3A_499 = vector.broadcast %shift_right_arithmetic3A_498 : i32 to vector<16xi32>
        %shift_right_arithmetic3A_500 = arith.shrsi %mul3A_497, %shift_right_arithmetic3A_499 : vector<16xi32>
        %get3A_501 = arith.constant 320 : index
        %get3A_502 = tpu.vector_load %arg7[%get3A_501] {strides = array<i32>} : memref<2000xi32, #tpu.memory_space<vmem>>, vector<16xi32>,
        %get3A_503 = arith.constant 320 : index
        %get3A_504 = tpu.vector_load %arg8[%get3A_503] {strides = array<i32>} : memref<2000xi32, #tpu.memory_space<vmem>>, vector<16xi32>,
        %shift_left3A_505 = arith.constant 8 : i32
        %shift_left3A_506 = vector.broadcast %shift_left3A_505 : i32 to vector<16xi32>
        %shift_left3A_507 = arith.shli %shift_right_arithmetic3A_500, %shift_left3A_506 : vector<16xi32>
        %shift_left3A_508 = arith.constant 4 : i32
        %shift_left3A_509 = vector.broadcast %shift_left3A_508 : i32 to vector<16xi32>
        %shift_left3A_510 = arith.shli %get3A_502, %shift_left3A_509 : vector<16xi32>
        %add3A_511 = arith.addi %shift_left3A_507, %shift_left3A_510 : vector<16xi32>
        %add3A_512 = arith.addi %add3A_511, %get3A_504 : vector<16xi32>
        %gather3A_513 = tpu.vector_load_idx %arg6[%add3A_512] : memref<25600xf32, #tpu.memory_space<vmem>>[vector<16xi32>], vector<16xf32>,
        %swap3A_514 = arith.constant 320 : index
        %swap3A_515 = tpu.vector_load %arg9[%swap3A_514] {strides = array<i32>} : memref<2000xf32, #tpu.memory_space<vmem>>, vector<16xf32>,
        tpu.vector_store %arg9[%swap3A_514], %gather3A_513 {strides = array<i32>} : memref<2000xf32, #tpu.memory_space<vmem>>, vector<16xf32>,
        %add3A_516 = arith.constant 336 : i32
        %add3A_517 = vector.broadcast %add3A_516 : i32 to vector<16xi32>
        %add3A_518 = arith.addi %iota3A, %add3A_517 : vector<16xi32>
        %mul3A_519 = arith.constant 3277 : i32
        %mul3A_520 = vector.broadcast %mul3A_519 : i32 to vector<16xi32>
        %mul3A_521 = arith.muli %add3A_518, %mul3A_520 : vector<16xi32>
        %shift_right_arithmetic3A_522 = arith.constant 16 : i32
        %shift_right_arithmetic3A_523 = vector.broadcast %shift_right_arithmetic3A_522 : i32 to vector<16xi32>
        %shift_right_arithmetic3A_524 = arith.shrsi %mul3A_521, %shift_right_arithmetic3A_523 : vector<16xi32>
        %get3A_525 = arith.constant 336 : index
        %get3A_526 = tpu.vector_load %arg7[%get3A_525] {strides = array<i32>} : memref<2000xi32, #tpu.memory_space<vmem>>, vector<16xi32>,
        %get3A_527 = arith.constant 336 : index
        %get3A_528 = tpu.vector_load %arg8[%get3A_527] {strides = array<i32>} : memref<2000xi32, #tpu.memory_space<vmem>>, vector<16xi32>,
        %shift_left3A_529 = arith.constant 8 : i32
        %shift_left3A_530 = vector.broadcast %shift_left3A_529 : i32 to vector<16xi32>
        %shift_left3A_531 = arith.shli %shift_right_arithmetic3A_524, %shift_left3A_530 : vector<16xi32>
        %shift_left3A_532 = arith.constant 4 : i32
        %shift_left3A_533 = vector.broadcast %shift_left3A_532 : i32 to vector<16xi32>
        %shift_left3A_534 = arith.shli %get3A_526, %shift_left3A_533 : vector<16xi32>
        %add3A_535 = arith.addi %shift_left3A_531, %shift_left3A_534 : vector<16xi32>
        %add3A_536 = arith.addi %add3A_535, %get3A_528 : vector<16xi32>
        %gather3A_537 = tpu.vector_load_idx %arg6[%add3A_536] : memref<25600xf32, #tpu.memory_space<vmem>>[vector<16xi32>], vector<16xf32>,
        %swap3A_538 = arith.constant 336 : index
        %swap3A_539 = tpu.vector_load %arg9[%swap3A_538] {strides = array<i32>} : memref<2000xf32, #tpu.memory_space<vmem>>, vector<16xf32>,
        tpu.vector_store %arg9[%swap3A_538], %gather3A_537 {strides = array<i32>} : memref<2000xf32, #tpu.memory_space<vmem>>, vector<16xf32>,
        %add3A_540 = arith.constant 352 : i32
        %add3A_541 = vector.broadcast %add3A_540 : i32 to vector<16xi32>
        %add3A_542 = arith.addi %iota3A, %add3A_541 : vector<16xi32>
        %mul3A_543 = arith.constant 3277 : i32
        %mul3A_544 = vector.broadcast %mul3A_543 : i32 to vector<16xi32>
        %mul3A_545 = arith.muli %add3A_542, %mul3A_544 : vector<16xi32>
        %shift_right_arithmetic3A_546 = arith.constant 16 : i32
        %shift_right_arithmetic3A_547 = vector.broadcast %shift_right_arithmetic3A_546 : i32 to vector<16xi32>
        %shift_right_arithmetic3A_548 = arith.shrsi %mul3A_545, %shift_right_arithmetic3A_547 : vector<16xi32>
        %get3A_549 = arith.constant 352 : index
        %get3A_550 = tpu.vector_load %arg7[%get3A_549] {strides = array<i32>} : memref<2000xi32, #tpu.memory_space<vmem>>, vector<16xi32>,
        %get3A_551 = arith.constant 352 : index
        %get3A_552 = tpu.vector_load %arg8[%get3A_551] {strides = array<i32>} : memref<2000xi32, #tpu.memory_space<vmem>>, vector<16xi32>,
        %shift_left3A_553 = arith.constant 8 : i32
        %shift_left3A_554 = vector.broadcast %shift_left3A_553 : i32 to vector<16xi32>
        %shift_left3A_555 = arith.shli %shift_right_arithmetic3A_548, %shift_left3A_554 : vector<16xi32>
        %shift_left3A_556 = arith.constant 4 : i32
        %shift_left3A_557 = vector.broadcast %shift_left3A_556 : i32 to vector<16xi32>
        %shift_left3A_558 = arith.shli %get3A_550, %shift_left3A_557 : vector<16xi32>
        %add3A_559 = arith.addi %shift_left3A_555, %shift_left3A_558 : vector<16xi32>
        %add3A_560 = arith.addi %add3A_559, %get3A_552 : vector<16xi32>
        %gather3A_561 = tpu.vector_load_idx %arg6[%add3A_560] : memref<25600xf32, #tpu.memory_space<vmem>>[vector<16xi32>], vector<16xf32>,
        %swap3A_562 = arith.constant 352 : index
        %swap3A_563 = tpu.vector_load %arg9[%swap3A_562] {strides = array<i32>} : memref<2000xf32, #tpu.memory_space<vmem>>, vector<16xf32>,
        tpu.vector_store %arg9[%swap3A_562], %gather3A_561 {strides = array<i32>} : memref<2000xf32, #tpu.memory_space<vmem>>, vector<16xf32>,
        %add3A_564 = arith.constant 368 : i32
        %add3A_565 = vector.broadcast %add3A_564 : i32 to vector<16xi32>
        %add3A_566 = arith.addi %iota3A, %add3A_565 : vector<16xi32>
        %mul3A_567 = arith.constant 3277 : i32
        %mul3A_568 = vector.broadcast %mul3A_567 : i32 to vector<16xi32>
        %mul3A_569 = arith.muli %add3A_566, %mul3A_568 : vector<16xi32>
        %shift_right_arithmetic3A_570 = arith.constant 16 : i32
        %shift_right_arithmetic3A_571 = vector.broadcast %shift_right_arithmetic3A_570 : i32 to vector<16xi32>
        %shift_right_arithmetic3A_572 = arith.shrsi %mul3A_569, %shift_right_arithmetic3A_571 : vector<16xi32>
        %get3A_573 = arith.constant 368 : index
        %get3A_574 = tpu.vector_load %arg7[%get3A_573] {strides = array<i32>} : memref<2000xi32, #tpu.memory_space<vmem>>, vector<16xi32>,
        %get3A_575 = arith.constant 368 : index
        %get3A_576 = tpu.vector_load %arg8[%get3A_575] {strides = array<i32>} : memref<2000xi32, #tpu.memory_space<vmem>>, vector<16xi32>,
        %shift_left3A_577 = arith.constant 8 : i32
        %shift_left3A_578 = vector.broadcast %shift_left3A_577 : i32 to vector<16xi32>
        %shift_left3A_579 = arith.shli %shift_right_arithmetic3A_572, %shift_left3A_578 : vector<16xi32>
        %shift_left3A_580 = arith.constant 4 : i32
        %shift_left3A_581 = vector.broadcast %shift_left3A_580 : i32 to vector<16xi32>
        %shift_left3A_582 = arith.shli %get3A_574, %shift_left3A_581 : vector<16xi32>
        %add3A_583 = arith.addi %shift_left3A_579, %shift_left3A_582 : vector<16xi32>
        %add3A_584 = arith.addi %add3A_583, %get3A_576 : vector<16xi32>
        %gather3A_585 = tpu.vector_load_idx %arg6[%add3A_584] : memref<25600xf32, #tpu.memory_space<vmem>>[vector<16xi32>], vector<16xf32>,
        %swap3A_586 = arith.constant 368 : index
        %swap3A_587 = tpu.vector_load %arg9[%swap3A_586] {strides = array<i32>} : memref<2000xf32, #tpu.memory_space<vmem>>, vector<16xf32>,
        tpu.vector_store %arg9[%swap3A_586], %gather3A_585 {strides = array<i32>} : memref<2000xf32, #tpu.memory_space<vmem>>, vector<16xf32>,
        %add3A_588 = arith.constant 384 : i32
        %add3A_589 = vector.broadcast %add3A_588 : i32 to vector<16xi32>
        %add3A_590 = arith.addi %iota3A, %add3A_589 : vector<16xi32>
        %mul3A_591 = arith.constant 3277 : i32
        %mul3A_592 = vector.broadcast %mul3A_591 : i32 to vector<16xi32>
        %mul3A_593 = arith.muli %add3A_590, %mul3A_592 : vector<16xi32>
        %shift_right_arithmetic3A_594 = arith.constant 16 : i32
        %shift_right_arithmetic3A_595 = vector.broadcast %shift_right_arithmetic3A_594 : i32 to vector<16xi32>
        %shift_right_arithmetic3A_596 = arith.shrsi %mul3A_593, %shift_right_arithmetic3A_595 : vector<16xi32>
        %get3A_597 = arith.constant 384 : index
        %get3A_598 = tpu.vector_load %arg7[%get3A_597] {strides = array<i32>} : memref<2000xi32, #tpu.memory_space<vmem>>, vector<16xi32>,
        %get3A_599 = arith.constant 384 : index
        %get3A_600 = tpu.vector_load %arg8[%get3A_599] {strides = array<i32>} : memref<2000xi32, #tpu.memory_space<vmem>>, vector<16xi32>,
        %shift_left3A_601 = arith.constant 8 : i32
        %shift_left3A_602 = vector.broadcast %shift_left3A_601 : i32 to vector<16xi32>
        %shift_left3A_603 = arith.shli %shift_right_arithmetic3A_596, %shift_left3A_602 : vector<16xi32>
        %shift_left3A_604 = arith.constant 4 : i32
        %shift_left3A_605 = vector.broadcast %shift_left3A_604 : i32 to vector<16xi32>
        %shift_left3A_606 = arith.shli %get3A_598, %shift_left3A_605 : vector<16xi32>
        %add3A_607 = arith.addi %shift_left3A_603, %shift_left3A_606 : vector<16xi32>
        %add3A_608 = arith.addi %add3A_607, %get3A_600 : vector<16xi32>
        %gather3A_609 = tpu.vector_load_idx %arg6[%add3A_608] : memref<25600xf32, #tpu.memory_space<vmem>>[vector<16xi32>], vector<16xf32>,
        %swap3A_610 = arith.constant 384 : index
        %swap3A_611 = tpu.vector_load %arg9[%swap3A_610] {strides = array<i32>} : memref<2000xf32, #tpu.memory_space<vmem>>, vector<16xf32>,
        tpu.vector_store %arg9[%swap3A_610], %gather3A_609 {strides = array<i32>} : memref<2000xf32, #tpu.memory_space<vmem>>, vector<16xf32>,
        %add3A_612 = arith.constant 400 : i32
        %add3A_613 = vector.broadcast %add3A_612 : i32 to vector<16xi32>
        %add3A_614 = arith.addi %iota3A, %add3A_613 : vector<16xi32>
        %mul3A_615 = arith.constant 3277 : i32
        %mul3A_616 = vector.broadcast %mul3A_615 : i32 to vector<16xi32>
        %mul3A_617 = arith.muli %add3A_614, %mul3A_616 : vector<16xi32>
        %shift_right_arithmetic3A_618 = arith.constant 16 : i32
        %shift_right_arithmetic3A_619 = vector.broadcast %shift_right_arithmetic3A_618 : i32 to vector<16xi32>
        %shift_right_arithmetic3A_620 = arith.shrsi %mul3A_617, %shift_right_arithmetic3A_619 : vector<16xi32>
        %get3A_621 = arith.constant 400 : index
        %get3A_622 = tpu.vector_load %arg7[%get3A_621] {strides = array<i32>} : memref<2000xi32, #tpu.memory_space<vmem>>, vector<16xi32>,
        %get3A_623 = arith.constant 400 : index
        %get3A_624 = tpu.vector_load %arg8[%get3A_623] {strides = array<i32>} : memref<2000xi32, #tpu.memory_space<vmem>>, vector<16xi32>,
        %shift_left3A_625 = arith.constant 8 : i32
        %shift_left3A_626 = vector.broadcast %shift_left3A_625 : i32 to vector<16xi32>
        %shift_left3A_627 = arith.shli %shift_right_arithmetic3A_620, %shift_left3A_626 : vector<16xi32>
        %shift_left3A_628 = arith.constant 4 : i32
        %shift_left3A_629 = vector.broadcast %shift_left3A_628 : i32 to vector<16xi32>
        %shift_left3A_630 = arith.shli %get3A_622, %shift_left3A_629 : vector<16xi32>
        %add3A_631 = arith.addi %shift_left3A_627, %shift_left3A_630 : vector<16xi32>
        %add3A_632 = arith.addi %add3A_631, %get3A_624 : vector<16xi32>
        %gather3A_633 = tpu.vector_load_idx %arg6[%add3A_632] : memref<25600xf32, #tpu.memory_space<vmem>>[vector<16xi32>], vector<16xf32>,
        %swap3A_634 = arith.constant 400 : index
        %swap3A_635 = tpu.vector_load %arg9[%swap3A_634] {strides = array<i32>} : memref<2000xf32, #tpu.memory_space<vmem>>, vector<16xf32>,
        tpu.vector_store %arg9[%swap3A_634], %gather3A_633 {strides = array<i32>} : memref<2000xf32, #tpu.memory_space<vmem>>, vector<16xf32>,
        %add3A_636 = arith.constant 416 : i32
        %add3A_637 = vector.broadcast %add3A_636 : i32 to vector<16xi32>
        %add3A_638 = arith.addi %iota3A, %add3A_637 : vector<16xi32>
        %mul3A_639 = arith.constant 3277 : i32
        %mul3A_640 = vector.broadcast %mul3A_639 : i32 to vector<16xi32>
        %mul3A_641 = arith.muli %add3A_638, %mul3A_640 : vector<16xi32>
        %shift_right_arithmetic3A_642 = arith.constant 16 : i32
        %shift_right_arithmetic3A_643 = vector.broadcast %shift_right_arithmetic3A_642 : i32 to vector<16xi32>
        %shift_right_arithmetic3A_644 = arith.shrsi %mul3A_641, %shift_right_arithmetic3A_643 : vector<16xi32>
        %get3A_645 = arith.constant 416 : index
        %get3A_646 = tpu.vector_load %arg7[%get3A_645] {strides = array<i32>} : memref<2000xi32, #tpu.memory_space<vmem>>, vector<16xi32>,
        %get3A_647 = arith.constant 416 : index
        %get3A_648 = tpu.vector_load %arg8[%get3A_647] {strides = array<i32>} : memref<2000xi32, #tpu.memory_space<vmem>>, vector<16xi32>,
        %shift_left3A_649 = arith.constant 8 : i32
        %shift_left3A_650 = vector.broadcast %shift_left3A_649 : i32 to vector<16xi32>
        %shift_left3A_651 = arith.shli %shift_right_arithmetic3A_644, %shift_left3A_650 : vector<16xi32>
        %shift_left3A_652 = arith.constant 4 : i32
        %shift_left3A_653 = vector.broadcast %shift_left3A_652 : i32 to vector<16xi32>
        %shift_left3A_654 = arith.shli %get3A_646, %shift_left3A_653 : vector<16xi32>
        %add3A_655 = arith.addi %shift_left3A_651, %shift_left3A_654 : vector<16xi32>
        %add3A_656 = arith.addi %add3A_655, %get3A_648 : vector<16xi32>
        %gather3A_657 = tpu.vector_load_idx %arg6[%add3A_656] : memref<25600xf32, #tpu.memory_space<vmem>>[vector<16xi32>], vector<16xf32>,
        %swap3A_658 = arith.constant 416 : index
        %swap3A_659 = tpu.vector_load %arg9[%swap3A_658] {strides = array<i32>} : memref<2000xf32, #tpu.memory_space<vmem>>, vector<16xf32>,
        tpu.vector_store %arg9[%swap3A_658], %gather3A_657 {strides = array<i32>} : memref<2000xf32, #tpu.memory_space<vmem>>, vector<16xf32>,
        %add3A_660 = arith.constant 432 : i32
        %add3A_661 = vector.broadcast %add3A_660 : i32 to vector<16xi32>
        %add3A_662 = arith.addi %iota3A, %add3A_661 : vector<16xi32>
        %mul3A_663 = arith.constant 3277 : i32
        %mul3A_664 = vector.broadcast %mul3A_663 : i32 to vector<16xi32>
        %mul3A_665 = arith.muli %add3A_662, %mul3A_664 : vector<16xi32>
        %shift_right_arithmetic3A_666 = arith.constant 16 : i32
        %shift_right_arithmetic3A_667 = vector.broadcast %shift_right_arithmetic3A_666 : i32 to vector<16xi32>
        %shift_right_arithmetic3A_668 = arith.shrsi %mul3A_665, %shift_right_arithmetic3A_667 : vector<16xi32>
        %get3A_669 = arith.constant 432 : index
        %get3A_670 = tpu.vector_load %arg7[%get3A_669] {strides = array<i32>} : memref<2000xi32, #tpu.memory_space<vmem>>, vector<16xi32>,
        %get3A_671 = arith.constant 432 : index
        %get3A_672 = tpu.vector_load %arg8[%get3A_671] {strides = array<i32>} : memref<2000xi32, #tpu.memory_space<vmem>>, vector<16xi32>,
        %shift_left3A_673 = arith.constant 8 : i32
        %shift_left3A_674 = vector.broadcast %shift_left3A_673 : i32 to vector<16xi32>
        %shift_left3A_675 = arith.shli %shift_right_arithmetic3A_668, %shift_left3A_674 : vector<16xi32>
        %shift_left3A_676 = arith.constant 4 : i32
        %shift_left3A_677 = vector.broadcast %shift_left3A_676 : i32 to vector<16xi32>
        %shift_left3A_678 = arith.shli %get3A_670, %shift_left3A_677 : vector<16xi32>
        %add3A_679 = arith.addi %shift_left3A_675, %shift_left3A_678 : vector<16xi32>
        %add3A_680 = arith.addi %add3A_679, %get3A_672 : vector<16xi32>
        %gather3A_681 = tpu.vector_load_idx %arg6[%add3A_680] : memref<25600xf32, #tpu.memory_space<vmem>>[vector<16xi32>], vector<16xf32>,
        %swap3A_682 = arith.constant 432 : index
        %swap3A_683 = tpu.vector_load %arg9[%swap3A_682] {strides = array<i32>} : memref<2000xf32, #tpu.memory_space<vmem>>, vector<16xf32>,
        tpu.vector_store %arg9[%swap3A_682], %gather3A_681 {strides = array<i32>} : memref<2000xf32, #tpu.memory_space<vmem>>, vector<16xf32>,
        %add3A_684 = arith.constant 448 : i32
        %add3A_685 = vector.broadcast %add3A_684 : i32 to vector<16xi32>
        %add3A_686 = arith.addi %iota3A, %add3A_685 : vector<16xi32>
        %mul3A_687 = arith.constant 3277 : i32
        %mul3A_688 = vector.broadcast %mul3A_687 : i32 to vector<16xi32>
        %mul3A_689 = arith.muli %add3A_686, %mul3A_688 : vector<16xi32>
        %shift_right_arithmetic3A_690 = arith.constant 16 : i32
        %shift_right_arithmetic3A_691 = vector.broadcast %shift_right_arithmetic3A_690 : i32 to vector<16xi32>
        %shift_right_arithmetic3A_692 = arith.shrsi %mul3A_689, %shift_right_arithmetic3A_691 : vector<16xi32>
        %get3A_693 = arith.constant 448 : index
        %get3A_694 = tpu.vector_load %arg7[%get3A_693] {strides = array<i32>} : memref<2000xi32, #tpu.memory_space<vmem>>, vector<16xi32>,
        %get3A_695 = arith.constant 448 : index
        %get3A_696 = tpu.vector_load %arg8[%get3A_695] {strides = array<i32>} : memref<2000xi32, #tpu.memory_space<vmem>>, vector<16xi32>,
        %shift_left3A_697 = arith.constant 8 : i32
        %shift_left3A_698 = vector.broadcast %shift_left3A_697 : i32 to vector<16xi32>
        %shift_left3A_699 = arith.shli %shift_right_arithmetic3A_692, %shift_left3A_698 : vector<16xi32>
        %shift_left3A_700 = arith.constant 4 : i32
        %shift_left3A_701 = vector.broadcast %shift_left3A_700 : i32 to vector<16xi32>
        %shift_left3A_702 = arith.shli %get3A_694, %shift_left3A_701 : vector<16xi32>
        %add3A_703 = arith.addi %shift_left3A_699, %shift_left3A_702 : vector<16xi32>
        %add3A_704 = arith.addi %add3A_703, %get3A_696 : vector<16xi32>
        %gather3A_705 = tpu.vector_load_idx %arg6[%add3A_704] : memref<25600xf32, #tpu.memory_space<vmem>>[vector<16xi32>], vector<16xf32>,
        %swap3A_706 = arith.constant 448 : index
        %swap3A_707 = tpu.vector_load %arg9[%swap3A_706] {strides = array<i32>} : memref<2000xf32, #tpu.memory_space<vmem>>, vector<16xf32>,
        tpu.vector_store %arg9[%swap3A_706], %gather3A_705 {strides = array<i32>} : memref<2000xf32, #tpu.memory_space<vmem>>, vector<16xf32>,
        %add3A_708 = arith.constant 464 : i32
        %add3A_709 = vector.broadcast %add3A_708 : i32 to vector<16xi32>
        %add3A_710 = arith.addi %iota3A, %add3A_709 : vector<16xi32>
        %mul3A_711 = arith.constant 3277 : i32
        %mul3A_712 = vector.broadcast %mul3A_711 : i32 to vector<16xi32>
        %mul3A_713 = arith.muli %add3A_710, %mul3A_712 : vector<16xi32>
        %shift_right_arithmetic3A_714 = arith.constant 16 : i32
        %shift_right_arithmetic3A_715 = vector.broadcast %shift_right_arithmetic3A_714 : i32 to vector<16xi32>
        %shift_right_arithmetic3A_716 = arith.shrsi %mul3A_713, %shift_right_arithmetic3A_715 : vector<16xi32>
        %get3A_717 = arith.constant 464 : index
        %get3A_718 = tpu.vector_load %arg7[%get3A_717] {strides = array<i32>} : memref<2000xi32, #tpu.memory_space<vmem>>, vector<16xi32>,
        %get3A_719 = arith.constant 464 : index
        %get3A_720 = tpu.vector_load %arg8[%get3A_719] {strides = array<i32>} : memref<2000xi32, #tpu.memory_space<vmem>>, vector<16xi32>,
        %shift_left3A_721 = arith.constant 8 : i32
        %shift_left3A_722 = vector.broadcast %shift_left3A_721 : i32 to vector<16xi32>
        %shift_left3A_723 = arith.shli %shift_right_arithmetic3A_716, %shift_left3A_722 : vector<16xi32>
        %shift_left3A_724 = arith.constant 4 : i32
        %shift_left3A_725 = vector.broadcast %shift_left3A_724 : i32 to vector<16xi32>
        %shift_left3A_726 = arith.shli %get3A_718, %shift_left3A_725 : vector<16xi32>
        %add3A_727 = arith.addi %shift_left3A_723, %shift_left3A_726 : vector<16xi32>
        %add3A_728 = arith.addi %add3A_727, %get3A_720 : vector<16xi32>
        %gather3A_729 = tpu.vector_load_idx %arg6[%add3A_728] : memref<25600xf32, #tpu.memory_space<vmem>>[vector<16xi32>], vector<16xf32>,
        %swap3A_730 = arith.constant 464 : index
        %swap3A_731 = tpu.vector_load %arg9[%swap3A_730] {strides = array<i32>} : memref<2000xf32, #tpu.memory_space<vmem>>, vector<16xf32>,
        tpu.vector_store %arg9[%swap3A_730], %gather3A_729 {strides = array<i32>} : memref<2000xf32, #tpu.memory_space<vmem>>, vector<16xf32>,
        %add3A_732 = arith.constant 480 : i32
        %add3A_733 = vector.broadcast %add3A_732 : i32 to vector<16xi32>
        %add3A_734 = arith.addi %iota3A, %add3A_733 : vector<16xi32>
        %mul3A_735 = arith.constant 3277 : i32
        %mul3A_736 = vector.broadcast %mul3A_735 : i32 to vector<16xi32>
        %mul3A_737 = arith.muli %add3A_734, %mul3A_736 : vector<16xi32>
        %shift_right_arithmetic3A_738 = arith.constant 16 : i32
        %shift_right_arithmetic3A_739 = vector.broadcast %shift_right_arithmetic3A_738 : i32 to vector<16xi32>
        %shift_right_arithmetic3A_740 = arith.shrsi %mul3A_737, %shift_right_arithmetic3A_739 : vector<16xi32>
        %get3A_741 = arith.constant 480 : index
        %get3A_742 = tpu.vector_load %arg7[%get3A_741] {strides = array<i32>} : memref<2000xi32, #tpu.memory_space<vmem>>, vector<16xi32>,
        %get3A_743 = arith.constant 480 : index
        %get3A_744 = tpu.vector_load %arg8[%get3A_743] {strides = array<i32>} : memref<2000xi32, #tpu.memory_space<vmem>>, vector<16xi32>,
        %shift_left3A_745 = arith.constant 8 : i32
        %shift_left3A_746 = vector.broadcast %shift_left3A_745 : i32 to vector<16xi32>
        %shift_left3A_747 = arith.shli %shift_right_arithmetic3A_740, %shift_left3A_746 : vector<16xi32>
        %shift_left3A_748 = arith.constant 4 : i32
        %shift_left3A_749 = vector.broadcast %shift_left3A_748 : i32 to vector<16xi32>
        %shift_left3A_750 = arith.shli %get3A_742, %shift_left3A_749 : vector<16xi32>
        %add3A_751 = arith.addi %shift_left3A_747, %shift_left3A_750 : vector<16xi32>
        %add3A_752 = arith.addi %add3A_751, %get3A_744 : vector<16xi32>
        %gather3A_753 = tpu.vector_load_idx %arg6[%add3A_752] : memref<25600xf32, #tpu.memory_space<vmem>>[vector<16xi32>], vector<16xf32>,
        %swap3A_754 = arith.constant 480 : index
        %swap3A_755 = tpu.vector_load %arg9[%swap3A_754] {strides = array<i32>} : memref<2000xf32, #tpu.memory_space<vmem>>, vector<16xf32>,
        tpu.vector_store %arg9[%swap3A_754], %gather3A_753 {strides = array<i32>} : memref<2000xf32, #tpu.memory_space<vmem>>, vector<16xf32>,
        %add3A_756 = arith.constant 496 : i32
        %add3A_757 = vector.broadcast %add3A_756 : i32 to vector<16xi32>
        %add3A_758 = arith.addi %iota3A, %add3A_757 : vector<16xi32>
        %mul3A_759 = arith.constant 3277 : i32
        %mul3A_760 = vector.broadcast %mul3A_759 : i32 to vector<16xi32>
        %mul3A_761 = arith.muli %add3A_758, %mul3A_760 : vector<16xi32>
        %shift_right_arithmetic3A_762 = arith.constant 16 : i32
        %shift_right_arithmetic3A_763 = vector.broadcast %shift_right_arithmetic3A_762 : i32 to vector<16xi32>
        %shift_right_arithmetic3A_764 = arith.shrsi %mul3A_761, %shift_right_arithmetic3A_763 : vector<16xi32>
        %get3A_765 = arith.constant 496 : index
        %get3A_766 = tpu.vector_load %arg7[%get3A_765] {strides = array<i32>} : memref<2000xi32, #tpu.memory_space<vmem>>, vector<16xi32>,
        %get3A_767 = arith.constant 496 : index
        %get3A_768 = tpu.vector_load %arg8[%get3A_767] {strides = array<i32>} : memref<2000xi32, #tpu.memory_space<vmem>>, vector<16xi32>,
        %shift_left3A_769 = arith.constant 8 : i32
        %shift_left3A_770 = vector.broadcast %shift_left3A_769 : i32 to vector<16xi32>
        %shift_left3A_771 = arith.shli %shift_right_arithmetic3A_764, %shift_left3A_770 : vector<16xi32>
        %shift_left3A_772 = arith.constant 4 : i32
        %shift_left3A_773 = vector.broadcast %shift_left3A_772 : i32 to vector<16xi32>
        %shift_left3A_774 = arith.shli %get3A_766, %shift_left3A_773 : vector<16xi32>
        %add3A_775 = arith.addi %shift_left3A_771, %shift_left3A_774 : vector<16xi32>
        %add3A_776 = arith.addi %add3A_775, %get3A_768 : vector<16xi32>
        %gather3A_777 = tpu.vector_load_idx %arg6[%add3A_776] : memref<25600xf32, #tpu.memory_space<vmem>>[vector<16xi32>], vector<16xf32>,
        %swap3A_778 = arith.constant 496 : index
        %swap3A_779 = tpu.vector_load %arg9[%swap3A_778] {strides = array<i32>} : memref<2000xf32, #tpu.memory_space<vmem>>, vector<16xf32>,
        tpu.vector_store %arg9[%swap3A_778], %gather3A_777 {strides = array<i32>} : memref<2000xf32, #tpu.memory_space<vmem>>, vector<16xf32>,
        %add3A_780 = arith.constant 512 : i32
        %add3A_781 = vector.broadcast %add3A_780 : i32 to vector<16xi32>
        %add3A_782 = arith.addi %iota3A, %add3A_781 : vector<16xi32>
        %mul3A_783 = arith.constant 3277 : i32
        %mul3A_784 = vector.broadcast %mul3A_783 : i32 to vector<16xi32>
        %mul3A_785 = arith.muli %add3A_782, %mul3A_784 : vector<16xi32>
        %shift_right_arithmetic3A_786 = arith.constant 16 : i32
        %shift_right_arithmetic3A_787 = vector.broadcast %shift_right_arithmetic3A_786 : i32 to vector<16xi32>
        %shift_right_arithmetic3A_788 = arith.shrsi %mul3A_785, %shift_right_arithmetic3A_787 : vector<16xi32>
        %get3A_789 = arith.constant 512 : index
        %get3A_790 = tpu.vector_load %arg7[%get3A_789] {strides = array<i32>} : memref<2000xi32, #tpu.memory_space<vmem>>, vector<16xi32>,
        %get3A_791 = arith.constant 512 : index
        %get3A_792 = tpu.vector_load %arg8[%get3A_791] {strides = array<i32>} : memref<2000xi32, #tpu.memory_space<vmem>>, vector<16xi32>,
        %shift_left3A_793 = arith.constant 8 : i32
        %shift_left3A_794 = vector.broadcast %shift_left3A_793 : i32 to vector<16xi32>
        %shift_left3A_795 = arith.shli %shift_right_arithmetic3A_788, %shift_left3A_794 : vector<16xi32>
        %shift_left3A_796 = arith.constant 4 : i32
        %shift_left3A_797 = vector.broadcast %shift_left3A_796 : i32 to vector<16xi32>
        %shift_left3A_798 = arith.shli %get3A_790, %shift_left3A_797 : vector<16xi32>
        %add3A_799 = arith.addi %shift_left3A_795, %shift_left3A_798 : vector<16xi32>
        %add3A_800 = arith.addi %add3A_799, %get3A_792 : vector<16xi32>
        %gather3A_801 = tpu.vector_load_idx %arg6[%add3A_800] : memref<25600xf32, #tpu.memory_space<vmem>>[vector<16xi32>], vector<16xf32>,
        %swap3A_802 = arith.constant 512 : index
        %swap3A_803 = tpu.vector_load %arg9[%swap3A_802] {strides = array<i32>} : memref<2000xf32, #tpu.memory_space<vmem>>, vector<16xf32>,
        tpu.vector_store %arg9[%swap3A_802], %gather3A_801 {strides = array<i32>} : memref<2000xf32, #tpu.memory_space<vmem>>, vector<16xf32>,
        %add3A_804 = arith.constant 528 : i32
        %add3A_805 = vector.broadcast %add3A_804 : i32 to vector<16xi32>
        %add3A_806 = arith.addi %iota3A, %add3A_805 : vector<16xi32>
        %mul3A_807 = arith.constant 3277 : i32
        %mul3A_808 = vector.broadcast %mul3A_807 : i32 to vector<16xi32>
        %mul3A_809 = arith.muli %add3A_806, %mul3A_808 : vector<16xi32>
        %shift_right_arithmetic3A_810 = arith.constant 16 : i32
        %shift_right_arithmetic3A_811 = vector.broadcast %shift_right_arithmetic3A_810 : i32 to vector<16xi32>
        %shift_right_arithmetic3A_812 = arith.shrsi %mul3A_809, %shift_right_arithmetic3A_811 : vector<16xi32>
        %get3A_813 = arith.constant 528 : index
        %get3A_814 = tpu.vector_load %arg7[%get3A_813] {strides = array<i32>} : memref<2000xi32, #tpu.memory_space<vmem>>, vector<16xi32>,
        %get3A_815 = arith.constant 528 : index
        %get3A_816 = tpu.vector_load %arg8[%get3A_815] {strides = array<i32>} : memref<2000xi32, #tpu.memory_space<vmem>>, vector<16xi32>,
        %shift_left3A_817 = arith.constant 8 : i32
        %shift_left3A_818 = vector.broadcast %shift_left3A_817 : i32 to vector<16xi32>
        %shift_left3A_819 = arith.shli %shift_right_arithmetic3A_812, %shift_left3A_818 : vector<16xi32>
        %shift_left3A_820 = arith.constant 4 : i32
        %shift_left3A_821 = vector.broadcast %shift_left3A_820 : i32 to vector<16xi32>
        %shift_left3A_822 = arith.shli %get3A_814, %shift_left3A_821 : vector<16xi32>
        %add3A_823 = arith.addi %shift_left3A_819, %shift_left3A_822 : vector<16xi32>
        %add3A_824 = arith.addi %add3A_823, %get3A_816 : vector<16xi32>
        %gather3A_825 = tpu.vector_load_idx %arg6[%add3A_824] : memref<25600xf32, #tpu.memory_space<vmem>>[vector<16xi32>], vector<16xf32>,
        %swap3A_826 = arith.constant 528 : index
        %swap3A_827 = tpu.vector_load %arg9[%swap3A_826] {strides = array<i32>} : memref<2000xf32, #tpu.memory_space<vmem>>, vector<16xf32>,
        tpu.vector_store %arg9[%swap3A_826], %gather3A_825 {strides = array<i32>} : memref<2000xf32, #tpu.memory_space<vmem>>, vector<16xf32>,
        %add3A_828 = arith.constant 544 : i32
        %add3A_829 = vector.broadcast %add3A_828 : i32 to vector<16xi32>
        %add3A_830 = arith.addi %iota3A, %add3A_829 : vector<16xi32>
        %mul3A_831 = arith.constant 3277 : i32
        %mul3A_832 = vector.broadcast %mul3A_831 : i32 to vector<16xi32>
        %mul3A_833 = arith.muli %add3A_830, %mul3A_832 : vector<16xi32>
        %shift_right_arithmetic3A_834 = arith.constant 16 : i32
        %shift_right_arithmetic3A_835 = vector.broadcast %shift_right_arithmetic3A_834 : i32 to vector<16xi32>
        %shift_right_arithmetic3A_836 = arith.shrsi %mul3A_833, %shift_right_arithmetic3A_835 : vector<16xi32>
        %get3A_837 = arith.constant 544 : index
        %get3A_838 = tpu.vector_load %arg7[%get3A_837] {strides = array<i32>} : memref<2000xi32, #tpu.memory_space<vmem>>, vector<16xi32>,
        %get3A_839 = arith.constant 544 : index
        %get3A_840 = tpu.vector_load %arg8[%get3A_839] {strides = array<i32>} : memref<2000xi32, #tpu.memory_space<vmem>>, vector<16xi32>,
        %shift_left3A_841 = arith.constant 8 : i32
        %shift_left3A_842 = vector.broadcast %shift_left3A_841 : i32 to vector<16xi32>
        %shift_left3A_843 = arith.shli %shift_right_arithmetic3A_836, %shift_left3A_842 : vector<16xi32>
        %shift_left3A_844 = arith.constant 4 : i32
        %shift_left3A_845 = vector.broadcast %shift_left3A_844 : i32 to vector<16xi32>
        %shift_left3A_846 = arith.shli %get3A_838, %shift_left3A_845 : vector<16xi32>
        %add3A_847 = arith.addi %shift_left3A_843, %shift_left3A_846 : vector<16xi32>
        %add3A_848 = arith.addi %add3A_847, %get3A_840 : vector<16xi32>
        %gather3A_849 = tpu.vector_load_idx %arg6[%add3A_848] : memref<25600xf32, #tpu.memory_space<vmem>>[vector<16xi32>], vector<16xf32>,
        %swap3A_850 = arith.constant 544 : index
        %swap3A_851 = tpu.vector_load %arg9[%swap3A_850] {strides = array<i32>} : memref<2000xf32, #tpu.memory_space<vmem>>, vector<16xf32>,
        tpu.vector_store %arg9[%swap3A_850], %gather3A_849 {strides = array<i32>} : memref<2000xf32, #tpu.memory_space<vmem>>, vector<16xf32>,
        %add3A_852 = arith.constant 560 : i32
        %add3A_853 = vector.broadcast %add3A_852 : i32 to vector<16xi32>
        %add3A_854 = arith.addi %iota3A, %add3A_853 : vector<16xi32>
        %mul3A_855 = arith.constant 3277 : i32
        %mul3A_856 = vector.broadcast %mul3A_855 : i32 to vector<16xi32>
        %mul3A_857 = arith.muli %add3A_854, %mul3A_856 : vector<16xi32>
        %shift_right_arithmetic3A_858 = arith.constant 16 : i32
        %shift_right_arithmetic3A_859 = vector.broadcast %shift_right_arithmetic3A_858 : i32 to vector<16xi32>
        %shift_right_arithmetic3A_860 = arith.shrsi %mul3A_857, %shift_right_arithmetic3A_859 : vector<16xi32>
        %get3A_861 = arith.constant 560 : index
        %get3A_862 = tpu.vector_load %arg7[%get3A_861] {strides = array<i32>} : memref<2000xi32, #tpu.memory_space<vmem>>, vector<16xi32>,
        %get3A_863 = arith.constant 560 : index
        %get3A_864 = tpu.vector_load %arg8[%get3A_863] {strides = array<i32>} : memref<2000xi32, #tpu.memory_space<vmem>>, vector<16xi32>,
        %shift_left3A_865 = arith.constant 8 : i32
        %shift_left3A_866 = vector.broadcast %shift_left3A_865 : i32 to vector<16xi32>
        %shift_left3A_867 = arith.shli %shift_right_arithmetic3A_860, %shift_left3A_866 : vector<16xi32>
        %shift_left3A_868 = arith.constant 4 : i32
        %shift_left3A_869 = vector.broadcast %shift_left3A_868 : i32 to vector<16xi32>
        %shift_left3A_870 = arith.shli %get3A_862, %shift_left3A_869 : vector<16xi32>
        %add3A_871 = arith.addi %shift_left3A_867, %shift_left3A_870 : vector<16xi32>
        %add3A_872 = arith.addi %add3A_871, %get3A_864 : vector<16xi32>
        %gather3A_873 = tpu.vector_load_idx %arg6[%add3A_872] : memref<25600xf32, #tpu.memory_space<vmem>>[vector<16xi32>], vector<16xf32>,
        %swap3A_874 = arith.constant 560 : index
        %swap3A_875 = tpu.vector_load %arg9[%swap3A_874] {strides = array<i32>} : memref<2000xf32, #tpu.memory_space<vmem>>, vector<16xf32>,
        tpu.vector_store %arg9[%swap3A_874], %gather3A_873 {strides = array<i32>} : memref<2000xf32, #tpu.memory_space<vmem>>, vector<16xf32>,
        %add3A_876 = arith.constant 576 : i32
        %add3A_877 = vector.broadcast %add3A_876 : i32 to vector<16xi32>
        %add3A_878 = arith.addi %iota3A, %add3A_877 : vector<16xi32>
        %mul3A_879 = arith.constant 3277 : i32
        %mul3A_880 = vector.broadcast %mul3A_879 : i32 to vector<16xi32>
        %mul3A_881 = arith.muli %add3A_878, %mul3A_880 : vector<16xi32>
        %shift_right_arithmetic3A_882 = arith.constant 16 : i32
        %shift_right_arithmetic3A_883 = vector.broadcast %shift_right_arithmetic3A_882 : i32 to vector<16xi32>
        %shift_right_arithmetic3A_884 = arith.shrsi %mul3A_881, %shift_right_arithmetic3A_883 : vector<16xi32>
        %get3A_885 = arith.constant 576 : index
        %get3A_886 = tpu.vector_load %arg7[%get3A_885] {strides = array<i32>} : memref<2000xi32, #tpu.memory_space<vmem>>, vector<16xi32>,
        %get3A_887 = arith.constant 576 : index
        %get3A_888 = tpu.vector_load %arg8[%get3A_887] {strides = array<i32>} : memref<2000xi32, #tpu.memory_space<vmem>>, vector<16xi32>,
        %shift_left3A_889 = arith.constant 8 : i32
        %shift_left3A_890 = vector.broadcast %shift_left3A_889 : i32 to vector<16xi32>
        %shift_left3A_891 = arith.shli %shift_right_arithmetic3A_884, %shift_left3A_890 : vector<16xi32>
        %shift_left3A_892 = arith.constant 4 : i32
        %shift_left3A_893 = vector.broadcast %shift_left3A_892 : i32 to vector<16xi32>
        %shift_left3A_894 = arith.shli %get3A_886, %shift_left3A_893 : vector<16xi32>
        %add3A_895 = arith.addi %shift_left3A_891, %shift_left3A_894 : vector<16xi32>
        %add3A_896 = arith.addi %add3A_895, %get3A_888 : vector<16xi32>
        %gather3A_897 = tpu.vector_load_idx %arg6[%add3A_896] : memref<25600xf32, #tpu.memory_space<vmem>>[vector<16xi32>], vector<16xf32>,
        %swap3A_898 = arith.constant 576 : index
        %swap3A_899 = tpu.vector_load %arg9[%swap3A_898] {strides = array<i32>} : memref<2000xf32, #tpu.memory_space<vmem>>, vector<16xf32>,
        tpu.vector_store %arg9[%swap3A_898], %gather3A_897 {strides = array<i32>} : memref<2000xf32, #tpu.memory_space<vmem>>, vector<16xf32>,
        %add3A_900 = arith.constant 592 : i32
        %add3A_901 = vector.broadcast %add3A_900 : i32 to vector<16xi32>
        %add3A_902 = arith.addi %iota3A, %add3A_901 : vector<16xi32>
        %mul3A_903 = arith.constant 3277 : i32
        %mul3A_904 = vector.broadcast %mul3A_903 : i32 to vector<16xi32>
        %mul3A_905 = arith.muli %add3A_902, %mul3A_904 : vector<16xi32>
        %shift_right_arithmetic3A_906 = arith.constant 16 : i32
        %shift_right_arithmetic3A_907 = vector.broadcast %shift_right_arithmetic3A_906 : i32 to vector<16xi32>
        %shift_right_arithmetic3A_908 = arith.shrsi %mul3A_905, %shift_right_arithmetic3A_907 : vector<16xi32>
        %get3A_909 = arith.constant 592 : index
        %get3A_910 = tpu.vector_load %arg7[%get3A_909] {strides = array<i32>} : memref<2000xi32, #tpu.memory_space<vmem>>, vector<16xi32>,
        %get3A_911 = arith.constant 592 : index
        %get3A_912 = tpu.vector_load %arg8[%get3A_911] {strides = array<i32>} : memref<2000xi32, #tpu.memory_space<vmem>>, vector<16xi32>,
        %shift_left3A_913 = arith.constant 8 : i32
        %shift_left3A_914 = vector.broadcast %shift_left3A_913 : i32 to vector<16xi32>
        %shift_left3A_915 = arith.shli %shift_right_arithmetic3A_908, %shift_left3A_914 : vector<16xi32>
        %shift_left3A_916 = arith.constant 4 : i32
        %shift_left3A_917 = vector.broadcast %shift_left3A_916 : i32 to vector<16xi32>
        %shift_left3A_918 = arith.shli %get3A_910, %shift_left3A_917 : vector<16xi32>
        %add3A_919 = arith.addi %shift_left3A_915, %shift_left3A_918 : vector<16xi32>
        %add3A_920 = arith.addi %add3A_919, %get3A_912 : vector<16xi32>
        %gather3A_921 = tpu.vector_load_idx %arg6[%add3A_920] : memref<25600xf32, #tpu.memory_space<vmem>>[vector<16xi32>], vector<16xf32>,
        %swap3A_922 = arith.constant 592 : index
        %swap3A_923 = tpu.vector_load %arg9[%swap3A_922] {strides = array<i32>} : memref<2000xf32, #tpu.memory_space<vmem>>, vector<16xf32>,
        tpu.vector_store %arg9[%swap3A_922], %gather3A_921 {strides = array<i32>} : memref<2000xf32, #tpu.memory_space<vmem>>, vector<16xf32>,
        %add3A_924 = arith.constant 608 : i32
        %add3A_925 = vector.broadcast %add3A_924 : i32 to vector<16xi32>
        %add3A_926 = arith.addi %iota3A, %add3A_925 : vector<16xi32>
        %mul3A_927 = arith.constant 3277 : i32
        %mul3A_928 = vector.broadcast %mul3A_927 : i32 to vector<16xi32>
        %mul3A_929 = arith.muli %add3A_926, %mul3A_928 : vector<16xi32>
        %shift_right_arithmetic3A_930 = arith.constant 16 : i32
        %shift_right_arithmetic3A_931 = vector.broadcast %shift_right_arithmetic3A_930 : i32 to vector<16xi32>
        %shift_right_arithmetic3A_932 = arith.shrsi %mul3A_929, %shift_right_arithmetic3A_931 : vector<16xi32>
        %get3A_933 = arith.constant 608 : index
        %get3A_934 = tpu.vector_load %arg7[%get3A_933] {strides = array<i32>} : memref<2000xi32, #tpu.memory_space<vmem>>, vector<16xi32>,
        %get3A_935 = arith.constant 608 : index
        %get3A_936 = tpu.vector_load %arg8[%get3A_935] {strides = array<i32>} : memref<2000xi32, #tpu.memory_space<vmem>>, vector<16xi32>,
        %shift_left3A_937 = arith.constant 8 : i32
        %shift_left3A_938 = vector.broadcast %shift_left3A_937 : i32 to vector<16xi32>
        %shift_left3A_939 = arith.shli %shift_right_arithmetic3A_932, %shift_left3A_938 : vector<16xi32>
        %shift_left3A_940 = arith.constant 4 : i32
        %shift_left3A_941 = vector.broadcast %shift_left3A_940 : i32 to vector<16xi32>
        %shift_left3A_942 = arith.shli %get3A_934, %shift_left3A_941 : vector<16xi32>
        %add3A_943 = arith.addi %shift_left3A_939, %shift_left3A_942 : vector<16xi32>
        %add3A_944 = arith.addi %add3A_943, %get3A_936 : vector<16xi32>
        %gather3A_945 = tpu.vector_load_idx %arg6[%add3A_944] : memref<25600xf32, #tpu.memory_space<vmem>>[vector<16xi32>], vector<16xf32>,
        %swap3A_946 = arith.constant 608 : index
        %swap3A_947 = tpu.vector_load %arg9[%swap3A_946] {strides = array<i32>} : memref<2000xf32, #tpu.memory_space<vmem>>, vector<16xf32>,
        tpu.vector_store %arg9[%swap3A_946], %gather3A_945 {strides = array<i32>} : memref<2000xf32, #tpu.memory_space<vmem>>, vector<16xf32>,
        %add3A_948 = arith.constant 624 : i32
        %add3A_949 = vector.broadcast %add3A_948 : i32 to vector<16xi32>
        %add3A_950 = arith.addi %iota3A, %add3A_949 : vector<16xi32>
        %mul3A_951 = arith.constant 3277 : i32
        %mul3A_952 = vector.broadcast %mul3A_951 : i32 to vector<16xi32>
        %mul3A_953 = arith.muli %add3A_950, %mul3A_952 : vector<16xi32>
        %shift_right_arithmetic3A_954 = arith.constant 16 : i32
        %shift_right_arithmetic3A_955 = vector.broadcast %shift_right_arithmetic3A_954 : i32 to vector<16xi32>
        %shift_right_arithmetic3A_956 = arith.shrsi %mul3A_953, %shift_right_arithmetic3A_955 : vector<16xi32>
        %get3A_957 = arith.constant 624 : index
        %get3A_958 = tpu.vector_load %arg7[%get3A_957] {strides = array<i32>} : memref<2000xi32, #tpu.memory_space<vmem>>, vector<16xi32>,
        %get3A_959 = arith.constant 624 : index
        %get3A_960 = tpu.vector_load %arg8[%get3A_959] {strides = array<i32>} : memref<2000xi32, #tpu.memory_space<vmem>>, vector<16xi32>,
        %shift_left3A_961 = arith.constant 8 : i32
        %shift_left3A_962 = vector.broadcast %shift_left3A_961 : i32 to vector<16xi32>
        %shift_left3A_963 = arith.shli %shift_right_arithmetic3A_956, %shift_left3A_962 : vector<16xi32>
        %shift_left3A_964 = arith.constant 4 : i32
        %shift_left3A_965 = vector.broadcast %shift_left3A_964 : i32 to vector<16xi32>
        %shift_left3A_966 = arith.shli %get3A_958, %shift_left3A_965 : vector<16xi32>
        %add3A_967 = arith.addi %shift_left3A_963, %shift_left3A_966 : vector<16xi32>
        %add3A_968 = arith.addi %add3A_967, %get3A_960 : vector<16xi32>
        %gather3A_969 = tpu.vector_load_idx %arg6[%add3A_968] : memref<25600xf32, #tpu.memory_space<vmem>>[vector<16xi32>], vector<16xf32>,
        %swap3A_970 = arith.constant 624 : index
        %swap3A_971 = tpu.vector_load %arg9[%swap3A_970] {strides = array<i32>} : memref<2000xf32, #tpu.memory_space<vmem>>, vector<16xf32>,
        tpu.vector_store %arg9[%swap3A_970], %gather3A_969 {strides = array<i32>} : memref<2000xf32, #tpu.memory_space<vmem>>, vector<16xf32>,
        %add3A_972 = arith.constant 640 : i32
        %add3A_973 = vector.broadcast %add3A_972 : i32 to vector<16xi32>
        %add3A_974 = arith.addi %iota3A, %add3A_973 : vector<16xi32>
        %mul3A_975 = arith.constant 3277 : i32
        %mul3A_976 = vector.broadcast %mul3A_975 : i32 to vector<16xi32>
        %mul3A_977 = arith.muli %add3A_974, %mul3A_976 : vector<16xi32>
        %shift_right_arithmetic3A_978 = arith.constant 16 : i32
        %shift_right_arithmetic3A_979 = vector.broadcast %shift_right_arithmetic3A_978 : i32 to vector<16xi32>
        %shift_right_arithmetic3A_980 = arith.shrsi %mul3A_977, %shift_right_arithmetic3A_979 : vector<16xi32>
        %get3A_981 = arith.constant 640 : index
        %get3A_982 = tpu.vector_load %arg7[%get3A_981] {strides = array<i32>} : memref<2000xi32, #tpu.memory_space<vmem>>, vector<16xi32>,
        %get3A_983 = arith.constant 640 : index
        %get3A_984 = tpu.vector_load %arg8[%get3A_983] {strides = array<i32>} : memref<2000xi32, #tpu.memory_space<vmem>>, vector<16xi32>,
        %shift_left3A_985 = arith.constant 8 : i32
        %shift_left3A_986 = vector.broadcast %shift_left3A_985 : i32 to vector<16xi32>
        %shift_left3A_987 = arith.shli %shift_right_arithmetic3A_980, %shift_left3A_986 : vector<16xi32>
        %shift_left3A_988 = arith.constant 4 : i32
        %shift_left3A_989 = vector.broadcast %shift_left3A_988 : i32 to vector<16xi32>
        %shift_left3A_990 = arith.shli %get3A_982, %shift_left3A_989 : vector<16xi32>
        %add3A_991 = arith.addi %shift_left3A_987, %shift_left3A_990 : vector<16xi32>
        %add3A_992 = arith.addi %add3A_991, %get3A_984 : vector<16xi32>
        %gather3A_993 = tpu.vector_load_idx %arg6[%add3A_992] : memref<25600xf32, #tpu.memory_space<vmem>>[vector<16xi32>], vector<16xf32>,
        %swap3A_994 = arith.constant 640 : index
        %swap3A_995 = tpu.vector_load %arg9[%swap3A_994] {strides = array<i32>} : memref<2000xf32, #tpu.memory_space<vmem>>, vector<16xf32>,
        tpu.vector_store %arg9[%swap3A_994], %gather3A_993 {strides = array<i32>} : memref<2000xf32, #tpu.memory_space<vmem>>, vector<16xf32>,
        %add3A_996 = arith.constant 656 : i32
        %add3A_997 = vector.broadcast %add3A_996 : i32 to vector<16xi32>
        %add3A_998 = arith.addi %iota3A, %add3A_997 : vector<16xi32>
        %mul3A_999 = arith.constant 3277 : i32
        %mul3A_1000 = vector.broadcast %mul3A_999 : i32 to vector<16xi32>
        %mul3A_1001 = arith.muli %add3A_998, %mul3A_1000 : vector<16xi32>
        %shift_right_arithmetic3A_1002 = arith.constant 16 : i32
        %shift_right_arithmetic3A_1003 = vector.broadcast %shift_right_arithmetic3A_1002 : i32 to vector<16xi32>
        %shift_right_arithmetic3A_1004 = arith.shrsi %mul3A_1001, %shift_right_arithmetic3A_1003 : vector<16xi32>
        %get3A_1005 = arith.constant 656 : index
        %get3A_1006 = tpu.vector_load %arg7[%get3A_1005] {strides = array<i32>} : memref<2000xi32, #tpu.memory_space<vmem>>, vector<16xi32>,
        %get3A_1007 = arith.constant 656 : index
        %get3A_1008 = tpu.vector_load %arg8[%get3A_1007] {strides = array<i32>} : memref<2000xi32, #tpu.memory_space<vmem>>, vector<16xi32>,
        %shift_left3A_1009 = arith.constant 8 : i32
        %shift_left3A_1010 = vector.broadcast %shift_left3A_1009 : i32 to vector<16xi32>
        %shift_left3A_1011 = arith.shli %shift_right_arithmetic3A_1004, %shift_left3A_1010 : vector<16xi32>
        %shift_left3A_1012 = arith.constant 4 : i32
        %shift_left3A_1013 = vector.broadcast %shift_left3A_1012 : i32 to vector<16xi32>
        %shift_left3A_1014 = arith.shli %get3A_1006, %shift_left3A_1013 : vector<16xi32>
        %add3A_1015 = arith.addi %shift_left3A_1011, %shift_left3A_1014 : vector<16xi32>
        %add3A_1016 = arith.addi %add3A_1015, %get3A_1008 : vector<16xi32>
        %gather3A_1017 = tpu.vector_load_idx %arg6[%add3A_1016] : memref<25600xf32, #tpu.memory_space<vmem>>[vector<16xi32>], vector<16xf32>,
        %swap3A_1018 = arith.constant 656 : index
        %swap3A_1019 = tpu.vector_load %arg9[%swap3A_1018] {strides = array<i32>} : memref<2000xf32, #tpu.memory_space<vmem>>, vector<16xf32>,
        tpu.vector_store %arg9[%swap3A_1018], %gather3A_1017 {strides = array<i32>} : memref<2000xf32, #tpu.memory_space<vmem>>, vector<16xf32>,
        %add3A_1020 = arith.constant 672 : i32
        %add3A_1021 = vector.broadcast %add3A_1020 : i32 to vector<16xi32>
        %add3A_1022 = arith.addi %iota3A, %add3A_1021 : vector<16xi32>
        %mul3A_1023 = arith.constant 3277 : i32
        %mul3A_1024 = vector.broadcast %mul3A_1023 : i32 to vector<16xi32>
        %mul3A_1025 = arith.muli %add3A_1022, %mul3A_1024 : vector<16xi32>
        %shift_right_arithmetic3A_1026 = arith.constant 16 : i32
        %shift_right_arithmetic3A_1027 = vector.broadcast %shift_right_arithmetic3A_1026 : i32 to vector<16xi32>
        %shift_right_arithmetic3A_1028 = arith.shrsi %mul3A_1025, %shift_right_arithmetic3A_1027 : vector<16xi32>
        %get3A_1029 = arith.constant 672 : index
        %get3A_1030 = tpu.vector_load %arg7[%get3A_1029] {strides = array<i32>} : memref<2000xi32, #tpu.memory_space<vmem>>, vector<16xi32>,
        %get3A_1031 = arith.constant 672 : index
        %get3A_1032 = tpu.vector_load %arg8[%get3A_1031] {strides = array<i32>} : memref<2000xi32, #tpu.memory_space<vmem>>, vector<16xi32>,
        %shift_left3A_1033 = arith.constant 8 : i32
        %shift_left3A_1034 = vector.broadcast %shift_left3A_1033 : i32 to vector<16xi32>
        %shift_left3A_1035 = arith.shli %shift_right_arithmetic3A_1028, %shift_left3A_1034 : vector<16xi32>
        %shift_left3A_1036 = arith.constant 4 : i32
        %shift_left3A_1037 = vector.broadcast %shift_left3A_1036 : i32 to vector<16xi32>
        %shift_left3A_1038 = arith.shli %get3A_1030, %shift_left3A_1037 : vector<16xi32>
        %add3A_1039 = arith.addi %shift_left3A_1035, %shift_left3A_1038 : vector<16xi32>
        %add3A_1040 = arith.addi %add3A_1039, %get3A_1032 : vector<16xi32>
        %gather3A_1041 = tpu.vector_load_idx %arg6[%add3A_1040] : memref<25600xf32, #tpu.memory_space<vmem>>[vector<16xi32>], vector<16xf32>,
        %swap3A_1042 = arith.constant 672 : index
        %swap3A_1043 = tpu.vector_load %arg9[%swap3A_1042] {strides = array<i32>} : memref<2000xf32, #tpu.memory_space<vmem>>, vector<16xf32>,
        tpu.vector_store %arg9[%swap3A_1042], %gather3A_1041 {strides = array<i32>} : memref<2000xf32, #tpu.memory_space<vmem>>, vector<16xf32>,
        %add3A_1044 = arith.constant 688 : i32
        %add3A_1045 = vector.broadcast %add3A_1044 : i32 to vector<16xi32>
        %add3A_1046 = arith.addi %iota3A, %add3A_1045 : vector<16xi32>
        %mul3A_1047 = arith.constant 3277 : i32
        %mul3A_1048 = vector.broadcast %mul3A_1047 : i32 to vector<16xi32>
        %mul3A_1049 = arith.muli %add3A_1046, %mul3A_1048 : vector<16xi32>
        %shift_right_arithmetic3A_1050 = arith.constant 16 : i32
        %shift_right_arithmetic3A_1051 = vector.broadcast %shift_right_arithmetic3A_1050 : i32 to vector<16xi32>
        %shift_right_arithmetic3A_1052 = arith.shrsi %mul3A_1049, %shift_right_arithmetic3A_1051 : vector<16xi32>
        %get3A_1053 = arith.constant 688 : index
        %get3A_1054 = tpu.vector_load %arg7[%get3A_1053] {strides = array<i32>} : memref<2000xi32, #tpu.memory_space<vmem>>, vector<16xi32>,
        %get3A_1055 = arith.constant 688 : index
        %get3A_1056 = tpu.vector_load %arg8[%get3A_1055] {strides = array<i32>} : memref<2000xi32, #tpu.memory_space<vmem>>, vector<16xi32>,
        %shift_left3A_1057 = arith.constant 8 : i32
        %shift_left3A_1058 = vector.broadcast %shift_left3A_1057 : i32 to vector<16xi32>
        %shift_left3A_1059 = arith.shli %shift_right_arithmetic3A_1052, %shift_left3A_1058 : vector<16xi32>
        %shift_left3A_1060 = arith.constant 4 : i32
        %shift_left3A_1061 = vector.broadcast %shift_left3A_1060 : i32 to vector<16xi32>
        %shift_left3A_1062 = arith.shli %get3A_1054, %shift_left3A_1061 : vector<16xi32>
        %add3A_1063 = arith.addi %shift_left3A_1059, %shift_left3A_1062 : vector<16xi32>
        %add3A_1064 = arith.addi %add3A_1063, %get3A_1056 : vector<16xi32>
        %gather3A_1065 = tpu.vector_load_idx %arg6[%add3A_1064] : memref<25600xf32, #tpu.memory_space<vmem>>[vector<16xi32>], vector<16xf32>,
        %swap3A_1066 = arith.constant 688 : index
        %swap3A_1067 = tpu.vector_load %arg9[%swap3A_1066] {strides = array<i32>} : memref<2000xf32, #tpu.memory_space<vmem>>, vector<16xf32>,
        tpu.vector_store %arg9[%swap3A_1066], %gather3A_1065 {strides = array<i32>} : memref<2000xf32, #tpu.memory_space<vmem>>, vector<16xf32>,
        %add3A_1068 = arith.constant 704 : i32
        %add3A_1069 = vector.broadcast %add3A_1068 : i32 to vector<16xi32>
        %add3A_1070 = arith.addi %iota3A, %add3A_1069 : vector<16xi32>
        %mul3A_1071 = arith.constant 3277 : i32
        %mul3A_1072 = vector.broadcast %mul3A_1071 : i32 to vector<16xi32>
        %mul3A_1073 = arith.muli %add3A_1070, %mul3A_1072 : vector<16xi32>
        %shift_right_arithmetic3A_1074 = arith.constant 16 : i32
        %shift_right_arithmetic3A_1075 = vector.broadcast %shift_right_arithmetic3A_1074 : i32 to vector<16xi32>
        %shift_right_arithmetic3A_1076 = arith.shrsi %mul3A_1073, %shift_right_arithmetic3A_1075 : vector<16xi32>
        %get3A_1077 = arith.constant 704 : index
        %get3A_1078 = tpu.vector_load %arg7[%get3A_1077] {strides = array<i32>} : memref<2000xi32, #tpu.memory_space<vmem>>, vector<16xi32>,
        %get3A_1079 = arith.constant 704 : index
        %get3A_1080 = tpu.vector_load %arg8[%get3A_1079] {strides = array<i32>} : memref<2000xi32, #tpu.memory_space<vmem>>, vector<16xi32>,
        %shift_left3A_1081 = arith.constant 8 : i32
        %shift_left3A_1082 = vector.broadcast %shift_left3A_1081 : i32 to vector<16xi32>
        %shift_left3A_1083 = arith.shli %shift_right_arithmetic3A_1076, %shift_left3A_1082 : vector<16xi32>
        %shift_left3A_1084 = arith.constant 4 : i32
        %shift_left3A_1085 = vector.broadcast %shift_left3A_1084 : i32 to vector<16xi32>
        %shift_left3A_1086 = arith.shli %get3A_1078, %shift_left3A_1085 : vector<16xi32>
        %add3A_1087 = arith.addi %shift_left3A_1083, %shift_left3A_1086 : vector<16xi32>
        %add3A_1088 = arith.addi %add3A_1087, %get3A_1080 : vector<16xi32>
        %gather3A_1089 = tpu.vector_load_idx %arg6[%add3A_1088] : memref<25600xf32, #tpu.memory_space<vmem>>[vector<16xi32>], vector<16xf32>,
        %swap3A_1090 = arith.constant 704 : index
        %swap3A_1091 = tpu.vector_load %arg9[%swap3A_1090] {strides = array<i32>} : memref<2000xf32, #tpu.memory_space<vmem>>, vector<16xf32>,
        tpu.vector_store %arg9[%swap3A_1090], %gather3A_1089 {strides = array<i32>} : memref<2000xf32, #tpu.memory_space<vmem>>, vector<16xf32>,
        %add3A_1092 = arith.constant 720 : i32
        %add3A_1093 = vector.broadcast %add3A_1092 : i32 to vector<16xi32>
        %add3A_1094 = arith.addi %iota3A, %add3A_1093 : vector<16xi32>
        %mul3A_1095 = arith.constant 3277 : i32
        %mul3A_1096 = vector.broadcast %mul3A_1095 : i32 to vector<16xi32>
        %mul3A_1097 = arith.muli %add3A_1094, %mul3A_1096 : vector<16xi32>
        %shift_right_arithmetic3A_1098 = arith.constant 16 : i32
        %shift_right_arithmetic3A_1099 = vector.broadcast %shift_right_arithmetic3A_1098 : i32 to vector<16xi32>
        %shift_right_arithmetic3A_1100 = arith.shrsi %mul3A_1097, %shift_right_arithmetic3A_1099 : vector<16xi32>
        %get3A_1101 = arith.constant 720 : index
        %get3A_1102 = tpu.vector_load %arg7[%get3A_1101] {strides = array<i32>} : memref<2000xi32, #tpu.memory_space<vmem>>, vector<16xi32>,
        %get3A_1103 = arith.constant 720 : index
        %get3A_1104 = tpu.vector_load %arg8[%get3A_1103] {strides = array<i32>} : memref<2000xi32, #tpu.memory_space<vmem>>, vector<16xi32>,
        %shift_left3A_1105 = arith.constant 8 : i32
        %shift_left3A_1106 = vector.broadcast %shift_left3A_1105 : i32 to vector<16xi32>
        %shift_left3A_1107 = arith.shli %shift_right_arithmetic3A_1100, %shift_left3A_1106 : vector<16xi32>
        %shift_left3A_1108 = arith.constant 4 : i32
        %shift_left3A_1109 = vector.broadcast %shift_left3A_1108 : i32 to vector<16xi32>
        %shift_left3A_1110 = arith.shli %get3A_1102, %shift_left3A_1109 : vector<16xi32>
        %add3A_1111 = arith.addi %shift_left3A_1107, %shift_left3A_1110 : vector<16xi32>
        %add3A_1112 = arith.addi %add3A_1111, %get3A_1104 : vector<16xi32>
        %gather3A_1113 = tpu.vector_load_idx %arg6[%add3A_1112] : memref<25600xf32, #tpu.memory_space<vmem>>[vector<16xi32>], vector<16xf32>,
        %swap3A_1114 = arith.constant 720 : index
        %swap3A_1115 = tpu.vector_load %arg9[%swap3A_1114] {strides = array<i32>} : memref<2000xf32, #tpu.memory_space<vmem>>, vector<16xf32>,
        tpu.vector_store %arg9[%swap3A_1114], %gather3A_1113 {strides = array<i32>} : memref<2000xf32, #tpu.memory_space<vmem>>, vector<16xf32>,
        %add3A_1116 = arith.constant 736 : i32
        %add3A_1117 = vector.broadcast %add3A_1116 : i32 to vector<16xi32>
        %add3A_1118 = arith.addi %iota3A, %add3A_1117 : vector<16xi32>
        %mul3A_1119 = arith.constant 3277 : i32
        %mul3A_1120 = vector.broadcast %mul3A_1119 : i32 to vector<16xi32>
        %mul3A_1121 = arith.muli %add3A_1118, %mul3A_1120 : vector<16xi32>
        %shift_right_arithmetic3A_1122 = arith.constant 16 : i32
        %shift_right_arithmetic3A_1123 = vector.broadcast %shift_right_arithmetic3A_1122 : i32 to vector<16xi32>
        %shift_right_arithmetic3A_1124 = arith.shrsi %mul3A_1121, %shift_right_arithmetic3A_1123 : vector<16xi32>
        %get3A_1125 = arith.constant 736 : index
        %get3A_1126 = tpu.vector_load %arg7[%get3A_1125] {strides = array<i32>} : memref<2000xi32, #tpu.memory_space<vmem>>, vector<16xi32>,
        %get3A_1127 = arith.constant 736 : index
        %get3A_1128 = tpu.vector_load %arg8[%get3A_1127] {strides = array<i32>} : memref<2000xi32, #tpu.memory_space<vmem>>, vector<16xi32>,
        %shift_left3A_1129 = arith.constant 8 : i32
        %shift_left3A_1130 = vector.broadcast %shift_left3A_1129 : i32 to vector<16xi32>
        %shift_left3A_1131 = arith.shli %shift_right_arithmetic3A_1124, %shift_left3A_1130 : vector<16xi32>
        %shift_left3A_1132 = arith.constant 4 : i32
        %shift_left3A_1133 = vector.broadcast %shift_left3A_1132 : i32 to vector<16xi32>
        %shift_left3A_1134 = arith.shli %get3A_1126, %shift_left3A_1133 : vector<16xi32>
        %add3A_1135 = arith.addi %shift_left3A_1131, %shift_left3A_1134 : vector<16xi32>
        %add3A_1136 = arith.addi %add3A_1135, %get3A_1128 : vector<16xi32>
        %gather3A_1137 = tpu.vector_load_idx %arg6[%add3A_1136] : memref<25600xf32, #tpu.memory_space<vmem>>[vector<16xi32>], vector<16xf32>,
        %swap3A_1138 = arith.constant 736 : index
        %swap3A_1139 = tpu.vector_load %arg9[%swap3A_1138] {strides = array<i32>} : memref<2000xf32, #tpu.memory_space<vmem>>, vector<16xf32>,
        tpu.vector_store %arg9[%swap3A_1138], %gather3A_1137 {strides = array<i32>} : memref<2000xf32, #tpu.memory_space<vmem>>, vector<16xf32>,
        %add3A_1140 = arith.constant 752 : i32
        %add3A_1141 = vector.broadcast %add3A_1140 : i32 to vector<16xi32>
        %add3A_1142 = arith.addi %iota3A, %add3A_1141 : vector<16xi32>
        %mul3A_1143 = arith.constant 3277 : i32
        %mul3A_1144 = vector.broadcast %mul3A_1143 : i32 to vector<16xi32>
        %mul3A_1145 = arith.muli %add3A_1142, %mul3A_1144 : vector<16xi32>
        %shift_right_arithmetic3A_1146 = arith.constant 16 : i32
        %shift_right_arithmetic3A_1147 = vector.broadcast %shift_right_arithmetic3A_1146 : i32 to vector<16xi32>
        %shift_right_arithmetic3A_1148 = arith.shrsi %mul3A_1145, %shift_right_arithmetic3A_1147 : vector<16xi32>
        %get3A_1149 = arith.constant 752 : index
        %get3A_1150 = tpu.vector_load %arg7[%get3A_1149] {strides = array<i32>} : memref<2000xi32, #tpu.memory_space<vmem>>, vector<16xi32>,
        %get3A_1151 = arith.constant 752 : index
        %get3A_1152 = tpu.vector_load %arg8[%get3A_1151] {strides = array<i32>} : memref<2000xi32, #tpu.memory_space<vmem>>, vector<16xi32>,
        %shift_left3A_1153 = arith.constant 8 : i32
        %shift_left3A_1154 = vector.broadcast %shift_left3A_1153 : i32 to vector<16xi32>
        %shift_left3A_1155 = arith.shli %shift_right_arithmetic3A_1148, %shift_left3A_1154 : vector<16xi32>
        %shift_left3A_1156 = arith.constant 4 : i32
        %shift_left3A_1157 = vector.broadcast %shift_left3A_1156 : i32 to vector<16xi32>
        %shift_left3A_1158 = arith.shli %get3A_1150, %shift_left3A_1157 : vector<16xi32>
        %add3A_1159 = arith.addi %shift_left3A_1155, %shift_left3A_1158 : vector<16xi32>
        %add3A_1160 = arith.addi %add3A_1159, %get3A_1152 : vector<16xi32>
        %gather3A_1161 = tpu.vector_load_idx %arg6[%add3A_1160] : memref<25600xf32, #tpu.memory_space<vmem>>[vector<16xi32>], vector<16xf32>,
        %swap3A_1162 = arith.constant 752 : index
        %swap3A_1163 = tpu.vector_load %arg9[%swap3A_1162] {strides = array<i32>} : memref<2000xf32, #tpu.memory_space<vmem>>, vector<16xf32>,
        tpu.vector_store %arg9[%swap3A_1162], %gather3A_1161 {strides = array<i32>} : memref<2000xf32, #tpu.memory_space<vmem>>, vector<16xf32>,
        %add3A_1164 = arith.constant 768 : i32
        %add3A_1165 = vector.broadcast %add3A_1164 : i32 to vector<16xi32>
        %add3A_1166 = arith.addi %iota3A, %add3A_1165 : vector<16xi32>
        %mul3A_1167 = arith.constant 3277 : i32
        %mul3A_1168 = vector.broadcast %mul3A_1167 : i32 to vector<16xi32>
        %mul3A_1169 = arith.muli %add3A_1166, %mul3A_1168 : vector<16xi32>
        %shift_right_arithmetic3A_1170 = arith.constant 16 : i32
        %shift_right_arithmetic3A_1171 = vector.broadcast %shift_right_arithmetic3A_1170 : i32 to vector<16xi32>
        %shift_right_arithmetic3A_1172 = arith.shrsi %mul3A_1169, %shift_right_arithmetic3A_1171 : vector<16xi32>
        %get3A_1173 = arith.constant 768 : index
        %get3A_1174 = tpu.vector_load %arg7[%get3A_1173] {strides = array<i32>} : memref<2000xi32, #tpu.memory_space<vmem>>, vector<16xi32>,
        %get3A_1175 = arith.constant 768 : index
        %get3A_1176 = tpu.vector_load %arg8[%get3A_1175] {strides = array<i32>} : memref<2000xi32, #tpu.memory_space<vmem>>, vector<16xi32>,
        %shift_left3A_1177 = arith.constant 8 : i32
        %shift_left3A_1178 = vector.broadcast %shift_left3A_1177 : i32 to vector<16xi32>
        %shift_left3A_1179 = arith.shli %shift_right_arithmetic3A_1172, %shift_left3A_1178 : vector<16xi32>
        %shift_left3A_1180 = arith.constant 4 : i32
        %shift_left3A_1181 = vector.broadcast %shift_left3A_1180 : i32 to vector<16xi32>
        %shift_left3A_1182 = arith.shli %get3A_1174, %shift_left3A_1181 : vector<16xi32>
        %add3A_1183 = arith.addi %shift_left3A_1179, %shift_left3A_1182 : vector<16xi32>
        %add3A_1184 = arith.addi %add3A_1183, %get3A_1176 : vector<16xi32>
        %gather3A_1185 = tpu.vector_load_idx %arg6[%add3A_1184] : memref<25600xf32, #tpu.memory_space<vmem>>[vector<16xi32>], vector<16xf32>,
        %swap3A_1186 = arith.constant 768 : index
        %swap3A_1187 = tpu.vector_load %arg9[%swap3A_1186] {strides = array<i32>} : memref<2000xf32, #tpu.memory_space<vmem>>, vector<16xf32>,
        tpu.vector_store %arg9[%swap3A_1186], %gather3A_1185 {strides = array<i32>} : memref<2000xf32, #tpu.memory_space<vmem>>, vector<16xf32>,
        %add3A_1188 = arith.constant 784 : i32
        %add3A_1189 = vector.broadcast %add3A_1188 : i32 to vector<16xi32>
        %add3A_1190 = arith.addi %iota3A, %add3A_1189 : vector<16xi32>
        %mul3A_1191 = arith.constant 3277 : i32
        %mul3A_1192 = vector.broadcast %mul3A_1191 : i32 to vector<16xi32>
        %mul3A_1193 = arith.muli %add3A_1190, %mul3A_1192 : vector<16xi32>
        %shift_right_arithmetic3A_1194 = arith.constant 16 : i32
        %shift_right_arithmetic3A_1195 = vector.broadcast %shift_right_arithmetic3A_1194 : i32 to vector<16xi32>
        %shift_right_arithmetic3A_1196 = arith.shrsi %mul3A_1193, %shift_right_arithmetic3A_1195 : vector<16xi32>
        %get3A_1197 = arith.constant 784 : index
        %get3A_1198 = tpu.vector_load %arg7[%get3A_1197] {strides = array<i32>} : memref<2000xi32, #tpu.memory_space<vmem>>, vector<16xi32>,
        %get3A_1199 = arith.constant 784 : index
        %get3A_1200 = tpu.vector_load %arg8[%get3A_1199] {strides = array<i32>} : memref<2000xi32, #tpu.memory_space<vmem>>, vector<16xi32>,
        %shift_left3A_1201 = arith.constant 8 : i32
        %shift_left3A_1202 = vector.broadcast %shift_left3A_1201 : i32 to vector<16xi32>
        %shift_left3A_1203 = arith.shli %shift_right_arithmetic3A_1196, %shift_left3A_1202 : vector<16xi32>
        %shift_left3A_1204 = arith.constant 4 : i32
        %shift_left3A_1205 = vector.broadcast %shift_left3A_1204 : i32 to vector<16xi32>
        %shift_left3A_1206 = arith.shli %get3A_1198, %shift_left3A_1205 : vector<16xi32>
        %add3A_1207 = arith.addi %shift_left3A_1203, %shift_left3A_1206 : vector<16xi32>
        %add3A_1208 = arith.addi %add3A_1207, %get3A_1200 : vector<16xi32>
        %gather3A_1209 = tpu.vector_load_idx %arg6[%add3A_1208] : memref<25600xf32, #tpu.memory_space<vmem>>[vector<16xi32>], vector<16xf32>,
        %swap3A_1210 = arith.constant 784 : index
        %swap3A_1211 = tpu.vector_load %arg9[%swap3A_1210] {strides = array<i32>} : memref<2000xf32, #tpu.memory_space<vmem>>, vector<16xf32>,
        tpu.vector_store %arg9[%swap3A_1210], %gather3A_1209 {strides = array<i32>} : memref<2000xf32, #tpu.memory_space<vmem>>, vector<16xf32>,
        %add3A_1212 = arith.constant 800 : i32
        %add3A_1213 = vector.broadcast %add3A_1212 : i32 to vector<16xi32>
        %add3A_1214 = arith.addi %iota3A, %add3A_1213 : vector<16xi32>
        %mul3A_1215 = arith.constant 3277 : i32
        %mul3A_1216 = vector.broadcast %mul3A_1215 : i32 to vector<16xi32>
        %mul3A_1217 = arith.muli %add3A_1214, %mul3A_1216 : vector<16xi32>
        %shift_right_arithmetic3A_1218 = arith.constant 16 : i32
        %shift_right_arithmetic3A_1219 = vector.broadcast %shift_right_arithmetic3A_1218 : i32 to vector<16xi32>
        %shift_right_arithmetic3A_1220 = arith.shrsi %mul3A_1217, %shift_right_arithmetic3A_1219 : vector<16xi32>
        %get3A_1221 = arith.constant 800 : index
        %get3A_1222 = tpu.vector_load %arg7[%get3A_1221] {strides = array<i32>} : memref<2000xi32, #tpu.memory_space<vmem>>, vector<16xi32>,
        %get3A_1223 = arith.constant 800 : index
        %get3A_1224 = tpu.vector_load %arg8[%get3A_1223] {strides = array<i32>} : memref<2000xi32, #tpu.memory_space<vmem>>, vector<16xi32>,
        %shift_left3A_1225 = arith.constant 8 : i32
        %shift_left3A_1226 = vector.broadcast %shift_left3A_1225 : i32 to vector<16xi32>
        %shift_left3A_1227 = arith.shli %shift_right_arithmetic3A_1220, %shift_left3A_1226 : vector<16xi32>
        %shift_left3A_1228 = arith.constant 4 : i32
        %shift_left3A_1229 = vector.broadcast %shift_left3A_1228 : i32 to vector<16xi32>
        %shift_left3A_1230 = arith.shli %get3A_1222, %shift_left3A_1229 : vector<16xi32>
        %add3A_1231 = arith.addi %shift_left3A_1227, %shift_left3A_1230 : vector<16xi32>
        %add3A_1232 = arith.addi %add3A_1231, %get3A_1224 : vector<16xi32>
        %gather3A_1233 = tpu.vector_load_idx %arg6[%add3A_1232] : memref<25600xf32, #tpu.memory_space<vmem>>[vector<16xi32>], vector<16xf32>,
        %swap3A_1234 = arith.constant 800 : index
        %swap3A_1235 = tpu.vector_load %arg9[%swap3A_1234] {strides = array<i32>} : memref<2000xf32, #tpu.memory_space<vmem>>, vector<16xf32>,
        tpu.vector_store %arg9[%swap3A_1234], %gather3A_1233 {strides = array<i32>} : memref<2000xf32, #tpu.memory_space<vmem>>, vector<16xf32>,
        %add3A_1236 = arith.constant 816 : i32
        %add3A_1237 = vector.broadcast %add3A_1236 : i32 to vector<16xi32>
        %add3A_1238 = arith.addi %iota3A, %add3A_1237 : vector<16xi32>
        %mul3A_1239 = arith.constant 3277 : i32
        %mul3A_1240 = vector.broadcast %mul3A_1239 : i32 to vector<16xi32>
        %mul3A_1241 = arith.muli %add3A_1238, %mul3A_1240 : vector<16xi32>
        %shift_right_arithmetic3A_1242 = arith.constant 16 : i32
        %shift_right_arithmetic3A_1243 = vector.broadcast %shift_right_arithmetic3A_1242 : i32 to vector<16xi32>
        %shift_right_arithmetic3A_1244 = arith.shrsi %mul3A_1241, %shift_right_arithmetic3A_1243 : vector<16xi32>
        %get3A_1245 = arith.constant 816 : index
        %get3A_1246 = tpu.vector_load %arg7[%get3A_1245] {strides = array<i32>} : memref<2000xi32, #tpu.memory_space<vmem>>, vector<16xi32>,
        %get3A_1247 = arith.constant 816 : index
        %get3A_1248 = tpu.vector_load %arg8[%get3A_1247] {strides = array<i32>} : memref<2000xi32, #tpu.memory_space<vmem>>, vector<16xi32>,
        %shift_left3A_1249 = arith.constant 8 : i32
        %shift_left3A_1250 = vector.broadcast %shift_left3A_1249 : i32 to vector<16xi32>
        %shift_left3A_1251 = arith.shli %shift_right_arithmetic3A_1244, %shift_left3A_1250 : vector<16xi32>
        %shift_left3A_1252 = arith.constant 4 : i32
        %shift_left3A_1253 = vector.broadcast %shift_left3A_1252 : i32 to vector<16xi32>
        %shift_left3A_1254 = arith.shli %get3A_1246, %shift_left3A_1253 : vector<16xi32>
        %add3A_1255 = arith.addi %shift_left3A_1251, %shift_left3A_1254 : vector<16xi32>
        %add3A_1256 = arith.addi %add3A_1255, %get3A_1248 : vector<16xi32>
        %gather3A_1257 = tpu.vector_load_idx %arg6[%add3A_1256] : memref<25600xf32, #tpu.memory_space<vmem>>[vector<16xi32>], vector<16xf32>,
        %swap3A_1258 = arith.constant 816 : index
        %swap3A_1259 = tpu.vector_load %arg9[%swap3A_1258] {strides = array<i32>} : memref<2000xf32, #tpu.memory_space<vmem>>, vector<16xf32>,
        tpu.vector_store %arg9[%swap3A_1258], %gather3A_1257 {strides = array<i32>} : memref<2000xf32, #tpu.memory_space<vmem>>, vector<16xf32>,
        %add3A_1260 = arith.constant 832 : i32
        %add3A_1261 = vector.broadcast %add3A_1260 : i32 to vector<16xi32>
        %add3A_1262 = arith.addi %iota3A, %add3A_1261 : vector<16xi32>
        %mul3A_1263 = arith.constant 3277 : i32
        %mul3A_1264 = vector.broadcast %mul3A_1263 : i32 to vector<16xi32>
        %mul3A_1265 = arith.muli %add3A_1262, %mul3A_1264 : vector<16xi32>
        %shift_right_arithmetic3A_1266 = arith.constant 16 : i32
        %shift_right_arithmetic3A_1267 = vector.broadcast %shift_right_arithmetic3A_1266 : i32 to vector<16xi32>
        %shift_right_arithmetic3A_1268 = arith.shrsi %mul3A_1265, %shift_right_arithmetic3A_1267 : vector<16xi32>
        %get3A_1269 = arith.constant 832 : index
        %get3A_1270 = tpu.vector_load %arg7[%get3A_1269] {strides = array<i32>} : memref<2000xi32, #tpu.memory_space<vmem>>, vector<16xi32>,
        %get3A_1271 = arith.constant 832 : index
        %get3A_1272 = tpu.vector_load %arg8[%get3A_1271] {strides = array<i32>} : memref<2000xi32, #tpu.memory_space<vmem>>, vector<16xi32>,
        %shift_left3A_1273 = arith.constant 8 : i32
        %shift_left3A_1274 = vector.broadcast %shift_left3A_1273 : i32 to vector<16xi32>
        %shift_left3A_1275 = arith.shli %shift_right_arithmetic3A_1268, %shift_left3A_1274 : vector<16xi32>
        %shift_left3A_1276 = arith.constant 4 : i32
        %shift_left3A_1277 = vector.broadcast %shift_left3A_1276 : i32 to vector<16xi32>
        %shift_left3A_1278 = arith.shli %get3A_1270, %shift_left3A_1277 : vector<16xi32>
        %add3A_1279 = arith.addi %shift_left3A_1275, %shift_left3A_1278 : vector<16xi32>
        %add3A_1280 = arith.addi %add3A_1279, %get3A_1272 : vector<16xi32>
        %gather3A_1281 = tpu.vector_load_idx %arg6[%add3A_1280] : memref<25600xf32, #tpu.memory_space<vmem>>[vector<16xi32>], vector<16xf32>,
        %swap3A_1282 = arith.constant 832 : index
        %swap3A_1283 = tpu.vector_load %arg9[%swap3A_1282] {strides = array<i32>} : memref<2000xf32, #tpu.memory_space<vmem>>, vector<16xf32>,
        tpu.vector_store %arg9[%swap3A_1282], %gather3A_1281 {strides = array<i32>} : memref<2000xf32, #tpu.memory_space<vmem>>, vector<16xf32>,
        %add3A_1284 = arith.constant 848 : i32
        %add3A_1285 = vector.broadcast %add3A_1284 : i32 to vector<16xi32>
        %add3A_1286 = arith.addi %iota3A, %add3A_1285 : vector<16xi32>
        %mul3A_1287 = arith.constant 3277 : i32
        %mul3A_1288 = vector.broadcast %mul3A_1287 : i32 to vector<16xi32>
        %mul3A_1289 = arith.muli %add3A_1286, %mul3A_1288 : vector<16xi32>
        %shift_right_arithmetic3A_1290 = arith.constant 16 : i32
        %shift_right_arithmetic3A_1291 = vector.broadcast %shift_right_arithmetic3A_1290 : i32 to vector<16xi32>
        %shift_right_arithmetic3A_1292 = arith.shrsi %mul3A_1289, %shift_right_arithmetic3A_1291 : vector<16xi32>
        %get3A_1293 = arith.constant 848 : index
        %get3A_1294 = tpu.vector_load %arg7[%get3A_1293] {strides = array<i32>} : memref<2000xi32, #tpu.memory_space<vmem>>, vector<16xi32>,
        %get3A_1295 = arith.constant 848 : index
        %get3A_1296 = tpu.vector_load %arg8[%get3A_1295] {strides = array<i32>} : memref<2000xi32, #tpu.memory_space<vmem>>, vector<16xi32>,
        %shift_left3A_1297 = arith.constant 8 : i32
        %shift_left3A_1298 = vector.broadcast %shift_left3A_1297 : i32 to vector<16xi32>
        %shift_left3A_1299 = arith.shli %shift_right_arithmetic3A_1292, %shift_left3A_1298 : vector<16xi32>
        %shift_left3A_1300 = arith.constant 4 : i32
        %shift_left3A_1301 = vector.broadcast %shift_left3A_1300 : i32 to vector<16xi32>
        %shift_left3A_1302 = arith.shli %get3A_1294, %shift_left3A_1301 : vector<16xi32>
        %add3A_1303 = arith.addi %shift_left3A_1299, %shift_left3A_1302 : vector<16xi32>
        %add3A_1304 = arith.addi %add3A_1303, %get3A_1296 : vector<16xi32>
        %gather3A_1305 = tpu.vector_load_idx %arg6[%add3A_1304] : memref<25600xf32, #tpu.memory_space<vmem>>[vector<16xi32>], vector<16xf32>,
        %swap3A_1306 = arith.constant 848 : index
        %swap3A_1307 = tpu.vector_load %arg9[%swap3A_1306] {strides = array<i32>} : memref<2000xf32, #tpu.memory_space<vmem>>, vector<16xf32>,
        tpu.vector_store %arg9[%swap3A_1306], %gather3A_1305 {strides = array<i32>} : memref<2000xf32, #tpu.memory_space<vmem>>, vector<16xf32>,
        %add3A_1308 = arith.constant 864 : i32
        %add3A_1309 = vector.broadcast %add3A_1308 : i32 to vector<16xi32>
        %add3A_1310 = arith.addi %iota3A, %add3A_1309 : vector<16xi32>
        %mul3A_1311 = arith.constant 3277 : i32
        %mul3A_1312 = vector.broadcast %mul3A_1311 : i32 to vector<16xi32>
        %mul3A_1313 = arith.muli %add3A_1310, %mul3A_1312 : vector<16xi32>
        %shift_right_arithmetic3A_1314 = arith.constant 16 : i32
        %shift_right_arithmetic3A_1315 = vector.broadcast %shift_right_arithmetic3A_1314 : i32 to vector<16xi32>
        %shift_right_arithmetic3A_1316 = arith.shrsi %mul3A_1313, %shift_right_arithmetic3A_1315 : vector<16xi32>
        %get3A_1317 = arith.constant 864 : index
        %get3A_1318 = tpu.vector_load %arg7[%get3A_1317] {strides = array<i32>} : memref<2000xi32, #tpu.memory_space<vmem>>, vector<16xi32>,
        %get3A_1319 = arith.constant 864 : index
        %get3A_1320 = tpu.vector_load %arg8[%get3A_1319] {strides = array<i32>} : memref<2000xi32, #tpu.memory_space<vmem>>, vector<16xi32>,
        %shift_left3A_1321 = arith.constant 8 : i32
        %shift_left3A_1322 = vector.broadcast %shift_left3A_1321 : i32 to vector<16xi32>
        %shift_left3A_1323 = arith.shli %shift_right_arithmetic3A_1316, %shift_left3A_1322 : vector<16xi32>
        %shift_left3A_1324 = arith.constant 4 : i32
        %shift_left3A_1325 = vector.broadcast %shift_left3A_1324 : i32 to vector<16xi32>
        %shift_left3A_1326 = arith.shli %get3A_1318, %shift_left3A_1325 : vector<16xi32>
        %add3A_1327 = arith.addi %shift_left3A_1323, %shift_left3A_1326 : vector<16xi32>
        %add3A_1328 = arith.addi %add3A_1327, %get3A_1320 : vector<16xi32>
        %gather3A_1329 = tpu.vector_load_idx %arg6[%add3A_1328] : memref<25600xf32, #tpu.memory_space<vmem>>[vector<16xi32>], vector<16xf32>,
        %swap3A_1330 = arith.constant 864 : index
        %swap3A_1331 = tpu.vector_load %arg9[%swap3A_1330] {strides = array<i32>} : memref<2000xf32, #tpu.memory_space<vmem>>, vector<16xf32>,
        tpu.vector_store %arg9[%swap3A_1330], %gather3A_1329 {strides = array<i32>} : memref<2000xf32, #tpu.memory_space<vmem>>, vector<16xf32>,
        %add3A_1332 = arith.constant 880 : i32
        %add3A_1333 = vector.broadcast %add3A_1332 : i32 to vector<16xi32>
        %add3A_1334 = arith.addi %iota3A, %add3A_1333 : vector<16xi32>
        %mul3A_1335 = arith.constant 3277 : i32
        %mul3A_1336 = vector.broadcast %mul3A_1335 : i32 to vector<16xi32>
        %mul3A_1337 = arith.muli %add3A_1334, %mul3A_1336 : vector<16xi32>
        %shift_right_arithmetic3A_1338 = arith.constant 16 : i32
        %shift_right_arithmetic3A_1339 = vector.broadcast %shift_right_arithmetic3A_1338 : i32 to vector<16xi32>
        %shift_right_arithmetic3A_1340 = arith.shrsi %mul3A_1337, %shift_right_arithmetic3A_1339 : vector<16xi32>
        %get3A_1341 = arith.constant 880 : index
        %get3A_1342 = tpu.vector_load %arg7[%get3A_1341] {strides = array<i32>} : memref<2000xi32, #tpu.memory_space<vmem>>, vector<16xi32>,
        %get3A_1343 = arith.constant 880 : index
        %get3A_1344 = tpu.vector_load %arg8[%get3A_1343] {strides = array<i32>} : memref<2000xi32, #tpu.memory_space<vmem>>, vector<16xi32>,
        %shift_left3A_1345 = arith.constant 8 : i32
        %shift_left3A_1346 = vector.broadcast %shift_left3A_1345 : i32 to vector<16xi32>
        %shift_left3A_1347 = arith.shli %shift_right_arithmetic3A_1340, %shift_left3A_1346 : vector<16xi32>
        %shift_left3A_1348 = arith.constant 4 : i32
        %shift_left3A_1349 = vector.broadcast %shift_left3A_1348 : i32 to vector<16xi32>
        %shift_left3A_1350 = arith.shli %get3A_1342, %shift_left3A_1349 : vector<16xi32>
        %add3A_1351 = arith.addi %shift_left3A_1347, %shift_left3A_1350 : vector<16xi32>
        %add3A_1352 = arith.addi %add3A_1351, %get3A_1344 : vector<16xi32>
        %gather3A_1353 = tpu.vector_load_idx %arg6[%add3A_1352] : memref<25600xf32, #tpu.memory_space<vmem>>[vector<16xi32>], vector<16xf32>,
        %swap3A_1354 = arith.constant 880 : index
        %swap3A_1355 = tpu.vector_load %arg9[%swap3A_1354] {strides = array<i32>} : memref<2000xf32, #tpu.memory_space<vmem>>, vector<16xf32>,
        tpu.vector_store %arg9[%swap3A_1354], %gather3A_1353 {strides = array<i32>} : memref<2000xf32, #tpu.memory_space<vmem>>, vector<16xf32>,
        %add3A_1356 = arith.constant 896 : i32
        %add3A_1357 = vector.broadcast %add3A_1356 : i32 to vector<16xi32>
        %add3A_1358 = arith.addi %iota3A, %add3A_1357 : vector<16xi32>
        %mul3A_1359 = arith.constant 3277 : i32
        %mul3A_1360 = vector.broadcast %mul3A_1359 : i32 to vector<16xi32>
        %mul3A_1361 = arith.muli %add3A_1358, %mul3A_1360 : vector<16xi32>
        %shift_right_arithmetic3A_1362 = arith.constant 16 : i32
        %shift_right_arithmetic3A_1363 = vector.broadcast %shift_right_arithmetic3A_1362 : i32 to vector<16xi32>
        %shift_right_arithmetic3A_1364 = arith.shrsi %mul3A_1361, %shift_right_arithmetic3A_1363 : vector<16xi32>
        %get3A_1365 = arith.constant 896 : index
        %get3A_1366 = tpu.vector_load %arg7[%get3A_1365] {strides = array<i32>} : memref<2000xi32, #tpu.memory_space<vmem>>, vector<16xi32>,
        %get3A_1367 = arith.constant 896 : index
        %get3A_1368 = tpu.vector_load %arg8[%get3A_1367] {strides = array<i32>} : memref<2000xi32, #tpu.memory_space<vmem>>, vector<16xi32>,
        %shift_left3A_1369 = arith.constant 8 : i32
        %shift_left3A_1370 = vector.broadcast %shift_left3A_1369 : i32 to vector<16xi32>
        %shift_left3A_1371 = arith.shli %shift_right_arithmetic3A_1364, %shift_left3A_1370 : vector<16xi32>
        %shift_left3A_1372 = arith.constant 4 : i32
        %shift_left3A_1373 = vector.broadcast %shift_left3A_1372 : i32 to vector<16xi32>
        %shift_left3A_1374 = arith.shli %get3A_1366, %shift_left3A_1373 : vector<16xi32>
        %add3A_1375 = arith.addi %shift_left3A_1371, %shift_left3A_1374 : vector<16xi32>
        %add3A_1376 = arith.addi %add3A_1375, %get3A_1368 : vector<16xi32>
        %gather3A_1377 = tpu.vector_load_idx %arg6[%add3A_1376] : memref<25600xf32, #tpu.memory_space<vmem>>[vector<16xi32>], vector<16xf32>,
        %swap3A_1378 = arith.constant 896 : index
        %swap3A_1379 = tpu.vector_load %arg9[%swap3A_1378] {strides = array<i32>} : memref<2000xf32, #tpu.memory_space<vmem>>, vector<16xf32>,
        tpu.vector_store %arg9[%swap3A_1378], %gather3A_1377 {strides = array<i32>} : memref<2000xf32, #tpu.memory_space<vmem>>, vector<16xf32>,
        %add3A_1380 = arith.constant 912 : i32
        %add3A_1381 = vector.broadcast %add3A_1380 : i32 to vector<16xi32>
        %add3A_1382 = arith.addi %iota3A, %add3A_1381 : vector<16xi32>
        %mul3A_1383 = arith.constant 3277 : i32
        %mul3A_1384 = vector.broadcast %mul3A_1383 : i32 to vector<16xi32>
        %mul3A_1385 = arith.muli %add3A_1382, %mul3A_1384 : vector<16xi32>
        %shift_right_arithmetic3A_1386 = arith.constant 16 : i32
        %shift_right_arithmetic3A_1387 = vector.broadcast %shift_right_arithmetic3A_1386 : i32 to vector<16xi32>
        %shift_right_arithmetic3A_1388 = arith.shrsi %mul3A_1385, %shift_right_arithmetic3A_1387 : vector<16xi32>
        %get3A_1389 = arith.constant 912 : index
        %get3A_1390 = tpu.vector_load %arg7[%get3A_1389] {strides = array<i32>} : memref<2000xi32, #tpu.memory_space<vmem>>, vector<16xi32>,
        %get3A_1391 = arith.constant 912 : index
        %get3A_1392 = tpu.vector_load %arg8[%get3A_1391] {strides = array<i32>} : memref<2000xi32, #tpu.memory_space<vmem>>, vector<16xi32>,
        %shift_left3A_1393 = arith.constant 8 : i32
        %shift_left3A_1394 = vector.broadcast %shift_left3A_1393 : i32 to vector<16xi32>
        %shift_left3A_1395 = arith.shli %shift_right_arithmetic3A_1388, %shift_left3A_1394 : vector<16xi32>
        %shift_left3A_1396 = arith.constant 4 : i32
        %shift_left3A_1397 = vector.broadcast %shift_left3A_1396 : i32 to vector<16xi32>
        %shift_left3A_1398 = arith.shli %get3A_1390, %shift_left3A_1397 : vector<16xi32>
        %add3A_1399 = arith.addi %shift_left3A_1395, %shift_left3A_1398 : vector<16xi32>
        %add3A_1400 = arith.addi %add3A_1399, %get3A_1392 : vector<16xi32>
        %gather3A_1401 = tpu.vector_load_idx %arg6[%add3A_1400] : memref<25600xf32, #tpu.memory_space<vmem>>[vector<16xi32>], vector<16xf32>,
        %swap3A_1402 = arith.constant 912 : index
        %swap3A_1403 = tpu.vector_load %arg9[%swap3A_1402] {strides = array<i32>} : memref<2000xf32, #tpu.memory_space<vmem>>, vector<16xf32>,
        tpu.vector_store %arg9[%swap3A_1402], %gather3A_1401 {strides = array<i32>} : memref<2000xf32, #tpu.memory_space<vmem>>, vector<16xf32>,
        %add3A_1404 = arith.constant 928 : i32
        %add3A_1405 = vector.broadcast %add3A_1404 : i32 to vector<16xi32>
        %add3A_1406 = arith.addi %iota3A, %add3A_1405 : vector<16xi32>
        %mul3A_1407 = arith.constant 3277 : i32
        %mul3A_1408 = vector.broadcast %mul3A_1407 : i32 to vector<16xi32>
        %mul3A_1409 = arith.muli %add3A_1406, %mul3A_1408 : vector<16xi32>
        %shift_right_arithmetic3A_1410 = arith.constant 16 : i32
        %shift_right_arithmetic3A_1411 = vector.broadcast %shift_right_arithmetic3A_1410 : i32 to vector<16xi32>
        %shift_right_arithmetic3A_1412 = arith.shrsi %mul3A_1409, %shift_right_arithmetic3A_1411 : vector<16xi32>
        %get3A_1413 = arith.constant 928 : index
        %get3A_1414 = tpu.vector_load %arg7[%get3A_1413] {strides = array<i32>} : memref<2000xi32, #tpu.memory_space<vmem>>, vector<16xi32>,
        %get3A_1415 = arith.constant 928 : index
        %get3A_1416 = tpu.vector_load %arg8[%get3A_1415] {strides = array<i32>} : memref<2000xi32, #tpu.memory_space<vmem>>, vector<16xi32>,
        %shift_left3A_1417 = arith.constant 8 : i32
        %shift_left3A_1418 = vector.broadcast %shift_left3A_1417 : i32 to vector<16xi32>
        %shift_left3A_1419 = arith.shli %shift_right_arithmetic3A_1412, %shift_left3A_1418 : vector<16xi32>
        %shift_left3A_1420 = arith.constant 4 : i32
        %shift_left3A_1421 = vector.broadcast %shift_left3A_1420 : i32 to vector<16xi32>
        %shift_left3A_1422 = arith.shli %get3A_1414, %shift_left3A_1421 : vector<16xi32>
        %add3A_1423 = arith.addi %shift_left3A_1419, %shift_left3A_1422 : vector<16xi32>
        %add3A_1424 = arith.addi %add3A_1423, %get3A_1416 : vector<16xi32>
        %gather3A_1425 = tpu.vector_load_idx %arg6[%add3A_1424] : memref<25600xf32, #tpu.memory_space<vmem>>[vector<16xi32>], vector<16xf32>,
        %swap3A_1426 = arith.constant 928 : index
        %swap3A_1427 = tpu.vector_load %arg9[%swap3A_1426] {strides = array<i32>} : memref<2000xf32, #tpu.memory_space<vmem>>, vector<16xf32>,
        tpu.vector_store %arg9[%swap3A_1426], %gather3A_1425 {strides = array<i32>} : memref<2000xf32, #tpu.memory_space<vmem>>, vector<16xf32>,
        %add3A_1428 = arith.constant 944 : i32
        %add3A_1429 = vector.broadcast %add3A_1428 : i32 to vector<16xi32>
        %add3A_1430 = arith.addi %iota3A, %add3A_1429 : vector<16xi32>
        %mul3A_1431 = arith.constant 3277 : i32
        %mul3A_1432 = vector.broadcast %mul3A_1431 : i32 to vector<16xi32>
        %mul3A_1433 = arith.muli %add3A_1430, %mul3A_1432 : vector<16xi32>
        %shift_right_arithmetic3A_1434 = arith.constant 16 : i32
        %shift_right_arithmetic3A_1435 = vector.broadcast %shift_right_arithmetic3A_1434 : i32 to vector<16xi32>
        %shift_right_arithmetic3A_1436 = arith.shrsi %mul3A_1433, %shift_right_arithmetic3A_1435 : vector<16xi32>
        %get3A_1437 = arith.constant 944 : index
        %get3A_1438 = tpu.vector_load %arg7[%get3A_1437] {strides = array<i32>} : memref<2000xi32, #tpu.memory_space<vmem>>, vector<16xi32>,
        %get3A_1439 = arith.constant 944 : index
        %get3A_1440 = tpu.vector_load %arg8[%get3A_1439] {strides = array<i32>} : memref<2000xi32, #tpu.memory_space<vmem>>, vector<16xi32>,
        %shift_left3A_1441 = arith.constant 8 : i32
        %shift_left3A_1442 = vector.broadcast %shift_left3A_1441 : i32 to vector<16xi32>
        %shift_left3A_1443 = arith.shli %shift_right_arithmetic3A_1436, %shift_left3A_1442 : vector<16xi32>
        %shift_left3A_1444 = arith.constant 4 : i32
        %shift_left3A_1445 = vector.broadcast %shift_left3A_1444 : i32 to vector<16xi32>
        %shift_left3A_1446 = arith.shli %get3A_1438, %shift_left3A_1445 : vector<16xi32>
        %add3A_1447 = arith.addi %shift_left3A_1443, %shift_left3A_1446 : vector<16xi32>
        %add3A_1448 = arith.addi %add3A_1447, %get3A_1440 : vector<16xi32>
        %gather3A_1449 = tpu.vector_load_idx %arg6[%add3A_1448] : memref<25600xf32, #tpu.memory_space<vmem>>[vector<16xi32>], vector<16xf32>,
        %swap3A_1450 = arith.constant 944 : index
        %swap3A_1451 = tpu.vector_load %arg9[%swap3A_1450] {strides = array<i32>} : memref<2000xf32, #tpu.memory_space<vmem>>, vector<16xf32>,
        tpu.vector_store %arg9[%swap3A_1450], %gather3A_1449 {strides = array<i32>} : memref<2000xf32, #tpu.memory_space<vmem>>, vector<16xf32>,
        %add3A_1452 = arith.constant 960 : i32
        %add3A_1453 = vector.broadcast %add3A_1452 : i32 to vector<16xi32>
        %add3A_1454 = arith.addi %iota3A, %add3A_1453 : vector<16xi32>
        %mul3A_1455 = arith.constant 3277 : i32
        %mul3A_1456 = vector.broadcast %mul3A_1455 : i32 to vector<16xi32>
        %mul3A_1457 = arith.muli %add3A_1454, %mul3A_1456 : vector<16xi32>
        %shift_right_arithmetic3A_1458 = arith.constant 16 : i32
        %shift_right_arithmetic3A_1459 = vector.broadcast %shift_right_arithmetic3A_1458 : i32 to vector<16xi32>
        %shift_right_arithmetic3A_1460 = arith.shrsi %mul3A_1457, %shift_right_arithmetic3A_1459 : vector<16xi32>
        %get3A_1461 = arith.constant 960 : index
        %get3A_1462 = tpu.vector_load %arg7[%get3A_1461] {strides = array<i32>} : memref<2000xi32, #tpu.memory_space<vmem>>, vector<16xi32>,
        %get3A_1463 = arith.constant 960 : index
        %get3A_1464 = tpu.vector_load %arg8[%get3A_1463] {strides = array<i32>} : memref<2000xi32, #tpu.memory_space<vmem>>, vector<16xi32>,
        %shift_left3A_1465 = arith.constant 8 : i32
        %shift_left3A_1466 = vector.broadcast %shift_left3A_1465 : i32 to vector<16xi32>
        %shift_left3A_1467 = arith.shli %shift_right_arithmetic3A_1460, %shift_left3A_1466 : vector<16xi32>
        %shift_left3A_1468 = arith.constant 4 : i32
        %shift_left3A_1469 = vector.broadcast %shift_left3A_1468 : i32 to vector<16xi32>
        %shift_left3A_1470 = arith.shli %get3A_1462, %shift_left3A_1469 : vector<16xi32>
        %add3A_1471 = arith.addi %shift_left3A_1467, %shift_left3A_1470 : vector<16xi32>
        %add3A_1472 = arith.addi %add3A_1471, %get3A_1464 : vector<16xi32>
        %gather3A_1473 = tpu.vector_load_idx %arg6[%add3A_1472] : memref<25600xf32, #tpu.memory_space<vmem>>[vector<16xi32>], vector<16xf32>,
        %swap3A_1474 = arith.constant 960 : index
        %swap3A_1475 = tpu.vector_load %arg9[%swap3A_1474] {strides = array<i32>} : memref<2000xf32, #tpu.memory_space<vmem>>, vector<16xf32>,
        tpu.vector_store %arg9[%swap3A_1474], %gather3A_1473 {strides = array<i32>} : memref<2000xf32, #tpu.memory_space<vmem>>, vector<16xf32>,
        %add3A_1476 = arith.constant 976 : i32
        %add3A_1477 = vector.broadcast %add3A_1476 : i32 to vector<16xi32>
        %add3A_1478 = arith.addi %iota3A, %add3A_1477 : vector<16xi32>
        %mul3A_1479 = arith.constant 3277 : i32
        %mul3A_1480 = vector.broadcast %mul3A_1479 : i32 to vector<16xi32>
        %mul3A_1481 = arith.muli %add3A_1478, %mul3A_1480 : vector<16xi32>
        %shift_right_arithmetic3A_1482 = arith.constant 16 : i32
        %shift_right_arithmetic3A_1483 = vector.broadcast %shift_right_arithmetic3A_1482 : i32 to vector<16xi32>
        %shift_right_arithmetic3A_1484 = arith.shrsi %mul3A_1481, %shift_right_arithmetic3A_1483 : vector<16xi32>
        %get3A_1485 = arith.constant 976 : index
        %get3A_1486 = tpu.vector_load %arg7[%get3A_1485] {strides = array<i32>} : memref<2000xi32, #tpu.memory_space<vmem>>, vector<16xi32>,
        %get3A_1487 = arith.constant 976 : index
        %get3A_1488 = tpu.vector_load %arg8[%get3A_1487] {strides = array<i32>} : memref<2000xi32, #tpu.memory_space<vmem>>, vector<16xi32>,
        %shift_left3A_1489 = arith.constant 8 : i32
        %shift_left3A_1490 = vector.broadcast %shift_left3A_1489 : i32 to vector<16xi32>
        %shift_left3A_1491 = arith.shli %shift_right_arithmetic3A_1484, %shift_left3A_1490 : vector<16xi32>
        %shift_left3A_1492 = arith.constant 4 : i32
        %shift_left3A_1493 = vector.broadcast %shift_left3A_1492 : i32 to vector<16xi32>
        %shift_left3A_1494 = arith.shli %get3A_1486, %shift_left3A_1493 : vector<16xi32>
        %add3A_1495 = arith.addi %shift_left3A_1491, %shift_left3A_1494 : vector<16xi32>
        %add3A_1496 = arith.addi %add3A_1495, %get3A_1488 : vector<16xi32>
        %gather3A_1497 = tpu.vector_load_idx %arg6[%add3A_1496] : memref<25600xf32, #tpu.memory_space<vmem>>[vector<16xi32>], vector<16xf32>,
        %swap3A_1498 = arith.constant 976 : index
        %swap3A_1499 = tpu.vector_load %arg9[%swap3A_1498] {strides = array<i32>} : memref<2000xf32, #tpu.memory_space<vmem>>, vector<16xf32>,
        tpu.vector_store %arg9[%swap3A_1498], %gather3A_1497 {strides = array<i32>} : memref<2000xf32, #tpu.memory_space<vmem>>, vector<16xf32>,
        %add3A_1500 = arith.constant 992 : i32
        %add3A_1501 = vector.broadcast %add3A_1500 : i32 to vector<16xi32>
        %add3A_1502 = arith.addi %iota3A, %add3A_1501 : vector<16xi32>
        %mul3A_1503 = arith.constant 3277 : i32
        %mul3A_1504 = vector.broadcast %mul3A_1503 : i32 to vector<16xi32>
        %mul3A_1505 = arith.muli %add3A_1502, %mul3A_1504 : vector<16xi32>
        %shift_right_arithmetic3A_1506 = arith.constant 16 : i32
        %shift_right_arithmetic3A_1507 = vector.broadcast %shift_right_arithmetic3A_1506 : i32 to vector<16xi32>
        %shift_right_arithmetic3A_1508 = arith.shrsi %mul3A_1505, %shift_right_arithmetic3A_1507 : vector<16xi32>
        %get3A_1509 = arith.constant 992 : index
        %get3A_1510 = tpu.vector_load %arg7[%get3A_1509] {strides = array<i32>} : memref<2000xi32, #tpu.memory_space<vmem>>, vector<16xi32>,
        %get3A_1511 = arith.constant 992 : index
        %get3A_1512 = tpu.vector_load %arg8[%get3A_1511] {strides = array<i32>} : memref<2000xi32, #tpu.memory_space<vmem>>, vector<16xi32>,
        %shift_left3A_1513 = arith.constant 8 : i32
        %shift_left3A_1514 = vector.broadcast %shift_left3A_1513 : i32 to vector<16xi32>
        %shift_left3A_1515 = arith.shli %shift_right_arithmetic3A_1508, %shift_left3A_1514 : vector<16xi32>
        %shift_left3A_1516 = arith.constant 4 : i32
        %shift_left3A_1517 = vector.broadcast %shift_left3A_1516 : i32 to vector<16xi32>
        %shift_left3A_1518 = arith.shli %get3A_1510, %shift_left3A_1517 : vector<16xi32>
        %add3A_1519 = arith.addi %shift_left3A_1515, %shift_left3A_1518 : vector<16xi32>
        %add3A_1520 = arith.addi %add3A_1519, %get3A_1512 : vector<16xi32>
        %gather3A_1521 = tpu.vector_load_idx %arg6[%add3A_1520] : memref<25600xf32, #tpu.memory_space<vmem>>[vector<16xi32>], vector<16xf32>,
        %swap3A_1522 = arith.constant 992 : index
        %swap3A_1523 = tpu.vector_load %arg9[%swap3A_1522] {strides = array<i32>} : memref<2000xf32, #tpu.memory_space<vmem>>, vector<16xf32>,
        tpu.vector_store %arg9[%swap3A_1522], %gather3A_1521 {strides = array<i32>} : memref<2000xf32, #tpu.memory_space<vmem>>, vector<16xf32>,
        %add3A_1524 = arith.constant 1008 : i32
        %add3A_1525 = vector.broadcast %add3A_1524 : i32 to vector<16xi32>
        %add3A_1526 = arith.addi %iota3A, %add3A_1525 : vector<16xi32>
        %mul3A_1527 = arith.constant 3277 : i32
        %mul3A_1528 = vector.broadcast %mul3A_1527 : i32 to vector<16xi32>
        %mul3A_1529 = arith.muli %add3A_1526, %mul3A_1528 : vector<16xi32>
        %shift_right_arithmetic3A_1530 = arith.constant 16 : i32
        %shift_right_arithmetic3A_1531 = vector.broadcast %shift_right_arithmetic3A_1530 : i32 to vector<16xi32>
        %shift_right_arithmetic3A_1532 = arith.shrsi %mul3A_1529, %shift_right_arithmetic3A_1531 : vector<16xi32>
        %get3A_1533 = arith.constant 1008 : index
        %get3A_1534 = tpu.vector_load %arg7[%get3A_1533] {strides = array<i32>} : memref<2000xi32, #tpu.memory_space<vmem>>, vector<16xi32>,
        %get3A_1535 = arith.constant 1008 : index
        %get3A_1536 = tpu.vector_load %arg8[%get3A_1535] {strides = array<i32>} : memref<2000xi32, #tpu.memory_space<vmem>>, vector<16xi32>,
        %shift_left3A_1537 = arith.constant 8 : i32
        %shift_left3A_1538 = vector.broadcast %shift_left3A_1537 : i32 to vector<16xi32>
        %shift_left3A_1539 = arith.shli %shift_right_arithmetic3A_1532, %shift_left3A_1538 : vector<16xi32>
        %shift_left3A_1540 = arith.constant 4 : i32
        %shift_left3A_1541 = vector.broadcast %shift_left3A_1540 : i32 to vector<16xi32>
        %shift_left3A_1542 = arith.shli %get3A_1534, %shift_left3A_1541 : vector<16xi32>
        %add3A_1543 = arith.addi %shift_left3A_1539, %shift_left3A_1542 : vector<16xi32>
        %add3A_1544 = arith.addi %add3A_1543, %get3A_1536 : vector<16xi32>
        %gather3A_1545 = tpu.vector_load_idx %arg6[%add3A_1544] : memref<25600xf32, #tpu.memory_space<vmem>>[vector<16xi32>], vector<16xf32>,
        %swap3A_1546 = arith.constant 1008 : index
        %swap3A_1547 = tpu.vector_load %arg9[%swap3A_1546] {strides = array<i32>} : memref<2000xf32, #tpu.memory_space<vmem>>, vector<16xf32>,
        tpu.vector_store %arg9[%swap3A_1546], %gather3A_1545 {strides = array<i32>} : memref<2000xf32, #tpu.memory_space<vmem>>, vector<16xf32>,
        %add3A_1548 = arith.constant 1024 : i32
        %add3A_1549 = vector.broadcast %add3A_1548 : i32 to vector<16xi32>
        %add3A_1550 = arith.addi %iota3A, %add3A_1549 : vector<16xi32>
        %mul3A_1551 = arith.constant 3277 : i32
        %mul3A_1552 = vector.broadcast %mul3A_1551 : i32 to vector<16xi32>
        %mul3A_1553 = arith.muli %add3A_1550, %mul3A_1552 : vector<16xi32>
        %shift_right_arithmetic3A_1554 = arith.constant 16 : i32
        %shift_right_arithmetic3A_1555 = vector.broadcast %shift_right_arithmetic3A_1554 : i32 to vector<16xi32>
        %shift_right_arithmetic3A_1556 = arith.shrsi %mul3A_1553, %shift_right_arithmetic3A_1555 : vector<16xi32>
        %get3A_1557 = arith.constant 1024 : index
        %get3A_1558 = tpu.vector_load %arg7[%get3A_1557] {strides = array<i32>} : memref<2000xi32, #tpu.memory_space<vmem>>, vector<16xi32>,
        %get3A_1559 = arith.constant 1024 : index
        %get3A_1560 = tpu.vector_load %arg8[%get3A_1559] {strides = array<i32>} : memref<2000xi32, #tpu.memory_space<vmem>>, vector<16xi32>,
        %shift_left3A_1561 = arith.constant 8 : i32
        %shift_left3A_1562 = vector.broadcast %shift_left3A_1561 : i32 to vector<16xi32>
        %shift_left3A_1563 = arith.shli %shift_right_arithmetic3A_1556, %shift_left3A_1562 : vector<16xi32>
        %shift_left3A_1564 = arith.constant 4 : i32
        %shift_left3A_1565 = vector.broadcast %shift_left3A_1564 : i32 to vector<16xi32>
        %shift_left3A_1566 = arith.shli %get3A_1558, %shift_left3A_1565 : vector<16xi32>
        %add3A_1567 = arith.addi %shift_left3A_1563, %shift_left3A_1566 : vector<16xi32>
        %add3A_1568 = arith.addi %add3A_1567, %get3A_1560 : vector<16xi32>
        %gather3A_1569 = tpu.vector_load_idx %arg6[%add3A_1568] : memref<25600xf32, #tpu.memory_space<vmem>>[vector<16xi32>], vector<16xf32>,
        %swap3A_1570 = arith.constant 1024 : index
        %swap3A_1571 = tpu.vector_load %arg9[%swap3A_1570] {strides = array<i32>} : memref<2000xf32, #tpu.memory_space<vmem>>, vector<16xf32>,
        tpu.vector_store %arg9[%swap3A_1570], %gather3A_1569 {strides = array<i32>} : memref<2000xf32, #tpu.memory_space<vmem>>, vector<16xf32>,
        %add3A_1572 = arith.constant 1040 : i32
        %add3A_1573 = vector.broadcast %add3A_1572 : i32 to vector<16xi32>
        %add3A_1574 = arith.addi %iota3A, %add3A_1573 : vector<16xi32>
        %mul3A_1575 = arith.constant 3277 : i32
        %mul3A_1576 = vector.broadcast %mul3A_1575 : i32 to vector<16xi32>
        %mul3A_1577 = arith.muli %add3A_1574, %mul3A_1576 : vector<16xi32>
        %shift_right_arithmetic3A_1578 = arith.constant 16 : i32
        %shift_right_arithmetic3A_1579 = vector.broadcast %shift_right_arithmetic3A_1578 : i32 to vector<16xi32>
        %shift_right_arithmetic3A_1580 = arith.shrsi %mul3A_1577, %shift_right_arithmetic3A_1579 : vector<16xi32>
        %get3A_1581 = arith.constant 1040 : index
        %get3A_1582 = tpu.vector_load %arg7[%get3A_1581] {strides = array<i32>} : memref<2000xi32, #tpu.memory_space<vmem>>, vector<16xi32>,
        %get3A_1583 = arith.constant 1040 : index
        %get3A_1584 = tpu.vector_load %arg8[%get3A_1583] {strides = array<i32>} : memref<2000xi32, #tpu.memory_space<vmem>>, vector<16xi32>,
        %shift_left3A_1585 = arith.constant 8 : i32
        %shift_left3A_1586 = vector.broadcast %shift_left3A_1585 : i32 to vector<16xi32>
        %shift_left3A_1587 = arith.shli %shift_right_arithmetic3A_1580, %shift_left3A_1586 : vector<16xi32>
        %shift_left3A_1588 = arith.constant 4 : i32
        %shift_left3A_1589 = vector.broadcast %shift_left3A_1588 : i32 to vector<16xi32>
        %shift_left3A_1590 = arith.shli %get3A_1582, %shift_left3A_1589 : vector<16xi32>
        %add3A_1591 = arith.addi %shift_left3A_1587, %shift_left3A_1590 : vector<16xi32>
        %add3A_1592 = arith.addi %add3A_1591, %get3A_1584 : vector<16xi32>
        %gather3A_1593 = tpu.vector_load_idx %arg6[%add3A_1592] : memref<25600xf32, #tpu.memory_space<vmem>>[vector<16xi32>], vector<16xf32>,
        %swap3A_1594 = arith.constant 1040 : index
        %swap3A_1595 = tpu.vector_load %arg9[%swap3A_1594] {strides = array<i32>} : memref<2000xf32, #tpu.memory_space<vmem>>, vector<16xf32>,
        tpu.vector_store %arg9[%swap3A_1594], %gather3A_1593 {strides = array<i32>} : memref<2000xf32, #tpu.memory_space<vmem>>, vector<16xf32>,
        %add3A_1596 = arith.constant 1056 : i32
        %add3A_1597 = vector.broadcast %add3A_1596 : i32 to vector<16xi32>
        %add3A_1598 = arith.addi %iota3A, %add3A_1597 : vector<16xi32>
        %mul3A_1599 = arith.constant 3277 : i32
        %mul3A_1600 = vector.broadcast %mul3A_1599 : i32 to vector<16xi32>
        %mul3A_1601 = arith.muli %add3A_1598, %mul3A_1600 : vector<16xi32>
        %shift_right_arithmetic3A_1602 = arith.constant 16 : i32
        %shift_right_arithmetic3A_1603 = vector.broadcast %shift_right_arithmetic3A_1602 : i32 to vector<16xi32>
        %shift_right_arithmetic3A_1604 = arith.shrsi %mul3A_1601, %shift_right_arithmetic3A_1603 : vector<16xi32>
        %get3A_1605 = arith.constant 1056 : index
        %get3A_1606 = tpu.vector_load %arg7[%get3A_1605] {strides = array<i32>} : memref<2000xi32, #tpu.memory_space<vmem>>, vector<16xi32>,
        %get3A_1607 = arith.constant 1056 : index
        %get3A_1608 = tpu.vector_load %arg8[%get3A_1607] {strides = array<i32>} : memref<2000xi32, #tpu.memory_space<vmem>>, vector<16xi32>,
        %shift_left3A_1609 = arith.constant 8 : i32
        %shift_left3A_1610 = vector.broadcast %shift_left3A_1609 : i32 to vector<16xi32>
        %shift_left3A_1611 = arith.shli %shift_right_arithmetic3A_1604, %shift_left3A_1610 : vector<16xi32>
        %shift_left3A_1612 = arith.constant 4 : i32
        %shift_left3A_1613 = vector.broadcast %shift_left3A_1612 : i32 to vector<16xi32>
        %shift_left3A_1614 = arith.shli %get3A_1606, %shift_left3A_1613 : vector<16xi32>
        %add3A_1615 = arith.addi %shift_left3A_1611, %shift_left3A_1614 : vector<16xi32>
        %add3A_1616 = arith.addi %add3A_1615, %get3A_1608 : vector<16xi32>
        %gather3A_1617 = tpu.vector_load_idx %arg6[%add3A_1616] : memref<25600xf32, #tpu.memory_space<vmem>>[vector<16xi32>], vector<16xf32>,
        %swap3A_1618 = arith.constant 1056 : index
        %swap3A_1619 = tpu.vector_load %arg9[%swap3A_1618] {strides = array<i32>} : memref<2000xf32, #tpu.memory_space<vmem>>, vector<16xf32>,
        tpu.vector_store %arg9[%swap3A_1618], %gather3A_1617 {strides = array<i32>} : memref<2000xf32, #tpu.memory_space<vmem>>, vector<16xf32>,
        %add3A_1620 = arith.constant 1072 : i32
        %add3A_1621 = vector.broadcast %add3A_1620 : i32 to vector<16xi32>
        %add3A_1622 = arith.addi %iota3A, %add3A_1621 : vector<16xi32>
        %mul3A_1623 = arith.constant 3277 : i32
        %mul3A_1624 = vector.broadcast %mul3A_1623 : i32 to vector<16xi32>
        %mul3A_1625 = arith.muli %add3A_1622, %mul3A_1624 : vector<16xi32>
        %shift_right_arithmetic3A_1626 = arith.constant 16 : i32
        %shift_right_arithmetic3A_1627 = vector.broadcast %shift_right_arithmetic3A_1626 : i32 to vector<16xi32>
        %shift_right_arithmetic3A_1628 = arith.shrsi %mul3A_1625, %shift_right_arithmetic3A_1627 : vector<16xi32>
        %get3A_1629 = arith.constant 1072 : index
        %get3A_1630 = tpu.vector_load %arg7[%get3A_1629] {strides = array<i32>} : memref<2000xi32, #tpu.memory_space<vmem>>, vector<16xi32>,
        %get3A_1631 = arith.constant 1072 : index
        %get3A_1632 = tpu.vector_load %arg8[%get3A_1631] {strides = array<i32>} : memref<2000xi32, #tpu.memory_space<vmem>>, vector<16xi32>,
        %shift_left3A_1633 = arith.constant 8 : i32
        %shift_left3A_1634 = vector.broadcast %shift_left3A_1633 : i32 to vector<16xi32>
        %shift_left3A_1635 = arith.shli %shift_right_arithmetic3A_1628, %shift_left3A_1634 : vector<16xi32>
        %shift_left3A_1636 = arith.constant 4 : i32
        %shift_left3A_1637 = vector.broadcast %shift_left3A_1636 : i32 to vector<16xi32>
        %shift_left3A_1638 = arith.shli %get3A_1630, %shift_left3A_1637 : vector<16xi32>
        %add3A_1639 = arith.addi %shift_left3A_1635, %shift_left3A_1638 : vector<16xi32>
        %add3A_1640 = arith.addi %add3A_1639, %get3A_1632 : vector<16xi32>
        %gather3A_1641 = tpu.vector_load_idx %arg6[%add3A_1640] : memref<25600xf32, #tpu.memory_space<vmem>>[vector<16xi32>], vector<16xf32>,
        %swap3A_1642 = arith.constant 1072 : index
        %swap3A_1643 = tpu.vector_load %arg9[%swap3A_1642] {strides = array<i32>} : memref<2000xf32, #tpu.memory_space<vmem>>, vector<16xf32>,
        tpu.vector_store %arg9[%swap3A_1642], %gather3A_1641 {strides = array<i32>} : memref<2000xf32, #tpu.memory_space<vmem>>, vector<16xf32>,
        %add3A_1644 = arith.constant 1088 : i32
        %add3A_1645 = vector.broadcast %add3A_1644 : i32 to vector<16xi32>
        %add3A_1646 = arith.addi %iota3A, %add3A_1645 : vector<16xi32>
        %mul3A_1647 = arith.constant 3277 : i32
        %mul3A_1648 = vector.broadcast %mul3A_1647 : i32 to vector<16xi32>
        %mul3A_1649 = arith.muli %add3A_1646, %mul3A_1648 : vector<16xi32>
        %shift_right_arithmetic3A_1650 = arith.constant 16 : i32
        %shift_right_arithmetic3A_1651 = vector.broadcast %shift_right_arithmetic3A_1650 : i32 to vector<16xi32>
        %shift_right_arithmetic3A_1652 = arith.shrsi %mul3A_1649, %shift_right_arithmetic3A_1651 : vector<16xi32>
        %get3A_1653 = arith.constant 1088 : index
        %get3A_1654 = tpu.vector_load %arg7[%get3A_1653] {strides = array<i32>} : memref<2000xi32, #tpu.memory_space<vmem>>, vector<16xi32>,
        %get3A_1655 = arith.constant 1088 : index
        %get3A_1656 = tpu.vector_load %arg8[%get3A_1655] {strides = array<i32>} : memref<2000xi32, #tpu.memory_space<vmem>>, vector<16xi32>,
        %shift_left3A_1657 = arith.constant 8 : i32
        %shift_left3A_1658 = vector.broadcast %shift_left3A_1657 : i32 to vector<16xi32>
        %shift_left3A_1659 = arith.shli %shift_right_arithmetic3A_1652, %shift_left3A_1658 : vector<16xi32>
        %shift_left3A_1660 = arith.constant 4 : i32
        %shift_left3A_1661 = vector.broadcast %shift_left3A_1660 : i32 to vector<16xi32>
        %shift_left3A_1662 = arith.shli %get3A_1654, %shift_left3A_1661 : vector<16xi32>
        %add3A_1663 = arith.addi %shift_left3A_1659, %shift_left3A_1662 : vector<16xi32>
        %add3A_1664 = arith.addi %add3A_1663, %get3A_1656 : vector<16xi32>
        %gather3A_1665 = tpu.vector_load_idx %arg6[%add3A_1664] : memref<25600xf32, #tpu.memory_space<vmem>>[vector<16xi32>], vector<16xf32>,
        %swap3A_1666 = arith.constant 1088 : index
        %swap3A_1667 = tpu.vector_load %arg9[%swap3A_1666] {strides = array<i32>} : memref<2000xf32, #tpu.memory_space<vmem>>, vector<16xf32>,
        tpu.vector_store %arg9[%swap3A_1666], %gather3A_1665 {strides = array<i32>} : memref<2000xf32, #tpu.memory_space<vmem>>, vector<16xf32>,
        %add3A_1668 = arith.constant 1104 : i32
        %add3A_1669 = vector.broadcast %add3A_1668 : i32 to vector<16xi32>
        %add3A_1670 = arith.addi %iota3A, %add3A_1669 : vector<16xi32>
        %mul3A_1671 = arith.constant 3277 : i32
        %mul3A_1672 = vector.broadcast %mul3A_1671 : i32 to vector<16xi32>
        %mul3A_1673 = arith.muli %add3A_1670, %mul3A_1672 : vector<16xi32>
        %shift_right_arithmetic3A_1674 = arith.constant 16 : i32
        %shift_right_arithmetic3A_1675 = vector.broadcast %shift_right_arithmetic3A_1674 : i32 to vector<16xi32>
        %shift_right_arithmetic3A_1676 = arith.shrsi %mul3A_1673, %shift_right_arithmetic3A_1675 : vector<16xi32>
        %get3A_1677 = arith.constant 1104 : index
        %get3A_1678 = tpu.vector_load %arg7[%get3A_1677] {strides = array<i32>} : memref<2000xi32, #tpu.memory_space<vmem>>, vector<16xi32>,
        %get3A_1679 = arith.constant 1104 : index
        %get3A_1680 = tpu.vector_load %arg8[%get3A_1679] {strides = array<i32>} : memref<2000xi32, #tpu.memory_space<vmem>>, vector<16xi32>,
        %shift_left3A_1681 = arith.constant 8 : i32
        %shift_left3A_1682 = vector.broadcast %shift_left3A_1681 : i32 to vector<16xi32>
        %shift_left3A_1683 = arith.shli %shift_right_arithmetic3A_1676, %shift_left3A_1682 : vector<16xi32>
        %shift_left3A_1684 = arith.constant 4 : i32
        %shift_left3A_1685 = vector.broadcast %shift_left3A_1684 : i32 to vector<16xi32>
        %shift_left3A_1686 = arith.shli %get3A_1678, %shift_left3A_1685 : vector<16xi32>
        %add3A_1687 = arith.addi %shift_left3A_1683, %shift_left3A_1686 : vector<16xi32>
        %add3A_1688 = arith.addi %add3A_1687, %get3A_1680 : vector<16xi32>
        %gather3A_1689 = tpu.vector_load_idx %arg6[%add3A_1688] : memref<25600xf32, #tpu.memory_space<vmem>>[vector<16xi32>], vector<16xf32>,
        %swap3A_1690 = arith.constant 1104 : index
        %swap3A_1691 = tpu.vector_load %arg9[%swap3A_1690] {strides = array<i32>} : memref<2000xf32, #tpu.memory_space<vmem>>, vector<16xf32>,
        tpu.vector_store %arg9[%swap3A_1690], %gather3A_1689 {strides = array<i32>} : memref<2000xf32, #tpu.memory_space<vmem>>, vector<16xf32>,
        %add3A_1692 = arith.constant 1120 : i32
        %add3A_1693 = vector.broadcast %add3A_1692 : i32 to vector<16xi32>
        %add3A_1694 = arith.addi %iota3A, %add3A_1693 : vector<16xi32>
        %mul3A_1695 = arith.constant 3277 : i32
        %mul3A_1696 = vector.broadcast %mul3A_1695 : i32 to vector<16xi32>
        %mul3A_1697 = arith.muli %add3A_1694, %mul3A_1696 : vector<16xi32>
        %shift_right_arithmetic3A_1698 = arith.constant 16 : i32
        %shift_right_arithmetic3A_1699 = vector.broadcast %shift_right_arithmetic3A_1698 : i32 to vector<16xi32>
        %shift_right_arithmetic3A_1700 = arith.shrsi %mul3A_1697, %shift_right_arithmetic3A_1699 : vector<16xi32>
        %get3A_1701 = arith.constant 1120 : index
        %get3A_1702 = tpu.vector_load %arg7[%get3A_1701] {strides = array<i32>} : memref<2000xi32, #tpu.memory_space<vmem>>, vector<16xi32>,
        %get3A_1703 = arith.constant 1120 : index
        %get3A_1704 = tpu.vector_load %arg8[%get3A_1703] {strides = array<i32>} : memref<2000xi32, #tpu.memory_space<vmem>>, vector<16xi32>,
        %shift_left3A_1705 = arith.constant 8 : i32
        %shift_left3A_1706 = vector.broadcast %shift_left3A_1705 : i32 to vector<16xi32>
        %shift_left3A_1707 = arith.shli %shift_right_arithmetic3A_1700, %shift_left3A_1706 : vector<16xi32>
        %shift_left3A_1708 = arith.constant 4 : i32
        %shift_left3A_1709 = vector.broadcast %shift_left3A_1708 : i32 to vector<16xi32>
        %shift_left3A_1710 = arith.shli %get3A_1702, %shift_left3A_1709 : vector<16xi32>
        %add3A_1711 = arith.addi %shift_left3A_1707, %shift_left3A_1710 : vector<16xi32>
        %add3A_1712 = arith.addi %add3A_1711, %get3A_1704 : vector<16xi32>
        %gather3A_1713 = tpu.vector_load_idx %arg6[%add3A_1712] : memref<25600xf32, #tpu.memory_space<vmem>>[vector<16xi32>], vector<16xf32>,
        %swap3A_1714 = arith.constant 1120 : index
        %swap3A_1715 = tpu.vector_load %arg9[%swap3A_1714] {strides = array<i32>} : memref<2000xf32, #tpu.memory_space<vmem>>, vector<16xf32>,
        tpu.vector_store %arg9[%swap3A_1714], %gather3A_1713 {strides = array<i32>} : memref<2000xf32, #tpu.memory_space<vmem>>, vector<16xf32>,
        %add3A_1716 = arith.constant 1136 : i32
        %add3A_1717 = vector.broadcast %add3A_1716 : i32 to vector<16xi32>
        %add3A_1718 = arith.addi %iota3A, %add3A_1717 : vector<16xi32>
        %mul3A_1719 = arith.constant 3277 : i32
        %mul3A_1720 = vector.broadcast %mul3A_1719 : i32 to vector<16xi32>
        %mul3A_1721 = arith.muli %add3A_1718, %mul3A_1720 : vector<16xi32>
        %shift_right_arithmetic3A_1722 = arith.constant 16 : i32
        %shift_right_arithmetic3A_1723 = vector.broadcast %shift_right_arithmetic3A_1722 : i32 to vector<16xi32>
        %shift_right_arithmetic3A_1724 = arith.shrsi %mul3A_1721, %shift_right_arithmetic3A_1723 : vector<16xi32>
        %get3A_1725 = arith.constant 1136 : index
        %get3A_1726 = tpu.vector_load %arg7[%get3A_1725] {strides = array<i32>} : memref<2000xi32, #tpu.memory_space<vmem>>, vector<16xi32>,
        %get3A_1727 = arith.constant 1136 : index
        %get3A_1728 = tpu.vector_load %arg8[%get3A_1727] {strides = array<i32>} : memref<2000xi32, #tpu.memory_space<vmem>>, vector<16xi32>,
        %shift_left3A_1729 = arith.constant 8 : i32
        %shift_left3A_1730 = vector.broadcast %shift_left3A_1729 : i32 to vector<16xi32>
        %shift_left3A_1731 = arith.shli %shift_right_arithmetic3A_1724, %shift_left3A_1730 : vector<16xi32>
        %shift_left3A_1732 = arith.constant 4 : i32
        %shift_left3A_1733 = vector.broadcast %shift_left3A_1732 : i32 to vector<16xi32>
        %shift_left3A_1734 = arith.shli %get3A_1726, %shift_left3A_1733 : vector<16xi32>
        %add3A_1735 = arith.addi %shift_left3A_1731, %shift_left3A_1734 : vector<16xi32>
        %add3A_1736 = arith.addi %add3A_1735, %get3A_1728 : vector<16xi32>
        %gather3A_1737 = tpu.vector_load_idx %arg6[%add3A_1736] : memref<25600xf32, #tpu.memory_space<vmem>>[vector<16xi32>], vector<16xf32>,
        %swap3A_1738 = arith.constant 1136 : index
        %swap3A_1739 = tpu.vector_load %arg9[%swap3A_1738] {strides = array<i32>} : memref<2000xf32, #tpu.memory_space<vmem>>, vector<16xf32>,
        tpu.vector_store %arg9[%swap3A_1738], %gather3A_1737 {strides = array<i32>} : memref<2000xf32, #tpu.memory_space<vmem>>, vector<16xf32>,
        %add3A_1740 = arith.constant 1152 : i32
        %add3A_1741 = vector.broadcast %add3A_1740 : i32 to vector<16xi32>
        %add3A_1742 = arith.addi %iota3A, %add3A_1741 : vector<16xi32>
        %mul3A_1743 = arith.constant 3277 : i32
        %mul3A_1744 = vector.broadcast %mul3A_1743 : i32 to vector<16xi32>
        %mul3A_1745 = arith.muli %add3A_1742, %mul3A_1744 : vector<16xi32>
        %shift_right_arithmetic3A_1746 = arith.constant 16 : i32
        %shift_right_arithmetic3A_1747 = vector.broadcast %shift_right_arithmetic3A_1746 : i32 to vector<16xi32>
        %shift_right_arithmetic3A_1748 = arith.shrsi %mul3A_1745, %shift_right_arithmetic3A_1747 : vector<16xi32>
        %get3A_1749 = arith.constant 1152 : index
        %get3A_1750 = tpu.vector_load %arg7[%get3A_1749] {strides = array<i32>} : memref<2000xi32, #tpu.memory_space<vmem>>, vector<16xi32>,
        %get3A_1751 = arith.constant 1152 : index
        %get3A_1752 = tpu.vector_load %arg8[%get3A_1751] {strides = array<i32>} : memref<2000xi32, #tpu.memory_space<vmem>>, vector<16xi32>,
        %shift_left3A_1753 = arith.constant 8 : i32
        %shift_left3A_1754 = vector.broadcast %shift_left3A_1753 : i32 to vector<16xi32>
        %shift_left3A_1755 = arith.shli %shift_right_arithmetic3A_1748, %shift_left3A_1754 : vector<16xi32>
        %shift_left3A_1756 = arith.constant 4 : i32
        %shift_left3A_1757 = vector.broadcast %shift_left3A_1756 : i32 to vector<16xi32>
        %shift_left3A_1758 = arith.shli %get3A_1750, %shift_left3A_1757 : vector<16xi32>
        %add3A_1759 = arith.addi %shift_left3A_1755, %shift_left3A_1758 : vector<16xi32>
        %add3A_1760 = arith.addi %add3A_1759, %get3A_1752 : vector<16xi32>
        %gather3A_1761 = tpu.vector_load_idx %arg6[%add3A_1760] : memref<25600xf32, #tpu.memory_space<vmem>>[vector<16xi32>], vector<16xf32>,
        %swap3A_1762 = arith.constant 1152 : index
        %swap3A_1763 = tpu.vector_load %arg9[%swap3A_1762] {strides = array<i32>} : memref<2000xf32, #tpu.memory_space<vmem>>, vector<16xf32>,
        tpu.vector_store %arg9[%swap3A_1762], %gather3A_1761 {strides = array<i32>} : memref<2000xf32, #tpu.memory_space<vmem>>, vector<16xf32>,
        %add3A_1764 = arith.constant 1168 : i32
        %add3A_1765 = vector.broadcast %add3A_1764 : i32 to vector<16xi32>
        %add3A_1766 = arith.addi %iota3A, %add3A_1765 : vector<16xi32>
        %mul3A_1767 = arith.constant 3277 : i32
        %mul3A_1768 = vector.broadcast %mul3A_1767 : i32 to vector<16xi32>
        %mul3A_1769 = arith.muli %add3A_1766, %mul3A_1768 : vector<16xi32>
        %shift_right_arithmetic3A_1770 = arith.constant 16 : i32
        %shift_right_arithmetic3A_1771 = vector.broadcast %shift_right_arithmetic3A_1770 : i32 to vector<16xi32>
        %shift_right_arithmetic3A_1772 = arith.shrsi %mul3A_1769, %shift_right_arithmetic3A_1771 : vector<16xi32>
        %get3A_1773 = arith.constant 1168 : index
        %get3A_1774 = tpu.vector_load %arg7[%get3A_1773] {strides = array<i32>} : memref<2000xi32, #tpu.memory_space<vmem>>, vector<16xi32>,
        %get3A_1775 = arith.constant 1168 : index
        %get3A_1776 = tpu.vector_load %arg8[%get3A_1775] {strides = array<i32>} : memref<2000xi32, #tpu.memory_space<vmem>>, vector<16xi32>,
        %shift_left3A_1777 = arith.constant 8 : i32
        %shift_left3A_1778 = vector.broadcast %shift_left3A_1777 : i32 to vector<16xi32>
        %shift_left3A_1779 = arith.shli %shift_right_arithmetic3A_1772, %shift_left3A_1778 : vector<16xi32>
        %shift_left3A_1780 = arith.constant 4 : i32
        %shift_left3A_1781 = vector.broadcast %shift_left3A_1780 : i32 to vector<16xi32>
        %shift_left3A_1782 = arith.shli %get3A_1774, %shift_left3A_1781 : vector<16xi32>
        %add3A_1783 = arith.addi %shift_left3A_1779, %shift_left3A_1782 : vector<16xi32>
        %add3A_1784 = arith.addi %add3A_1783, %get3A_1776 : vector<16xi32>
        %gather3A_1785 = tpu.vector_load_idx %arg6[%add3A_1784] : memref<25600xf32, #tpu.memory_space<vmem>>[vector<16xi32>], vector<16xf32>,
        %swap3A_1786 = arith.constant 1168 : index
        %swap3A_1787 = tpu.vector_load %arg9[%swap3A_1786] {strides = array<i32>} : memref<2000xf32, #tpu.memory_space<vmem>>, vector<16xf32>,
        tpu.vector_store %arg9[%swap3A_1786], %gather3A_1785 {strides = array<i32>} : memref<2000xf32, #tpu.memory_space<vmem>>, vector<16xf32>,
        %add3A_1788 = arith.constant 1184 : i32
        %add3A_1789 = vector.broadcast %add3A_1788 : i32 to vector<16xi32>
        %add3A_1790 = arith.addi %iota3A, %add3A_1789 : vector<16xi32>
        %mul3A_1791 = arith.constant 3277 : i32
        %mul3A_1792 = vector.broadcast %mul3A_1791 : i32 to vector<16xi32>
        %mul3A_1793 = arith.muli %add3A_1790, %mul3A_1792 : vector<16xi32>
        %shift_right_arithmetic3A_1794 = arith.constant 16 : i32
        %shift_right_arithmetic3A_1795 = vector.broadcast %shift_right_arithmetic3A_1794 : i32 to vector<16xi32>
        %shift_right_arithmetic3A_1796 = arith.shrsi %mul3A_1793, %shift_right_arithmetic3A_1795 : vector<16xi32>
        %get3A_1797 = arith.constant 1184 : index
        %get3A_1798 = tpu.vector_load %arg7[%get3A_1797] {strides = array<i32>} : memref<2000xi32, #tpu.memory_space<vmem>>, vector<16xi32>,
        %get3A_1799 = arith.constant 1184 : index
        %get3A_1800 = tpu.vector_load %arg8[%get3A_1799] {strides = array<i32>} : memref<2000xi32, #tpu.memory_space<vmem>>, vector<16xi32>,
        %shift_left3A_1801 = arith.constant 8 : i32
        %shift_left3A_1802 = vector.broadcast %shift_left3A_1801 : i32 to vector<16xi32>
        %shift_left3A_1803 = arith.shli %shift_right_arithmetic3A_1796, %shift_left3A_1802 : vector<16xi32>
        %shift_left3A_1804 = arith.constant 4 : i32
        %shift_left3A_1805 = vector.broadcast %shift_left3A_1804 : i32 to vector<16xi32>
        %shift_left3A_1806 = arith.shli %get3A_1798, %shift_left3A_1805 : vector<16xi32>
        %add3A_1807 = arith.addi %shift_left3A_1803, %shift_left3A_1806 : vector<16xi32>
        %add3A_1808 = arith.addi %add3A_1807, %get3A_1800 : vector<16xi32>
        %gather3A_1809 = tpu.vector_load_idx %arg6[%add3A_1808] : memref<25600xf32, #tpu.memory_space<vmem>>[vector<16xi32>], vector<16xf32>,
        %swap3A_1810 = arith.constant 1184 : index
        %swap3A_1811 = tpu.vector_load %arg9[%swap3A_1810] {strides = array<i32>} : memref<2000xf32, #tpu.memory_space<vmem>>, vector<16xf32>,
        tpu.vector_store %arg9[%swap3A_1810], %gather3A_1809 {strides = array<i32>} : memref<2000xf32, #tpu.memory_space<vmem>>, vector<16xf32>,
        %add3A_1812 = arith.constant 1200 : i32
        %add3A_1813 = vector.broadcast %add3A_1812 : i32 to vector<16xi32>
        %add3A_1814 = arith.addi %iota3A, %add3A_1813 : vector<16xi32>
        %mul3A_1815 = arith.constant 3277 : i32
        %mul3A_1816 = vector.broadcast %mul3A_1815 : i32 to vector<16xi32>
        %mul3A_1817 = arith.muli %add3A_1814, %mul3A_1816 : vector<16xi32>
        %shift_right_arithmetic3A_1818 = arith.constant 16 : i32
        %shift_right_arithmetic3A_1819 = vector.broadcast %shift_right_arithmetic3A_1818 : i32 to vector<16xi32>
        %shift_right_arithmetic3A_1820 = arith.shrsi %mul3A_1817, %shift_right_arithmetic3A_1819 : vector<16xi32>
        %get3A_1821 = arith.constant 1200 : index
        %get3A_1822 = tpu.vector_load %arg7[%get3A_1821] {strides = array<i32>} : memref<2000xi32, #tpu.memory_space<vmem>>, vector<16xi32>,
        %get3A_1823 = arith.constant 1200 : index
        %get3A_1824 = tpu.vector_load %arg8[%get3A_1823] {strides = array<i32>} : memref<2000xi32, #tpu.memory_space<vmem>>, vector<16xi32>,
        %shift_left3A_1825 = arith.constant 8 : i32
        %shift_left3A_1826 = vector.broadcast %shift_left3A_1825 : i32 to vector<16xi32>
        %shift_left3A_1827 = arith.shli %shift_right_arithmetic3A_1820, %shift_left3A_1826 : vector<16xi32>
        %shift_left3A_1828 = arith.constant 4 : i32
        %shift_left3A_1829 = vector.broadcast %shift_left3A_1828 : i32 to vector<16xi32>
        %shift_left3A_1830 = arith.shli %get3A_1822, %shift_left3A_1829 : vector<16xi32>
        %add3A_1831 = arith.addi %shift_left3A_1827, %shift_left3A_1830 : vector<16xi32>
        %add3A_1832 = arith.addi %add3A_1831, %get3A_1824 : vector<16xi32>
        %gather3A_1833 = tpu.vector_load_idx %arg6[%add3A_1832] : memref<25600xf32, #tpu.memory_space<vmem>>[vector<16xi32>], vector<16xf32>,
        %swap3A_1834 = arith.constant 1200 : index
        %swap3A_1835 = tpu.vector_load %arg9[%swap3A_1834] {strides = array<i32>} : memref<2000xf32, #tpu.memory_space<vmem>>, vector<16xf32>,
        tpu.vector_store %arg9[%swap3A_1834], %gather3A_1833 {strides = array<i32>} : memref<2000xf32, #tpu.memory_space<vmem>>, vector<16xf32>,
        %add3A_1836 = arith.constant 1216 : i32
        %add3A_1837 = vector.broadcast %add3A_1836 : i32 to vector<16xi32>
        %add3A_1838 = arith.addi %iota3A, %add3A_1837 : vector<16xi32>
        %mul3A_1839 = arith.constant 3277 : i32
        %mul3A_1840 = vector.broadcast %mul3A_1839 : i32 to vector<16xi32>
        %mul3A_1841 = arith.muli %add3A_1838, %mul3A_1840 : vector<16xi32>
        %shift_right_arithmetic3A_1842 = arith.constant 16 : i32
        %shift_right_arithmetic3A_1843 = vector.broadcast %shift_right_arithmetic3A_1842 : i32 to vector<16xi32>
        %shift_right_arithmetic3A_1844 = arith.shrsi %mul3A_1841, %shift_right_arithmetic3A_1843 : vector<16xi32>
        %get3A_1845 = arith.constant 1216 : index
        %get3A_1846 = tpu.vector_load %arg7[%get3A_1845] {strides = array<i32>} : memref<2000xi32, #tpu.memory_space<vmem>>, vector<16xi32>,
        %get3A_1847 = arith.constant 1216 : index
        %get3A_1848 = tpu.vector_load %arg8[%get3A_1847] {strides = array<i32>} : memref<2000xi32, #tpu.memory_space<vmem>>, vector<16xi32>,
        %shift_left3A_1849 = arith.constant 8 : i32
        %shift_left3A_1850 = vector.broadcast %shift_left3A_1849 : i32 to vector<16xi32>
        %shift_left3A_1851 = arith.shli %shift_right_arithmetic3A_1844, %shift_left3A_1850 : vector<16xi32>
        %shift_left3A_1852 = arith.constant 4 : i32
        %shift_left3A_1853 = vector.broadcast %shift_left3A_1852 : i32 to vector<16xi32>
        %shift_left3A_1854 = arith.shli %get3A_1846, %shift_left3A_1853 : vector<16xi32>
        %add3A_1855 = arith.addi %shift_left3A_1851, %shift_left3A_1854 : vector<16xi32>
        %add3A_1856 = arith.addi %add3A_1855, %get3A_1848 : vector<16xi32>
        %gather3A_1857 = tpu.vector_load_idx %arg6[%add3A_1856] : memref<25600xf32, #tpu.memory_space<vmem>>[vector<16xi32>], vector<16xf32>,
        %swap3A_1858 = arith.constant 1216 : index
        %swap3A_1859 = tpu.vector_load %arg9[%swap3A_1858] {strides = array<i32>} : memref<2000xf32, #tpu.memory_space<vmem>>, vector<16xf32>,
        tpu.vector_store %arg9[%swap3A_1858], %gather3A_1857 {strides = array<i32>} : memref<2000xf32, #tpu.memory_space<vmem>>, vector<16xf32>,
        %add3A_1860 = arith.constant 1232 : i32
        %add3A_1861 = vector.broadcast %add3A_1860 : i32 to vector<16xi32>
        %add3A_1862 = arith.addi %iota3A, %add3A_1861 : vector<16xi32>
        %mul3A_1863 = arith.constant 3277 : i32
        %mul3A_1864 = vector.broadcast %mul3A_1863 : i32 to vector<16xi32>
        %mul3A_1865 = arith.muli %add3A_1862, %mul3A_1864 : vector<16xi32>
        %shift_right_arithmetic3A_1866 = arith.constant 16 : i32
        %shift_right_arithmetic3A_1867 = vector.broadcast %shift_right_arithmetic3A_1866 : i32 to vector<16xi32>
        %shift_right_arithmetic3A_1868 = arith.shrsi %mul3A_1865, %shift_right_arithmetic3A_1867 : vector<16xi32>
        %get3A_1869 = arith.constant 1232 : index
        %get3A_1870 = tpu.vector_load %arg7[%get3A_1869] {strides = array<i32>} : memref<2000xi32, #tpu.memory_space<vmem>>, vector<16xi32>,
        %get3A_1871 = arith.constant 1232 : index
        %get3A_1872 = tpu.vector_load %arg8[%get3A_1871] {strides = array<i32>} : memref<2000xi32, #tpu.memory_space<vmem>>, vector<16xi32>,
        %shift_left3A_1873 = arith.constant 8 : i32
        %shift_left3A_1874 = vector.broadcast %shift_left3A_1873 : i32 to vector<16xi32>
        %shift_left3A_1875 = arith.shli %shift_right_arithmetic3A_1868, %shift_left3A_1874 : vector<16xi32>
        %shift_left3A_1876 = arith.constant 4 : i32
        %shift_left3A_1877 = vector.broadcast %shift_left3A_1876 : i32 to vector<16xi32>
        %shift_left3A_1878 = arith.shli %get3A_1870, %shift_left3A_1877 : vector<16xi32>
        %add3A_1879 = arith.addi %shift_left3A_1875, %shift_left3A_1878 : vector<16xi32>
        %add3A_1880 = arith.addi %add3A_1879, %get3A_1872 : vector<16xi32>
        %gather3A_1881 = tpu.vector_load_idx %arg6[%add3A_1880] : memref<25600xf32, #tpu.memory_space<vmem>>[vector<16xi32>], vector<16xf32>,
        %swap3A_1882 = arith.constant 1232 : index
        %swap3A_1883 = tpu.vector_load %arg9[%swap3A_1882] {strides = array<i32>} : memref<2000xf32, #tpu.memory_space<vmem>>, vector<16xf32>,
        tpu.vector_store %arg9[%swap3A_1882], %gather3A_1881 {strides = array<i32>} : memref<2000xf32, #tpu.memory_space<vmem>>, vector<16xf32>,
        %add3A_1884 = arith.constant 1248 : i32
        %add3A_1885 = vector.broadcast %add3A_1884 : i32 to vector<16xi32>
        %add3A_1886 = arith.addi %iota3A, %add3A_1885 : vector<16xi32>
        %mul3A_1887 = arith.constant 3277 : i32
        %mul3A_1888 = vector.broadcast %mul3A_1887 : i32 to vector<16xi32>
        %mul3A_1889 = arith.muli %add3A_1886, %mul3A_1888 : vector<16xi32>
        %shift_right_arithmetic3A_1890 = arith.constant 16 : i32
        %shift_right_arithmetic3A_1891 = vector.broadcast %shift_right_arithmetic3A_1890 : i32 to vector<16xi32>
        %shift_right_arithmetic3A_1892 = arith.shrsi %mul3A_1889, %shift_right_arithmetic3A_1891 : vector<16xi32>
        %get3A_1893 = arith.constant 1248 : index
        %get3A_1894 = tpu.vector_load %arg7[%get3A_1893] {strides = array<i32>} : memref<2000xi32, #tpu.memory_space<vmem>>, vector<16xi32>,
        %get3A_1895 = arith.constant 1248 : index
        %get3A_1896 = tpu.vector_load %arg8[%get3A_1895] {strides = array<i32>} : memref<2000xi32, #tpu.memory_space<vmem>>, vector<16xi32>,
        %shift_left3A_1897 = arith.constant 8 : i32
        %shift_left3A_1898 = vector.broadcast %shift_left3A_1897 : i32 to vector<16xi32>
        %shift_left3A_1899 = arith.shli %shift_right_arithmetic3A_1892, %shift_left3A_1898 : vector<16xi32>
        %shift_left3A_1900 = arith.constant 4 : i32
        %shift_left3A_1901 = vector.broadcast %shift_left3A_1900 : i32 to vector<16xi32>
        %shift_left3A_1902 = arith.shli %get3A_1894, %shift_left3A_1901 : vector<16xi32>
        %add3A_1903 = arith.addi %shift_left3A_1899, %shift_left3A_1902 : vector<16xi32>
        %add3A_1904 = arith.addi %add3A_1903, %get3A_1896 : vector<16xi32>
        %gather3A_1905 = tpu.vector_load_idx %arg6[%add3A_1904] : memref<25600xf32, #tpu.memory_space<vmem>>[vector<16xi32>], vector<16xf32>,
        %swap3A_1906 = arith.constant 1248 : index
        %swap3A_1907 = tpu.vector_load %arg9[%swap3A_1906] {strides = array<i32>} : memref<2000xf32, #tpu.memory_space<vmem>>, vector<16xf32>,
        tpu.vector_store %arg9[%swap3A_1906], %gather3A_1905 {strides = array<i32>} : memref<2000xf32, #tpu.memory_space<vmem>>, vector<16xf32>,
        %add3A_1908 = arith.constant 1264 : i32
        %add3A_1909 = vector.broadcast %add3A_1908 : i32 to vector<16xi32>
        %add3A_1910 = arith.addi %iota3A, %add3A_1909 : vector<16xi32>
        %mul3A_1911 = arith.constant 3277 : i32
        %mul3A_1912 = vector.broadcast %mul3A_1911 : i32 to vector<16xi32>
        %mul3A_1913 = arith.muli %add3A_1910, %mul3A_1912 : vector<16xi32>
        %shift_right_arithmetic3A_1914 = arith.constant 16 : i32
        %shift_right_arithmetic3A_1915 = vector.broadcast %shift_right_arithmetic3A_1914 : i32 to vector<16xi32>
        %shift_right_arithmetic3A_1916 = arith.shrsi %mul3A_1913, %shift_right_arithmetic3A_1915 : vector<16xi32>
        %get3A_1917 = arith.constant 1264 : index
        %get3A_1918 = tpu.vector_load %arg7[%get3A_1917] {strides = array<i32>} : memref<2000xi32, #tpu.memory_space<vmem>>, vector<16xi32>,
        %get3A_1919 = arith.constant 1264 : index
        %get3A_1920 = tpu.vector_load %arg8[%get3A_1919] {strides = array<i32>} : memref<2000xi32, #tpu.memory_space<vmem>>, vector<16xi32>,
        %shift_left3A_1921 = arith.constant 8 : i32
        %shift_left3A_1922 = vector.broadcast %shift_left3A_1921 : i32 to vector<16xi32>
        %shift_left3A_1923 = arith.shli %shift_right_arithmetic3A_1916, %shift_left3A_1922 : vector<16xi32>
        %shift_left3A_1924 = arith.constant 4 : i32
        %shift_left3A_1925 = vector.broadcast %shift_left3A_1924 : i32 to vector<16xi32>
        %shift_left3A_1926 = arith.shli %get3A_1918, %shift_left3A_1925 : vector<16xi32>
        %add3A_1927 = arith.addi %shift_left3A_1923, %shift_left3A_1926 : vector<16xi32>
        %add3A_1928 = arith.addi %add3A_1927, %get3A_1920 : vector<16xi32>
        %gather3A_1929 = tpu.vector_load_idx %arg6[%add3A_1928] : memref<25600xf32, #tpu.memory_space<vmem>>[vector<16xi32>], vector<16xf32>,
        %swap3A_1930 = arith.constant 1264 : index
        %swap3A_1931 = tpu.vector_load %arg9[%swap3A_1930] {strides = array<i32>} : memref<2000xf32, #tpu.memory_space<vmem>>, vector<16xf32>,
        tpu.vector_store %arg9[%swap3A_1930], %gather3A_1929 {strides = array<i32>} : memref<2000xf32, #tpu.memory_space<vmem>>, vector<16xf32>,
        %add3A_1932 = arith.constant 1280 : i32
        %add3A_1933 = vector.broadcast %add3A_1932 : i32 to vector<16xi32>
        %add3A_1934 = arith.addi %iota3A, %add3A_1933 : vector<16xi32>
        %mul3A_1935 = arith.constant 3277 : i32
        %mul3A_1936 = vector.broadcast %mul3A_1935 : i32 to vector<16xi32>
        %mul3A_1937 = arith.muli %add3A_1934, %mul3A_1936 : vector<16xi32>
        %shift_right_arithmetic3A_1938 = arith.constant 16 : i32
        %shift_right_arithmetic3A_1939 = vector.broadcast %shift_right_arithmetic3A_1938 : i32 to vector<16xi32>
        %shift_right_arithmetic3A_1940 = arith.shrsi %mul3A_1937, %shift_right_arithmetic3A_1939 : vector<16xi32>
        %get3A_1941 = arith.constant 1280 : index
        %get3A_1942 = tpu.vector_load %arg7[%get3A_1941] {strides = array<i32>} : memref<2000xi32, #tpu.memory_space<vmem>>, vector<16xi32>,
        %get3A_1943 = arith.constant 1280 : index
        %get3A_1944 = tpu.vector_load %arg8[%get3A_1943] {strides = array<i32>} : memref<2000xi32, #tpu.memory_space<vmem>>, vector<16xi32>,
        %shift_left3A_1945 = arith.constant 8 : i32
        %shift_left3A_1946 = vector.broadcast %shift_left3A_1945 : i32 to vector<16xi32>
        %shift_left3A_1947 = arith.shli %shift_right_arithmetic3A_1940, %shift_left3A_1946 : vector<16xi32>
        %shift_left3A_1948 = arith.constant 4 : i32
        %shift_left3A_1949 = vector.broadcast %shift_left3A_1948 : i32 to vector<16xi32>
        %shift_left3A_1950 = arith.shli %get3A_1942, %shift_left3A_1949 : vector<16xi32>
        %add3A_1951 = arith.addi %shift_left3A_1947, %shift_left3A_1950 : vector<16xi32>
        %add3A_1952 = arith.addi %add3A_1951, %get3A_1944 : vector<16xi32>
        %gather3A_1953 = tpu.vector_load_idx %arg6[%add3A_1952] : memref<25600xf32, #tpu.memory_space<vmem>>[vector<16xi32>], vector<16xf32>,
        %swap3A_1954 = arith.constant 1280 : index
        %swap3A_1955 = tpu.vector_load %arg9[%swap3A_1954] {strides = array<i32>} : memref<2000xf32, #tpu.memory_space<vmem>>, vector<16xf32>,
        tpu.vector_store %arg9[%swap3A_1954], %gather3A_1953 {strides = array<i32>} : memref<2000xf32, #tpu.memory_space<vmem>>, vector<16xf32>,
        %add3A_1956 = arith.constant 1296 : i32
        %add3A_1957 = vector.broadcast %add3A_1956 : i32 to vector<16xi32>
        %add3A_1958 = arith.addi %iota3A, %add3A_1957 : vector<16xi32>
        %mul3A_1959 = arith.constant 3277 : i32
        %mul3A_1960 = vector.broadcast %mul3A_1959 : i32 to vector<16xi32>
        %mul3A_1961 = arith.muli %add3A_1958, %mul3A_1960 : vector<16xi32>
        %shift_right_arithmetic3A_1962 = arith.constant 16 : i32
        %shift_right_arithmetic3A_1963 = vector.broadcast %shift_right_arithmetic3A_1962 : i32 to vector<16xi32>
        %shift_right_arithmetic3A_1964 = arith.shrsi %mul3A_1961, %shift_right_arithmetic3A_1963 : vector<16xi32>
        %get3A_1965 = arith.constant 1296 : index
        %get3A_1966 = tpu.vector_load %arg7[%get3A_1965] {strides = array<i32>} : memref<2000xi32, #tpu.memory_space<vmem>>, vector<16xi32>,
        %get3A_1967 = arith.constant 1296 : index
        %get3A_1968 = tpu.vector_load %arg8[%get3A_1967] {strides = array<i32>} : memref<2000xi32, #tpu.memory_space<vmem>>, vector<16xi32>,
        %shift_left3A_1969 = arith.constant 8 : i32
        %shift_left3A_1970 = vector.broadcast %shift_left3A_1969 : i32 to vector<16xi32>
        %shift_left3A_1971 = arith.shli %shift_right_arithmetic3A_1964, %shift_left3A_1970 : vector<16xi32>
        %shift_left3A_1972 = arith.constant 4 : i32
        %shift_left3A_1973 = vector.broadcast %shift_left3A_1972 : i32 to vector<16xi32>
        %shift_left3A_1974 = arith.shli %get3A_1966, %shift_left3A_1973 : vector<16xi32>
        %add3A_1975 = arith.addi %shift_left3A_1971, %shift_left3A_1974 : vector<16xi32>
        %add3A_1976 = arith.addi %add3A_1975, %get3A_1968 : vector<16xi32>
        %gather3A_1977 = tpu.vector_load_idx %arg6[%add3A_1976] : memref<25600xf32, #tpu.memory_space<vmem>>[vector<16xi32>], vector<16xf32>,
        %swap3A_1978 = arith.constant 1296 : index
        %swap3A_1979 = tpu.vector_load %arg9[%swap3A_1978] {strides = array<i32>} : memref<2000xf32, #tpu.memory_space<vmem>>, vector<16xf32>,
        tpu.vector_store %arg9[%swap3A_1978], %gather3A_1977 {strides = array<i32>} : memref<2000xf32, #tpu.memory_space<vmem>>, vector<16xf32>,
        %add3A_1980 = arith.constant 1312 : i32
        %add3A_1981 = vector.broadcast %add3A_1980 : i32 to vector<16xi32>
        %add3A_1982 = arith.addi %iota3A, %add3A_1981 : vector<16xi32>
        %mul3A_1983 = arith.constant 3277 : i32
        %mul3A_1984 = vector.broadcast %mul3A_1983 : i32 to vector<16xi32>
        %mul3A_1985 = arith.muli %add3A_1982, %mul3A_1984 : vector<16xi32>
        %shift_right_arithmetic3A_1986 = arith.constant 16 : i32
        %shift_right_arithmetic3A_1987 = vector.broadcast %shift_right_arithmetic3A_1986 : i32 to vector<16xi32>
        %shift_right_arithmetic3A_1988 = arith.shrsi %mul3A_1985, %shift_right_arithmetic3A_1987 : vector<16xi32>
        %get3A_1989 = arith.constant 1312 : index
        %get3A_1990 = tpu.vector_load %arg7[%get3A_1989] {strides = array<i32>} : memref<2000xi32, #tpu.memory_space<vmem>>, vector<16xi32>,
        %get3A_1991 = arith.constant 1312 : index
        %get3A_1992 = tpu.vector_load %arg8[%get3A_1991] {strides = array<i32>} : memref<2000xi32, #tpu.memory_space<vmem>>, vector<16xi32>,
        %shift_left3A_1993 = arith.constant 8 : i32
        %shift_left3A_1994 = vector.broadcast %shift_left3A_1993 : i32 to vector<16xi32>
        %shift_left3A_1995 = arith.shli %shift_right_arithmetic3A_1988, %shift_left3A_1994 : vector<16xi32>
        %shift_left3A_1996 = arith.constant 4 : i32
        %shift_left3A_1997 = vector.broadcast %shift_left3A_1996 : i32 to vector<16xi32>
        %shift_left3A_1998 = arith.shli %get3A_1990, %shift_left3A_1997 : vector<16xi32>
        %add3A_1999 = arith.addi %shift_left3A_1995, %shift_left3A_1998 : vector<16xi32>
        %add3A_2000 = arith.addi %add3A_1999, %get3A_1992 : vector<16xi32>
        %gather3A_2001 = tpu.vector_load_idx %arg6[%add3A_2000] : memref<25600xf32, #tpu.memory_space<vmem>>[vector<16xi32>], vector<16xf32>,
        %swap3A_2002 = arith.constant 1312 : index
        %swap3A_2003 = tpu.vector_load %arg9[%swap3A_2002] {strides = array<i32>} : memref<2000xf32, #tpu.memory_space<vmem>>, vector<16xf32>,
        tpu.vector_store %arg9[%swap3A_2002], %gather3A_2001 {strides = array<i32>} : memref<2000xf32, #tpu.memory_space<vmem>>, vector<16xf32>,
        %add3A_2004 = arith.constant 1328 : i32
        %add3A_2005 = vector.broadcast %add3A_2004 : i32 to vector<16xi32>
        %add3A_2006 = arith.addi %iota3A, %add3A_2005 : vector<16xi32>
        %mul3A_2007 = arith.constant 3277 : i32
        %mul3A_2008 = vector.broadcast %mul3A_2007 : i32 to vector<16xi32>
        %mul3A_2009 = arith.muli %add3A_2006, %mul3A_2008 : vector<16xi32>
        %shift_right_arithmetic3A_2010 = arith.constant 16 : i32
        %shift_right_arithmetic3A_2011 = vector.broadcast %shift_right_arithmetic3A_2010 : i32 to vector<16xi32>
        %shift_right_arithmetic3A_2012 = arith.shrsi %mul3A_2009, %shift_right_arithmetic3A_2011 : vector<16xi32>
        %get3A_2013 = arith.constant 1328 : index
        %get3A_2014 = tpu.vector_load %arg7[%get3A_2013] {strides = array<i32>} : memref<2000xi32, #tpu.memory_space<vmem>>, vector<16xi32>,
        %get3A_2015 = arith.constant 1328 : index
        %get3A_2016 = tpu.vector_load %arg8[%get3A_2015] {strides = array<i32>} : memref<2000xi32, #tpu.memory_space<vmem>>, vector<16xi32>,
        %shift_left3A_2017 = arith.constant 8 : i32
        %shift_left3A_2018 = vector.broadcast %shift_left3A_2017 : i32 to vector<16xi32>
        %shift_left3A_2019 = arith.shli %shift_right_arithmetic3A_2012, %shift_left3A_2018 : vector<16xi32>
        %shift_left3A_2020 = arith.constant 4 : i32
        %shift_left3A_2021 = vector.broadcast %shift_left3A_2020 : i32 to vector<16xi32>
        %shift_left3A_2022 = arith.shli %get3A_2014, %shift_left3A_2021 : vector<16xi32>
        %add3A_2023 = arith.addi %shift_left3A_2019, %shift_left3A_2022 : vector<16xi32>
        %add3A_2024 = arith.addi %add3A_2023, %get3A_2016 : vector<16xi32>
        %gather3A_2025 = tpu.vector_load_idx %arg6[%add3A_2024] : memref<25600xf32, #tpu.memory_space<vmem>>[vector<16xi32>], vector<16xf32>,
        %swap3A_2026 = arith.constant 1328 : index
        %swap3A_2027 = tpu.vector_load %arg9[%swap3A_2026] {strides = array<i32>} : memref<2000xf32, #tpu.memory_space<vmem>>, vector<16xf32>,
        tpu.vector_store %arg9[%swap3A_2026], %gather3A_2025 {strides = array<i32>} : memref<2000xf32, #tpu.memory_space<vmem>>, vector<16xf32>,
        %add3A_2028 = arith.constant 1344 : i32
        %add3A_2029 = vector.broadcast %add3A_2028 : i32 to vector<16xi32>
        %add3A_2030 = arith.addi %iota3A, %add3A_2029 : vector<16xi32>
        %mul3A_2031 = arith.constant 3277 : i32
        %mul3A_2032 = vector.broadcast %mul3A_2031 : i32 to vector<16xi32>
        %mul3A_2033 = arith.muli %add3A_2030, %mul3A_2032 : vector<16xi32>
        %shift_right_arithmetic3A_2034 = arith.constant 16 : i32
        %shift_right_arithmetic3A_2035 = vector.broadcast %shift_right_arithmetic3A_2034 : i32 to vector<16xi32>
        %shift_right_arithmetic3A_2036 = arith.shrsi %mul3A_2033, %shift_right_arithmetic3A_2035 : vector<16xi32>
        %get3A_2037 = arith.constant 1344 : index
        %get3A_2038 = tpu.vector_load %arg7[%get3A_2037] {strides = array<i32>} : memref<2000xi32, #tpu.memory_space<vmem>>, vector<16xi32>,
        %get3A_2039 = arith.constant 1344 : index
        %get3A_2040 = tpu.vector_load %arg8[%get3A_2039] {strides = array<i32>} : memref<2000xi32, #tpu.memory_space<vmem>>, vector<16xi32>,
        %shift_left3A_2041 = arith.constant 8 : i32
        %shift_left3A_2042 = vector.broadcast %shift_left3A_2041 : i32 to vector<16xi32>
        %shift_left3A_2043 = arith.shli %shift_right_arithmetic3A_2036, %shift_left3A_2042 : vector<16xi32>
        %shift_left3A_2044 = arith.constant 4 : i32
        %shift_left3A_2045 = vector.broadcast %shift_left3A_2044 : i32 to vector<16xi32>
        %shift_left3A_2046 = arith.shli %get3A_2038, %shift_left3A_2045 : vector<16xi32>
        %add3A_2047 = arith.addi %shift_left3A_2043, %shift_left3A_2046 : vector<16xi32>
        %add3A_2048 = arith.addi %add3A_2047, %get3A_2040 : vector<16xi32>
        %gather3A_2049 = tpu.vector_load_idx %arg6[%add3A_2048] : memref<25600xf32, #tpu.memory_space<vmem>>[vector<16xi32>], vector<16xf32>,
        %swap3A_2050 = arith.constant 1344 : index
        %swap3A_2051 = tpu.vector_load %arg9[%swap3A_2050] {strides = array<i32>} : memref<2000xf32, #tpu.memory_space<vmem>>, vector<16xf32>,
        tpu.vector_store %arg9[%swap3A_2050], %gather3A_2049 {strides = array<i32>} : memref<2000xf32, #tpu.memory_space<vmem>>, vector<16xf32>,
        %add3A_2052 = arith.constant 1360 : i32
        %add3A_2053 = vector.broadcast %add3A_2052 : i32 to vector<16xi32>
        %add3A_2054 = arith.addi %iota3A, %add3A_2053 : vector<16xi32>
        %mul3A_2055 = arith.constant 3277 : i32
        %mul3A_2056 = vector.broadcast %mul3A_2055 : i32 to vector<16xi32>
        %mul3A_2057 = arith.muli %add3A_2054, %mul3A_2056 : vector<16xi32>
        %shift_right_arithmetic3A_2058 = arith.constant 16 : i32
        %shift_right_arithmetic3A_2059 = vector.broadcast %shift_right_arithmetic3A_2058 : i32 to vector<16xi32>
        %shift_right_arithmetic3A_2060 = arith.shrsi %mul3A_2057, %shift_right_arithmetic3A_2059 : vector<16xi32>
        %get3A_2061 = arith.constant 1360 : index
        %get3A_2062 = tpu.vector_load %arg7[%get3A_2061] {strides = array<i32>} : memref<2000xi32, #tpu.memory_space<vmem>>, vector<16xi32>,
        %get3A_2063 = arith.constant 1360 : index
        %get3A_2064 = tpu.vector_load %arg8[%get3A_2063] {strides = array<i32>} : memref<2000xi32, #tpu.memory_space<vmem>>, vector<16xi32>,
        %shift_left3A_2065 = arith.constant 8 : i32
        %shift_left3A_2066 = vector.broadcast %shift_left3A_2065 : i32 to vector<16xi32>
        %shift_left3A_2067 = arith.shli %shift_right_arithmetic3A_2060, %shift_left3A_2066 : vector<16xi32>
        %shift_left3A_2068 = arith.constant 4 : i32
        %shift_left3A_2069 = vector.broadcast %shift_left3A_2068 : i32 to vector<16xi32>
        %shift_left3A_2070 = arith.shli %get3A_2062, %shift_left3A_2069 : vector<16xi32>
        %add3A_2071 = arith.addi %shift_left3A_2067, %shift_left3A_2070 : vector<16xi32>
        %add3A_2072 = arith.addi %add3A_2071, %get3A_2064 : vector<16xi32>
        %gather3A_2073 = tpu.vector_load_idx %arg6[%add3A_2072] : memref<25600xf32, #tpu.memory_space<vmem>>[vector<16xi32>], vector<16xf32>,
        %swap3A_2074 = arith.constant 1360 : index
        %swap3A_2075 = tpu.vector_load %arg9[%swap3A_2074] {strides = array<i32>} : memref<2000xf32, #tpu.memory_space<vmem>>, vector<16xf32>,
        tpu.vector_store %arg9[%swap3A_2074], %gather3A_2073 {strides = array<i32>} : memref<2000xf32, #tpu.memory_space<vmem>>, vector<16xf32>,
        %add3A_2076 = arith.constant 1376 : i32
        %add3A_2077 = vector.broadcast %add3A_2076 : i32 to vector<16xi32>
        %add3A_2078 = arith.addi %iota3A, %add3A_2077 : vector<16xi32>
        %mul3A_2079 = arith.constant 3277 : i32
        %mul3A_2080 = vector.broadcast %mul3A_2079 : i32 to vector<16xi32>
        %mul3A_2081 = arith.muli %add3A_2078, %mul3A_2080 : vector<16xi32>
        %shift_right_arithmetic3A_2082 = arith.constant 16 : i32
        %shift_right_arithmetic3A_2083 = vector.broadcast %shift_right_arithmetic3A_2082 : i32 to vector<16xi32>
        %shift_right_arithmetic3A_2084 = arith.shrsi %mul3A_2081, %shift_right_arithmetic3A_2083 : vector<16xi32>
        %get3A_2085 = arith.constant 1376 : index
        %get3A_2086 = tpu.vector_load %arg7[%get3A_2085] {strides = array<i32>} : memref<2000xi32, #tpu.memory_space<vmem>>, vector<16xi32>,
        %get3A_2087 = arith.constant 1376 : index
        %get3A_2088 = tpu.vector_load %arg8[%get3A_2087] {strides = array<i32>} : memref<2000xi32, #tpu.memory_space<vmem>>, vector<16xi32>,
        %shift_left3A_2089 = arith.constant 8 : i32
        %shift_left3A_2090 = vector.broadcast %shift_left3A_2089 : i32 to vector<16xi32>
        %shift_left3A_2091 = arith.shli %shift_right_arithmetic3A_2084, %shift_left3A_2090 : vector<16xi32>
        %shift_left3A_2092 = arith.constant 4 : i32
        %shift_left3A_2093 = vector.broadcast %shift_left3A_2092 : i32 to vector<16xi32>
        %shift_left3A_2094 = arith.shli %get3A_2086, %shift_left3A_2093 : vector<16xi32>
        %add3A_2095 = arith.addi %shift_left3A_2091, %shift_left3A_2094 : vector<16xi32>
        %add3A_2096 = arith.addi %add3A_2095, %get3A_2088 : vector<16xi32>
        %gather3A_2097 = tpu.vector_load_idx %arg6[%add3A_2096] : memref<25600xf32, #tpu.memory_space<vmem>>[vector<16xi32>], vector<16xf32>,
        %swap3A_2098 = arith.constant 1376 : index
        %swap3A_2099 = tpu.vector_load %arg9[%swap3A_2098] {strides = array<i32>} : memref<2000xf32, #tpu.memory_space<vmem>>, vector<16xf32>,
        tpu.vector_store %arg9[%swap3A_2098], %gather3A_2097 {strides = array<i32>} : memref<2000xf32, #tpu.memory_space<vmem>>, vector<16xf32>,
        %add3A_2100 = arith.constant 1392 : i32
        %add3A_2101 = vector.broadcast %add3A_2100 : i32 to vector<16xi32>
        %add3A_2102 = arith.addi %iota3A, %add3A_2101 : vector<16xi32>
        %mul3A_2103 = arith.constant 3277 : i32
        %mul3A_2104 = vector.broadcast %mul3A_2103 : i32 to vector<16xi32>
        %mul3A_2105 = arith.muli %add3A_2102, %mul3A_2104 : vector<16xi32>
        %shift_right_arithmetic3A_2106 = arith.constant 16 : i32
        %shift_right_arithmetic3A_2107 = vector.broadcast %shift_right_arithmetic3A_2106 : i32 to vector<16xi32>
        %shift_right_arithmetic3A_2108 = arith.shrsi %mul3A_2105, %shift_right_arithmetic3A_2107 : vector<16xi32>
        %get3A_2109 = arith.constant 1392 : index
        %get3A_2110 = tpu.vector_load %arg7[%get3A_2109] {strides = array<i32>} : memref<2000xi32, #tpu.memory_space<vmem>>, vector<16xi32>,
        %get3A_2111 = arith.constant 1392 : index
        %get3A_2112 = tpu.vector_load %arg8[%get3A_2111] {strides = array<i32>} : memref<2000xi32, #tpu.memory_space<vmem>>, vector<16xi32>,
        %shift_left3A_2113 = arith.constant 8 : i32
        %shift_left3A_2114 = vector.broadcast %shift_left3A_2113 : i32 to vector<16xi32>
        %shift_left3A_2115 = arith.shli %shift_right_arithmetic3A_2108, %shift_left3A_2114 : vector<16xi32>
        %shift_left3A_2116 = arith.constant 4 : i32
        %shift_left3A_2117 = vector.broadcast %shift_left3A_2116 : i32 to vector<16xi32>
        %shift_left3A_2118 = arith.shli %get3A_2110, %shift_left3A_2117 : vector<16xi32>
        %add3A_2119 = arith.addi %shift_left3A_2115, %shift_left3A_2118 : vector<16xi32>
        %add3A_2120 = arith.addi %add3A_2119, %get3A_2112 : vector<16xi32>
        %gather3A_2121 = tpu.vector_load_idx %arg6[%add3A_2120] : memref<25600xf32, #tpu.memory_space<vmem>>[vector<16xi32>], vector<16xf32>,
        %swap3A_2122 = arith.constant 1392 : index
        %swap3A_2123 = tpu.vector_load %arg9[%swap3A_2122] {strides = array<i32>} : memref<2000xf32, #tpu.memory_space<vmem>>, vector<16xf32>,
        tpu.vector_store %arg9[%swap3A_2122], %gather3A_2121 {strides = array<i32>} : memref<2000xf32, #tpu.memory_space<vmem>>, vector<16xf32>,
        %add3A_2124 = arith.constant 1408 : i32
        %add3A_2125 = vector.broadcast %add3A_2124 : i32 to vector<16xi32>
        %add3A_2126 = arith.addi %iota3A, %add3A_2125 : vector<16xi32>
        %mul3A_2127 = arith.constant 3277 : i32
        %mul3A_2128 = vector.broadcast %mul3A_2127 : i32 to vector<16xi32>
        %mul3A_2129 = arith.muli %add3A_2126, %mul3A_2128 : vector<16xi32>
        %shift_right_arithmetic3A_2130 = arith.constant 16 : i32
        %shift_right_arithmetic3A_2131 = vector.broadcast %shift_right_arithmetic3A_2130 : i32 to vector<16xi32>
        %shift_right_arithmetic3A_2132 = arith.shrsi %mul3A_2129, %shift_right_arithmetic3A_2131 : vector<16xi32>
        %get3A_2133 = arith.constant 1408 : index
        %get3A_2134 = tpu.vector_load %arg7[%get3A_2133] {strides = array<i32>} : memref<2000xi32, #tpu.memory_space<vmem>>, vector<16xi32>,
        %get3A_2135 = arith.constant 1408 : index
        %get3A_2136 = tpu.vector_load %arg8[%get3A_2135] {strides = array<i32>} : memref<2000xi32, #tpu.memory_space<vmem>>, vector<16xi32>,
        %shift_left3A_2137 = arith.constant 8 : i32
        %shift_left3A_2138 = vector.broadcast %shift_left3A_2137 : i32 to vector<16xi32>
        %shift_left3A_2139 = arith.shli %shift_right_arithmetic3A_2132, %shift_left3A_2138 : vector<16xi32>
        %shift_left3A_2140 = arith.constant 4 : i32
        %shift_left3A_2141 = vector.broadcast %shift_left3A_2140 : i32 to vector<16xi32>
        %shift_left3A_2142 = arith.shli %get3A_2134, %shift_left3A_2141 : vector<16xi32>
        %add3A_2143 = arith.addi %shift_left3A_2139, %shift_left3A_2142 : vector<16xi32>
        %add3A_2144 = arith.addi %add3A_2143, %get3A_2136 : vector<16xi32>
        %gather3A_2145 = tpu.vector_load_idx %arg6[%add3A_2144] : memref<25600xf32, #tpu.memory_space<vmem>>[vector<16xi32>], vector<16xf32>,
        %swap3A_2146 = arith.constant 1408 : index
        %swap3A_2147 = tpu.vector_load %arg9[%swap3A_2146] {strides = array<i32>} : memref<2000xf32, #tpu.memory_space<vmem>>, vector<16xf32>,
        tpu.vector_store %arg9[%swap3A_2146], %gather3A_2145 {strides = array<i32>} : memref<2000xf32, #tpu.memory_space<vmem>>, vector<16xf32>,
        %add3A_2148 = arith.constant 1424 : i32
        %add3A_2149 = vector.broadcast %add3A_2148 : i32 to vector<16xi32>
        %add3A_2150 = arith.addi %iota3A, %add3A_2149 : vector<16xi32>
        %mul3A_2151 = arith.constant 3277 : i32
        %mul3A_2152 = vector.broadcast %mul3A_2151 : i32 to vector<16xi32>
        %mul3A_2153 = arith.muli %add3A_2150, %mul3A_2152 : vector<16xi32>
        %shift_right_arithmetic3A_2154 = arith.constant 16 : i32
        %shift_right_arithmetic3A_2155 = vector.broadcast %shift_right_arithmetic3A_2154 : i32 to vector<16xi32>
        %shift_right_arithmetic3A_2156 = arith.shrsi %mul3A_2153, %shift_right_arithmetic3A_2155 : vector<16xi32>
        %get3A_2157 = arith.constant 1424 : index
        %get3A_2158 = tpu.vector_load %arg7[%get3A_2157] {strides = array<i32>} : memref<2000xi32, #tpu.memory_space<vmem>>, vector<16xi32>,
        %get3A_2159 = arith.constant 1424 : index
        %get3A_2160 = tpu.vector_load %arg8[%get3A_2159] {strides = array<i32>} : memref<2000xi32, #tpu.memory_space<vmem>>, vector<16xi32>,
        %shift_left3A_2161 = arith.constant 8 : i32
        %shift_left3A_2162 = vector.broadcast %shift_left3A_2161 : i32 to vector<16xi32>
        %shift_left3A_2163 = arith.shli %shift_right_arithmetic3A_2156, %shift_left3A_2162 : vector<16xi32>
        %shift_left3A_2164 = arith.constant 4 : i32
        %shift_left3A_2165 = vector.broadcast %shift_left3A_2164 : i32 to vector<16xi32>
        %shift_left3A_2166 = arith.shli %get3A_2158, %shift_left3A_2165 : vector<16xi32>
        %add3A_2167 = arith.addi %shift_left3A_2163, %shift_left3A_2166 : vector<16xi32>
        %add3A_2168 = arith.addi %add3A_2167, %get3A_2160 : vector<16xi32>
        %gather3A_2169 = tpu.vector_load_idx %arg6[%add3A_2168] : memref<25600xf32, #tpu.memory_space<vmem>>[vector<16xi32>], vector<16xf32>,
        %swap3A_2170 = arith.constant 1424 : index
        %swap3A_2171 = tpu.vector_load %arg9[%swap3A_2170] {strides = array<i32>} : memref<2000xf32, #tpu.memory_space<vmem>>, vector<16xf32>,
        tpu.vector_store %arg9[%swap3A_2170], %gather3A_2169 {strides = array<i32>} : memref<2000xf32, #tpu.memory_space<vmem>>, vector<16xf32>,
        %add3A_2172 = arith.constant 1440 : i32
        %add3A_2173 = vector.broadcast %add3A_2172 : i32 to vector<16xi32>
        %add3A_2174 = arith.addi %iota3A, %add3A_2173 : vector<16xi32>
        %mul3A_2175 = arith.constant 3277 : i32
        %mul3A_2176 = vector.broadcast %mul3A_2175 : i32 to vector<16xi32>
        %mul3A_2177 = arith.muli %add3A_2174, %mul3A_2176 : vector<16xi32>
        %shift_right_arithmetic3A_2178 = arith.constant 16 : i32
        %shift_right_arithmetic3A_2179 = vector.broadcast %shift_right_arithmetic3A_2178 : i32 to vector<16xi32>
        %shift_right_arithmetic3A_2180 = arith.shrsi %mul3A_2177, %shift_right_arithmetic3A_2179 : vector<16xi32>
        %get3A_2181 = arith.constant 1440 : index
        %get3A_2182 = tpu.vector_load %arg7[%get3A_2181] {strides = array<i32>} : memref<2000xi32, #tpu.memory_space<vmem>>, vector<16xi32>,
        %get3A_2183 = arith.constant 1440 : index
        %get3A_2184 = tpu.vector_load %arg8[%get3A_2183] {strides = array<i32>} : memref<2000xi32, #tpu.memory_space<vmem>>, vector<16xi32>,
        %shift_left3A_2185 = arith.constant 8 : i32
        %shift_left3A_2186 = vector.broadcast %shift_left3A_2185 : i32 to vector<16xi32>
        %shift_left3A_2187 = arith.shli %shift_right_arithmetic3A_2180, %shift_left3A_2186 : vector<16xi32>
        %shift_left3A_2188 = arith.constant 4 : i32
        %shift_left3A_2189 = vector.broadcast %shift_left3A_2188 : i32 to vector<16xi32>
        %shift_left3A_2190 = arith.shli %get3A_2182, %shift_left3A_2189 : vector<16xi32>
        %add3A_2191 = arith.addi %shift_left3A_2187, %shift_left3A_2190 : vector<16xi32>
        %add3A_2192 = arith.addi %add3A_2191, %get3A_2184 : vector<16xi32>
        %gather3A_2193 = tpu.vector_load_idx %arg6[%add3A_2192] : memref<25600xf32, #tpu.memory_space<vmem>>[vector<16xi32>], vector<16xf32>,
        %swap3A_2194 = arith.constant 1440 : index
        %swap3A_2195 = tpu.vector_load %arg9[%swap3A_2194] {strides = array<i32>} : memref<2000xf32, #tpu.memory_space<vmem>>, vector<16xf32>,
        tpu.vector_store %arg9[%swap3A_2194], %gather3A_2193 {strides = array<i32>} : memref<2000xf32, #tpu.memory_space<vmem>>, vector<16xf32>,
        %add3A_2196 = arith.constant 1456 : i32
        %add3A_2197 = vector.broadcast %add3A_2196 : i32 to vector<16xi32>
        %add3A_2198 = arith.addi %iota3A, %add3A_2197 : vector<16xi32>
        %mul3A_2199 = arith.constant 3277 : i32
        %mul3A_2200 = vector.broadcast %mul3A_2199 : i32 to vector<16xi32>
        %mul3A_2201 = arith.muli %add3A_2198, %mul3A_2200 : vector<16xi32>
        %shift_right_arithmetic3A_2202 = arith.constant 16 : i32
        %shift_right_arithmetic3A_2203 = vector.broadcast %shift_right_arithmetic3A_2202 : i32 to vector<16xi32>
        %shift_right_arithmetic3A_2204 = arith.shrsi %mul3A_2201, %shift_right_arithmetic3A_2203 : vector<16xi32>
        %get3A_2205 = arith.constant 1456 : index
        %get3A_2206 = tpu.vector_load %arg7[%get3A_2205] {strides = array<i32>} : memref<2000xi32, #tpu.memory_space<vmem>>, vector<16xi32>,
        %get3A_2207 = arith.constant 1456 : index
        %get3A_2208 = tpu.vector_load %arg8[%get3A_2207] {strides = array<i32>} : memref<2000xi32, #tpu.memory_space<vmem>>, vector<16xi32>,
        %shift_left3A_2209 = arith.constant 8 : i32
        %shift_left3A_2210 = vector.broadcast %shift_left3A_2209 : i32 to vector<16xi32>
        %shift_left3A_2211 = arith.shli %shift_right_arithmetic3A_2204, %shift_left3A_2210 : vector<16xi32>
        %shift_left3A_2212 = arith.constant 4 : i32
        %shift_left3A_2213 = vector.broadcast %shift_left3A_2212 : i32 to vector<16xi32>
        %shift_left3A_2214 = arith.shli %get3A_2206, %shift_left3A_2213 : vector<16xi32>
        %add3A_2215 = arith.addi %shift_left3A_2211, %shift_left3A_2214 : vector<16xi32>
        %add3A_2216 = arith.addi %add3A_2215, %get3A_2208 : vector<16xi32>
        %gather3A_2217 = tpu.vector_load_idx %arg6[%add3A_2216] : memref<25600xf32, #tpu.memory_space<vmem>>[vector<16xi32>], vector<16xf32>,
        %swap3A_2218 = arith.constant 1456 : index
        %swap3A_2219 = tpu.vector_load %arg9[%swap3A_2218] {strides = array<i32>} : memref<2000xf32, #tpu.memory_space<vmem>>, vector<16xf32>,
        tpu.vector_store %arg9[%swap3A_2218], %gather3A_2217 {strides = array<i32>} : memref<2000xf32, #tpu.memory_space<vmem>>, vector<16xf32>,
        %add3A_2220 = arith.constant 1472 : i32
        %add3A_2221 = vector.broadcast %add3A_2220 : i32 to vector<16xi32>
        %add3A_2222 = arith.addi %iota3A, %add3A_2221 : vector<16xi32>
        %mul3A_2223 = arith.constant 3277 : i32
        %mul3A_2224 = vector.broadcast %mul3A_2223 : i32 to vector<16xi32>
        %mul3A_2225 = arith.muli %add3A_2222, %mul3A_2224 : vector<16xi32>
        %shift_right_arithmetic3A_2226 = arith.constant 16 : i32
        %shift_right_arithmetic3A_2227 = vector.broadcast %shift_right_arithmetic3A_2226 : i32 to vector<16xi32>
        %shift_right_arithmetic3A_2228 = arith.shrsi %mul3A_2225, %shift_right_arithmetic3A_2227 : vector<16xi32>
        %get3A_2229 = arith.constant 1472 : index
        %get3A_2230 = tpu.vector_load %arg7[%get3A_2229] {strides = array<i32>} : memref<2000xi32, #tpu.memory_space<vmem>>, vector<16xi32>,
        %get3A_2231 = arith.constant 1472 : index
        %get3A_2232 = tpu.vector_load %arg8[%get3A_2231] {strides = array<i32>} : memref<2000xi32, #tpu.memory_space<vmem>>, vector<16xi32>,
        %shift_left3A_2233 = arith.constant 8 : i32
        %shift_left3A_2234 = vector.broadcast %shift_left3A_2233 : i32 to vector<16xi32>
        %shift_left3A_2235 = arith.shli %shift_right_arithmetic3A_2228, %shift_left3A_2234 : vector<16xi32>
        %shift_left3A_2236 = arith.constant 4 : i32
        %shift_left3A_2237 = vector.broadcast %shift_left3A_2236 : i32 to vector<16xi32>
        %shift_left3A_2238 = arith.shli %get3A_2230, %shift_left3A_2237 : vector<16xi32>
        %add3A_2239 = arith.addi %shift_left3A_2235, %shift_left3A_2238 : vector<16xi32>
        %add3A_2240 = arith.addi %add3A_2239, %get3A_2232 : vector<16xi32>
        %gather3A_2241 = tpu.vector_load_idx %arg6[%add3A_2240] : memref<25600xf32, #tpu.memory_space<vmem>>[vector<16xi32>], vector<16xf32>,
        %swap3A_2242 = arith.constant 1472 : index
        %swap3A_2243 = tpu.vector_load %arg9[%swap3A_2242] {strides = array<i32>} : memref<2000xf32, #tpu.memory_space<vmem>>, vector<16xf32>,
        tpu.vector_store %arg9[%swap3A_2242], %gather3A_2241 {strides = array<i32>} : memref<2000xf32, #tpu.memory_space<vmem>>, vector<16xf32>,
        %add3A_2244 = arith.constant 1488 : i32
        %add3A_2245 = vector.broadcast %add3A_2244 : i32 to vector<16xi32>
        %add3A_2246 = arith.addi %iota3A, %add3A_2245 : vector<16xi32>
        %mul3A_2247 = arith.constant 3277 : i32
        %mul3A_2248 = vector.broadcast %mul3A_2247 : i32 to vector<16xi32>
        %mul3A_2249 = arith.muli %add3A_2246, %mul3A_2248 : vector<16xi32>
        %shift_right_arithmetic3A_2250 = arith.constant 16 : i32
        %shift_right_arithmetic3A_2251 = vector.broadcast %shift_right_arithmetic3A_2250 : i32 to vector<16xi32>
        %shift_right_arithmetic3A_2252 = arith.shrsi %mul3A_2249, %shift_right_arithmetic3A_2251 : vector<16xi32>
        %get3A_2253 = arith.constant 1488 : index
        %get3A_2254 = tpu.vector_load %arg7[%get3A_2253] {strides = array<i32>} : memref<2000xi32, #tpu.memory_space<vmem>>, vector<16xi32>,
        %get3A_2255 = arith.constant 1488 : index
        %get3A_2256 = tpu.vector_load %arg8[%get3A_2255] {strides = array<i32>} : memref<2000xi32, #tpu.memory_space<vmem>>, vector<16xi32>,
        %shift_left3A_2257 = arith.constant 8 : i32
        %shift_left3A_2258 = vector.broadcast %shift_left3A_2257 : i32 to vector<16xi32>
        %shift_left3A_2259 = arith.shli %shift_right_arithmetic3A_2252, %shift_left3A_2258 : vector<16xi32>
        %shift_left3A_2260 = arith.constant 4 : i32
        %shift_left3A_2261 = vector.broadcast %shift_left3A_2260 : i32 to vector<16xi32>
        %shift_left3A_2262 = arith.shli %get3A_2254, %shift_left3A_2261 : vector<16xi32>
        %add3A_2263 = arith.addi %shift_left3A_2259, %shift_left3A_2262 : vector<16xi32>
        %add3A_2264 = arith.addi %add3A_2263, %get3A_2256 : vector<16xi32>
        %gather3A_2265 = tpu.vector_load_idx %arg6[%add3A_2264] : memref<25600xf32, #tpu.memory_space<vmem>>[vector<16xi32>], vector<16xf32>,
        %swap3A_2266 = arith.constant 1488 : index
        %swap3A_2267 = tpu.vector_load %arg9[%swap3A_2266] {strides = array<i32>} : memref<2000xf32, #tpu.memory_space<vmem>>, vector<16xf32>,
        tpu.vector_store %arg9[%swap3A_2266], %gather3A_2265 {strides = array<i32>} : memref<2000xf32, #tpu.memory_space<vmem>>, vector<16xf32>,
        %add3A_2268 = arith.constant 1504 : i32
        %add3A_2269 = vector.broadcast %add3A_2268 : i32 to vector<16xi32>
        %add3A_2270 = arith.addi %iota3A, %add3A_2269 : vector<16xi32>
        %mul3A_2271 = arith.constant 3277 : i32
        %mul3A_2272 = vector.broadcast %mul3A_2271 : i32 to vector<16xi32>
        %mul3A_2273 = arith.muli %add3A_2270, %mul3A_2272 : vector<16xi32>
        %shift_right_arithmetic3A_2274 = arith.constant 16 : i32
        %shift_right_arithmetic3A_2275 = vector.broadcast %shift_right_arithmetic3A_2274 : i32 to vector<16xi32>
        %shift_right_arithmetic3A_2276 = arith.shrsi %mul3A_2273, %shift_right_arithmetic3A_2275 : vector<16xi32>
        %get3A_2277 = arith.constant 1504 : index
        %get3A_2278 = tpu.vector_load %arg7[%get3A_2277] {strides = array<i32>} : memref<2000xi32, #tpu.memory_space<vmem>>, vector<16xi32>,
        %get3A_2279 = arith.constant 1504 : index
        %get3A_2280 = tpu.vector_load %arg8[%get3A_2279] {strides = array<i32>} : memref<2000xi32, #tpu.memory_space<vmem>>, vector<16xi32>,
        %shift_left3A_2281 = arith.constant 8 : i32
        %shift_left3A_2282 = vector.broadcast %shift_left3A_2281 : i32 to vector<16xi32>
        %shift_left3A_2283 = arith.shli %shift_right_arithmetic3A_2276, %shift_left3A_2282 : vector<16xi32>
        %shift_left3A_2284 = arith.constant 4 : i32
        %shift_left3A_2285 = vector.broadcast %shift_left3A_2284 : i32 to vector<16xi32>
        %shift_left3A_2286 = arith.shli %get3A_2278, %shift_left3A_2285 : vector<16xi32>
        %add3A_2287 = arith.addi %shift_left3A_2283, %shift_left3A_2286 : vector<16xi32>
        %add3A_2288 = arith.addi %add3A_2287, %get3A_2280 : vector<16xi32>
        %gather3A_2289 = tpu.vector_load_idx %arg6[%add3A_2288] : memref<25600xf32, #tpu.memory_space<vmem>>[vector<16xi32>], vector<16xf32>,
        %swap3A_2290 = arith.constant 1504 : index
        %swap3A_2291 = tpu.vector_load %arg9[%swap3A_2290] {strides = array<i32>} : memref<2000xf32, #tpu.memory_space<vmem>>, vector<16xf32>,
        tpu.vector_store %arg9[%swap3A_2290], %gather3A_2289 {strides = array<i32>} : memref<2000xf32, #tpu.memory_space<vmem>>, vector<16xf32>,
        %add3A_2292 = arith.constant 1520 : i32
        %add3A_2293 = vector.broadcast %add3A_2292 : i32 to vector<16xi32>
        %add3A_2294 = arith.addi %iota3A, %add3A_2293 : vector<16xi32>
        %mul3A_2295 = arith.constant 3277 : i32
        %mul3A_2296 = vector.broadcast %mul3A_2295 : i32 to vector<16xi32>
        %mul3A_2297 = arith.muli %add3A_2294, %mul3A_2296 : vector<16xi32>
        %shift_right_arithmetic3A_2298 = arith.constant 16 : i32
        %shift_right_arithmetic3A_2299 = vector.broadcast %shift_right_arithmetic3A_2298 : i32 to vector<16xi32>
        %shift_right_arithmetic3A_2300 = arith.shrsi %mul3A_2297, %shift_right_arithmetic3A_2299 : vector<16xi32>
        %get3A_2301 = arith.constant 1520 : index
        %get3A_2302 = tpu.vector_load %arg7[%get3A_2301] {strides = array<i32>} : memref<2000xi32, #tpu.memory_space<vmem>>, vector<16xi32>,
        %get3A_2303 = arith.constant 1520 : index
        %get3A_2304 = tpu.vector_load %arg8[%get3A_2303] {strides = array<i32>} : memref<2000xi32, #tpu.memory_space<vmem>>, vector<16xi32>,
        %shift_left3A_2305 = arith.constant 8 : i32
        %shift_left3A_2306 = vector.broadcast %shift_left3A_2305 : i32 to vector<16xi32>
        %shift_left3A_2307 = arith.shli %shift_right_arithmetic3A_2300, %shift_left3A_2306 : vector<16xi32>
        %shift_left3A_2308 = arith.constant 4 : i32
        %shift_left3A_2309 = vector.broadcast %shift_left3A_2308 : i32 to vector<16xi32>
        %shift_left3A_2310 = arith.shli %get3A_2302, %shift_left3A_2309 : vector<16xi32>
        %add3A_2311 = arith.addi %shift_left3A_2307, %shift_left3A_2310 : vector<16xi32>
        %add3A_2312 = arith.addi %add3A_2311, %get3A_2304 : vector<16xi32>
        %gather3A_2313 = tpu.vector_load_idx %arg6[%add3A_2312] : memref<25600xf32, #tpu.memory_space<vmem>>[vector<16xi32>], vector<16xf32>,
        %swap3A_2314 = arith.constant 1520 : index
        %swap3A_2315 = tpu.vector_load %arg9[%swap3A_2314] {strides = array<i32>} : memref<2000xf32, #tpu.memory_space<vmem>>, vector<16xf32>,
        tpu.vector_store %arg9[%swap3A_2314], %gather3A_2313 {strides = array<i32>} : memref<2000xf32, #tpu.memory_space<vmem>>, vector<16xf32>,
        %add3A_2316 = arith.constant 1536 : i32
        %add3A_2317 = vector.broadcast %add3A_2316 : i32 to vector<16xi32>
        %add3A_2318 = arith.addi %iota3A, %add3A_2317 : vector<16xi32>
        %mul3A_2319 = arith.constant 3277 : i32
        %mul3A_2320 = vector.broadcast %mul3A_2319 : i32 to vector<16xi32>
        %mul3A_2321 = arith.muli %add3A_2318, %mul3A_2320 : vector<16xi32>
        %shift_right_arithmetic3A_2322 = arith.constant 16 : i32
        %shift_right_arithmetic3A_2323 = vector.broadcast %shift_right_arithmetic3A_2322 : i32 to vector<16xi32>
        %shift_right_arithmetic3A_2324 = arith.shrsi %mul3A_2321, %shift_right_arithmetic3A_2323 : vector<16xi32>
        %get3A_2325 = arith.constant 1536 : index
        %get3A_2326 = tpu.vector_load %arg7[%get3A_2325] {strides = array<i32>} : memref<2000xi32, #tpu.memory_space<vmem>>, vector<16xi32>,
        %get3A_2327 = arith.constant 1536 : index
        %get3A_2328 = tpu.vector_load %arg8[%get3A_2327] {strides = array<i32>} : memref<2000xi32, #tpu.memory_space<vmem>>, vector<16xi32>,
        %shift_left3A_2329 = arith.constant 8 : i32
        %shift_left3A_2330 = vector.broadcast %shift_left3A_2329 : i32 to vector<16xi32>
        %shift_left3A_2331 = arith.shli %shift_right_arithmetic3A_2324, %shift_left3A_2330 : vector<16xi32>
        %shift_left3A_2332 = arith.constant 4 : i32
        %shift_left3A_2333 = vector.broadcast %shift_left3A_2332 : i32 to vector<16xi32>
        %shift_left3A_2334 = arith.shli %get3A_2326, %shift_left3A_2333 : vector<16xi32>
        %add3A_2335 = arith.addi %shift_left3A_2331, %shift_left3A_2334 : vector<16xi32>
        %add3A_2336 = arith.addi %add3A_2335, %get3A_2328 : vector<16xi32>
        %gather3A_2337 = tpu.vector_load_idx %arg6[%add3A_2336] : memref<25600xf32, #tpu.memory_space<vmem>>[vector<16xi32>], vector<16xf32>,
        %swap3A_2338 = arith.constant 1536 : index
        %swap3A_2339 = tpu.vector_load %arg9[%swap3A_2338] {strides = array<i32>} : memref<2000xf32, #tpu.memory_space<vmem>>, vector<16xf32>,
        tpu.vector_store %arg9[%swap3A_2338], %gather3A_2337 {strides = array<i32>} : memref<2000xf32, #tpu.memory_space<vmem>>, vector<16xf32>,
        %add3A_2340 = arith.constant 1552 : i32
        %add3A_2341 = vector.broadcast %add3A_2340 : i32 to vector<16xi32>
        %add3A_2342 = arith.addi %iota3A, %add3A_2341 : vector<16xi32>
        %mul3A_2343 = arith.constant 3277 : i32
        %mul3A_2344 = vector.broadcast %mul3A_2343 : i32 to vector<16xi32>
        %mul3A_2345 = arith.muli %add3A_2342, %mul3A_2344 : vector<16xi32>
        %shift_right_arithmetic3A_2346 = arith.constant 16 : i32
        %shift_right_arithmetic3A_2347 = vector.broadcast %shift_right_arithmetic3A_2346 : i32 to vector<16xi32>
        %shift_right_arithmetic3A_2348 = arith.shrsi %mul3A_2345, %shift_right_arithmetic3A_2347 : vector<16xi32>
        %get3A_2349 = arith.constant 1552 : index
        %get3A_2350 = tpu.vector_load %arg7[%get3A_2349] {strides = array<i32>} : memref<2000xi32, #tpu.memory_space<vmem>>, vector<16xi32>,
        %get3A_2351 = arith.constant 1552 : index
        %get3A_2352 = tpu.vector_load %arg8[%get3A_2351] {strides = array<i32>} : memref<2000xi32, #tpu.memory_space<vmem>>, vector<16xi32>,
        %shift_left3A_2353 = arith.constant 8 : i32
        %shift_left3A_2354 = vector.broadcast %shift_left3A_2353 : i32 to vector<16xi32>
        %shift_left3A_2355 = arith.shli %shift_right_arithmetic3A_2348, %shift_left3A_2354 : vector<16xi32>
        %shift_left3A_2356 = arith.constant 4 : i32
        %shift_left3A_2357 = vector.broadcast %shift_left3A_2356 : i32 to vector<16xi32>
        %shift_left3A_2358 = arith.shli %get3A_2350, %shift_left3A_2357 : vector<16xi32>
        %add3A_2359 = arith.addi %shift_left3A_2355, %shift_left3A_2358 : vector<16xi32>
        %add3A_2360 = arith.addi %add3A_2359, %get3A_2352 : vector<16xi32>
        %gather3A_2361 = tpu.vector_load_idx %arg6[%add3A_2360] : memref<25600xf32, #tpu.memory_space<vmem>>[vector<16xi32>], vector<16xf32>,
        %swap3A_2362 = arith.constant 1552 : index
        %swap3A_2363 = tpu.vector_load %arg9[%swap3A_2362] {strides = array<i32>} : memref<2000xf32, #tpu.memory_space<vmem>>, vector<16xf32>,
        tpu.vector_store %arg9[%swap3A_2362], %gather3A_2361 {strides = array<i32>} : memref<2000xf32, #tpu.memory_space<vmem>>, vector<16xf32>,
        %add3A_2364 = arith.constant 1568 : i32
        %add3A_2365 = vector.broadcast %add3A_2364 : i32 to vector<16xi32>
        %add3A_2366 = arith.addi %iota3A, %add3A_2365 : vector<16xi32>
        %mul3A_2367 = arith.constant 3277 : i32
        %mul3A_2368 = vector.broadcast %mul3A_2367 : i32 to vector<16xi32>
        %mul3A_2369 = arith.muli %add3A_2366, %mul3A_2368 : vector<16xi32>
        %shift_right_arithmetic3A_2370 = arith.constant 16 : i32
        %shift_right_arithmetic3A_2371 = vector.broadcast %shift_right_arithmetic3A_2370 : i32 to vector<16xi32>
        %shift_right_arithmetic3A_2372 = arith.shrsi %mul3A_2369, %shift_right_arithmetic3A_2371 : vector<16xi32>
        %get3A_2373 = arith.constant 1568 : index
        %get3A_2374 = tpu.vector_load %arg7[%get3A_2373] {strides = array<i32>} : memref<2000xi32, #tpu.memory_space<vmem>>, vector<16xi32>,
        %get3A_2375 = arith.constant 1568 : index
        %get3A_2376 = tpu.vector_load %arg8[%get3A_2375] {strides = array<i32>} : memref<2000xi32, #tpu.memory_space<vmem>>, vector<16xi32>,
        %shift_left3A_2377 = arith.constant 8 : i32
        %shift_left3A_2378 = vector.broadcast %shift_left3A_2377 : i32 to vector<16xi32>
        %shift_left3A_2379 = arith.shli %shift_right_arithmetic3A_2372, %shift_left3A_2378 : vector<16xi32>
        %shift_left3A_2380 = arith.constant 4 : i32
        %shift_left3A_2381 = vector.broadcast %shift_left3A_2380 : i32 to vector<16xi32>
        %shift_left3A_2382 = arith.shli %get3A_2374, %shift_left3A_2381 : vector<16xi32>
        %add3A_2383 = arith.addi %shift_left3A_2379, %shift_left3A_2382 : vector<16xi32>
        %add3A_2384 = arith.addi %add3A_2383, %get3A_2376 : vector<16xi32>
        %gather3A_2385 = tpu.vector_load_idx %arg6[%add3A_2384] : memref<25600xf32, #tpu.memory_space<vmem>>[vector<16xi32>], vector<16xf32>,
        %swap3A_2386 = arith.constant 1568 : index
        %swap3A_2387 = tpu.vector_load %arg9[%swap3A_2386] {strides = array<i32>} : memref<2000xf32, #tpu.memory_space<vmem>>, vector<16xf32>,
        tpu.vector_store %arg9[%swap3A_2386], %gather3A_2385 {strides = array<i32>} : memref<2000xf32, #tpu.memory_space<vmem>>, vector<16xf32>,
        %add3A_2388 = arith.constant 1584 : i32
        %add3A_2389 = vector.broadcast %add3A_2388 : i32 to vector<16xi32>
        %add3A_2390 = arith.addi %iota3A, %add3A_2389 : vector<16xi32>
        %mul3A_2391 = arith.constant 3277 : i32
        %mul3A_2392 = vector.broadcast %mul3A_2391 : i32 to vector<16xi32>
        %mul3A_2393 = arith.muli %add3A_2390, %mul3A_2392 : vector<16xi32>
        %shift_right_arithmetic3A_2394 = arith.constant 16 : i32
        %shift_right_arithmetic3A_2395 = vector.broadcast %shift_right_arithmetic3A_2394 : i32 to vector<16xi32>
        %shift_right_arithmetic3A_2396 = arith.shrsi %mul3A_2393, %shift_right_arithmetic3A_2395 : vector<16xi32>
        %get3A_2397 = arith.constant 1584 : index
        %get3A_2398 = tpu.vector_load %arg7[%get3A_2397] {strides = array<i32>} : memref<2000xi32, #tpu.memory_space<vmem>>, vector<16xi32>,
        %get3A_2399 = arith.constant 1584 : index
        %get3A_2400 = tpu.vector_load %arg8[%get3A_2399] {strides = array<i32>} : memref<2000xi32, #tpu.memory_space<vmem>>, vector<16xi32>,
        %shift_left3A_2401 = arith.constant 8 : i32
        %shift_left3A_2402 = vector.broadcast %shift_left3A_2401 : i32 to vector<16xi32>
        %shift_left3A_2403 = arith.shli %shift_right_arithmetic3A_2396, %shift_left3A_2402 : vector<16xi32>
        %shift_left3A_2404 = arith.constant 4 : i32
        %shift_left3A_2405 = vector.broadcast %shift_left3A_2404 : i32 to vector<16xi32>
        %shift_left3A_2406 = arith.shli %get3A_2398, %shift_left3A_2405 : vector<16xi32>
        %add3A_2407 = arith.addi %shift_left3A_2403, %shift_left3A_2406 : vector<16xi32>
        %add3A_2408 = arith.addi %add3A_2407, %get3A_2400 : vector<16xi32>
        %gather3A_2409 = tpu.vector_load_idx %arg6[%add3A_2408] : memref<25600xf32, #tpu.memory_space<vmem>>[vector<16xi32>], vector<16xf32>,
        %swap3A_2410 = arith.constant 1584 : index
        %swap3A_2411 = tpu.vector_load %arg9[%swap3A_2410] {strides = array<i32>} : memref<2000xf32, #tpu.memory_space<vmem>>, vector<16xf32>,
        tpu.vector_store %arg9[%swap3A_2410], %gather3A_2409 {strides = array<i32>} : memref<2000xf32, #tpu.memory_space<vmem>>, vector<16xf32>,
        %add3A_2412 = arith.constant 1600 : i32
        %add3A_2413 = vector.broadcast %add3A_2412 : i32 to vector<16xi32>
        %add3A_2414 = arith.addi %iota3A, %add3A_2413 : vector<16xi32>
        %mul3A_2415 = arith.constant 3277 : i32
        %mul3A_2416 = vector.broadcast %mul3A_2415 : i32 to vector<16xi32>
        %mul3A_2417 = arith.muli %add3A_2414, %mul3A_2416 : vector<16xi32>
        %shift_right_arithmetic3A_2418 = arith.constant 16 : i32
        %shift_right_arithmetic3A_2419 = vector.broadcast %shift_right_arithmetic3A_2418 : i32 to vector<16xi32>
        %shift_right_arithmetic3A_2420 = arith.shrsi %mul3A_2417, %shift_right_arithmetic3A_2419 : vector<16xi32>
        %get3A_2421 = arith.constant 1600 : index
        %get3A_2422 = tpu.vector_load %arg7[%get3A_2421] {strides = array<i32>} : memref<2000xi32, #tpu.memory_space<vmem>>, vector<16xi32>,
        %get3A_2423 = arith.constant 1600 : index
        %get3A_2424 = tpu.vector_load %arg8[%get3A_2423] {strides = array<i32>} : memref<2000xi32, #tpu.memory_space<vmem>>, vector<16xi32>,
        %shift_left3A_2425 = arith.constant 8 : i32
        %shift_left3A_2426 = vector.broadcast %shift_left3A_2425 : i32 to vector<16xi32>
        %shift_left3A_2427 = arith.shli %shift_right_arithmetic3A_2420, %shift_left3A_2426 : vector<16xi32>
        %shift_left3A_2428 = arith.constant 4 : i32
        %shift_left3A_2429 = vector.broadcast %shift_left3A_2428 : i32 to vector<16xi32>
        %shift_left3A_2430 = arith.shli %get3A_2422, %shift_left3A_2429 : vector<16xi32>
        %add3A_2431 = arith.addi %shift_left3A_2427, %shift_left3A_2430 : vector<16xi32>
        %add3A_2432 = arith.addi %add3A_2431, %get3A_2424 : vector<16xi32>
        %gather3A_2433 = tpu.vector_load_idx %arg6[%add3A_2432] : memref<25600xf32, #tpu.memory_space<vmem>>[vector<16xi32>], vector<16xf32>,
        %swap3A_2434 = arith.constant 1600 : index
        %swap3A_2435 = tpu.vector_load %arg9[%swap3A_2434] {strides = array<i32>} : memref<2000xf32, #tpu.memory_space<vmem>>, vector<16xf32>,
        tpu.vector_store %arg9[%swap3A_2434], %gather3A_2433 {strides = array<i32>} : memref<2000xf32, #tpu.memory_space<vmem>>, vector<16xf32>,
        %add3A_2436 = arith.constant 1616 : i32
        %add3A_2437 = vector.broadcast %add3A_2436 : i32 to vector<16xi32>
        %add3A_2438 = arith.addi %iota3A, %add3A_2437 : vector<16xi32>
        %mul3A_2439 = arith.constant 3277 : i32
        %mul3A_2440 = vector.broadcast %mul3A_2439 : i32 to vector<16xi32>
        %mul3A_2441 = arith.muli %add3A_2438, %mul3A_2440 : vector<16xi32>
        %shift_right_arithmetic3A_2442 = arith.constant 16 : i32
        %shift_right_arithmetic3A_2443 = vector.broadcast %shift_right_arithmetic3A_2442 : i32 to vector<16xi32>
        %shift_right_arithmetic3A_2444 = arith.shrsi %mul3A_2441, %shift_right_arithmetic3A_2443 : vector<16xi32>
        %get3A_2445 = arith.constant 1616 : index
        %get3A_2446 = tpu.vector_load %arg7[%get3A_2445] {strides = array<i32>} : memref<2000xi32, #tpu.memory_space<vmem>>, vector<16xi32>,
        %get3A_2447 = arith.constant 1616 : index
        %get3A_2448 = tpu.vector_load %arg8[%get3A_2447] {strides = array<i32>} : memref<2000xi32, #tpu.memory_space<vmem>>, vector<16xi32>,
        %shift_left3A_2449 = arith.constant 8 : i32
        %shift_left3A_2450 = vector.broadcast %shift_left3A_2449 : i32 to vector<16xi32>
        %shift_left3A_2451 = arith.shli %shift_right_arithmetic3A_2444, %shift_left3A_2450 : vector<16xi32>
        %shift_left3A_2452 = arith.constant 4 : i32
        %shift_left3A_2453 = vector.broadcast %shift_left3A_2452 : i32 to vector<16xi32>
        %shift_left3A_2454 = arith.shli %get3A_2446, %shift_left3A_2453 : vector<16xi32>
        %add3A_2455 = arith.addi %shift_left3A_2451, %shift_left3A_2454 : vector<16xi32>
        %add3A_2456 = arith.addi %add3A_2455, %get3A_2448 : vector<16xi32>
        %gather3A_2457 = tpu.vector_load_idx %arg6[%add3A_2456] : memref<25600xf32, #tpu.memory_space<vmem>>[vector<16xi32>], vector<16xf32>,
        %swap3A_2458 = arith.constant 1616 : index
        %swap3A_2459 = tpu.vector_load %arg9[%swap3A_2458] {strides = array<i32>} : memref<2000xf32, #tpu.memory_space<vmem>>, vector<16xf32>,
        tpu.vector_store %arg9[%swap3A_2458], %gather3A_2457 {strides = array<i32>} : memref<2000xf32, #tpu.memory_space<vmem>>, vector<16xf32>,
        %add3A_2460 = arith.constant 1632 : i32
        %add3A_2461 = vector.broadcast %add3A_2460 : i32 to vector<16xi32>
        %add3A_2462 = arith.addi %iota3A, %add3A_2461 : vector<16xi32>
        %mul3A_2463 = arith.constant 3277 : i32
        %mul3A_2464 = vector.broadcast %mul3A_2463 : i32 to vector<16xi32>
        %mul3A_2465 = arith.muli %add3A_2462, %mul3A_2464 : vector<16xi32>
        %shift_right_arithmetic3A_2466 = arith.constant 16 : i32
        %shift_right_arithmetic3A_2467 = vector.broadcast %shift_right_arithmetic3A_2466 : i32 to vector<16xi32>
        %shift_right_arithmetic3A_2468 = arith.shrsi %mul3A_2465, %shift_right_arithmetic3A_2467 : vector<16xi32>
        %get3A_2469 = arith.constant 1632 : index
        %get3A_2470 = tpu.vector_load %arg7[%get3A_2469] {strides = array<i32>} : memref<2000xi32, #tpu.memory_space<vmem>>, vector<16xi32>,
        %get3A_2471 = arith.constant 1632 : index
        %get3A_2472 = tpu.vector_load %arg8[%get3A_2471] {strides = array<i32>} : memref<2000xi32, #tpu.memory_space<vmem>>, vector<16xi32>,
        %shift_left3A_2473 = arith.constant 8 : i32
        %shift_left3A_2474 = vector.broadcast %shift_left3A_2473 : i32 to vector<16xi32>
        %shift_left3A_2475 = arith.shli %shift_right_arithmetic3A_2468, %shift_left3A_2474 : vector<16xi32>
        %shift_left3A_2476 = arith.constant 4 : i32
        %shift_left3A_2477 = vector.broadcast %shift_left3A_2476 : i32 to vector<16xi32>
        %shift_left3A_2478 = arith.shli %get3A_2470, %shift_left3A_2477 : vector<16xi32>
        %add3A_2479 = arith.addi %shift_left3A_2475, %shift_left3A_2478 : vector<16xi32>
        %add3A_2480 = arith.addi %add3A_2479, %get3A_2472 : vector<16xi32>
        %gather3A_2481 = tpu.vector_load_idx %arg6[%add3A_2480] : memref<25600xf32, #tpu.memory_space<vmem>>[vector<16xi32>], vector<16xf32>,
        %swap3A_2482 = arith.constant 1632 : index
        %swap3A_2483 = tpu.vector_load %arg9[%swap3A_2482] {strides = array<i32>} : memref<2000xf32, #tpu.memory_space<vmem>>, vector<16xf32>,
        tpu.vector_store %arg9[%swap3A_2482], %gather3A_2481 {strides = array<i32>} : memref<2000xf32, #tpu.memory_space<vmem>>, vector<16xf32>,
        %add3A_2484 = arith.constant 1648 : i32
        %add3A_2485 = vector.broadcast %add3A_2484 : i32 to vector<16xi32>
        %add3A_2486 = arith.addi %iota3A, %add3A_2485 : vector<16xi32>
        %mul3A_2487 = arith.constant 3277 : i32
        %mul3A_2488 = vector.broadcast %mul3A_2487 : i32 to vector<16xi32>
        %mul3A_2489 = arith.muli %add3A_2486, %mul3A_2488 : vector<16xi32>
        %shift_right_arithmetic3A_2490 = arith.constant 16 : i32
        %shift_right_arithmetic3A_2491 = vector.broadcast %shift_right_arithmetic3A_2490 : i32 to vector<16xi32>
        %shift_right_arithmetic3A_2492 = arith.shrsi %mul3A_2489, %shift_right_arithmetic3A_2491 : vector<16xi32>
        %get3A_2493 = arith.constant 1648 : index
        %get3A_2494 = tpu.vector_load %arg7[%get3A_2493] {strides = array<i32>} : memref<2000xi32, #tpu.memory_space<vmem>>, vector<16xi32>,
        %get3A_2495 = arith.constant 1648 : index
        %get3A_2496 = tpu.vector_load %arg8[%get3A_2495] {strides = array<i32>} : memref<2000xi32, #tpu.memory_space<vmem>>, vector<16xi32>,
        %shift_left3A_2497 = arith.constant 8 : i32
        %shift_left3A_2498 = vector.broadcast %shift_left3A_2497 : i32 to vector<16xi32>
        %shift_left3A_2499 = arith.shli %shift_right_arithmetic3A_2492, %shift_left3A_2498 : vector<16xi32>
        %shift_left3A_2500 = arith.constant 4 : i32
        %shift_left3A_2501 = vector.broadcast %shift_left3A_2500 : i32 to vector<16xi32>
        %shift_left3A_2502 = arith.shli %get3A_2494, %shift_left3A_2501 : vector<16xi32>
        %add3A_2503 = arith.addi %shift_left3A_2499, %shift_left3A_2502 : vector<16xi32>
        %add3A_2504 = arith.addi %add3A_2503, %get3A_2496 : vector<16xi32>
        %gather3A_2505 = tpu.vector_load_idx %arg6[%add3A_2504] : memref<25600xf32, #tpu.memory_space<vmem>>[vector<16xi32>], vector<16xf32>,
        %swap3A_2506 = arith.constant 1648 : index
        %swap3A_2507 = tpu.vector_load %arg9[%swap3A_2506] {strides = array<i32>} : memref<2000xf32, #tpu.memory_space<vmem>>, vector<16xf32>,
        tpu.vector_store %arg9[%swap3A_2506], %gather3A_2505 {strides = array<i32>} : memref<2000xf32, #tpu.memory_space<vmem>>, vector<16xf32>,
        %add3A_2508 = arith.constant 1664 : i32
        %add3A_2509 = vector.broadcast %add3A_2508 : i32 to vector<16xi32>
        %add3A_2510 = arith.addi %iota3A, %add3A_2509 : vector<16xi32>
        %mul3A_2511 = arith.constant 3277 : i32
        %mul3A_2512 = vector.broadcast %mul3A_2511 : i32 to vector<16xi32>
        %mul3A_2513 = arith.muli %add3A_2510, %mul3A_2512 : vector<16xi32>
        %shift_right_arithmetic3A_2514 = arith.constant 16 : i32
        %shift_right_arithmetic3A_2515 = vector.broadcast %shift_right_arithmetic3A_2514 : i32 to vector<16xi32>
        %shift_right_arithmetic3A_2516 = arith.shrsi %mul3A_2513, %shift_right_arithmetic3A_2515 : vector<16xi32>
        %get3A_2517 = arith.constant 1664 : index
        %get3A_2518 = tpu.vector_load %arg7[%get3A_2517] {strides = array<i32>} : memref<2000xi32, #tpu.memory_space<vmem>>, vector<16xi32>,
        %get3A_2519 = arith.constant 1664 : index
        %get3A_2520 = tpu.vector_load %arg8[%get3A_2519] {strides = array<i32>} : memref<2000xi32, #tpu.memory_space<vmem>>, vector<16xi32>,
        %shift_left3A_2521 = arith.constant 8 : i32
        %shift_left3A_2522 = vector.broadcast %shift_left3A_2521 : i32 to vector<16xi32>
        %shift_left3A_2523 = arith.shli %shift_right_arithmetic3A_2516, %shift_left3A_2522 : vector<16xi32>
        %shift_left3A_2524 = arith.constant 4 : i32
        %shift_left3A_2525 = vector.broadcast %shift_left3A_2524 : i32 to vector<16xi32>
        %shift_left3A_2526 = arith.shli %get3A_2518, %shift_left3A_2525 : vector<16xi32>
        %add3A_2527 = arith.addi %shift_left3A_2523, %shift_left3A_2526 : vector<16xi32>
        %add3A_2528 = arith.addi %add3A_2527, %get3A_2520 : vector<16xi32>
        %gather3A_2529 = tpu.vector_load_idx %arg6[%add3A_2528] : memref<25600xf32, #tpu.memory_space<vmem>>[vector<16xi32>], vector<16xf32>,
        %swap3A_2530 = arith.constant 1664 : index
        %swap3A_2531 = tpu.vector_load %arg9[%swap3A_2530] {strides = array<i32>} : memref<2000xf32, #tpu.memory_space<vmem>>, vector<16xf32>,
        tpu.vector_store %arg9[%swap3A_2530], %gather3A_2529 {strides = array<i32>} : memref<2000xf32, #tpu.memory_space<vmem>>, vector<16xf32>,
        %add3A_2532 = arith.constant 1680 : i32
        %add3A_2533 = vector.broadcast %add3A_2532 : i32 to vector<16xi32>
        %add3A_2534 = arith.addi %iota3A, %add3A_2533 : vector<16xi32>
        %mul3A_2535 = arith.constant 3277 : i32
        %mul3A_2536 = vector.broadcast %mul3A_2535 : i32 to vector<16xi32>
        %mul3A_2537 = arith.muli %add3A_2534, %mul3A_2536 : vector<16xi32>
        %shift_right_arithmetic3A_2538 = arith.constant 16 : i32
        %shift_right_arithmetic3A_2539 = vector.broadcast %shift_right_arithmetic3A_2538 : i32 to vector<16xi32>
        %shift_right_arithmetic3A_2540 = arith.shrsi %mul3A_2537, %shift_right_arithmetic3A_2539 : vector<16xi32>
        %get3A_2541 = arith.constant 1680 : index
        %get3A_2542 = tpu.vector_load %arg7[%get3A_2541] {strides = array<i32>} : memref<2000xi32, #tpu.memory_space<vmem>>, vector<16xi32>,
        %get3A_2543 = arith.constant 1680 : index
        %get3A_2544 = tpu.vector_load %arg8[%get3A_2543] {strides = array<i32>} : memref<2000xi32, #tpu.memory_space<vmem>>, vector<16xi32>,
        %shift_left3A_2545 = arith.constant 8 : i32
        %shift_left3A_2546 = vector.broadcast %shift_left3A_2545 : i32 to vector<16xi32>
        %shift_left3A_2547 = arith.shli %shift_right_arithmetic3A_2540, %shift_left3A_2546 : vector<16xi32>
        %shift_left3A_2548 = arith.constant 4 : i32
        %shift_left3A_2549 = vector.broadcast %shift_left3A_2548 : i32 to vector<16xi32>
        %shift_left3A_2550 = arith.shli %get3A_2542, %shift_left3A_2549 : vector<16xi32>
        %add3A_2551 = arith.addi %shift_left3A_2547, %shift_left3A_2550 : vector<16xi32>
        %add3A_2552 = arith.addi %add3A_2551, %get3A_2544 : vector<16xi32>
        %gather3A_2553 = tpu.vector_load_idx %arg6[%add3A_2552] : memref<25600xf32, #tpu.memory_space<vmem>>[vector<16xi32>], vector<16xf32>,
        %swap3A_2554 = arith.constant 1680 : index
        %swap3A_2555 = tpu.vector_load %arg9[%swap3A_2554] {strides = array<i32>} : memref<2000xf32, #tpu.memory_space<vmem>>, vector<16xf32>,
        tpu.vector_store %arg9[%swap3A_2554], %gather3A_2553 {strides = array<i32>} : memref<2000xf32, #tpu.memory_space<vmem>>, vector<16xf32>,
        %add3A_2556 = arith.constant 1696 : i32
        %add3A_2557 = vector.broadcast %add3A_2556 : i32 to vector<16xi32>
        %add3A_2558 = arith.addi %iota3A, %add3A_2557 : vector<16xi32>
        %mul3A_2559 = arith.constant 3277 : i32
        %mul3A_2560 = vector.broadcast %mul3A_2559 : i32 to vector<16xi32>
        %mul3A_2561 = arith.muli %add3A_2558, %mul3A_2560 : vector<16xi32>
        %shift_right_arithmetic3A_2562 = arith.constant 16 : i32
        %shift_right_arithmetic3A_2563 = vector.broadcast %shift_right_arithmetic3A_2562 : i32 to vector<16xi32>
        %shift_right_arithmetic3A_2564 = arith.shrsi %mul3A_2561, %shift_right_arithmetic3A_2563 : vector<16xi32>
        %get3A_2565 = arith.constant 1696 : index
        %get3A_2566 = tpu.vector_load %arg7[%get3A_2565] {strides = array<i32>} : memref<2000xi32, #tpu.memory_space<vmem>>, vector<16xi32>,
        %get3A_2567 = arith.constant 1696 : index
        %get3A_2568 = tpu.vector_load %arg8[%get3A_2567] {strides = array<i32>} : memref<2000xi32, #tpu.memory_space<vmem>>, vector<16xi32>,
        %shift_left3A_2569 = arith.constant 8 : i32
        %shift_left3A_2570 = vector.broadcast %shift_left3A_2569 : i32 to vector<16xi32>
        %shift_left3A_2571 = arith.shli %shift_right_arithmetic3A_2564, %shift_left3A_2570 : vector<16xi32>
        %shift_left3A_2572 = arith.constant 4 : i32
        %shift_left3A_2573 = vector.broadcast %shift_left3A_2572 : i32 to vector<16xi32>
        %shift_left3A_2574 = arith.shli %get3A_2566, %shift_left3A_2573 : vector<16xi32>
        %add3A_2575 = arith.addi %shift_left3A_2571, %shift_left3A_2574 : vector<16xi32>
        %add3A_2576 = arith.addi %add3A_2575, %get3A_2568 : vector<16xi32>
        %gather3A_2577 = tpu.vector_load_idx %arg6[%add3A_2576] : memref<25600xf32, #tpu.memory_space<vmem>>[vector<16xi32>], vector<16xf32>,
        %swap3A_2578 = arith.constant 1696 : index
        %swap3A_2579 = tpu.vector_load %arg9[%swap3A_2578] {strides = array<i32>} : memref<2000xf32, #tpu.memory_space<vmem>>, vector<16xf32>,
        tpu.vector_store %arg9[%swap3A_2578], %gather3A_2577 {strides = array<i32>} : memref<2000xf32, #tpu.memory_space<vmem>>, vector<16xf32>,
        %add3A_2580 = arith.constant 1712 : i32
        %add3A_2581 = vector.broadcast %add3A_2580 : i32 to vector<16xi32>
        %add3A_2582 = arith.addi %iota3A, %add3A_2581 : vector<16xi32>
        %mul3A_2583 = arith.constant 3277 : i32
        %mul3A_2584 = vector.broadcast %mul3A_2583 : i32 to vector<16xi32>
        %mul3A_2585 = arith.muli %add3A_2582, %mul3A_2584 : vector<16xi32>
        %shift_right_arithmetic3A_2586 = arith.constant 16 : i32
        %shift_right_arithmetic3A_2587 = vector.broadcast %shift_right_arithmetic3A_2586 : i32 to vector<16xi32>
        %shift_right_arithmetic3A_2588 = arith.shrsi %mul3A_2585, %shift_right_arithmetic3A_2587 : vector<16xi32>
        %get3A_2589 = arith.constant 1712 : index
        %get3A_2590 = tpu.vector_load %arg7[%get3A_2589] {strides = array<i32>} : memref<2000xi32, #tpu.memory_space<vmem>>, vector<16xi32>,
        %get3A_2591 = arith.constant 1712 : index
        %get3A_2592 = tpu.vector_load %arg8[%get3A_2591] {strides = array<i32>} : memref<2000xi32, #tpu.memory_space<vmem>>, vector<16xi32>,
        %shift_left3A_2593 = arith.constant 8 : i32
        %shift_left3A_2594 = vector.broadcast %shift_left3A_2593 : i32 to vector<16xi32>
        %shift_left3A_2595 = arith.shli %shift_right_arithmetic3A_2588, %shift_left3A_2594 : vector<16xi32>
        %shift_left3A_2596 = arith.constant 4 : i32
        %shift_left3A_2597 = vector.broadcast %shift_left3A_2596 : i32 to vector<16xi32>
        %shift_left3A_2598 = arith.shli %get3A_2590, %shift_left3A_2597 : vector<16xi32>
        %add3A_2599 = arith.addi %shift_left3A_2595, %shift_left3A_2598 : vector<16xi32>
        %add3A_2600 = arith.addi %add3A_2599, %get3A_2592 : vector<16xi32>
        %gather3A_2601 = tpu.vector_load_idx %arg6[%add3A_2600] : memref<25600xf32, #tpu.memory_space<vmem>>[vector<16xi32>], vector<16xf32>,
        %swap3A_2602 = arith.constant 1712 : index
        %swap3A_2603 = tpu.vector_load %arg9[%swap3A_2602] {strides = array<i32>} : memref<2000xf32, #tpu.memory_space<vmem>>, vector<16xf32>,
        tpu.vector_store %arg9[%swap3A_2602], %gather3A_2601 {strides = array<i32>} : memref<2000xf32, #tpu.memory_space<vmem>>, vector<16xf32>,
        %add3A_2604 = arith.constant 1728 : i32
        %add3A_2605 = vector.broadcast %add3A_2604 : i32 to vector<16xi32>
        %add3A_2606 = arith.addi %iota3A, %add3A_2605 : vector<16xi32>
        %mul3A_2607 = arith.constant 3277 : i32
        %mul3A_2608 = vector.broadcast %mul3A_2607 : i32 to vector<16xi32>
        %mul3A_2609 = arith.muli %add3A_2606, %mul3A_2608 : vector<16xi32>
        %shift_right_arithmetic3A_2610 = arith.constant 16 : i32
        %shift_right_arithmetic3A_2611 = vector.broadcast %shift_right_arithmetic3A_2610 : i32 to vector<16xi32>
        %shift_right_arithmetic3A_2612 = arith.shrsi %mul3A_2609, %shift_right_arithmetic3A_2611 : vector<16xi32>
        %get3A_2613 = arith.constant 1728 : index
        %get3A_2614 = tpu.vector_load %arg7[%get3A_2613] {strides = array<i32>} : memref<2000xi32, #tpu.memory_space<vmem>>, vector<16xi32>,
        %get3A_2615 = arith.constant 1728 : index
        %get3A_2616 = tpu.vector_load %arg8[%get3A_2615] {strides = array<i32>} : memref<2000xi32, #tpu.memory_space<vmem>>, vector<16xi32>,
        %shift_left3A_2617 = arith.constant 8 : i32
        %shift_left3A_2618 = vector.broadcast %shift_left3A_2617 : i32 to vector<16xi32>
        %shift_left3A_2619 = arith.shli %shift_right_arithmetic3A_2612, %shift_left3A_2618 : vector<16xi32>
        %shift_left3A_2620 = arith.constant 4 : i32
        %shift_left3A_2621 = vector.broadcast %shift_left3A_2620 : i32 to vector<16xi32>
        %shift_left3A_2622 = arith.shli %get3A_2614, %shift_left3A_2621 : vector<16xi32>
        %add3A_2623 = arith.addi %shift_left3A_2619, %shift_left3A_2622 : vector<16xi32>
        %add3A_2624 = arith.addi %add3A_2623, %get3A_2616 : vector<16xi32>
        %gather3A_2625 = tpu.vector_load_idx %arg6[%add3A_2624] : memref<25600xf32, #tpu.memory_space<vmem>>[vector<16xi32>], vector<16xf32>,
        %swap3A_2626 = arith.constant 1728 : index
        %swap3A_2627 = tpu.vector_load %arg9[%swap3A_2626] {strides = array<i32>} : memref<2000xf32, #tpu.memory_space<vmem>>, vector<16xf32>,
        tpu.vector_store %arg9[%swap3A_2626], %gather3A_2625 {strides = array<i32>} : memref<2000xf32, #tpu.memory_space<vmem>>, vector<16xf32>,
        %add3A_2628 = arith.constant 1744 : i32
        %add3A_2629 = vector.broadcast %add3A_2628 : i32 to vector<16xi32>
        %add3A_2630 = arith.addi %iota3A, %add3A_2629 : vector<16xi32>
        %mul3A_2631 = arith.constant 3277 : i32
        %mul3A_2632 = vector.broadcast %mul3A_2631 : i32 to vector<16xi32>
        %mul3A_2633 = arith.muli %add3A_2630, %mul3A_2632 : vector<16xi32>
        %shift_right_arithmetic3A_2634 = arith.constant 16 : i32
        %shift_right_arithmetic3A_2635 = vector.broadcast %shift_right_arithmetic3A_2634 : i32 to vector<16xi32>
        %shift_right_arithmetic3A_2636 = arith.shrsi %mul3A_2633, %shift_right_arithmetic3A_2635 : vector<16xi32>
        %get3A_2637 = arith.constant 1744 : index
        %get3A_2638 = tpu.vector_load %arg7[%get3A_2637] {strides = array<i32>} : memref<2000xi32, #tpu.memory_space<vmem>>, vector<16xi32>,
        %get3A_2639 = arith.constant 1744 : index
        %get3A_2640 = tpu.vector_load %arg8[%get3A_2639] {strides = array<i32>} : memref<2000xi32, #tpu.memory_space<vmem>>, vector<16xi32>,
        %shift_left3A_2641 = arith.constant 8 : i32
        %shift_left3A_2642 = vector.broadcast %shift_left3A_2641 : i32 to vector<16xi32>
        %shift_left3A_2643 = arith.shli %shift_right_arithmetic3A_2636, %shift_left3A_2642 : vector<16xi32>
        %shift_left3A_2644 = arith.constant 4 : i32
        %shift_left3A_2645 = vector.broadcast %shift_left3A_2644 : i32 to vector<16xi32>
        %shift_left3A_2646 = arith.shli %get3A_2638, %shift_left3A_2645 : vector<16xi32>
        %add3A_2647 = arith.addi %shift_left3A_2643, %shift_left3A_2646 : vector<16xi32>
        %add3A_2648 = arith.addi %add3A_2647, %get3A_2640 : vector<16xi32>
        %gather3A_2649 = tpu.vector_load_idx %arg6[%add3A_2648] : memref<25600xf32, #tpu.memory_space<vmem>>[vector<16xi32>], vector<16xf32>,
        %swap3A_2650 = arith.constant 1744 : index
        %swap3A_2651 = tpu.vector_load %arg9[%swap3A_2650] {strides = array<i32>} : memref<2000xf32, #tpu.memory_space<vmem>>, vector<16xf32>,
        tpu.vector_store %arg9[%swap3A_2650], %gather3A_2649 {strides = array<i32>} : memref<2000xf32, #tpu.memory_space<vmem>>, vector<16xf32>,
        %add3A_2652 = arith.constant 1760 : i32
        %add3A_2653 = vector.broadcast %add3A_2652 : i32 to vector<16xi32>
        %add3A_2654 = arith.addi %iota3A, %add3A_2653 : vector<16xi32>
        %mul3A_2655 = arith.constant 3277 : i32
        %mul3A_2656 = vector.broadcast %mul3A_2655 : i32 to vector<16xi32>
        %mul3A_2657 = arith.muli %add3A_2654, %mul3A_2656 : vector<16xi32>
        %shift_right_arithmetic3A_2658 = arith.constant 16 : i32
        %shift_right_arithmetic3A_2659 = vector.broadcast %shift_right_arithmetic3A_2658 : i32 to vector<16xi32>
        %shift_right_arithmetic3A_2660 = arith.shrsi %mul3A_2657, %shift_right_arithmetic3A_2659 : vector<16xi32>
        %get3A_2661 = arith.constant 1760 : index
        %get3A_2662 = tpu.vector_load %arg7[%get3A_2661] {strides = array<i32>} : memref<2000xi32, #tpu.memory_space<vmem>>, vector<16xi32>,
        %get3A_2663 = arith.constant 1760 : index
        %get3A_2664 = tpu.vector_load %arg8[%get3A_2663] {strides = array<i32>} : memref<2000xi32, #tpu.memory_space<vmem>>, vector<16xi32>,
        %shift_left3A_2665 = arith.constant 8 : i32
        %shift_left3A_2666 = vector.broadcast %shift_left3A_2665 : i32 to vector<16xi32>
        %shift_left3A_2667 = arith.shli %shift_right_arithmetic3A_2660, %shift_left3A_2666 : vector<16xi32>
        %shift_left3A_2668 = arith.constant 4 : i32
        %shift_left3A_2669 = vector.broadcast %shift_left3A_2668 : i32 to vector<16xi32>
        %shift_left3A_2670 = arith.shli %get3A_2662, %shift_left3A_2669 : vector<16xi32>
        %add3A_2671 = arith.addi %shift_left3A_2667, %shift_left3A_2670 : vector<16xi32>
        %add3A_2672 = arith.addi %add3A_2671, %get3A_2664 : vector<16xi32>
        %gather3A_2673 = tpu.vector_load_idx %arg6[%add3A_2672] : memref<25600xf32, #tpu.memory_space<vmem>>[vector<16xi32>], vector<16xf32>,
        %swap3A_2674 = arith.constant 1760 : index
        %swap3A_2675 = tpu.vector_load %arg9[%swap3A_2674] {strides = array<i32>} : memref<2000xf32, #tpu.memory_space<vmem>>, vector<16xf32>,
        tpu.vector_store %arg9[%swap3A_2674], %gather3A_2673 {strides = array<i32>} : memref<2000xf32, #tpu.memory_space<vmem>>, vector<16xf32>,
        %add3A_2676 = arith.constant 1776 : i32
        %add3A_2677 = vector.broadcast %add3A_2676 : i32 to vector<16xi32>
        %add3A_2678 = arith.addi %iota3A, %add3A_2677 : vector<16xi32>
        %mul3A_2679 = arith.constant 3277 : i32
        %mul3A_2680 = vector.broadcast %mul3A_2679 : i32 to vector<16xi32>
        %mul3A_2681 = arith.muli %add3A_2678, %mul3A_2680 : vector<16xi32>
        %shift_right_arithmetic3A_2682 = arith.constant 16 : i32
        %shift_right_arithmetic3A_2683 = vector.broadcast %shift_right_arithmetic3A_2682 : i32 to vector<16xi32>
        %shift_right_arithmetic3A_2684 = arith.shrsi %mul3A_2681, %shift_right_arithmetic3A_2683 : vector<16xi32>
        %get3A_2685 = arith.constant 1776 : index
        %get3A_2686 = tpu.vector_load %arg7[%get3A_2685] {strides = array<i32>} : memref<2000xi32, #tpu.memory_space<vmem>>, vector<16xi32>,
        %get3A_2687 = arith.constant 1776 : index
        %get3A_2688 = tpu.vector_load %arg8[%get3A_2687] {strides = array<i32>} : memref<2000xi32, #tpu.memory_space<vmem>>, vector<16xi32>,
        %shift_left3A_2689 = arith.constant 8 : i32
        %shift_left3A_2690 = vector.broadcast %shift_left3A_2689 : i32 to vector<16xi32>
        %shift_left3A_2691 = arith.shli %shift_right_arithmetic3A_2684, %shift_left3A_2690 : vector<16xi32>
        %shift_left3A_2692 = arith.constant 4 : i32
        %shift_left3A_2693 = vector.broadcast %shift_left3A_2692 : i32 to vector<16xi32>
        %shift_left3A_2694 = arith.shli %get3A_2686, %shift_left3A_2693 : vector<16xi32>
        %add3A_2695 = arith.addi %shift_left3A_2691, %shift_left3A_2694 : vector<16xi32>
        %add3A_2696 = arith.addi %add3A_2695, %get3A_2688 : vector<16xi32>
        %gather3A_2697 = tpu.vector_load_idx %arg6[%add3A_2696] : memref<25600xf32, #tpu.memory_space<vmem>>[vector<16xi32>], vector<16xf32>,
        %swap3A_2698 = arith.constant 1776 : index
        %swap3A_2699 = tpu.vector_load %arg9[%swap3A_2698] {strides = array<i32>} : memref<2000xf32, #tpu.memory_space<vmem>>, vector<16xf32>,
        tpu.vector_store %arg9[%swap3A_2698], %gather3A_2697 {strides = array<i32>} : memref<2000xf32, #tpu.memory_space<vmem>>, vector<16xf32>,
        %add3A_2700 = arith.constant 1792 : i32
        %add3A_2701 = vector.broadcast %add3A_2700 : i32 to vector<16xi32>
        %add3A_2702 = arith.addi %iota3A, %add3A_2701 : vector<16xi32>
        %mul3A_2703 = arith.constant 3277 : i32
        %mul3A_2704 = vector.broadcast %mul3A_2703 : i32 to vector<16xi32>
        %mul3A_2705 = arith.muli %add3A_2702, %mul3A_2704 : vector<16xi32>
        %shift_right_arithmetic3A_2706 = arith.constant 16 : i32
        %shift_right_arithmetic3A_2707 = vector.broadcast %shift_right_arithmetic3A_2706 : i32 to vector<16xi32>
        %shift_right_arithmetic3A_2708 = arith.shrsi %mul3A_2705, %shift_right_arithmetic3A_2707 : vector<16xi32>
        %get3A_2709 = arith.constant 1792 : index
        %get3A_2710 = tpu.vector_load %arg7[%get3A_2709] {strides = array<i32>} : memref<2000xi32, #tpu.memory_space<vmem>>, vector<16xi32>,
        %get3A_2711 = arith.constant 1792 : index
        %get3A_2712 = tpu.vector_load %arg8[%get3A_2711] {strides = array<i32>} : memref<2000xi32, #tpu.memory_space<vmem>>, vector<16xi32>,
        %shift_left3A_2713 = arith.constant 8 : i32
        %shift_left3A_2714 = vector.broadcast %shift_left3A_2713 : i32 to vector<16xi32>
        %shift_left3A_2715 = arith.shli %shift_right_arithmetic3A_2708, %shift_left3A_2714 : vector<16xi32>
        %shift_left3A_2716 = arith.constant 4 : i32
        %shift_left3A_2717 = vector.broadcast %shift_left3A_2716 : i32 to vector<16xi32>
        %shift_left3A_2718 = arith.shli %get3A_2710, %shift_left3A_2717 : vector<16xi32>
        %add3A_2719 = arith.addi %shift_left3A_2715, %shift_left3A_2718 : vector<16xi32>
        %add3A_2720 = arith.addi %add3A_2719, %get3A_2712 : vector<16xi32>
        %gather3A_2721 = tpu.vector_load_idx %arg6[%add3A_2720] : memref<25600xf32, #tpu.memory_space<vmem>>[vector<16xi32>], vector<16xf32>,
        %swap3A_2722 = arith.constant 1792 : index
        %swap3A_2723 = tpu.vector_load %arg9[%swap3A_2722] {strides = array<i32>} : memref<2000xf32, #tpu.memory_space<vmem>>, vector<16xf32>,
        tpu.vector_store %arg9[%swap3A_2722], %gather3A_2721 {strides = array<i32>} : memref<2000xf32, #tpu.memory_space<vmem>>, vector<16xf32>,
        %add3A_2724 = arith.constant 1808 : i32
        %add3A_2725 = vector.broadcast %add3A_2724 : i32 to vector<16xi32>
        %add3A_2726 = arith.addi %iota3A, %add3A_2725 : vector<16xi32>
        %mul3A_2727 = arith.constant 3277 : i32
        %mul3A_2728 = vector.broadcast %mul3A_2727 : i32 to vector<16xi32>
        %mul3A_2729 = arith.muli %add3A_2726, %mul3A_2728 : vector<16xi32>
        %shift_right_arithmetic3A_2730 = arith.constant 16 : i32
        %shift_right_arithmetic3A_2731 = vector.broadcast %shift_right_arithmetic3A_2730 : i32 to vector<16xi32>
        %shift_right_arithmetic3A_2732 = arith.shrsi %mul3A_2729, %shift_right_arithmetic3A_2731 : vector<16xi32>
        %get3A_2733 = arith.constant 1808 : index
        %get3A_2734 = tpu.vector_load %arg7[%get3A_2733] {strides = array<i32>} : memref<2000xi32, #tpu.memory_space<vmem>>, vector<16xi32>,
        %get3A_2735 = arith.constant 1808 : index
        %get3A_2736 = tpu.vector_load %arg8[%get3A_2735] {strides = array<i32>} : memref<2000xi32, #tpu.memory_space<vmem>>, vector<16xi32>,
        %shift_left3A_2737 = arith.constant 8 : i32
        %shift_left3A_2738 = vector.broadcast %shift_left3A_2737 : i32 to vector<16xi32>
        %shift_left3A_2739 = arith.shli %shift_right_arithmetic3A_2732, %shift_left3A_2738 : vector<16xi32>
        %shift_left3A_2740 = arith.constant 4 : i32
        %shift_left3A_2741 = vector.broadcast %shift_left3A_2740 : i32 to vector<16xi32>
        %shift_left3A_2742 = arith.shli %get3A_2734, %shift_left3A_2741 : vector<16xi32>
        %add3A_2743 = arith.addi %shift_left3A_2739, %shift_left3A_2742 : vector<16xi32>
        %add3A_2744 = arith.addi %add3A_2743, %get3A_2736 : vector<16xi32>
        %gather3A_2745 = tpu.vector_load_idx %arg6[%add3A_2744] : memref<25600xf32, #tpu.memory_space<vmem>>[vector<16xi32>], vector<16xf32>,
        %swap3A_2746 = arith.constant 1808 : index
        %swap3A_2747 = tpu.vector_load %arg9[%swap3A_2746] {strides = array<i32>} : memref<2000xf32, #tpu.memory_space<vmem>>, vector<16xf32>,
        tpu.vector_store %arg9[%swap3A_2746], %gather3A_2745 {strides = array<i32>} : memref<2000xf32, #tpu.memory_space<vmem>>, vector<16xf32>,
        %add3A_2748 = arith.constant 1824 : i32
        %add3A_2749 = vector.broadcast %add3A_2748 : i32 to vector<16xi32>
        %add3A_2750 = arith.addi %iota3A, %add3A_2749 : vector<16xi32>
        %mul3A_2751 = arith.constant 3277 : i32
        %mul3A_2752 = vector.broadcast %mul3A_2751 : i32 to vector<16xi32>
        %mul3A_2753 = arith.muli %add3A_2750, %mul3A_2752 : vector<16xi32>
        %shift_right_arithmetic3A_2754 = arith.constant 16 : i32
        %shift_right_arithmetic3A_2755 = vector.broadcast %shift_right_arithmetic3A_2754 : i32 to vector<16xi32>
        %shift_right_arithmetic3A_2756 = arith.shrsi %mul3A_2753, %shift_right_arithmetic3A_2755 : vector<16xi32>
        %get3A_2757 = arith.constant 1824 : index
        %get3A_2758 = tpu.vector_load %arg7[%get3A_2757] {strides = array<i32>} : memref<2000xi32, #tpu.memory_space<vmem>>, vector<16xi32>,
        %get3A_2759 = arith.constant 1824 : index
        %get3A_2760 = tpu.vector_load %arg8[%get3A_2759] {strides = array<i32>} : memref<2000xi32, #tpu.memory_space<vmem>>, vector<16xi32>,
        %shift_left3A_2761 = arith.constant 8 : i32
        %shift_left3A_2762 = vector.broadcast %shift_left3A_2761 : i32 to vector<16xi32>
        %shift_left3A_2763 = arith.shli %shift_right_arithmetic3A_2756, %shift_left3A_2762 : vector<16xi32>
        %shift_left3A_2764 = arith.constant 4 : i32
        %shift_left3A_2765 = vector.broadcast %shift_left3A_2764 : i32 to vector<16xi32>
        %shift_left3A_2766 = arith.shli %get3A_2758, %shift_left3A_2765 : vector<16xi32>
        %add3A_2767 = arith.addi %shift_left3A_2763, %shift_left3A_2766 : vector<16xi32>
        %add3A_2768 = arith.addi %add3A_2767, %get3A_2760 : vector<16xi32>
        %gather3A_2769 = tpu.vector_load_idx %arg6[%add3A_2768] : memref<25600xf32, #tpu.memory_space<vmem>>[vector<16xi32>], vector<16xf32>,
        %swap3A_2770 = arith.constant 1824 : index
        %swap3A_2771 = tpu.vector_load %arg9[%swap3A_2770] {strides = array<i32>} : memref<2000xf32, #tpu.memory_space<vmem>>, vector<16xf32>,
        tpu.vector_store %arg9[%swap3A_2770], %gather3A_2769 {strides = array<i32>} : memref<2000xf32, #tpu.memory_space<vmem>>, vector<16xf32>,
        %add3A_2772 = arith.constant 1840 : i32
        %add3A_2773 = vector.broadcast %add3A_2772 : i32 to vector<16xi32>
        %add3A_2774 = arith.addi %iota3A, %add3A_2773 : vector<16xi32>
        %mul3A_2775 = arith.constant 3277 : i32
        %mul3A_2776 = vector.broadcast %mul3A_2775 : i32 to vector<16xi32>
        %mul3A_2777 = arith.muli %add3A_2774, %mul3A_2776 : vector<16xi32>
        %shift_right_arithmetic3A_2778 = arith.constant 16 : i32
        %shift_right_arithmetic3A_2779 = vector.broadcast %shift_right_arithmetic3A_2778 : i32 to vector<16xi32>
        %shift_right_arithmetic3A_2780 = arith.shrsi %mul3A_2777, %shift_right_arithmetic3A_2779 : vector<16xi32>
        %get3A_2781 = arith.constant 1840 : index
        %get3A_2782 = tpu.vector_load %arg7[%get3A_2781] {strides = array<i32>} : memref<2000xi32, #tpu.memory_space<vmem>>, vector<16xi32>,
        %get3A_2783 = arith.constant 1840 : index
        %get3A_2784 = tpu.vector_load %arg8[%get3A_2783] {strides = array<i32>} : memref<2000xi32, #tpu.memory_space<vmem>>, vector<16xi32>,
        %shift_left3A_2785 = arith.constant 8 : i32
        %shift_left3A_2786 = vector.broadcast %shift_left3A_2785 : i32 to vector<16xi32>
        %shift_left3A_2787 = arith.shli %shift_right_arithmetic3A_2780, %shift_left3A_2786 : vector<16xi32>
        %shift_left3A_2788 = arith.constant 4 : i32
        %shift_left3A_2789 = vector.broadcast %shift_left3A_2788 : i32 to vector<16xi32>
        %shift_left3A_2790 = arith.shli %get3A_2782, %shift_left3A_2789 : vector<16xi32>
        %add3A_2791 = arith.addi %shift_left3A_2787, %shift_left3A_2790 : vector<16xi32>
        %add3A_2792 = arith.addi %add3A_2791, %get3A_2784 : vector<16xi32>
        %gather3A_2793 = tpu.vector_load_idx %arg6[%add3A_2792] : memref<25600xf32, #tpu.memory_space<vmem>>[vector<16xi32>], vector<16xf32>,
        %swap3A_2794 = arith.constant 1840 : index
        %swap3A_2795 = tpu.vector_load %arg9[%swap3A_2794] {strides = array<i32>} : memref<2000xf32, #tpu.memory_space<vmem>>, vector<16xf32>,
        tpu.vector_store %arg9[%swap3A_2794], %gather3A_2793 {strides = array<i32>} : memref<2000xf32, #tpu.memory_space<vmem>>, vector<16xf32>,
        %add3A_2796 = arith.constant 1856 : i32
        %add3A_2797 = vector.broadcast %add3A_2796 : i32 to vector<16xi32>
        %add3A_2798 = arith.addi %iota3A, %add3A_2797 : vector<16xi32>
        %mul3A_2799 = arith.constant 3277 : i32
        %mul3A_2800 = vector.broadcast %mul3A_2799 : i32 to vector<16xi32>
        %mul3A_2801 = arith.muli %add3A_2798, %mul3A_2800 : vector<16xi32>
        %shift_right_arithmetic3A_2802 = arith.constant 16 : i32
        %shift_right_arithmetic3A_2803 = vector.broadcast %shift_right_arithmetic3A_2802 : i32 to vector<16xi32>
        %shift_right_arithmetic3A_2804 = arith.shrsi %mul3A_2801, %shift_right_arithmetic3A_2803 : vector<16xi32>
        %get3A_2805 = arith.constant 1856 : index
        %get3A_2806 = tpu.vector_load %arg7[%get3A_2805] {strides = array<i32>} : memref<2000xi32, #tpu.memory_space<vmem>>, vector<16xi32>,
        %get3A_2807 = arith.constant 1856 : index
        %get3A_2808 = tpu.vector_load %arg8[%get3A_2807] {strides = array<i32>} : memref<2000xi32, #tpu.memory_space<vmem>>, vector<16xi32>,
        %shift_left3A_2809 = arith.constant 8 : i32
        %shift_left3A_2810 = vector.broadcast %shift_left3A_2809 : i32 to vector<16xi32>
        %shift_left3A_2811 = arith.shli %shift_right_arithmetic3A_2804, %shift_left3A_2810 : vector<16xi32>
        %shift_left3A_2812 = arith.constant 4 : i32
        %shift_left3A_2813 = vector.broadcast %shift_left3A_2812 : i32 to vector<16xi32>
        %shift_left3A_2814 = arith.shli %get3A_2806, %shift_left3A_2813 : vector<16xi32>
        %add3A_2815 = arith.addi %shift_left3A_2811, %shift_left3A_2814 : vector<16xi32>
        %add3A_2816 = arith.addi %add3A_2815, %get3A_2808 : vector<16xi32>
        %gather3A_2817 = tpu.vector_load_idx %arg6[%add3A_2816] : memref<25600xf32, #tpu.memory_space<vmem>>[vector<16xi32>], vector<16xf32>,
        %swap3A_2818 = arith.constant 1856 : index
        %swap3A_2819 = tpu.vector_load %arg9[%swap3A_2818] {strides = array<i32>} : memref<2000xf32, #tpu.memory_space<vmem>>, vector<16xf32>,
        tpu.vector_store %arg9[%swap3A_2818], %gather3A_2817 {strides = array<i32>} : memref<2000xf32, #tpu.memory_space<vmem>>, vector<16xf32>,
        %add3A_2820 = arith.constant 1872 : i32
        %add3A_2821 = vector.broadcast %add3A_2820 : i32 to vector<16xi32>
        %add3A_2822 = arith.addi %iota3A, %add3A_2821 : vector<16xi32>
        %mul3A_2823 = arith.constant 3277 : i32
        %mul3A_2824 = vector.broadcast %mul3A_2823 : i32 to vector<16xi32>
        %mul3A_2825 = arith.muli %add3A_2822, %mul3A_2824 : vector<16xi32>
        %shift_right_arithmetic3A_2826 = arith.constant 16 : i32
        %shift_right_arithmetic3A_2827 = vector.broadcast %shift_right_arithmetic3A_2826 : i32 to vector<16xi32>
        %shift_right_arithmetic3A_2828 = arith.shrsi %mul3A_2825, %shift_right_arithmetic3A_2827 : vector<16xi32>
        %get3A_2829 = arith.constant 1872 : index
        %get3A_2830 = tpu.vector_load %arg7[%get3A_2829] {strides = array<i32>} : memref<2000xi32, #tpu.memory_space<vmem>>, vector<16xi32>,
        %get3A_2831 = arith.constant 1872 : index
        %get3A_2832 = tpu.vector_load %arg8[%get3A_2831] {strides = array<i32>} : memref<2000xi32, #tpu.memory_space<vmem>>, vector<16xi32>,
        %shift_left3A_2833 = arith.constant 8 : i32
        %shift_left3A_2834 = vector.broadcast %shift_left3A_2833 : i32 to vector<16xi32>
        %shift_left3A_2835 = arith.shli %shift_right_arithmetic3A_2828, %shift_left3A_2834 : vector<16xi32>
        %shift_left3A_2836 = arith.constant 4 : i32
        %shift_left3A_2837 = vector.broadcast %shift_left3A_2836 : i32 to vector<16xi32>
        %shift_left3A_2838 = arith.shli %get3A_2830, %shift_left3A_2837 : vector<16xi32>
        %add3A_2839 = arith.addi %shift_left3A_2835, %shift_left3A_2838 : vector<16xi32>
        %add3A_2840 = arith.addi %add3A_2839, %get3A_2832 : vector<16xi32>
        %gather3A_2841 = tpu.vector_load_idx %arg6[%add3A_2840] : memref<25600xf32, #tpu.memory_space<vmem>>[vector<16xi32>], vector<16xf32>,
        %swap3A_2842 = arith.constant 1872 : index
        %swap3A_2843 = tpu.vector_load %arg9[%swap3A_2842] {strides = array<i32>} : memref<2000xf32, #tpu.memory_space<vmem>>, vector<16xf32>,
        tpu.vector_store %arg9[%swap3A_2842], %gather3A_2841 {strides = array<i32>} : memref<2000xf32, #tpu.memory_space<vmem>>, vector<16xf32>,
        %add3A_2844 = arith.constant 1888 : i32
        %add3A_2845 = vector.broadcast %add3A_2844 : i32 to vector<16xi32>
        %add3A_2846 = arith.addi %iota3A, %add3A_2845 : vector<16xi32>
        %mul3A_2847 = arith.constant 3277 : i32
        %mul3A_2848 = vector.broadcast %mul3A_2847 : i32 to vector<16xi32>
        %mul3A_2849 = arith.muli %add3A_2846, %mul3A_2848 : vector<16xi32>
        %shift_right_arithmetic3A_2850 = arith.constant 16 : i32
        %shift_right_arithmetic3A_2851 = vector.broadcast %shift_right_arithmetic3A_2850 : i32 to vector<16xi32>
        %shift_right_arithmetic3A_2852 = arith.shrsi %mul3A_2849, %shift_right_arithmetic3A_2851 : vector<16xi32>
        %get3A_2853 = arith.constant 1888 : index
        %get3A_2854 = tpu.vector_load %arg7[%get3A_2853] {strides = array<i32>} : memref<2000xi32, #tpu.memory_space<vmem>>, vector<16xi32>,
        %get3A_2855 = arith.constant 1888 : index
        %get3A_2856 = tpu.vector_load %arg8[%get3A_2855] {strides = array<i32>} : memref<2000xi32, #tpu.memory_space<vmem>>, vector<16xi32>,
        %shift_left3A_2857 = arith.constant 8 : i32
        %shift_left3A_2858 = vector.broadcast %shift_left3A_2857 : i32 to vector<16xi32>
        %shift_left3A_2859 = arith.shli %shift_right_arithmetic3A_2852, %shift_left3A_2858 : vector<16xi32>
        %shift_left3A_2860 = arith.constant 4 : i32
        %shift_left3A_2861 = vector.broadcast %shift_left3A_2860 : i32 to vector<16xi32>
        %shift_left3A_2862 = arith.shli %get3A_2854, %shift_left3A_2861 : vector<16xi32>
        %add3A_2863 = arith.addi %shift_left3A_2859, %shift_left3A_2862 : vector<16xi32>
        %add3A_2864 = arith.addi %add3A_2863, %get3A_2856 : vector<16xi32>
        %gather3A_2865 = tpu.vector_load_idx %arg6[%add3A_2864] : memref<25600xf32, #tpu.memory_space<vmem>>[vector<16xi32>], vector<16xf32>,
        %swap3A_2866 = arith.constant 1888 : index
        %swap3A_2867 = tpu.vector_load %arg9[%swap3A_2866] {strides = array<i32>} : memref<2000xf32, #tpu.memory_space<vmem>>, vector<16xf32>,
        tpu.vector_store %arg9[%swap3A_2866], %gather3A_2865 {strides = array<i32>} : memref<2000xf32, #tpu.memory_space<vmem>>, vector<16xf32>,
        %add3A_2868 = arith.constant 1904 : i32
        %add3A_2869 = vector.broadcast %add3A_2868 : i32 to vector<16xi32>
        %add3A_2870 = arith.addi %iota3A, %add3A_2869 : vector<16xi32>
        %mul3A_2871 = arith.constant 3277 : i32
        %mul3A_2872 = vector.broadcast %mul3A_2871 : i32 to vector<16xi32>
        %mul3A_2873 = arith.muli %add3A_2870, %mul3A_2872 : vector<16xi32>
        %shift_right_arithmetic3A_2874 = arith.constant 16 : i32
        %shift_right_arithmetic3A_2875 = vector.broadcast %shift_right_arithmetic3A_2874 : i32 to vector<16xi32>
        %shift_right_arithmetic3A_2876 = arith.shrsi %mul3A_2873, %shift_right_arithmetic3A_2875 : vector<16xi32>
        %get3A_2877 = arith.constant 1904 : index
        %get3A_2878 = tpu.vector_load %arg7[%get3A_2877] {strides = array<i32>} : memref<2000xi32, #tpu.memory_space<vmem>>, vector<16xi32>,
        %get3A_2879 = arith.constant 1904 : index
        %get3A_2880 = tpu.vector_load %arg8[%get3A_2879] {strides = array<i32>} : memref<2000xi32, #tpu.memory_space<vmem>>, vector<16xi32>,
        %shift_left3A_2881 = arith.constant 8 : i32
        %shift_left3A_2882 = vector.broadcast %shift_left3A_2881 : i32 to vector<16xi32>
        %shift_left3A_2883 = arith.shli %shift_right_arithmetic3A_2876, %shift_left3A_2882 : vector<16xi32>
        %shift_left3A_2884 = arith.constant 4 : i32
        %shift_left3A_2885 = vector.broadcast %shift_left3A_2884 : i32 to vector<16xi32>
        %shift_left3A_2886 = arith.shli %get3A_2878, %shift_left3A_2885 : vector<16xi32>
        %add3A_2887 = arith.addi %shift_left3A_2883, %shift_left3A_2886 : vector<16xi32>
        %add3A_2888 = arith.addi %add3A_2887, %get3A_2880 : vector<16xi32>
        %gather3A_2889 = tpu.vector_load_idx %arg6[%add3A_2888] : memref<25600xf32, #tpu.memory_space<vmem>>[vector<16xi32>], vector<16xf32>,
        %swap3A_2890 = arith.constant 1904 : index
        %swap3A_2891 = tpu.vector_load %arg9[%swap3A_2890] {strides = array<i32>} : memref<2000xf32, #tpu.memory_space<vmem>>, vector<16xf32>,
        tpu.vector_store %arg9[%swap3A_2890], %gather3A_2889 {strides = array<i32>} : memref<2000xf32, #tpu.memory_space<vmem>>, vector<16xf32>,
        %add3A_2892 = arith.constant 1920 : i32
        %add3A_2893 = vector.broadcast %add3A_2892 : i32 to vector<16xi32>
        %add3A_2894 = arith.addi %iota3A, %add3A_2893 : vector<16xi32>
        %mul3A_2895 = arith.constant 3277 : i32
        %mul3A_2896 = vector.broadcast %mul3A_2895 : i32 to vector<16xi32>
        %mul3A_2897 = arith.muli %add3A_2894, %mul3A_2896 : vector<16xi32>
        %shift_right_arithmetic3A_2898 = arith.constant 16 : i32
        %shift_right_arithmetic3A_2899 = vector.broadcast %shift_right_arithmetic3A_2898 : i32 to vector<16xi32>
        %shift_right_arithmetic3A_2900 = arith.shrsi %mul3A_2897, %shift_right_arithmetic3A_2899 : vector<16xi32>
        %get3A_2901 = arith.constant 1920 : index
        %get3A_2902 = tpu.vector_load %arg7[%get3A_2901] {strides = array<i32>} : memref<2000xi32, #tpu.memory_space<vmem>>, vector<16xi32>,
        %get3A_2903 = arith.constant 1920 : index
        %get3A_2904 = tpu.vector_load %arg8[%get3A_2903] {strides = array<i32>} : memref<2000xi32, #tpu.memory_space<vmem>>, vector<16xi32>,
        %shift_left3A_2905 = arith.constant 8 : i32
        %shift_left3A_2906 = vector.broadcast %shift_left3A_2905 : i32 to vector<16xi32>
        %shift_left3A_2907 = arith.shli %shift_right_arithmetic3A_2900, %shift_left3A_2906 : vector<16xi32>
        %shift_left3A_2908 = arith.constant 4 : i32
        %shift_left3A_2909 = vector.broadcast %shift_left3A_2908 : i32 to vector<16xi32>
        %shift_left3A_2910 = arith.shli %get3A_2902, %shift_left3A_2909 : vector<16xi32>
        %add3A_2911 = arith.addi %shift_left3A_2907, %shift_left3A_2910 : vector<16xi32>
        %add3A_2912 = arith.addi %add3A_2911, %get3A_2904 : vector<16xi32>
        %gather3A_2913 = tpu.vector_load_idx %arg6[%add3A_2912] : memref<25600xf32, #tpu.memory_space<vmem>>[vector<16xi32>], vector<16xf32>,
        %swap3A_2914 = arith.constant 1920 : index
        %swap3A_2915 = tpu.vector_load %arg9[%swap3A_2914] {strides = array<i32>} : memref<2000xf32, #tpu.memory_space<vmem>>, vector<16xf32>,
        tpu.vector_store %arg9[%swap3A_2914], %gather3A_2913 {strides = array<i32>} : memref<2000xf32, #tpu.memory_space<vmem>>, vector<16xf32>,
        %add3A_2916 = arith.constant 1936 : i32
        %add3A_2917 = vector.broadcast %add3A_2916 : i32 to vector<16xi32>
        %add3A_2918 = arith.addi %iota3A, %add3A_2917 : vector<16xi32>
        %mul3A_2919 = arith.constant 3277 : i32
        %mul3A_2920 = vector.broadcast %mul3A_2919 : i32 to vector<16xi32>
        %mul3A_2921 = arith.muli %add3A_2918, %mul3A_2920 : vector<16xi32>
        %shift_right_arithmetic3A_2922 = arith.constant 16 : i32
        %shift_right_arithmetic3A_2923 = vector.broadcast %shift_right_arithmetic3A_2922 : i32 to vector<16xi32>
        %shift_right_arithmetic3A_2924 = arith.shrsi %mul3A_2921, %shift_right_arithmetic3A_2923 : vector<16xi32>
        %get3A_2925 = arith.constant 1936 : index
        %get3A_2926 = tpu.vector_load %arg7[%get3A_2925] {strides = array<i32>} : memref<2000xi32, #tpu.memory_space<vmem>>, vector<16xi32>,
        %get3A_2927 = arith.constant 1936 : index
        %get3A_2928 = tpu.vector_load %arg8[%get3A_2927] {strides = array<i32>} : memref<2000xi32, #tpu.memory_space<vmem>>, vector<16xi32>,
        %shift_left3A_2929 = arith.constant 8 : i32
        %shift_left3A_2930 = vector.broadcast %shift_left3A_2929 : i32 to vector<16xi32>
        %shift_left3A_2931 = arith.shli %shift_right_arithmetic3A_2924, %shift_left3A_2930 : vector<16xi32>
        %shift_left3A_2932 = arith.constant 4 : i32
        %shift_left3A_2933 = vector.broadcast %shift_left3A_2932 : i32 to vector<16xi32>
        %shift_left3A_2934 = arith.shli %get3A_2926, %shift_left3A_2933 : vector<16xi32>
        %add3A_2935 = arith.addi %shift_left3A_2931, %shift_left3A_2934 : vector<16xi32>
        %add3A_2936 = arith.addi %add3A_2935, %get3A_2928 : vector<16xi32>
        %gather3A_2937 = tpu.vector_load_idx %arg6[%add3A_2936] : memref<25600xf32, #tpu.memory_space<vmem>>[vector<16xi32>], vector<16xf32>,
        %swap3A_2938 = arith.constant 1936 : index
        %swap3A_2939 = tpu.vector_load %arg9[%swap3A_2938] {strides = array<i32>} : memref<2000xf32, #tpu.memory_space<vmem>>, vector<16xf32>,
        tpu.vector_store %arg9[%swap3A_2938], %gather3A_2937 {strides = array<i32>} : memref<2000xf32, #tpu.memory_space<vmem>>, vector<16xf32>,
        %add3A_2940 = arith.constant 1952 : i32
        %add3A_2941 = vector.broadcast %add3A_2940 : i32 to vector<16xi32>
        %add3A_2942 = arith.addi %iota3A, %add3A_2941 : vector<16xi32>
        %mul3A_2943 = arith.constant 3277 : i32
        %mul3A_2944 = vector.broadcast %mul3A_2943 : i32 to vector<16xi32>
        %mul3A_2945 = arith.muli %add3A_2942, %mul3A_2944 : vector<16xi32>
        %shift_right_arithmetic3A_2946 = arith.constant 16 : i32
        %shift_right_arithmetic3A_2947 = vector.broadcast %shift_right_arithmetic3A_2946 : i32 to vector<16xi32>
        %shift_right_arithmetic3A_2948 = arith.shrsi %mul3A_2945, %shift_right_arithmetic3A_2947 : vector<16xi32>
        %get3A_2949 = arith.constant 1952 : index
        %get3A_2950 = tpu.vector_load %arg7[%get3A_2949] {strides = array<i32>} : memref<2000xi32, #tpu.memory_space<vmem>>, vector<16xi32>,
        %get3A_2951 = arith.constant 1952 : index
        %get3A_2952 = tpu.vector_load %arg8[%get3A_2951] {strides = array<i32>} : memref<2000xi32, #tpu.memory_space<vmem>>, vector<16xi32>,
        %shift_left3A_2953 = arith.constant 8 : i32
        %shift_left3A_2954 = vector.broadcast %shift_left3A_2953 : i32 to vector<16xi32>
        %shift_left3A_2955 = arith.shli %shift_right_arithmetic3A_2948, %shift_left3A_2954 : vector<16xi32>
        %shift_left3A_2956 = arith.constant 4 : i32
        %shift_left3A_2957 = vector.broadcast %shift_left3A_2956 : i32 to vector<16xi32>
        %shift_left3A_2958 = arith.shli %get3A_2950, %shift_left3A_2957 : vector<16xi32>
        %add3A_2959 = arith.addi %shift_left3A_2955, %shift_left3A_2958 : vector<16xi32>
        %add3A_2960 = arith.addi %add3A_2959, %get3A_2952 : vector<16xi32>
        %gather3A_2961 = tpu.vector_load_idx %arg6[%add3A_2960] : memref<25600xf32, #tpu.memory_space<vmem>>[vector<16xi32>], vector<16xf32>,
        %swap3A_2962 = arith.constant 1952 : index
        %swap3A_2963 = tpu.vector_load %arg9[%swap3A_2962] {strides = array<i32>} : memref<2000xf32, #tpu.memory_space<vmem>>, vector<16xf32>,
        tpu.vector_store %arg9[%swap3A_2962], %gather3A_2961 {strides = array<i32>} : memref<2000xf32, #tpu.memory_space<vmem>>, vector<16xf32>,
        %add3A_2964 = arith.constant 1968 : i32
        %add3A_2965 = vector.broadcast %add3A_2964 : i32 to vector<16xi32>
        %add3A_2966 = arith.addi %iota3A, %add3A_2965 : vector<16xi32>
        %mul3A_2967 = arith.constant 3277 : i32
        %mul3A_2968 = vector.broadcast %mul3A_2967 : i32 to vector<16xi32>
        %mul3A_2969 = arith.muli %add3A_2966, %mul3A_2968 : vector<16xi32>
        %shift_right_arithmetic3A_2970 = arith.constant 16 : i32
        %shift_right_arithmetic3A_2971 = vector.broadcast %shift_right_arithmetic3A_2970 : i32 to vector<16xi32>
        %shift_right_arithmetic3A_2972 = arith.shrsi %mul3A_2969, %shift_right_arithmetic3A_2971 : vector<16xi32>
        %get3A_2973 = arith.constant 1968 : index
        %get3A_2974 = tpu.vector_load %arg7[%get3A_2973] {strides = array<i32>} : memref<2000xi32, #tpu.memory_space<vmem>>, vector<16xi32>,
        %get3A_2975 = arith.constant 1968 : index
        %get3A_2976 = tpu.vector_load %arg8[%get3A_2975] {strides = array<i32>} : memref<2000xi32, #tpu.memory_space<vmem>>, vector<16xi32>,
        %shift_left3A_2977 = arith.constant 8 : i32
        %shift_left3A_2978 = vector.broadcast %shift_left3A_2977 : i32 to vector<16xi32>
        %shift_left3A_2979 = arith.shli %shift_right_arithmetic3A_2972, %shift_left3A_2978 : vector<16xi32>
        %shift_left3A_2980 = arith.constant 4 : i32
        %shift_left3A_2981 = vector.broadcast %shift_left3A_2980 : i32 to vector<16xi32>
        %shift_left3A_2982 = arith.shli %get3A_2974, %shift_left3A_2981 : vector<16xi32>
        %add3A_2983 = arith.addi %shift_left3A_2979, %shift_left3A_2982 : vector<16xi32>
        %add3A_2984 = arith.addi %add3A_2983, %get3A_2976 : vector<16xi32>
        %gather3A_2985 = tpu.vector_load_idx %arg6[%add3A_2984] : memref<25600xf32, #tpu.memory_space<vmem>>[vector<16xi32>], vector<16xf32>,
        %swap3A_2986 = arith.constant 1968 : index
        %swap3A_2987 = tpu.vector_load %arg9[%swap3A_2986] {strides = array<i32>} : memref<2000xf32, #tpu.memory_space<vmem>>, vector<16xf32>,
        tpu.vector_store %arg9[%swap3A_2986], %gather3A_2985 {strides = array<i32>} : memref<2000xf32, #tpu.memory_space<vmem>>, vector<16xf32>,
        %add3A_2988 = arith.constant 1984 : i32
        %add3A_2989 = vector.broadcast %add3A_2988 : i32 to vector<16xi32>
        %add3A_2990 = arith.addi %iota3A, %add3A_2989 : vector<16xi32>
        %mul3A_2991 = arith.constant 3277 : i32
        %mul3A_2992 = vector.broadcast %mul3A_2991 : i32 to vector<16xi32>
        %mul3A_2993 = arith.muli %add3A_2990, %mul3A_2992 : vector<16xi32>
        %shift_right_arithmetic3A_2994 = arith.constant 16 : i32
        %shift_right_arithmetic3A_2995 = vector.broadcast %shift_right_arithmetic3A_2994 : i32 to vector<16xi32>
        %shift_right_arithmetic3A_2996 = arith.shrsi %mul3A_2993, %shift_right_arithmetic3A_2995 : vector<16xi32>
        %get3A_2997 = arith.constant 1984 : index
        %get3A_2998 = tpu.vector_load %arg7[%get3A_2997] {strides = array<i32>} : memref<2000xi32, #tpu.memory_space<vmem>>, vector<16xi32>,
        %get3A_2999 = arith.constant 1984 : index
        %get3A_3000 = tpu.vector_load %arg8[%get3A_2999] {strides = array<i32>} : memref<2000xi32, #tpu.memory_space<vmem>>, vector<16xi32>,
        %shift_left3A_3001 = arith.constant 8 : i32
        %shift_left3A_3002 = vector.broadcast %shift_left3A_3001 : i32 to vector<16xi32>
        %shift_left3A_3003 = arith.shli %shift_right_arithmetic3A_2996, %shift_left3A_3002 : vector<16xi32>
        %shift_left3A_3004 = arith.constant 4 : i32
        %shift_left3A_3005 = vector.broadcast %shift_left3A_3004 : i32 to vector<16xi32>
        %shift_left3A_3006 = arith.shli %get3A_2998, %shift_left3A_3005 : vector<16xi32>
        %add3A_3007 = arith.addi %shift_left3A_3003, %shift_left3A_3006 : vector<16xi32>
        %add3A_3008 = arith.addi %add3A_3007, %get3A_3000 : vector<16xi32>
        %gather3A_3009 = tpu.vector_load_idx %arg6[%add3A_3008] : memref<25600xf32, #tpu.memory_space<vmem>>[vector<16xi32>], vector<16xf32>,
        %swap3A_3010 = arith.constant 1984 : index
        %swap3A_3011 = tpu.vector_load %arg9[%swap3A_3010] {strides = array<i32>} : memref<2000xf32, #tpu.memory_space<vmem>>, vector<16xf32>,
        tpu.vector_store %arg9[%swap3A_3010], %gather3A_3009 {strides = array<i32>} : memref<2000xf32, #tpu.memory_space<vmem>>, vector<16xf32>,
        %mul3A_3012 = arith.constant 2000 : i32
        %mul3A_3013 = arith.muli %add3A_8, %mul3A_3012 : i32
        "tpu.region"() ({
          %run_scoped3A = tpu.sem_alloc : memref<!tpu.dma_semaphore, #tpu.memory_space<semaphore_mem>>
          %dma_start3A = tpu.memref_slice %arg5[%mul3A_3013] : memref<2000000xf32, #tpu.memory_space<hbm>> -> memref<2000xf32, #tpu.memory_space<hbm>>
          %dma_start3A_3014 = tpu.memref_slice %arg5[%mul3A_3013] : memref<2000000xf32, #tpu.memory_space<hbm>> -> memref<2000xf32, #tpu.memory_space<hbm>>
          tpu.enqueue_dma source(%arg9 : memref<2000xf32, #tpu.memory_space<vmem>>) target(%dma_start3A_3014 : memref<2000xf32, #tpu.memory_space<hbm>>) target_semaphore(%run_scoped3A : memref<!tpu.dma_semaphore, #tpu.memory_space<semaphore_mem>>)
          %dma_wait3A = tpu.memref_slice %arg5[%mul3A_3013] : memref<2000000xf32, #tpu.memory_space<hbm>> -> memref<2000xf32, #tpu.memory_space<hbm>>
          %dma_wait3A_3015 = tpu.memref_slice %arg5[%mul3A_3013] : memref<2000000xf32, #tpu.memory_space<hbm>> -> memref<2000xf32, #tpu.memory_space<hbm>>
          tpu.wait_dma2 semaphore(%run_scoped3A : memref<!tpu.dma_semaphore, #tpu.memory_space<semaphore_mem>>) src(%arg9 : memref<2000xf32, #tpu.memory_space<vmem>>) dst(%dma_wait3A_3015 : memref<2000xf32, #tpu.memory_space<hbm>>)
          tpu.yield
        }) : () -> ()
      } else {
      }
    }
    %scan3A_4 = arith.constant 32 : i32
    return
  }
}

module attributes {stable_mosaic.version = 14 : i64} {
  func.func @_lse_body(%arg0: i32, %arg1: memref<1000x256xf32, #tpu.memory_space<vmem>>, %arg2: memref<1000x1xf32, #tpu.memory_space<vmem>>) attributes {dimension_semantics = [#tpu.dimension_semantics<arbitrary>], iteration_bounds = array<i64: 100>, scalar_prefetch = 0 : i64, scratch_operands = 0 : i64, tpu.core_type = #tpu.core_type<tc>, window_params = [{transform_indices = @transform_0, window_bounds = array<i64: 1000, 256>}, {transform_indices = @transform_1, window_bounds = array<i64: 1000, 1>}]} {
    %get3A = arith.constant 0 : index
    %get3A_0 = arith.constant 0 : index
    %get3A_1 = vector.load %arg1[%get3A, %get3A_0] : memref<1000x256xf32, #tpu.memory_space<vmem>>, vector<1000x256xf32>
    %reduce_max3A = arith.constant dense<0xFF800000> : vector<1000xf32>
    %reduce_max3A_2 = vector.multi_reduction <maximumf>, %get3A_1, %reduce_max3A [1] : vector<1000x256xf32> to vector<1000xf32>
    %broadcast_in_dim3A = vector.shape_cast %reduce_max3A_2 : vector<1000xf32> to vector<1000x1xf32>
    %sub3A = vector.broadcast %broadcast_in_dim3A : vector<1000x1xf32> to vector<1000x256xf32>
    %sub3A_3 = arith.subf %get3A_1, %sub3A : vector<1000x256xf32>
    %exp3A = math.exp %sub3A_3 : vector<1000x256xf32>
    %reduce_sum3A = arith.constant dense<0.000000e+00> : vector<1000xf32>
    %reduce_sum3A_4 = vector.multi_reduction <add>, %exp3A, %reduce_sum3A [1] : vector<1000x256xf32> to vector<1000xf32>
    %broadcast_in_dim3A_5 = vector.shape_cast %reduce_sum3A_4 : vector<1000xf32> to vector<1000x1xf32>
    %log3A = math.log %broadcast_in_dim3A_5 : vector<1000x1xf32>
    %add3A = arith.addf %broadcast_in_dim3A, %log3A : vector<1000x1xf32>
    %swap3A = arith.constant 0 : index
    %swap3A_6 = arith.constant 0 : index
    %swap3A_7 = vector.load %arg2[%swap3A, %swap3A_6] : memref<1000x1xf32, #tpu.memory_space<vmem>>, vector<1000x1xf32>
    tpu.vector_store %arg2[%swap3A, %swap3A_6], %add3A {strides = array<i32>} : memref<1000x1xf32, #tpu.memory_space<vmem>>, vector<1000x1xf32>,
    return
  }
  func.func @transform_0(%arg0: i32) -> (i32, i32) {
    %c0_i32 = arith.constant 0 : i32
    %c0_i32_0 = arith.constant 0 : i32
    return %arg0, %c0_i32 : i32, i32
  }
  func.func @transform_1(%arg0: i32) -> (i32, i32) {
    %c0_i32 = arith.constant 0 : i32
    %c0_i32_0 = arith.constant 0 : i32
    return %arg0, %c0_i32 : i32, i32
  }
}

module attributes {stable_mosaic.version = 14 : i64} {
  func.func @_combine_body(%arg0: i32, %arg1: memref<1000x20xf32, #tpu.memory_space<vmem>>, %arg2: memref<1000x1xf32, #tpu.memory_space<vmem>>, %arg3: memref<1000x20xf32, #tpu.memory_space<vmem>>) attributes {dimension_semantics = [#tpu.dimension_semantics<arbitrary>], iteration_bounds = array<i64: 100>, scalar_prefetch = 0 : i64, scratch_operands = 0 : i64, tpu.core_type = #tpu.core_type<tc>, window_params = [{transform_indices = @transform_0, window_bounds = array<i64: 1000, 20>}, {transform_indices = @transform_1, window_bounds = array<i64: 1000, 1>}, {transform_indices = @transform_2, window_bounds = array<i64: 1000, 20>}]} {
    %get3A = arith.constant 0 : index
    %get3A_0 = arith.constant 0 : index
    %get3A_1 = vector.load %arg1[%get3A, %get3A_0] : memref<1000x20xf32, #tpu.memory_space<vmem>>, vector<1000x20xf32>
    %get3A_2 = arith.constant 0 : index
    %get3A_3 = arith.constant 0 : index
    %get3A_4 = vector.load %arg2[%get3A_2, %get3A_3] : memref<1000x1xf32, #tpu.memory_space<vmem>>, vector<1000x1xf32>
    %sub3A = vector.broadcast %get3A_4 : vector<1000x1xf32> to vector<1000x20xf32>
    %sub3A_5 = arith.subf %get3A_1, %sub3A : vector<1000x20xf32>
    %swap3A = arith.constant 0 : index
    %swap3A_6 = arith.constant 0 : index
    %swap3A_7 = vector.load %arg3[%swap3A, %swap3A_6] : memref<1000x20xf32, #tpu.memory_space<vmem>>, vector<1000x20xf32>
    tpu.vector_store %arg3[%swap3A, %swap3A_6], %sub3A_5 {strides = array<i32>} : memref<1000x20xf32, #tpu.memory_space<vmem>>, vector<1000x20xf32>,
    return
  }
  func.func @transform_0(%arg0: i32) -> (i32, i32) {
    %c0_i32 = arith.constant 0 : i32
    %c0_i32_0 = arith.constant 0 : i32
    return %arg0, %c0_i32 : i32, i32
  }
  func.func @transform_1(%arg0: i32) -> (i32, i32) {
    %c0_i32 = arith.constant 0 : i32
    %c0_i32_0 = arith.constant 0 : i32
    return %arg0, %c0_i32 : i32, i32
  }
  func.func @transform_2(%arg0: i32) -> (i32, i32) {
    %c0_i32 = arith.constant 0 : i32
    %c0_i32_0 = arith.constant 0 : i32
    return %arg0, %c0_i32 : i32, i32
  }
}

</mosaic_0001>

<sc_bundles>
// kernel: kernel.5.cloned.1.call-start
scs
__scs_entry_jumppad:
0x0: {  	(pc) =	sbr.rel $0x88, $3  }
0x1: {  	(tag) =	ssettag $0x0;
	lr =	simm.s32 $0x1  }
0x2: {  	[smem:$0x3F9E] =	sst lr;
	_ =	strace $0xD0000000  }
0x3: {  	_ = 	snop  }
0x4: {  	_ = 	snop  }
0x5: {  	_ = 	snop  }
0x6: {  	_ = 	snop  }
0x7: {  	_ = 	snop  }
__scs_overlays_trampoline_lowered:
0x8: {  	[smem:$0x3FAD] =	sst s0  }
0x9: {  	[smem:$0x3FAE] =	sst s1  }
0xa: {  	[smem:$0x3FAF] =	sst s2  }
0xb: {  	[smem:$0x3FB0] =	sst s3  }
0xc: {  	[smem:$0x3FB1] =	sst s4  }
0xd: {  	[smem:$0x3FB2] =	sst s5  }
0xe: {  	[smem:$0x3FB3] =	sst s6  }
0xf: {  	[smem:$0x3FB4] =	sst s7  }
0x10: {  	[smem:$0x3FB5] =	sst s8  }
0x11: {  	[smem:$0x3FB6] =	sst s9;
	s0 =	simm.s32 @!p0 $0x0  }
0x12: {  	s1 =	sld [smem:$0x3F9C];
	s0 =	simm.s32 @p0 $0x1  }
0x13: {  	[smem:$0x3FB7] =	sst s0;
	s0 =	simm.s32 @!p1 $0x0  }
0x14: {  	s2 =	sld [smem:$0x3F9B];
	s0 =	simm.s32 @p1 $0x1  }
0x15: {  	[smem:$0x3FB8] =	sst s0;
	s0 =	simm.s32 @!p2 $0x0  }
0x16: {  	s3 =	sld [smem:$0x3FDB];
	s0 =	simm.s32 @p2 $0x1  }
0x17: {  	s4 =	simm.s32 $0x1BF5;
	[smem:$0x3FBA] =	sst s0  }
0x18: {  	s0 =	sld [smem:$0x3F9D];
	_ =	swait.ge [sflag:s4], $0x0  }
0x19: {  	s7 =	sld [smem:$0x3F9E]  }
0x1a: {  	s8 =	sadd.s32 $0xFFFFE003, lr  }
0x1b: {  	s9 =	sadd.s32 $0xFFFFFEF7, lr;
	s5 =	simm.s32 $0xFFFFFFFF;
	p2 =	slt.u32 s8, $0xFFFFF086  }
0x1c: {  	p1 =	slt.u32 s9, $0xF7A;
	s5 =	simm.s32 @!p2 $0x0  }
0x1d: {  	s5 =	simm.s32 @p1 $0x1;
	p0 =	seq.s32 s7, s2  }
0x1e: {  	s7 =	smul.u32 @!p0 $0xF7A, s2;
	p2 =	seq.s32 @!p0 s5, $0x0  }
0x1f: {  	s9 =	smul.u32 $0xF7A, s1;
	s8 =	simm.s32 @!p0 $0x1BF5;
	p2 =	por !p2, p0  }
0x20: {  	[sflag:s8] =	ssyncset.s32 @!p0 $0xFFFFF086;
	s6 =	sadd.s32 @!p0 s3, s7;
	s7 =	simm.s32 @!p0 $0x108  }
0x21: {  	s3 =	sadd.s32 s3, s9;
	s6 =	sadd.s32 @!p0 $0x88, s6;
	s7 =	simm.s32 @p2 $0x1082  }
0x22: {  	[simem:s7], [sflag:s8] =	dma.local @!p0 [hbm:s6], $0xF7A  }
0x23: {  	s9 =	sor.u32 $0xD0000000, s2;
	s6 =	simm.s32 $0x108;
	_ =	swait.ge @!p0 [sflag:s8], $0x0  }
0x24: {  	s3 =	sadd.s32 $0x88, s3;
	s6 =	simm.s32 @!p1 $0x1082;
	[sflag:s4] =	ssyncset.s32 $0xFFFFF086  }
0x25: {  	[simem:s6], [sflag:s4] =	dma.local [hbm:s3], $0xF7A  }
0x26: {  	[smem:$0x3F9E] =	sst s1;
	(tag) =	ssettag s2;
	_ =	strace s9  }
0x27: {  	s1 =	sld [smem:$0x3FAE]  }
0x28: {  	s2 =	sld [smem:$0x3FAF]  }
0x29: {  	s4 =	sld [smem:$0x3FB1]  }
0x2a: {  	p0 =	seq.s32 s5, $0x0;
	s5 =	sld [smem:$0x3FB2]  }
0x2b: {  	s6 =	sld [smem:$0x3FB3]  }
0x2c: {  	s7 =	sld [smem:$0x3FB4]  }
0x2d: {  	s3 =	simm.s32 $0x108;
	s8 =	sld [smem:$0x3FB5]  }
0x2e: {  	s3 =	simm.s32 @!p0 $0x1082;
	s9 =	sld [smem:$0x3FB6]  }
0x2f: {  	lr =	sadd.s32 s0, s3;
	s0 =	sld [smem:$0x3FAD]  }
0x30: {  	s3 =	sld [smem:$0x3FB0]  }
0x31: {  	[smem:$0x3FB9] =	sst s10  }
0x32: {  	s10 =	sld [smem:$0x3FB7];
	_ =	sdelay $0x3  }
0x33: {  	p0 =	seq.s32 s10, $0x1;
	s10 =	sld [smem:$0x3FB9];
	_ =	sdelay $0x3  }
0x34: {  	[smem:$0x3FB9] =	sst s10  }
0x35: {  	s10 =	sld [smem:$0x3FB8];
	_ =	sdelay $0x3  }
0x36: {  	p1 =	seq.s32 s10, $0x1;
	s10 =	sld [smem:$0x3FB9];
	_ =	sdelay $0x3  }
0x37: {  	[smem:$0x3FB9] =	sst s10  }
0x38: {  	s10 =	sld [smem:$0x3FBA]  }
0x39: {  	_ = 	snop;
	(pc) =	sbr.ind lr, $3  }
0x3a: {  	_ = 	snop  }
0x3b: {  	_ = 	snop  }
0x3c: {  	p2 =	seq.s32 s10, $0x1;
	s10 =	sld [smem:$0x3FB9]  }
0x3d: {  	_ =	shalt  }
0x3e: {  	_ =	shalt  }
0x3f: {  	_ =	shalt  }
0x40: {  	_ =	shalt  }
0x41: {  	_ =	shalt  }
0x42: {  	_ =	shalt  }
0x43: {  	_ =	shalt  }
0x44: {  	_ =	shalt  }
0x45: {  	_ =	shalt  }
0x46: {  	_ =	shalt  }
0x47: {  	_ =	shalt  }
0x48: {  	_ =	shalt  }
0x49: {  	_ =	shalt  }
0x4a: {  	_ =	shalt  }
0x4b: {  	_ =	shalt  }
0x4c: {  	_ =	shalt  }
0x4d: {  	_ =	shalt  }
0x4e: {  	_ =	shalt  }
0x4f: {  	_ =	shalt  }
0x50: {  	_ =	shalt  }
0x51: {  	_ =	shalt  }
0x52: {  	_ =	shalt  }
0x53: {  	_ =	shalt  }
0x54: {  	_ =	shalt  }
0x55: {  	_ =	shalt  }
0x56: {  	_ =	shalt  }
0x57: {  	_ =	shalt  }
0x58: {  	_ =	shalt  }
0x59: {  	_ =	shalt  }
0x5a: {  	_ =	shalt  }
0x5b: {  	_ =	shalt  }
0x5c: {  	_ =	shalt  }
0x5d: {  	_ =	shalt  }
0x5e: {  	_ =	shalt  }
0x5f: {  	_ =	shalt  }
0x60: {  	_ =	shalt  }
0x61: {  	_ =	shalt  }
0x62: {  	_ =	shalt  }
0x63: {  	_ =	shalt  }
0x64: {  	_ =	shalt  }
0x65: {  	_ =	shalt  }
0x66: {  	_ =	shalt  }
0x67: {  	_ =	shalt  }
0x68: {  	_ =	shalt  }
0x69: {  	_ =	shalt  }
0x6a: {  	_ =	shalt  }
0x6b: {  	_ =	shalt  }
0x6c: {  	_ =	shalt  }
0x6d: {  	_ =	shalt  }
0x6e: {  	_ =	shalt  }
0x6f: {  	_ =	shalt  }
0x70: {  	_ =	shalt  }
0x71: {  	_ =	shalt  }
0x72: {  	_ =	shalt  }
0x73: {  	_ =	shalt  }
0x74: {  	_ =	shalt  }
0x75: {  	_ =	shalt  }
0x76: {  	_ =	shalt  }
0x77: {  	_ =	shalt  }
0x78: {  	_ =	shalt  }
0x79: {  	_ =	shalt  }
0x7a: {  	_ =	shalt  }
0x7b: {  	_ =	shalt  }
0x7c: {  	_ =	shalt  }
0x7d: {  	_ =	shalt  }
0x7e: {  	_ =	shalt  }
0x7f: {  	_ =	shalt  }
0x80: {  	_ =	shalt  }
0x81: {  	_ =	shalt  }
0x82: {  	_ =	shalt  }
0x83: {  	_ =	shalt  }
0x84: {  	_ =	shalt  }
0x85: {  	_ =	shalt  }
0x86: {  	_ =	shalt  }
0x87: {  	_ =	shalt  }
.Lfunc_end0:
.L_simem_size_0:
called_computation.1_lowered:
.L_overlay_start_0:
0x88: {  	s2 =	sld [smem:$0x3FD9]  }
0x89: {  	s3 =	sld [smem:$0x3FFE];
	_ =	sdelay $0x1  }
0x8a: {  	s1 =	srdreg.scid  }
0x8b: {  	s0 =	sand.u32 $0x1, s1  }
0x8c: {  	s17 =	sshll.u32 s0, $0xA;
	s2 =	sadd.s32 s3, s2  }
0x8d: {  	s2 =	sadd.s32 s2, s17  }
0x8e: {  	[smem:$0x3FC5] =	sst s2  }
0x8f: {  	_ = 	snop  }
0x90: {  	s2 =	sld [smem:$0x3FD0];
	(tm) =	ssettm $0x1  }
0x91: {  	s18 =	sld [smem:$0x3FFB];
	_ =	sdelay $0x3  }
0x92: {  	_ =	strace s18  }
0x93: {  	s3 =	sld [smem:$0x3FFC];
	_ =	sdelay $0x3  }
0x94: {  	_ =	strace s3  }
0x95: {  	s3 =	sld [smem:$0x3FFD];
	_ =	sdelay $0x3  }
0x96: {  	_ =	strace s3  }
0x97: {  	_ =	strace $0x8FFFFFFF  }
0x98: {  	s19 =	sld [smem:$0x3FDB];
	_ =	sdelay $0x1  }
0x99: {  	s4 =	simm.s32 $_scs_section_size  }
0x9a: {  	s5 =	simm.s32 $_size__tile_overlayer_lowered;
	s6 =	simm.s32 $_tile_overlayer_lowered  }
0x9b: {  	s22 =	simm.s32 $0x1BFF;
	s21 =	sshll.u32 s6, $0x1;
	s3 =	sadd.s32 s4, s19  }
0x9c: {  	s7 =	simm.s32 $0x0;
	s20 =	sshll.u32 s5, $0x1;
	s5 =	sadd.s32 s21, s3  }
0x9d: {  	[timem:s7], [sflag:s22] =	dma.local [hbm:s5], s20  }
0x9e: {  	_ =	swait.ge [sflag:s22], s20  }
0x9f: {  	s4 =	ssub.s32 $0x0, s20;
	[sflag:s22] =	ssyncset.done $0x0  }
0xa0: {  	[sflag:s22] =	ssyncadd.s32 s4;
	_ =	sdelay $0x1  }
0xa1: {  	s23 =	simm.s32 $0x1B8B  }
0xa2: {  	_ =	swait.ge [sflag:s23], $0x1  }
0xa3: {  	[sflag:s23] =	ssyncset.done $0x0  }
0xa4: {  	s25 =	simm.s32 $0x1B8E;
	s24 =	sld [smem:$0x3FFE];
	[sflag:s23] =	ssyncadd.s32 $0xFFFFFFFF  }
0xa5: {  	s26 =	simm.s32 $execute0_lowered;
	[smem:$0x3FD2] =	sst s25  }
0xa6: {  	s5 =	sshll.u32 s26, $0x1;
	_ =	strace $0x80000049;
	[dreg:$0x1] =	wrdreg $0xFFFFFFFF  }
0xa7: {  	s28 =	simm.s32 $_size_execute0_lowered;
	s3 =	sadd.s32 s3, s5;
	[dreg:$0x0] =	wrdreg $0x0  }
0xa8: {  	s5 =	sshll.u32 s28, $0x1;
	[dreg:$0x2] =	wrdreg s3  }
0xa9: {  	[dreg:$0x3] =	wrdreg s5  }
0xaa: {  	[dreg:$0x4] =	wrdreg $0xC0  }
0xab: {  	_ =	task [dreg:s7], $0x5FFFF  }
0xac: {  	[dreg:$0x1] =	wrdreg $0xFFFFFFFF  }
0xad: {  	[dreg:$0x0] =	wrdreg $0x60  }
0xae: {  	[dreg:$0x2] =	wrdreg s24  }
0xaf: {  	[dreg:$0x3] =	wrdreg s2  }
0xb0: {  	[dreg:$0x4] =	wrdreg $0x9  }
0xb1: {  	_ =	task.clear_ibuf [dreg:s7], $0x5FFFF;
	_ =	strace $0x90000049  }
0xb2: {  	s29 =	simm.s32 $0x9;
	_ =	strace $0x8000004B  }
0xb3: {  	_ =	swait.ge [sflag:s29], $0x1  }
0xb4: {  	[sflag:s29] =	ssyncadd.s32 $0xFFFFFFFF  }
0xb5: {  	_ =	strace $0x9000004B  }
0xb6: {  	_ =	sfence  }
0xb7: {  	s30 =	sld [smem:$0x0];
	_ =	sdelay $0x2  }
0xb8: {  	s31 =	sshll.u32 s1, $0xD;
	s1 =	sshrl.u32 s1, $0x2  }
0xb9: {  	s3 =	sand.u32 $0x4000, s31;
	s1 =	sadd.s32 s1, s30  }
0xba: {  	s0 =	sor.u32 s3, s0;
	s1 =	sshll.u32 s1, $0x11  }
0xbb: {  	s0 =	sor.u32 s1, s0  }
0xbc: {  	s0 =	sadd.s32 $0x8F2B, s0  }
0xbd: {  	[sflag:s0] =	ssyncadd.remote.s32 $0x1  }
0xbe: {  	_ =	sfence.sel $0xFFFF  }
0xbf: {  	[dreg:$0x0] =	wrdreg $0xFFFFFFFF;
	(pc) =	sbr.abs _section_cstart, $3  }
0xc0: {  	[dreg:$0x1] =	wrdreg $0xFFFFFFFF  }
0xc1: {  	_ =	task.clear_ibuf [dreg:s7], $0x2FFFF;
	_ =	strace $0x9FFFFFFF  }
0xc2: {  	(tm) =	ssettm $0x7FFFFFFF  }
0xc3: {  	_ =	shalt  }
tec
execute0_lowered:
.L_overlay_start_1:
0x0: {  	(tag) =	ssettag $0x1  }
0x1: {  	v0 =	vlaneseq.u32;
	vm0 =	vcmask $0xF00;
	v1 =	vimm.s32 $0x100  }
0x2: {  	v0 =	vshrl.u32 v0, $0x3;
	v1 =	vsel vm0, $0x0, v1  }
0x3: {  	vm1 =	vcmask $0x2F00;
	[tilespmem:$0x1FF40] =	vst v1;
	v1 =	vmul.u32 $0x100, v0;
	v0 =	vimm.s32 $0x300  }
0x4: {  	v2 =	vimm.s32 $0x500;
	v0 =	vsel vm1, $0x200, v0  }
0x5: {  	[tilespmem:$0x1FF60] =	vst v0;
	v0 =	vsel vm0, $0x400, v2  }
0x6: {  	[tilespmem:$0x1FF70] =	vst v0;
	v0 =	vadd.s32 $0x500, v1  }
0x7: {  	v3 =	vadd.s32 $0x100, v1;
	v2 =	vimm.s32 $0x900;
	[tilespmem:$0x1FF80] =	vst v0;
	v0 =	vimm.s32 $0x700  }
0x8: {  	v14 =	vadd.s32 $0x1100, v1;
	v17 =	vadd.s32 $0x1500, v1;
	v0 =	vsel vm1, $0x600, v0  }
0x9: {  	v20 =	vadd.s32 $0x1900, v1;
	v23 =	vadd.s32 $0x1D00, v1;
	[tilespmem:$0x1FF90] =	vst v0;
	v0 =	vsel vm0, $0x800, v2  }
0xa: {  	v26 =	vadd.s32 $0x2100, v1;
	v29 =	vadd.s32 $0x2500, v1;
	[tilespmem:$0x1FFA0] =	vst v0;
	v0 =	vimm.s32 $0xB00  }
0xb: {  	v32 =	vadd.s32 $0x2900, v1;
	v35 =	vadd.s32 $0x2D00, v1;
	[tilespmem:$0x1FF50] =	vst v3;
	v0 =	vsel vm1, $0xA00, v0  }
0xc: {  	v38 =	vadd.s32 $0x3100, v1;
	v3 =	vadd.s32 $0xD00, v1;
	[tilespmem:$0x1FFC0] =	vst v0;
	v0 =	vimm.s32 $0xD00  }
0xd: {  	v4 =	vadd.s32 $0x4100, v1;
	v5 =	vadd.s32 $0x4500, v1;
	[tilespmem:$0x1FFE0] =	vst v3;
	v0 =	vsel vm0, $0xC00, v0  }
0xe: {  	v6 =	vadd.s32 $0x4900, v1;
	v2 =	vadd.s32 $0x900, v1;
	[tilespmem:$0x1FFD0] =	vst v0;
	v0 =	vimm.s32 $0xF00  }
0xf: {  	v7 =	vadd.s32 $0x4D00, v1;
	v8 =	vadd.s32 $0x5100, v1;
	[tilespmem:$0x1FFB0] =	vst v2;
	v0 =	vsel vm1, $0xE00, v0  }
0x10: {  	v3 =	vadd.s32 $0x3D00, v1;
	v2 =	vimm.s32 $0x1100;
	[tilespmem:$0x1FFF0] =	vst v0;
	v0 =	vimm.s32 $0x1300  }
0x11: {  	v13 =	vsel vm0, $0x1000, v2;
	v15 =	vsel vm1, $0x1200, v0;
	v0 =	vimm.s32 $0x1700  }
0x12: {  	v2 =	vimm.s32 $0x1500;
	v18 =	vsel vm1, $0x1600, v0;
	v0 =	vimm.s32 $0x1900  }
0x13: {  	v16 =	vsel vm0, $0x1400, v2;
	v19 =	vsel vm0, $0x1800, v0;
	v0 =	vimm.s32 $0x1B00  }
0x14: {  	v2 =	vimm.s32 $0x1D00;
	v21 =	vsel vm1, $0x1A00, v0;
	v0 =	vimm.s32 $0x1F00  }
0x15: {  	v22 =	vsel vm0, $0x1C00, v2;
	v24 =	vsel vm1, $0x1E00, v0;
	v0 =	vimm.s32 $0x2300  }
0x16: {  	v2 =	vimm.s32 $0x2100;
	v27 =	vsel vm1, $0x2200, v0;
	v0 =	vimm.s32 $0x2500  }
0x17: {  	v25 =	vsel vm0, $0x2000, v2;
	v28 =	vsel vm0, $0x2400, v0;
	v0 =	vimm.s32 $0x2700  }
0x18: {  	v2 =	vimm.s32 $0x2900;
	v30 =	vsel vm1, $0x2600, v0;
	v0 =	vimm.s32 $0x2B00  }
0x19: {  	v31 =	vsel vm0, $0x2800, v2;
	v33 =	vsel vm1, $0x2A00, v0;
	v0 =	vimm.s32 $0x2F00  }
0x1a: {  	v2 =	vimm.s32 $0x2D00;
	v36 =	vsel vm1, $0x2E00, v0;
	v0 =	vimm.s32 $0x3100  }
0x1b: {  	v34 =	vsel vm0, $0x2C00, v2;
	v37 =	vsel vm0, $0x3000, v0;
	v0 =	vimm.s32 $0x3300  }
0x1c: {  	v2 =	vimm.s32 $0x3700;
	v39 =	vsel vm1, $0x3200, v0;
	v0 =	vimm.s32 $0x3500  }
0x1d: {  	v41 =	vsel vm1, $0x3600, v2;
	v40 =	vsel vm0, $0x3400, v0;
	v0 =	vimm.s32 $0x3900  }
0x1e: {  	v2 =	vimm.s32 $0x3D00;
	v42 =	vsel vm0, $0x3800, v0;
	v0 =	vimm.s32 $0x3B00  }
0x1f: {  	v44 =	vsel vm0, $0x3C00, v2;
	v43 =	vsel vm1, $0x3A00, v0;
	v0 =	vimm.s32 $0x3F00  }
0x20: {  	s3 =	rddreg [dreg:$0x0];
	v2 =	vimm.s32 $0x4300;
	v45 =	vsel vm1, $0x3E00, v0;
	v0 =	vimm.s32 $0x4100  }
0x21: {  	s5 =	rddreg [dreg:$0x1];
	v47 =	vsel vm1, $0x4200, v2;
	v46 =	vsel vm0, $0x4000, v0;
	v0 =	vimm.s32 $0x4500  }
0x22: {  	s0 =	rddreg [dreg:$0x2];
	s1 =	stileid.u32;
	v2 =	vimm.s32 $0x4900;
	v48 =	vsel vm0, $0x4400, v0;
	v0 =	vimm.s32 $0x4700  }
0x23: {  	s2 =	simm.s32 $0x0;
	s4 =	srdreg.scid;
	s6 =	smul.u32 $0x1900, s1;
	v50 =	vsel vm0, $0x4800, v2;
	v49 =	vsel vm1, $0x4600, v0;
	v0 =	vimm.s32 $0x4B00  }
0x24: {  	s12 =	simm.s32 $0x7400;
	s4 =	sand.u32 $0x1, s4;
	s7 =	smul.u32 $0x1F4, s1;
	v2 =	vimm.s32 $0x4F00;
	v51 =	vsel vm1, $0x4A00, v0;
	v0 =	vimm.s32 $0x4D00  }
0x25: {  	s13 =	simm.s32 $0x1;
	s14 =	simm.s32 $0x0;
	s10 =	smul.u32 $0xFA, s4;
	v53 =	vsel vm1, $0x4E00, v2;
	v52 =	vsel vm0, $0x4C00, v0;
	v0 =	vimm.s32 $0x5100  }
0x26: {  	[smem:$0x7FF] =	sst s2;
	s8 =	ssub.s32 $0x2, s4;
	s30 =	smul.u32 $0xC80, s4;
	v2 =	vimm.s32 $0x5500;
	v54 =	vsel vm0, $0x5000, v0;
	v0 =	vimm.s32 $0x5300  }
0x27: {  	s6 =	sadd.s32 s6, s3;
	s9 =	sshrl.u32 s8, $0x1;
	s11 =	sadd.s32 s7, s3;
	v56 =	vsel vm0, $0x5400, v2;
	v55 =	vsel vm1, $0x5200, v0;
	v0 =	vimm.s32 $0x5700  }
.Ltmp0:
0x28: {  	s3 =	sshll.u32 s1, $0x1;
	s7 =	sadd.s32 s7, s5;
	v2 =	vimm.s32 $0x5B00;
	v57 =	vsel vm1, $0x5600, v0;
	v0 =	vimm.s32 $0x5900;
	(pc) =	sbr.rel .LBB2_1-.Ltmp0, $4  }
0x29: {  	s8 =	ssub.s32 s8, s9;
	s31 =	sadd.s32 s10, s11;
	s9 =	sadd.s32 s30, s6;
	v59 =	vsel vm1, $0x5A00, v2;
	v58 =	vsel vm0, $0x5800, v0;
	v0 =	vimm.s32 $0x5D00  }
0x2a: {  	s6 =	sadd.s32 s10, s7;
	s10 =	simm.s32 $0x6400;
	s5 =	sadd.s32 $0x495400, s31;
	v2 =	vimm.s32 $0x6100;
	v60 =	vsel vm0, $0x5C00, v0;
	v0 =	vimm.s32 $0x5F00  }
0x2b: {  	s11 =	simm.s32 $0x6C00;
	s4 =	smax.u32 s8, $0x1;
	s7 =	sadd.s32 $0x30EA00, s31;
	v62 =	vsel vm0, $0x6000, v2;
	v61 =	vsel vm1, $0x5E00, v0;
	v0 =	vimm.s32 $0x6300  }
0x2c: {  	s8 =	sadd.s32 $0x1600, s9;
	s9 =	simm.s32 $0x2;
	_ =	strace $0x8000004A;
	v2 =	vadd.s32 $0x3900, v1;
	v63 =	vsel vm1, $0x6200, v0;
	v0 =	vadd.s32 $0x3500, v1  }
.LBB2_5:
0x2d: {  	s14 =	sadd.s32 $0x1, s14  }
0x2e: {  	p0 =	sne.s32 s14, s4  }
.Ltmp1:
0x2f: {  	_ = 	snop;
	(pc) =	sbr.rel @!p0 .LBB2_6-.Ltmp1, $1  }
0x30: {  	_ =	sdelay $0x3  }
.LBB2_1:
.Ltmp2:
0x31: {  	(pc) =	sbr.rel .LBB2_2-.Ltmp2, $2  }
0x32: {  	_ =	sdelay $0x2  }
0x33: {  	s15 =	smov.u32 s3;
	s16 =	smov.u32 s8;
	s17 =	simm.s32 $0x0  }
.LBB2_4:
0x34: {  	s17 =	sadd.s32 $0x1F40, s17  }
0x35: {  	p0 =	sne.s32 s17, $0x3E800  }
.Ltmp3:
0x36: {  	_ = 	snop;
	(pc) =	sbr.rel @!p0 .LBB2_5-.Ltmp3, $2  }
0x37: {  	_ =	sdelay $0x2  }
0x38: {  	s16 =	sadd.s32 $0x19000, s16;
	s15 =	sadd.s32 $0x20, s15  }
.LBB2_2:
0x39: {  	p0 =	sgt.u32 s15, $0x3E7  }
.Ltmp4:
0x3a: {  	_ = 	snop;
	(pc) =	sbr.rel @p0 .LBB2_4-.Ltmp4, $1  }
0x3b: {  	_ =	sdelay $0x3  }
0x3c: {  	[tilespmem:s2], [sflag:$0x2] =	stream.linear.gather [hbm4b:s16+s2], $0x6400, $0x38;
	[tilespmem:$0x7C00] =	vst v63  }
0x3d: {  	_ =	swait.ge [sflag:s9], $0x6400  }
0x3e: {  	[sflag:s9] =	ssyncset.done $0x0  }
0x3f: {  	s18 =	sadd.s32 s17, s6;
	[sflag:s9] =	ssyncadd.s32 $0xFFFF9C00  }
0x40: {  	[tilespmem:s10], [sflag:$0x2] =	stream.linear.gather [hbm4b:s18+s2], $0x7D0, $0x38;
	[tilespmem:$0x7C00] =	vst v63  }
0x41: {  	_ =	swait.ge [sflag:s9], $0x7D0  }
0x42: {  	[sflag:s9] =	ssyncset.done $0x0  }
0x43: {  	s30 =	sadd.s32 s17, s5;
	[sflag:s9] =	ssyncadd.s32 $0xFFFFF830  }
0x44: {  	[tilespmem:s11], [sflag:$0x2] =	stream.linear.gather [hbm4b:s30+s2], $0x7D0, $0x38;
	[tilespmem:$0x7C00] =	vst v63  }
0x45: {  	_ =	swait.ge [sflag:s9], $0x7D0  }
0x46: {  	[sflag:s9] =	ssyncset.done $0x0  }
0x47: {  	[sflag:s9] =	ssyncadd.s32 $0xFFFFF830  }
0x48: {  	v9 =	vld [tilespmem:$0x6400]  }
0x49: {  	v10 =	vld [tilespmem:$0x6C00];
	_ =	sdelay $0x3  }
0x4a: {  	v9 =	vshll.u32 v9, $0x4  }
0x4b: {  	v9 =	vadd.s32 v10, v9;
	_ =	sdelay $0x4  }
0x4c: {  	v9 =	vld.idx.msk [tilespmem:v9+s2+$0x0], $0xffff;
	_ =	sdelay $0x4  }
0x4d: {  	[tilespmem:$0x7400] =	vst v9;
	v9 =	vld [tilespmem:$0x6410]  }
0x4e: {  	v10 =	vld [tilespmem:$0x6C10]  }
0x4f: {  	v11 =	vld [tilespmem:$0x1FF40];
	_ =	sdelay $0x2  }
0x50: {  	v9 =	vshll.u32 v9, $0x4  }
0x51: {  	v9 =	vadd.s32 v10, v9;
	v10 =	vld [tilespmem:$0x6420]  }
0x52: {  	v9 =	vadd.s32 v11, v9;
	v11 =	vld [tilespmem:$0x6C20];
	_ =	sdelay $0x3  }
0x53: {  	v10 =	vshll.u32 v10, $0x4  }
0x54: {  	v10 =	vadd.s32 v11, v10;
	v11 =	vld [tilespmem:$0x1FF50];
	_ =	sdelay $0x3  }
0x55: {  	v9 =	vld.idx.msk [tilespmem:v9+s2+$0x0], $0xffff  }
0x56: {  	v10 =	vadd.s32 v11, v10  }
0x57: {  	v11 =	vld [tilespmem:$0x6430]  }
0x58: {  	v12 =	vld [tilespmem:$0x6C30];
	_ =	sdelay $0x1  }
0x59: {  	[tilespmem:$0x7410] =	vst v9  }
0x5a: {  	v9 =	vld.idx.msk [tilespmem:v10+s2+$0x0], $0xffff  }
0x5b: {  	v10 =	vshll.u32 v11, $0x4;
	v11 =	vld [tilespmem:$0x6440]  }
0x5c: {  	v10 =	vadd.s32 v12, v10;
	v12 =	vld [tilespmem:$0x1FF60];
	_ =	sdelay $0x4  }
0x5d: {  	v10 =	vadd.s32 v12, v10;
	v12 =	vld [tilespmem:$0x6C40];
	_ =	sdelay $0x3  }
0x5e: {  	[tilespmem:$0x7420] =	vst v9;
	v9 =	vshll.u32 v11, $0x4;
	v11 =	vld [tilespmem:$0x6450]  }
0x5f: {  	v10 =	vld.idx.msk [tilespmem:v10+s2+$0x0], $0xffff;
	v9 =	vadd.s32 v12, v9  }
0x60: {  	v9 =	vadd.s32 $0x300, v9;
	_ =	sdelay $0x2  }
0x61: {  	v12 =	vld [tilespmem:$0x6C50]  }
0x62: {  	[tilespmem:$0x7430] =	vst v10;
	v10 =	vshll.u32 v11, $0x4;
	v11 =	vld [tilespmem:$0x6460]  }
0x63: {  	v9 =	vld.idx.msk [tilespmem:v9+s2+$0x0], $0xffff;
	_ =	sdelay $0x2  }
0x64: {  	v10 =	vadd.s32 v12, v10  }
0x65: {  	v12 =	vld [tilespmem:$0x6C60];
	v10 =	vadd.s32 $0x400, v10  }
0x66: {  	[tilespmem:$0x7440] =	vst v9;
	v9 =	vshll.u32 v11, $0x4;
	v11 =	vld [tilespmem:$0x1FF70];
	_ =	sdelay $0x3  }
0x67: {  	v10 =	vld.idx.msk [tilespmem:v10+s2+$0x0], $0xffff;
	v9 =	vadd.s32 v12, v9  }
0x68: {  	v9 =	vadd.s32 v11, v9;
	v11 =	vld [tilespmem:$0x6470]  }
0x69: {  	v12 =	vld [tilespmem:$0x6C70];
	_ =	sdelay $0x2  }
0x6a: {  	[tilespmem:$0x7450] =	vst v10  }
0x6b: {  	v9 =	vld.idx.msk [tilespmem:v9+s2+$0x0], $0xffff;
	v10 =	vshll.u32 v11, $0x4  }
0x6c: {  	v10 =	vadd.s32 v12, v10;
	v12 =	vld [tilespmem:$0x1FF80]  }
0x6d: {  	v11 =	vld [tilespmem:$0x6480];
	_ =	sdelay $0x3  }
0x6e: {  	v10 =	vadd.s32 v12, v10;
	v12 =	vld [tilespmem:$0x6C80]  }
0x6f: {  	[tilespmem:$0x7460] =	vst v9;
	v9 =	vshll.u32 v11, $0x4;
	v11 =	vld [tilespmem:$0x1FF90];
	_ =	sdelay $0x3  }
0x70: {  	v10 =	vld.idx.msk [tilespmem:v10+s2+$0x0], $0xffff;
	v9 =	vadd.s32 v12, v9  }
0x71: {  	v9 =	vadd.s32 v11, v9;
	v11 =	vld [tilespmem:$0x6490]  }
0x72: {  	v12 =	vld [tilespmem:$0x6C90];
	_ =	sdelay $0x2  }
0x73: {  	[tilespmem:$0x7470] =	vst v10  }
0x74: {  	v9 =	vld.idx.msk [tilespmem:v9+s2+$0x0], $0xffff;
	v10 =	vshll.u32 v11, $0x4  }
0x75: {  	v11 =	vld [tilespmem:$0x64A0];
	v10 =	vadd.s32 v12, v10  }
0x76: {  	v10 =	vadd.s32 $0x700, v10  }
0x77: {  	v12 =	vld [tilespmem:$0x6CA0];
	_ =	sdelay $0x2  }
0x78: {  	[tilespmem:$0x7480] =	vst v9;
	v9 =	vshll.u32 v11, $0x4;
	v11 =	vld [tilespmem:$0x64B0]  }
0x79: {  	v10 =	vld.idx.msk [tilespmem:v10+s2+$0x0], $0xffff  }
0x7a: {  	v9 =	vadd.s32 v12, v9;
	v12 =	vld [tilespmem:$0x6CB0]  }
0x7b: {  	v9 =	vadd.s32 $0x800, v9;
	_ =	sdelay $0x2  }
0x7c: {  	[tilespmem:$0x7490] =	vst v10;
	v10 =	vshll.u32 v11, $0x4;
	v11 =	vld [tilespmem:$0x64C0]  }
0x7d: {  	v10 =	vadd.s32 v12, v10;
	v12 =	vld [tilespmem:$0x1FFA0]  }
0x7e: {  	v9 =	vld.idx.msk [tilespmem:v9+s2+$0x0], $0xffff;
	_ =	sdelay $0x3  }
0x7f: {  	v10 =	vadd.s32 v12, v10;
	v12 =	vld [tilespmem:$0x6CC0]  }
0x80: {  	[tilespmem:$0x74A0] =	vst v9;
	v9 =	vshll.u32 v11, $0x4;
	v11 =	vld [tilespmem:$0x1FFB0];
	_ =	sdelay $0x3  }
0x81: {  	v10 =	vld.idx.msk [tilespmem:v10+s2+$0x0], $0xffff;
	v9 =	vadd.s32 v12, v9  }
0x82: {  	v9 =	vadd.s32 v11, v9;
	v11 =	vld [tilespmem:$0x64D0]  }
0x83: {  	v12 =	vld [tilespmem:$0x6CD0];
	_ =	sdelay $0x3  }
0x84: {  	[tilespmem:$0x74B0] =	vst v10;
	v10 =	vshll.u32 v11, $0x4  }
0x85: {  	v10 =	vadd.s32 v12, v10;
	v12 =	vld [tilespmem:$0x1FFC0];
	_ =	sdelay $0x2  }
0x86: {  	v9 =	vld.idx.msk [tilespmem:v9+s2+$0x0], $0xffff  }
0x87: {  	v11 =	vld [tilespmem:$0x64E0]  }
0x88: {  	v10 =	vadd.s32 v12, v10;
	v12 =	vld [tilespmem:$0x6CE0];
	_ =	sdelay $0x3  }
0x89: {  	[tilespmem:$0x74C0] =	vst v9;
	v9 =	vshll.u32 v11, $0x4;
	v11 =	vld [tilespmem:$0x64F0]  }
0x8a: {  	v10 =	vld.idx.msk [tilespmem:v10+s2+$0x0], $0xffff;
	v9 =	vadd.s32 v12, v9  }
0x8b: {  	v9 =	vadd.s32 $0xB00, v9;
	_ =	sdelay $0x2  }
0x8c: {  	v12 =	vld [tilespmem:$0x6CF0]  }
0x8d: {  	[tilespmem:$0x74D0] =	vst v10;
	v10 =	vshll.u32 v11, $0x4;
	v11 =	vld [tilespmem:$0x6500]  }
0x8e: {  	v9 =	vld.idx.msk [tilespmem:v9+s2+$0x0], $0xffff;
	_ =	sdelay $0x2  }
0x8f: {  	v10 =	vadd.s32 v12, v10  }
0x90: {  	v12 =	vld [tilespmem:$0x6D00];
	v10 =	vadd.s32 $0xC00, v10  }
0x91: {  	[tilespmem:$0x74E0] =	vst v9;
	v9 =	vshll.u32 v11, $0x4;
	v11 =	vld [tilespmem:$0x1FFD0];
	_ =	sdelay $0x3  }
0x92: {  	v10 =	vld.idx.msk [tilespmem:v10+s2+$0x0], $0xffff;
	v9 =	vadd.s32 v12, v9  }
0x93: {  	v9 =	vadd.s32 v11, v9;
	v11 =	vld [tilespmem:$0x6510]  }
0x94: {  	v12 =	vld [tilespmem:$0x6D10];
	_ =	sdelay $0x2  }
0x95: {  	[tilespmem:$0x74F0] =	vst v10  }
0x96: {  	v9 =	vld.idx.msk [tilespmem:v9+s2+$0x0], $0xffff;
	v10 =	vshll.u32 v11, $0x4  }
0x97: {  	v10 =	vadd.s32 v12, v10;
	v12 =	vld [tilespmem:$0x1FFE0]  }
0x98: {  	v11 =	vld [tilespmem:$0x6520];
	_ =	sdelay $0x3  }
0x99: {  	v10 =	vadd.s32 v12, v10;
	v12 =	vld [tilespmem:$0x6D20]  }
0x9a: {  	[tilespmem:$0x7500] =	vst v9;
	v9 =	vshll.u32 v11, $0x4;
	v11 =	vld [tilespmem:$0x1FFF0];
	_ =	sdelay $0x3  }
0x9b: {  	v10 =	vld.idx.msk [tilespmem:v10+s2+$0x0], $0xffff;
	v9 =	vadd.s32 v12, v9  }
0x9c: {  	v9 =	vadd.s32 v11, v9;
	v11 =	vld [tilespmem:$0x6530]  }
0x9d: {  	v12 =	vld [tilespmem:$0x6D30];
	_ =	sdelay $0x2  }
0x9e: {  	[tilespmem:$0x7510] =	vst v10  }
0x9f: {  	v9 =	vld.idx.msk [tilespmem:v9+s2+$0x0], $0xffff;
	v10 =	vshll.u32 v11, $0x4  }
0xa0: {  	v11 =	vld [tilespmem:$0x6540];
	v10 =	vadd.s32 v12, v10  }
0xa1: {  	v12 =	vld [tilespmem:$0x6D40];
	v10 =	vadd.s32 $0xF00, v10;
	_ =	sdelay $0x3  }
0xa2: {  	[tilespmem:$0x7520] =	vst v9;
	v9 =	vshll.u32 v11, $0x4;
	v11 =	vld [tilespmem:$0x6550]  }
0xa3: {  	v9 =	vadd.s32 v12, v9;
	v10 =	vld.idx.msk [tilespmem:v10+s2+$0x0], $0xffff  }
0xa4: {  	v12 =	vld [tilespmem:$0x6D50];
	v9 =	vadd.s32 $0x1000, v9;
	_ =	sdelay $0x3  }
0xa5: {  	[tilespmem:$0x7530] =	vst v10;
	v10 =	vshll.u32 v11, $0x4;
	v11 =	vld [tilespmem:$0x6560]  }
0xa6: {  	v9 =	vld.idx.msk [tilespmem:v9+s2+$0x0], $0xffff;
	v10 =	vadd.s32 v12, v10  }
0xa7: {  	v12 =	vld [tilespmem:$0x6D60];
	v10 =	vadd.s32 v13, v10;
	_ =	sdelay $0x3  }
0xa8: {  	[tilespmem:$0x7540] =	vst v9;
	v9 =	vshll.u32 v11, $0x4;
	v11 =	vld [tilespmem:$0x6570]  }
0xa9: {  	v10 =	vld.idx.msk [tilespmem:v10+s2+$0x0], $0xffff;
	v9 =	vadd.s32 v12, v9  }
0xaa: {  	v12 =	vld [tilespmem:$0x6D70];
	v9 =	vadd.s32 v14, v9;
	_ =	sdelay $0x3  }
0xab: {  	[tilespmem:$0x7550] =	vst v10;
	v10 =	vshll.u32 v11, $0x4;
	v11 =	vld [tilespmem:$0x6580]  }
0xac: {  	v9 =	vld.idx.msk [tilespmem:v9+s2+$0x0], $0xffff;
	v10 =	vadd.s32 v12, v10  }
0xad: {  	v12 =	vld [tilespmem:$0x6D80];
	v10 =	vadd.s32 v15, v10;
	_ =	sdelay $0x3  }
0xae: {  	[tilespmem:$0x7560] =	vst v9;
	v9 =	vshll.u32 v11, $0x4;
	v11 =	vld [tilespmem:$0x6590]  }
0xaf: {  	v10 =	vld.idx.msk [tilespmem:v10+s2+$0x0], $0xffff;
	v9 =	vadd.s32 v12, v9  }
0xb0: {  	v12 =	vld [tilespmem:$0x6D90];
	v9 =	vadd.s32 $0x1300, v9;
	_ =	sdelay $0x3  }
0xb1: {  	[tilespmem:$0x7570] =	vst v10;
	v10 =	vshll.u32 v11, $0x4;
	v11 =	vld [tilespmem:$0x65A0]  }
0xb2: {  	v9 =	vld.idx.msk [tilespmem:v9+s2+$0x0], $0xffff;
	v10 =	vadd.s32 v12, v10  }
0xb3: {  	v12 =	vld [tilespmem:$0x6DA0];
	v10 =	vadd.s32 $0x1400, v10;
	_ =	sdelay $0x3  }
0xb4: {  	[tilespmem:$0x7580] =	vst v9;
	v9 =	vshll.u32 v11, $0x4;
	v11 =	vld [tilespmem:$0x65B0]  }
0xb5: {  	v10 =	vld.idx.msk [tilespmem:v10+s2+$0x0], $0xffff;
	v9 =	vadd.s32 v12, v9  }
0xb6: {  	v12 =	vld [tilespmem:$0x6DB0];
	v9 =	vadd.s32 v16, v9;
	_ =	sdelay $0x3  }
0xb7: {  	[tilespmem:$0x7590] =	vst v10;
	v10 =	vshll.u32 v11, $0x4;
	v11 =	vld [tilespmem:$0x65C0]  }
0xb8: {  	v9 =	vld.idx.msk [tilespmem:v9+s2+$0x0], $0xffff;
	v10 =	vadd.s32 v12, v10  }
0xb9: {  	v12 =	vld [tilespmem:$0x6DC0];
	v10 =	vadd.s32 v17, v10;
	_ =	sdelay $0x3  }
0xba: {  	[tilespmem:$0x75A0] =	vst v9;
	v9 =	vshll.u32 v11, $0x4;
	v11 =	vld [tilespmem:$0x65D0]  }
0xbb: {  	v10 =	vld.idx.msk [tilespmem:v10+s2+$0x0], $0xffff;
	v9 =	vadd.s32 v12, v9  }
0xbc: {  	v12 =	vld [tilespmem:$0x6DD0];
	v9 =	vadd.s32 v18, v9;
	_ =	sdelay $0x3  }
0xbd: {  	[tilespmem:$0x75B0] =	vst v10;
	v10 =	vshll.u32 v11, $0x4;
	v11 =	vld [tilespmem:$0x65E0]  }
0xbe: {  	v9 =	vld.idx.msk [tilespmem:v9+s2+$0x0], $0xffff;
	v10 =	vadd.s32 v12, v10  }
0xbf: {  	v12 =	vld [tilespmem:$0x6DE0];
	v10 =	vadd.s32 $0x1700, v10;
	_ =	sdelay $0x3  }
0xc0: {  	[tilespmem:$0x75C0] =	vst v9;
	v9 =	vshll.u32 v11, $0x4;
	v11 =	vld [tilespmem:$0x65F0]  }
0xc1: {  	v10 =	vld.idx.msk [tilespmem:v10+s2+$0x0], $0xffff;
	v9 =	vadd.s32 v12, v9  }
0xc2: {  	v12 =	vld [tilespmem:$0x6DF0];
	v9 =	vadd.s32 $0x1800, v9;
	_ =	sdelay $0x3  }
0xc3: {  	[tilespmem:$0x75D0] =	vst v10;
	v10 =	vshll.u32 v11, $0x4;
	v11 =	vld [tilespmem:$0x6600]  }
0xc4: {  	v9 =	vld.idx.msk [tilespmem:v9+s2+$0x0], $0xffff;
	v10 =	vadd.s32 v12, v10  }
0xc5: {  	v12 =	vld [tilespmem:$0x6E00];
	v10 =	vadd.s32 v19, v10;
	_ =	sdelay $0x3  }
0xc6: {  	[tilespmem:$0x75E0] =	vst v9;
	v9 =	vshll.u32 v11, $0x4;
	v11 =	vld [tilespmem:$0x6610]  }
0xc7: {  	v10 =	vld.idx.msk [tilespmem:v10+s2+$0x0], $0xffff;
	v9 =	vadd.s32 v12, v9  }
0xc8: {  	v12 =	vld [tilespmem:$0x6E10];
	v9 =	vadd.s32 v20, v9;
	_ =	sdelay $0x3  }
0xc9: {  	[tilespmem:$0x75F0] =	vst v10;
	v10 =	vshll.u32 v11, $0x4;
	v11 =	vld [tilespmem:$0x6620]  }
0xca: {  	v9 =	vld.idx.msk [tilespmem:v9+s2+$0x0], $0xffff;
	v10 =	vadd.s32 v12, v10  }
0xcb: {  	v12 =	vld [tilespmem:$0x6E20];
	v10 =	vadd.s32 v21, v10;
	_ =	sdelay $0x3  }
0xcc: {  	[tilespmem:$0x7600] =	vst v9;
	v9 =	vshll.u32 v11, $0x4;
	v11 =	vld [tilespmem:$0x6630]  }
0xcd: {  	v10 =	vld.idx.msk [tilespmem:v10+s2+$0x0], $0xffff;
	v9 =	vadd.s32 v12, v9  }
0xce: {  	v12 =	vld [tilespmem:$0x6E30];
	v9 =	vadd.s32 $0x1B00, v9;
	_ =	sdelay $0x3  }
0xcf: {  	[tilespmem:$0x7610] =	vst v10;
	v10 =	vshll.u32 v11, $0x4;
	v11 =	vld [tilespmem:$0x6640]  }
0xd0: {  	v9 =	vld.idx.msk [tilespmem:v9+s2+$0x0], $0xffff;
	v10 =	vadd.s32 v12, v10  }
0xd1: {  	v12 =	vld [tilespmem:$0x6E40];
	v10 =	vadd.s32 $0x1C00, v10;
	_ =	sdelay $0x3  }
0xd2: {  	[tilespmem:$0x7620] =	vst v9;
	v9 =	vshll.u32 v11, $0x4;
	v11 =	vld [tilespmem:$0x6650]  }
0xd3: {  	v10 =	vld.idx.msk [tilespmem:v10+s2+$0x0], $0xffff;
	v9 =	vadd.s32 v12, v9  }
0xd4: {  	v12 =	vld [tilespmem:$0x6E50];
	v9 =	vadd.s32 v22, v9;
	_ =	sdelay $0x3  }
0xd5: {  	[tilespmem:$0x7630] =	vst v10;
	v10 =	vshll.u32 v11, $0x4;
	v11 =	vld [tilespmem:$0x6660]  }
0xd6: {  	v9 =	vld.idx.msk [tilespmem:v9+s2+$0x0], $0xffff;
	v10 =	vadd.s32 v12, v10  }
0xd7: {  	v12 =	vld [tilespmem:$0x6E60];
	v10 =	vadd.s32 v23, v10;
	_ =	sdelay $0x3  }
0xd8: {  	[tilespmem:$0x7640] =	vst v9;
	v9 =	vshll.u32 v11, $0x4;
	v11 =	vld [tilespmem:$0x6670]  }
0xd9: {  	v10 =	vld.idx.msk [tilespmem:v10+s2+$0x0], $0xffff;
	v9 =	vadd.s32 v12, v9  }
0xda: {  	v12 =	vld [tilespmem:$0x6E70];
	v9 =	vadd.s32 v24, v9;
	_ =	sdelay $0x3  }
0xdb: {  	[tilespmem:$0x7650] =	vst v10;
	v10 =	vshll.u32 v11, $0x4;
	v11 =	vld [tilespmem:$0x6680]  }
0xdc: {  	v9 =	vld.idx.msk [tilespmem:v9+s2+$0x0], $0xffff;
	v10 =	vadd.s32 v12, v10  }
0xdd: {  	v12 =	vld [tilespmem:$0x6E80];
	v10 =	vadd.s32 $0x1F00, v10;
	_ =	sdelay $0x3  }
0xde: {  	[tilespmem:$0x7660] =	vst v9;
	v9 =	vshll.u32 v11, $0x4;
	v11 =	vld [tilespmem:$0x6690]  }
0xdf: {  	v10 =	vld.idx.msk [tilespmem:v10+s2+$0x0], $0xffff;
	v9 =	vadd.s32 v12, v9  }
0xe0: {  	v12 =	vld [tilespmem:$0x6E90];
	v9 =	vadd.s32 $0x2000, v9;
	_ =	sdelay $0x3  }
0xe1: {  	[tilespmem:$0x7670] =	vst v10;
	v10 =	vshll.u32 v11, $0x4;
	v11 =	vld [tilespmem:$0x66A0]  }
0xe2: {  	v9 =	vld.idx.msk [tilespmem:v9+s2+$0x0], $0xffff;
	v10 =	vadd.s32 v12, v10  }
0xe3: {  	v12 =	vld [tilespmem:$0x6EA0];
	v10 =	vadd.s32 v25, v10;
	_ =	sdelay $0x3  }
0xe4: {  	[tilespmem:$0x7680] =	vst v9;
	v9 =	vshll.u32 v11, $0x4;
	v11 =	vld [tilespmem:$0x66B0]  }
0xe5: {  	v10 =	vld.idx.msk [tilespmem:v10+s2+$0x0], $0xffff;
	v9 =	vadd.s32 v12, v9  }
0xe6: {  	v12 =	vld [tilespmem:$0x6EB0];
	v9 =	vadd.s32 v26, v9;
	_ =	sdelay $0x3  }
0xe7: {  	[tilespmem:$0x7690] =	vst v10;
	v10 =	vshll.u32 v11, $0x4;
	v11 =	vld [tilespmem:$0x66C0]  }
0xe8: {  	v9 =	vld.idx.msk [tilespmem:v9+s2+$0x0], $0xffff;
	v10 =	vadd.s32 v12, v10  }
0xe9: {  	v12 =	vld [tilespmem:$0x6EC0];
	v10 =	vadd.s32 v27, v10;
	_ =	sdelay $0x3  }
0xea: {  	[tilespmem:$0x76A0] =	vst v9;
	v9 =	vshll.u32 v11, $0x4;
	v11 =	vld [tilespmem:$0x66D0]  }
0xeb: {  	v10 =	vld.idx.msk [tilespmem:v10+s2+$0x0], $0xffff;
	v9 =	vadd.s32 v12, v9  }
0xec: {  	v12 =	vld [tilespmem:$0x6ED0];
	v9 =	vadd.s32 $0x2300, v9;
	_ =	sdelay $0x3  }
0xed: {  	[tilespmem:$0x76B0] =	vst v10;
	v10 =	vshll.u32 v11, $0x4;
	v11 =	vld [tilespmem:$0x66E0]  }
0xee: {  	v9 =	vld.idx.msk [tilespmem:v9+s2+$0x0], $0xffff;
	v10 =	vadd.s32 v12, v10  }
0xef: {  	v12 =	vld [tilespmem:$0x6EE0];
	v10 =	vadd.s32 $0x2400, v10;
	_ =	sdelay $0x3  }
0xf0: {  	[tilespmem:$0x76C0] =	vst v9;
	v9 =	vshll.u32 v11, $0x4;
	v11 =	vld [tilespmem:$0x66F0]  }
0xf1: {  	v10 =	vld.idx.msk [tilespmem:v10+s2+$0x0], $0xffff;
	v9 =	vadd.s32 v12, v9  }
0xf2: {  	v12 =	vld [tilespmem:$0x6EF0];
	v9 =	vadd.s32 v28, v9;
	_ =	sdelay $0x3  }
0xf3: {  	[tilespmem:$0x76D0] =	vst v10;
	v10 =	vshll.u32 v11, $0x4;
	v11 =	vld [tilespmem:$0x6700]  }
0xf4: {  	v9 =	vld.idx.msk [tilespmem:v9+s2+$0x0], $0xffff;
	v10 =	vadd.s32 v12, v10  }
0xf5: {  	v12 =	vld [tilespmem:$0x6F00];
	v10 =	vadd.s32 v29, v10;
	_ =	sdelay $0x3  }
0xf6: {  	[tilespmem:$0x76E0] =	vst v9;
	v9 =	vshll.u32 v11, $0x4;
	v11 =	vld [tilespmem:$0x6710]  }
0xf7: {  	v10 =	vld.idx.msk [tilespmem:v10+s2+$0x0], $0xffff;
	v9 =	vadd.s32 v12, v9  }
0xf8: {  	v12 =	vld [tilespmem:$0x6F10];
	v9 =	vadd.s32 v30, v9;
	_ =	sdelay $0x3  }
0xf9: {  	[tilespmem:$0x76F0] =	vst v10;
	v10 =	vshll.u32 v11, $0x4;
	v11 =	vld [tilespmem:$0x6720]  }
0xfa: {  	v9 =	vld.idx.msk [tilespmem:v9+s2+$0x0], $0xffff;
	v10 =	vadd.s32 v12, v10  }
0xfb: {  	v12 =	vld [tilespmem:$0x6F20];
	v10 =	vadd.s32 $0x2700, v10;
	_ =	sdelay $0x3  }
0xfc: {  	[tilespmem:$0x7700] =	vst v9;
	v9 =	vshll.u32 v11, $0x4;
	v11 =	vld [tilespmem:$0x6730]  }
0xfd: {  	v10 =	vld.idx.msk [tilespmem:v10+s2+$0x0], $0xffff;
	v9 =	vadd.s32 v12, v9  }
0xfe: {  	v12 =	vld [tilespmem:$0x6F30];
	v9 =	vadd.s32 $0x2800, v9;
	_ =	sdelay $0x3  }
0xff: {  	[tilespmem:$0x7710] =	vst v10;
	v10 =	vshll.u32 v11, $0x4;
	v11 =	vld [tilespmem:$0x6740]  }
0x100: {  	v9 =	vld.idx.msk [tilespmem:v9+s2+$0x0], $0xffff;
	v10 =	vadd.s32 v12, v10  }
0x101: {  	v12 =	vld [tilespmem:$0x6F40];
	v10 =	vadd.s32 v31, v10;
	_ =	sdelay $0x3  }
0x102: {  	[tilespmem:$0x7720] =	vst v9;
	v9 =	vshll.u32 v11, $0x4;
	v11 =	vld [tilespmem:$0x6750]  }
0x103: {  	v10 =	vld.idx.msk [tilespmem:v10+s2+$0x0], $0xffff;
	v9 =	vadd.s32 v12, v9  }
0x104: {  	v12 =	vld [tilespmem:$0x6F50];
	v9 =	vadd.s32 v32, v9;
	_ =	sdelay $0x3  }
0x105: {  	[tilespmem:$0x7730] =	vst v10;
	v10 =	vshll.u32 v11, $0x4;
	v11 =	vld [tilespmem:$0x6760]  }
0x106: {  	v9 =	vld.idx.msk [tilespmem:v9+s2+$0x0], $0xffff;
	v10 =	vadd.s32 v12, v10  }
0x107: {  	v12 =	vld [tilespmem:$0x6F60];
	v10 =	vadd.s32 v33, v10;
	_ =	sdelay $0x3  }
0x108: {  	[tilespmem:$0x7740] =	vst v9;
	v9 =	vshll.u32 v11, $0x4;
	v11 =	vld [tilespmem:$0x6770]  }
0x109: {  	v10 =	vld.idx.msk [tilespmem:v10+s2+$0x0], $0xffff;
	v9 =	vadd.s32 v12, v9  }
0x10a: {  	v12 =	vld [tilespmem:$0x6F70];
	v9 =	vadd.s32 $0x2B00, v9;
	_ =	sdelay $0x3  }
0x10b: {  	[tilespmem:$0x7750] =	vst v10;
	v10 =	vshll.u32 v11, $0x4;
	v11 =	vld [tilespmem:$0x6780]  }
0x10c: {  	v9 =	vld.idx.msk [tilespmem:v9+s2+$0x0], $0xffff;
	v10 =	vadd.s32 v12, v10  }
0x10d: {  	v12 =	vld [tilespmem:$0x6F80];
	v10 =	vadd.s32 $0x2C00, v10;
	_ =	sdelay $0x3  }
0x10e: {  	[tilespmem:$0x7760] =	vst v9;
	v9 =	vshll.u32 v11, $0x4;
	v11 =	vld [tilespmem:$0x6790]  }
0x10f: {  	v10 =	vld.idx.msk [tilespmem:v10+s2+$0x0], $0xffff;
	v9 =	vadd.s32 v12, v9  }
0x110: {  	v12 =	vld [tilespmem:$0x6F90];
	v9 =	vadd.s32 v34, v9;
	_ =	sdelay $0x3  }
0x111: {  	[tilespmem:$0x7770] =	vst v10;
	v10 =	vshll.u32 v11, $0x4;
	v11 =	vld [tilespmem:$0x67A0]  }
0x112: {  	v9 =	vld.idx.msk [tilespmem:v9+s2+$0x0], $0xffff;
	v10 =	vadd.s32 v12, v10  }
0x113: {  	v12 =	vld [tilespmem:$0x6FA0];
	v10 =	vadd.s32 v35, v10;
	_ =	sdelay $0x3  }
0x114: {  	[tilespmem:$0x7780] =	vst v9;
	v9 =	vshll.u32 v11, $0x4;
	v11 =	vld [tilespmem:$0x67B0]  }
0x115: {  	v10 =	vld.idx.msk [tilespmem:v10+s2+$0x0], $0xffff;
	v9 =	vadd.s32 v12, v9  }
0x116: {  	v12 =	vld [tilespmem:$0x6FB0];
	v9 =	vadd.s32 v36, v9;
	_ =	sdelay $0x3  }
0x117: {  	[tilespmem:$0x7790] =	vst v10;
	v10 =	vshll.u32 v11, $0x4;
	v11 =	vld [tilespmem:$0x67C0]  }
0x118: {  	v9 =	vld.idx.msk [tilespmem:v9+s2+$0x0], $0xffff;
	v10 =	vadd.s32 v12, v10  }
0x119: {  	v12 =	vld [tilespmem:$0x6FC0];
	v10 =	vadd.s32 $0x2F00, v10;
	_ =	sdelay $0x3  }
0x11a: {  	[tilespmem:$0x77A0] =	vst v9;
	v9 =	vshll.u32 v11, $0x4;
	v11 =	vld [tilespmem:$0x67D0]  }
0x11b: {  	v10 =	vld.idx.msk [tilespmem:v10+s2+$0x0], $0xffff;
	v9 =	vadd.s32 v12, v9  }
0x11c: {  	v12 =	vld [tilespmem:$0x6FD0];
	v9 =	vadd.s32 $0x3000, v9;
	_ =	sdelay $0x3  }
0x11d: {  	[tilespmem:$0x77B0] =	vst v10;
	v10 =	vshll.u32 v11, $0x4;
	v11 =	vld [tilespmem:$0x67E0]  }
0x11e: {  	v9 =	vld.idx.msk [tilespmem:v9+s2+$0x0], $0xffff;
	v10 =	vadd.s32 v12, v10  }
0x11f: {  	v12 =	vld [tilespmem:$0x6FE0];
	v10 =	vadd.s32 v37, v10;
	_ =	sdelay $0x3  }
0x120: {  	[tilespmem:$0x77C0] =	vst v9;
	v9 =	vshll.u32 v11, $0x4;
	v11 =	vld [tilespmem:$0x67F0]  }
0x121: {  	v10 =	vld.idx.msk [tilespmem:v10+s2+$0x0], $0xffff;
	v9 =	vadd.s32 v12, v9  }
0x122: {  	v12 =	vld [tilespmem:$0x6FF0];
	v9 =	vadd.s32 v38, v9;
	_ =	sdelay $0x3  }
0x123: {  	[tilespmem:$0x77D0] =	vst v10;
	v10 =	vshll.u32 v11, $0x4;
	v11 =	vld [tilespmem:$0x6800]  }
0x124: {  	v9 =	vld.idx.msk [tilespmem:v9+s2+$0x0], $0xffff;
	v10 =	vadd.s32 v12, v10  }
0x125: {  	v12 =	vld [tilespmem:$0x7000];
	v10 =	vadd.s32 v39, v10;
	_ =	sdelay $0x3  }
0x126: {  	[tilespmem:$0x77E0] =	vst v9;
	v9 =	vshll.u32 v11, $0x4;
	v11 =	vld [tilespmem:$0x6810]  }
0x127: {  	v10 =	vld.idx.msk [tilespmem:v10+s2+$0x0], $0xffff;
	v9 =	vadd.s32 v12, v9  }
0x128: {  	v12 =	vld [tilespmem:$0x7010];
	v9 =	vadd.s32 $0x3300, v9;
	_ =	sdelay $0x3  }
0x129: {  	[tilespmem:$0x77F0] =	vst v10;
	v10 =	vshll.u32 v11, $0x4;
	v11 =	vld [tilespmem:$0x6820]  }
0x12a: {  	v9 =	vld.idx.msk [tilespmem:v9+s2+$0x0], $0xffff;
	v10 =	vadd.s32 v12, v10  }
0x12b: {  	v12 =	vld [tilespmem:$0x7020];
	v10 =	vadd.s32 $0x3400, v10;
	_ =	sdelay $0x3  }
0x12c: {  	[tilespmem:$0x7800] =	vst v9;
	v9 =	vshll.u32 v11, $0x4;
	v11 =	vld [tilespmem:$0x6830]  }
0x12d: {  	v10 =	vld.idx.msk [tilespmem:v10+s2+$0x0], $0xffff;
	v9 =	vadd.s32 v12, v9  }
0x12e: {  	v12 =	vld [tilespmem:$0x7030];
	v9 =	vadd.s32 v40, v9;
	_ =	sdelay $0x3  }
0x12f: {  	[tilespmem:$0x7810] =	vst v10;
	v10 =	vshll.u32 v11, $0x4;
	v11 =	vld [tilespmem:$0x6840]  }
0x130: {  	v9 =	vld.idx.msk [tilespmem:v9+s2+$0x0], $0xffff;
	v10 =	vadd.s32 v12, v10  }
0x131: {  	v12 =	vld [tilespmem:$0x7040];
	v10 =	vadd.s32 v0, v10;
	_ =	sdelay $0x3  }
0x132: {  	[tilespmem:$0x7820] =	vst v9;
	v9 =	vshll.u32 v11, $0x4;
	v11 =	vld [tilespmem:$0x6850]  }
0x133: {  	v10 =	vld.idx.msk [tilespmem:v10+s2+$0x0], $0xffff;
	v9 =	vadd.s32 v12, v9  }
0x134: {  	v12 =	vld [tilespmem:$0x7050];
	v9 =	vadd.s32 v41, v9;
	_ =	sdelay $0x3  }
0x135: {  	[tilespmem:$0x7830] =	vst v10;
	v10 =	vshll.u32 v11, $0x4;
	v11 =	vld [tilespmem:$0x6860]  }
0x136: {  	v9 =	vld.idx.msk [tilespmem:v9+s2+$0x0], $0xffff;
	v10 =	vadd.s32 v12, v10  }
0x137: {  	v12 =	vld [tilespmem:$0x7060];
	v10 =	vadd.s32 $0x3700, v10;
	_ =	sdelay $0x3  }
0x138: {  	[tilespmem:$0x7840] =	vst v9;
	v9 =	vshll.u32 v11, $0x4;
	v11 =	vld [tilespmem:$0x6870]  }
0x139: {  	v10 =	vld.idx.msk [tilespmem:v10+s2+$0x0], $0xffff;
	v9 =	vadd.s32 v12, v9  }
0x13a: {  	v12 =	vld [tilespmem:$0x7070];
	v9 =	vadd.s32 $0x3800, v9;
	_ =	sdelay $0x3  }
0x13b: {  	[tilespmem:$0x7850] =	vst v10;
	v10 =	vshll.u32 v11, $0x4;
	v11 =	vld [tilespmem:$0x6880]  }
0x13c: {  	v9 =	vld.idx.msk [tilespmem:v9+s2+$0x0], $0xffff;
	v10 =	vadd.s32 v12, v10  }
0x13d: {  	v12 =	vld [tilespmem:$0x7080];
	v10 =	vadd.s32 v42, v10;
	_ =	sdelay $0x3  }
0x13e: {  	[tilespmem:$0x7860] =	vst v9;
	v9 =	vshll.u32 v11, $0x4;
	v11 =	vld [tilespmem:$0x6890]  }
0x13f: {  	v10 =	vld.idx.msk [tilespmem:v10+s2+$0x0], $0xffff;
	v9 =	vadd.s32 v12, v9  }
0x140: {  	v12 =	vld [tilespmem:$0x7090];
	v9 =	vadd.s32 v2, v9;
	_ =	sdelay $0x3  }
0x141: {  	[tilespmem:$0x7870] =	vst v10;
	v10 =	vshll.u32 v11, $0x4;
	v11 =	vld [tilespmem:$0x68A0]  }
0x142: {  	v9 =	vld.idx.msk [tilespmem:v9+s2+$0x0], $0xffff;
	v10 =	vadd.s32 v12, v10  }
0x143: {  	v12 =	vld [tilespmem:$0x70A0];
	v10 =	vadd.s32 v43, v10;
	_ =	sdelay $0x3  }
0x144: {  	[tilespmem:$0x7880] =	vst v9;
	v9 =	vshll.u32 v11, $0x4;
	v11 =	vld [tilespmem:$0x68B0]  }
0x145: {  	v10 =	vld.idx.msk [tilespmem:v10+s2+$0x0], $0xffff;
	v9 =	vadd.s32 v12, v9  }
0x146: {  	v12 =	vld [tilespmem:$0x70B0];
	v9 =	vadd.s32 $0x3B00, v9;
	_ =	sdelay $0x3  }
0x147: {  	[tilespmem:$0x7890] =	vst v10;
	v10 =	vshll.u32 v11, $0x4;
	v11 =	vld [tilespmem:$0x68C0]  }
0x148: {  	v9 =	vld.idx.msk [tilespmem:v9+s2+$0x0], $0xffff;
	v10 =	vadd.s32 v12, v10  }
0x149: {  	v12 =	vld [tilespmem:$0x70C0];
	v10 =	vadd.s32 $0x3C00, v10;
	_ =	sdelay $0x3  }
0x14a: {  	[tilespmem:$0x78A0] =	vst v9;
	v9 =	vshll.u32 v11, $0x4;
	v11 =	vld [tilespmem:$0x68D0]  }
0x14b: {  	v10 =	vld.idx.msk [tilespmem:v10+s2+$0x0], $0xffff;
	v9 =	vadd.s32 v12, v9  }
0x14c: {  	v12 =	vld [tilespmem:$0x70D0];
	v9 =	vadd.s32 v44, v9;
	_ =	sdelay $0x3  }
0x14d: {  	[tilespmem:$0x78B0] =	vst v10;
	v10 =	vshll.u32 v11, $0x4;
	v11 =	vld [tilespmem:$0x68E0]  }
0x14e: {  	v9 =	vld.idx.msk [tilespmem:v9+s2+$0x0], $0xffff;
	v10 =	vadd.s32 v12, v10  }
0x14f: {  	v12 =	vld [tilespmem:$0x70E0];
	v10 =	vadd.s32 v3, v10;
	_ =	sdelay $0x3  }
0x150: {  	[tilespmem:$0x78C0] =	vst v9;
	v9 =	vshll.u32 v11, $0x4;
	v11 =	vld [tilespmem:$0x68F0]  }
0x151: {  	v10 =	vld.idx.msk [tilespmem:v10+s2+$0x0], $0xffff;
	v9 =	vadd.s32 v12, v9  }
0x152: {  	v12 =	vld [tilespmem:$0x70F0];
	v9 =	vadd.s32 v45, v9;
	_ =	sdelay $0x3  }
0x153: {  	[tilespmem:$0x78D0] =	vst v10;
	v10 =	vshll.u32 v11, $0x4;
	v11 =	vld [tilespmem:$0x6900]  }
0x154: {  	v9 =	vld.idx.msk [tilespmem:v9+s2+$0x0], $0xffff;
	v10 =	vadd.s32 v12, v10  }
0x155: {  	v12 =	vld [tilespmem:$0x7100];
	v10 =	vadd.s32 $0x3F00, v10;
	_ =	sdelay $0x3  }
0x156: {  	[tilespmem:$0x78E0] =	vst v9;
	v9 =	vshll.u32 v11, $0x4;
	v11 =	vld [tilespmem:$0x6910]  }
0x157: {  	v10 =	vld.idx.msk [tilespmem:v10+s2+$0x0], $0xffff;
	v9 =	vadd.s32 v12, v9  }
0x158: {  	v12 =	vld [tilespmem:$0x7110];
	v9 =	vadd.s32 $0x4000, v9;
	_ =	sdelay $0x3  }
0x159: {  	[tilespmem:$0x78F0] =	vst v10;
	v10 =	vshll.u32 v11, $0x4;
	v11 =	vld [tilespmem:$0x6920]  }
0x15a: {  	v9 =	vld.idx.msk [tilespmem:v9+s2+$0x0], $0xffff;
	v10 =	vadd.s32 v12, v10  }
0x15b: {  	v12 =	vld [tilespmem:$0x7120];
	v10 =	vadd.s32 v46, v10;
	_ =	sdelay $0x3  }
0x15c: {  	[tilespmem:$0x7900] =	vst v9;
	v9 =	vshll.u32 v11, $0x4;
	v11 =	vld [tilespmem:$0x6930]  }
0x15d: {  	v10 =	vld.idx.msk [tilespmem:v10+s2+$0x0], $0xffff;
	v9 =	vadd.s32 v12, v9  }
0x15e: {  	v12 =	vld [tilespmem:$0x7130];
	v9 =	vadd.s32 v4, v9;
	_ =	sdelay $0x3  }
0x15f: {  	[tilespmem:$0x7910] =	vst v10;
	v10 =	vshll.u32 v11, $0x4;
	v11 =	vld [tilespmem:$0x6940]  }
0x160: {  	v9 =	vld.idx.msk [tilespmem:v9+s2+$0x0], $0xffff;
	v10 =	vadd.s32 v12, v10  }
0x161: {  	v12 =	vld [tilespmem:$0x7140];
	v10 =	vadd.s32 v47, v10;
	_ =	sdelay $0x3  }
0x162: {  	[tilespmem:$0x7920] =	vst v9;
	v9 =	vshll.u32 v11, $0x4;
	v11 =	vld [tilespmem:$0x6950]  }
0x163: {  	v10 =	vld.idx.msk [tilespmem:v10+s2+$0x0], $0xffff;
	v9 =	vadd.s32 v12, v9  }
0x164: {  	v12 =	vld [tilespmem:$0x7150];
	v9 =	vadd.s32 $0x4300, v9;
	_ =	sdelay $0x3  }
0x165: {  	[tilespmem:$0x7930] =	vst v10;
	v10 =	vshll.u32 v11, $0x4;
	v11 =	vld [tilespmem:$0x6960]  }
0x166: {  	v9 =	vld.idx.msk [tilespmem:v9+s2+$0x0], $0xffff;
	v10 =	vadd.s32 v12, v10  }
0x167: {  	v12 =	vld [tilespmem:$0x7160];
	v10 =	vadd.s32 $0x4400, v10;
	_ =	sdelay $0x3  }
0x168: {  	[tilespmem:$0x7940] =	vst v9;
	v9 =	vshll.u32 v11, $0x4;
	v11 =	vld [tilespmem:$0x6970]  }
0x169: {  	v10 =	vld.idx.msk [tilespmem:v10+s2+$0x0], $0xffff;
	v9 =	vadd.s32 v12, v9  }
0x16a: {  	v12 =	vld [tilespmem:$0x7170];
	v9 =	vadd.s32 v48, v9;
	_ =	sdelay $0x3  }
0x16b: {  	[tilespmem:$0x7950] =	vst v10;
	v10 =	vshll.u32 v11, $0x4;
	v11 =	vld [tilespmem:$0x6980]  }
0x16c: {  	v9 =	vld.idx.msk [tilespmem:v9+s2+$0x0], $0xffff;
	v10 =	vadd.s32 v12, v10  }
0x16d: {  	v12 =	vld [tilespmem:$0x7180];
	v10 =	vadd.s32 v5, v10;
	_ =	sdelay $0x3  }
0x16e: {  	[tilespmem:$0x7960] =	vst v9;
	v9 =	vshll.u32 v11, $0x4;
	v11 =	vld [tilespmem:$0x6990]  }
0x16f: {  	v10 =	vld.idx.msk [tilespmem:v10+s2+$0x0], $0xffff;
	v9 =	vadd.s32 v12, v9  }
0x170: {  	v12 =	vld [tilespmem:$0x7190];
	v9 =	vadd.s32 v49, v9;
	_ =	sdelay $0x3  }
0x171: {  	[tilespmem:$0x7970] =	vst v10;
	v10 =	vshll.u32 v11, $0x4;
	v11 =	vld [tilespmem:$0x69A0]  }
0x172: {  	v9 =	vld.idx.msk [tilespmem:v9+s2+$0x0], $0xffff;
	v10 =	vadd.s32 v12, v10  }
0x173: {  	v12 =	vld [tilespmem:$0x71A0];
	v10 =	vadd.s32 $0x4700, v10;
	_ =	sdelay $0x3  }
0x174: {  	[tilespmem:$0x7980] =	vst v9;
	v9 =	vshll.u32 v11, $0x4;
	v11 =	vld [tilespmem:$0x69B0]  }
0x175: {  	v10 =	vld.idx.msk [tilespmem:v10+s2+$0x0], $0xffff;
	v9 =	vadd.s32 v12, v9  }
0x176: {  	v12 =	vld [tilespmem:$0x71B0];
	v9 =	vadd.s32 $0x4800, v9;
	_ =	sdelay $0x3  }
0x177: {  	[tilespmem:$0x7990] =	vst v10;
	v10 =	vshll.u32 v11, $0x4;
	v11 =	vld [tilespmem:$0x69C0]  }
0x178: {  	v9 =	vld.idx.msk [tilespmem:v9+s2+$0x0], $0xffff;
	v10 =	vadd.s32 v12, v10  }
0x179: {  	v12 =	vld [tilespmem:$0x71C0];
	v10 =	vadd.s32 v50, v10;
	_ =	sdelay $0x3  }
0x17a: {  	[tilespmem:$0x79A0] =	vst v9;
	v9 =	vshll.u32 v11, $0x4;
	v11 =	vld [tilespmem:$0x69D0]  }
0x17b: {  	v10 =	vld.idx.msk [tilespmem:v10+s2+$0x0], $0xffff;
	v9 =	vadd.s32 v12, v9  }
0x17c: {  	v12 =	vld [tilespmem:$0x71D0];
	v9 =	vadd.s32 v6, v9;
	_ =	sdelay $0x3  }
0x17d: {  	[tilespmem:$0x79B0] =	vst v10;
	v10 =	vshll.u32 v11, $0x4;
	v11 =	vld [tilespmem:$0x69E0]  }
0x17e: {  	v9 =	vld.idx.msk [tilespmem:v9+s2+$0x0], $0xffff;
	v10 =	vadd.s32 v12, v10  }
0x17f: {  	v12 =	vld [tilespmem:$0x71E0];
	v10 =	vadd.s32 v51, v10;
	_ =	sdelay $0x3  }
0x180: {  	[tilespmem:$0x79C0] =	vst v9;
	v9 =	vshll.u32 v11, $0x4;
	v11 =	vld [tilespmem:$0x69F0]  }
0x181: {  	v10 =	vld.idx.msk [tilespmem:v10+s2+$0x0], $0xffff;
	v9 =	vadd.s32 v12, v9  }
0x182: {  	v12 =	vld [tilespmem:$0x71F0];
	v9 =	vadd.s32 $0x4B00, v9;
	_ =	sdelay $0x3  }
0x183: {  	[tilespmem:$0x79D0] =	vst v10;
	v10 =	vshll.u32 v11, $0x4;
	v11 =	vld [tilespmem:$0x6A00]  }
0x184: {  	v9 =	vld.idx.msk [tilespmem:v9+s2+$0x0], $0xffff;
	v10 =	vadd.s32 v12, v10  }
0x185: {  	v12 =	vld [tilespmem:$0x7200];
	v10 =	vadd.s32 $0x4C00, v10;
	_ =	sdelay $0x3  }
0x186: {  	[tilespmem:$0x79E0] =	vst v9;
	v9 =	vshll.u32 v11, $0x4;
	v11 =	vld [tilespmem:$0x6A10]  }
0x187: {  	v10 =	vld.idx.msk [tilespmem:v10+s2+$0x0], $0xffff;
	v9 =	vadd.s32 v12, v9  }
0x188: {  	v12 =	vld [tilespmem:$0x7210];
	v9 =	vadd.s32 v52, v9;
	_ =	sdelay $0x3  }
0x189: {  	[tilespmem:$0x79F0] =	vst v10;
	v10 =	vshll.u32 v11, $0x4;
	v11 =	vld [tilespmem:$0x6A20]  }
0x18a: {  	v9 =	vld.idx.msk [tilespmem:v9+s2+$0x0], $0xffff;
	v10 =	vadd.s32 v12, v10  }
0x18b: {  	v12 =	vld [tilespmem:$0x7220];
	v10 =	vadd.s32 v7, v10;
	_ =	sdelay $0x3  }
0x18c: {  	[tilespmem:$0x7A00] =	vst v9;
	v9 =	vshll.u32 v11, $0x4;
	v11 =	vld [tilespmem:$0x6A30]  }
0x18d: {  	v10 =	vld.idx.msk [tilespmem:v10+s2+$0x0], $0xffff;
	v9 =	vadd.s32 v12, v9  }
0x18e: {  	v12 =	vld [tilespmem:$0x7230];
	v9 =	vadd.s32 v53, v9;
	_ =	sdelay $0x3  }
0x18f: {  	[tilespmem:$0x7A10] =	vst v10;
	v10 =	vshll.u32 v11, $0x4;
	v11 =	vld [tilespmem:$0x6A40]  }
0x190: {  	v9 =	vld.idx.msk [tilespmem:v9+s2+$0x0], $0xffff;
	v10 =	vadd.s32 v12, v10  }
0x191: {  	v12 =	vld [tilespmem:$0x7240];
	v10 =	vadd.s32 $0x4F00, v10;
	_ =	sdelay $0x3  }
0x192: {  	[tilespmem:$0x7A20] =	vst v9;
	v9 =	vshll.u32 v11, $0x4;
	v11 =	vld [tilespmem:$0x6A50]  }
0x193: {  	v10 =	vld.idx.msk [tilespmem:v10+s2+$0x0], $0xffff;
	v9 =	vadd.s32 v12, v9  }
0x194: {  	v12 =	vld [tilespmem:$0x7250];
	v9 =	vadd.s32 $0x5000, v9;
	_ =	sdelay $0x3  }
0x195: {  	[tilespmem:$0x7A30] =	vst v10;
	v10 =	vshll.u32 v11, $0x4;
	v11 =	vld [tilespmem:$0x6A60]  }
0x196: {  	v9 =	vld.idx.msk [tilespmem:v9+s2+$0x0], $0xffff;
	v10 =	vadd.s32 v12, v10  }
0x197: {  	v12 =	vld [tilespmem:$0x7260];
	v10 =	vadd.s32 v54, v10;
	_ =	sdelay $0x3  }
0x198: {  	[tilespmem:$0x7A40] =	vst v9;
	v9 =	vshll.u32 v11, $0x4;
	v11 =	vld [tilespmem:$0x6A70]  }
0x199: {  	v10 =	vld.idx.msk [tilespmem:v10+s2+$0x0], $0xffff;
	v9 =	vadd.s32 v12, v9  }
0x19a: {  	v12 =	vld [tilespmem:$0x7270];
	v9 =	vadd.s32 v8, v9;
	_ =	sdelay $0x3  }
0x19b: {  	[tilespmem:$0x7A50] =	vst v10;
	v10 =	vshll.u32 v11, $0x4;
	v11 =	vld [tilespmem:$0x6A80]  }
0x19c: {  	v9 =	vld.idx.msk [tilespmem:v9+s2+$0x0], $0xffff;
	v10 =	vadd.s32 v12, v10  }
0x19d: {  	v12 =	vld [tilespmem:$0x7280];
	v10 =	vadd.s32 v55, v10;
	_ =	sdelay $0x3  }
0x19e: {  	[tilespmem:$0x7A60] =	vst v9;
	v9 =	vshll.u32 v11, $0x4;
	v11 =	vld [tilespmem:$0x6A90]  }
0x19f: {  	v10 =	vld.idx.msk [tilespmem:v10+s2+$0x0], $0xffff;
	v9 =	vadd.s32 v12, v9  }
0x1a0: {  	v12 =	vld [tilespmem:$0x7290];
	v9 =	vadd.s32 $0x5300, v9;
	_ =	sdelay $0x3  }
0x1a1: {  	[tilespmem:$0x7A70] =	vst v10;
	v10 =	vshll.u32 v11, $0x4;
	v11 =	vld [tilespmem:$0x6AA0]  }
0x1a2: {  	v9 =	vld.idx.msk [tilespmem:v9+s2+$0x0], $0xffff;
	v10 =	vadd.s32 v12, v10  }
0x1a3: {  	v12 =	vld [tilespmem:$0x72A0];
	v10 =	vadd.s32 $0x5400, v10;
	_ =	sdelay $0x3  }
0x1a4: {  	[tilespmem:$0x7A80] =	vst v9;
	v9 =	vshll.u32 v11, $0x4;
	v11 =	vld [tilespmem:$0x6AB0]  }
0x1a5: {  	v10 =	vld.idx.msk [tilespmem:v10+s2+$0x0], $0xffff;
	v9 =	vadd.s32 v12, v9  }
0x1a6: {  	v12 =	vld [tilespmem:$0x72B0];
	v9 =	vadd.s32 v56, v9;
	_ =	sdelay $0x3  }
0x1a7: {  	[tilespmem:$0x7A90] =	vst v10;
	v10 =	vshll.u32 v11, $0x4  }
0x1a8: {  	v11 =	vadd.s32 $0x5500, v1;
	v9 =	vld.idx.msk [tilespmem:v9+s2+$0x0], $0xffff;
	v10 =	vadd.s32 v12, v10  }
0x1a9: {  	v12 =	vld [tilespmem:$0x6AC0];
	v10 =	vadd.s32 v11, v10  }
0x1aa: {  	v11 =	vld [tilespmem:$0x72C0];
	_ =	sdelay $0x2  }
0x1ab: {  	[tilespmem:$0x7AA0] =	vst v9  }
0x1ac: {  	v9 =	vshll.u32 v12, $0x4;
	v10 =	vld.idx.msk [tilespmem:v10+s2+$0x0], $0xffff  }
0x1ad: {  	v9 =	vadd.s32 v11, v9;
	v11 =	vld [tilespmem:$0x6AD0]  }
0x1ae: {  	v12 =	vld [tilespmem:$0x72D0];
	v9 =	vadd.s32 v57, v9;
	_ =	sdelay $0x3  }
0x1af: {  	[tilespmem:$0x7AB0] =	vst v10;
	v10 =	vshll.u32 v11, $0x4;
	v11 =	vld [tilespmem:$0x6AE0]  }
0x1b0: {  	v9 =	vld.idx.msk [tilespmem:v9+s2+$0x0], $0xffff;
	v10 =	vadd.s32 v12, v10  }
0x1b1: {  	v12 =	vld [tilespmem:$0x72E0];
	v10 =	vadd.s32 $0x5700, v10;
	_ =	sdelay $0x3  }
0x1b2: {  	[tilespmem:$0x7AC0] =	vst v9;
	v9 =	vshll.u32 v11, $0x4;
	v11 =	vld [tilespmem:$0x6AF0]  }
0x1b3: {  	v10 =	vld.idx.msk [tilespmem:v10+s2+$0x0], $0xffff;
	v9 =	vadd.s32 v12, v9  }
0x1b4: {  	v12 =	vld [tilespmem:$0x72F0];
	v9 =	vadd.s32 $0x5800, v9;
	_ =	sdelay $0x3  }
0x1b5: {  	[tilespmem:$0x7AD0] =	vst v10;
	v10 =	vshll.u32 v11, $0x4;
	v11 =	vld [tilespmem:$0x6B00]  }
0x1b6: {  	v9 =	vld.idx.msk [tilespmem:v9+s2+$0x0], $0xffff;
	v10 =	vadd.s32 v12, v10  }
0x1b7: {  	v12 =	vld [tilespmem:$0x7300];
	v10 =	vadd.s32 v58, v10;
	_ =	sdelay $0x3  }
0x1b8: {  	[tilespmem:$0x7AE0] =	vst v9;
	v9 =	vshll.u32 v11, $0x4  }
0x1b9: {  	v11 =	vadd.s32 $0x5900, v1;
	v10 =	vld.idx.msk [tilespmem:v10+s2+$0x0], $0xffff;
	v9 =	vadd.s32 v12, v9  }
0x1ba: {  	v9 =	vadd.s32 v11, v9;
	v11 =	vld [tilespmem:$0x6B10]  }
0x1bb: {  	v12 =	vld [tilespmem:$0x7310];
	_ =	sdelay $0x2  }
0x1bc: {  	[tilespmem:$0x7AF0] =	vst v10  }
0x1bd: {  	v9 =	vld.idx.msk [tilespmem:v9+s2+$0x0], $0xffff;
	v10 =	vshll.u32 v11, $0x4  }
0x1be: {  	v11 =	vld [tilespmem:$0x6B20];
	v10 =	vadd.s32 v12, v10  }
0x1bf: {  	v12 =	vld [tilespmem:$0x7320];
	v10 =	vadd.s32 v59, v10;
	_ =	sdelay $0x3  }
0x1c0: {  	[tilespmem:$0x7B00] =	vst v9;
	v9 =	vshll.u32 v11, $0x4;
	v11 =	vld [tilespmem:$0x6B30]  }
0x1c1: {  	v9 =	vadd.s32 v12, v9;
	v10 =	vld.idx.msk [tilespmem:v10+s2+$0x0], $0xffff  }
0x1c2: {  	v12 =	vld [tilespmem:$0x7330];
	v9 =	vadd.s32 $0x5B00, v9;
	_ =	sdelay $0x3  }
0x1c3: {  	[tilespmem:$0x7B10] =	vst v10;
	v10 =	vshll.u32 v11, $0x4;
	v11 =	vld [tilespmem:$0x6B40]  }
0x1c4: {  	v9 =	vld.idx.msk [tilespmem:v9+s2+$0x0], $0xffff;
	v10 =	vadd.s32 v12, v10  }
0x1c5: {  	v12 =	vld [tilespmem:$0x7340];
	v10 =	vadd.s32 $0x5C00, v10;
	_ =	sdelay $0x3  }
0x1c6: {  	[tilespmem:$0x7B20] =	vst v9;
	v9 =	vshll.u32 v11, $0x4;
	v11 =	vld [tilespmem:$0x6B50]  }
0x1c7: {  	v10 =	vld.idx.msk [tilespmem:v10+s2+$0x0], $0xffff;
	v9 =	vadd.s32 v12, v9  }
0x1c8: {  	v12 =	vld [tilespmem:$0x7350];
	v9 =	vadd.s32 v60, v9;
	_ =	sdelay $0x3  }
0x1c9: {  	[tilespmem:$0x7B30] =	vst v10;
	v10 =	vshll.u32 v11, $0x4  }
0x1ca: {  	v11 =	vadd.s32 $0x5D00, v1;
	v9 =	vld.idx.msk [tilespmem:v9+s2+$0x0], $0xffff;
	v10 =	vadd.s32 v12, v10  }
0x1cb: {  	v12 =	vld [tilespmem:$0x6B60];
	v10 =	vadd.s32 v11, v10  }
0x1cc: {  	v11 =	vld [tilespmem:$0x7360];
	_ =	sdelay $0x2  }
0x1cd: {  	[tilespmem:$0x7B40] =	vst v9  }
0x1ce: {  	v9 =	vshll.u32 v12, $0x4;
	v10 =	vld.idx.msk [tilespmem:v10+s2+$0x0], $0xffff  }
0x1cf: {  	v9 =	vadd.s32 v11, v9;
	v11 =	vld [tilespmem:$0x6B70]  }
0x1d0: {  	v12 =	vld [tilespmem:$0x7370];
	v9 =	vadd.s32 v61, v9;
	_ =	sdelay $0x3  }
0x1d1: {  	[tilespmem:$0x7B50] =	vst v10;
	v10 =	vshll.u32 v11, $0x4;
	v11 =	vld [tilespmem:$0x6B80]  }
0x1d2: {  	v9 =	vld.idx.msk [tilespmem:v9+s2+$0x0], $0xffff;
	v10 =	vadd.s32 v12, v10  }
0x1d3: {  	v12 =	vld [tilespmem:$0x7380];
	v10 =	vadd.s32 $0x5F00, v10;
	_ =	sdelay $0x3  }
0x1d4: {  	[tilespmem:$0x7B60] =	vst v9;
	v9 =	vshll.u32 v11, $0x4;
	v11 =	vld [tilespmem:$0x6B90]  }
0x1d5: {  	v10 =	vld.idx.msk [tilespmem:v10+s2+$0x0], $0xffff;
	v9 =	vadd.s32 v12, v9  }
0x1d6: {  	v12 =	vld [tilespmem:$0x7390];
	v9 =	vadd.s32 $0x6000, v9;
	_ =	sdelay $0x3  }
0x1d7: {  	[tilespmem:$0x7B70] =	vst v10;
	v10 =	vshll.u32 v11, $0x4;
	v11 =	vld [tilespmem:$0x6BA0]  }
0x1d8: {  	v9 =	vld.idx.msk [tilespmem:v9+s2+$0x0], $0xffff;
	v10 =	vadd.s32 v12, v10  }
0x1d9: {  	v12 =	vld [tilespmem:$0x73A0];
	v10 =	vadd.s32 v62, v10;
	_ =	sdelay $0x3  }
0x1da: {  	[tilespmem:$0x7B80] =	vst v9;
	v9 =	vshll.u32 v11, $0x4  }
0x1db: {  	v11 =	vadd.s32 $0x6100, v1;
	v10 =	vld.idx.msk [tilespmem:v10+s2+$0x0], $0xffff;
	v9 =	vadd.s32 v12, v9  }
0x1dc: {  	v9 =	vadd.s32 v11, v9;
	v11 =	vld [tilespmem:$0x6BB0]  }
0x1dd: {  	v12 =	vld [tilespmem:$0x73B0];
	_ =	sdelay $0x2  }
0x1de: {  	[tilespmem:$0x7B90] =	vst v10  }
0x1df: {  	v9 =	vld.idx.msk [tilespmem:v9+s2+$0x0], $0xffff;
	v10 =	vshll.u32 v11, $0x4  }
0x1e0: {  	v11 =	vld [tilespmem:$0x6BC0];
	v10 =	vadd.s32 v12, v10  }
0x1e1: {  	v12 =	vld [tilespmem:$0x73C0];
	v10 =	vadd.s32 v63, v10;
	_ =	sdelay $0x3  }
0x1e2: {  	[tilespmem:$0x7BA0] =	vst v9;
	v9 =	vshll.u32 v11, $0x4  }
0x1e3: {  	v9 =	vadd.s32 v12, v9;
	v10 =	vld.idx.msk [tilespmem:v10+s2+$0x0], $0xffff  }
0x1e4: {  	v9 =	vadd.s32 $0x6300, v9;
	_ =	sdelay $0x3  }
0x1e5: {  	[tilespmem:$0x7BB0] =	vst v10  }
0x1e6: {  	v9 =	vld.idx.msk [tilespmem:v9+s2+$0x0], $0xffff;
	_ =	sdelay $0x4  }
.Ltmp5:
0x1e7: {  	s31 =	sadd.s32 s17, s7;
	[tilespmem:$0x7BC0] =	vst v9;
	(pc) =	sbr.rel .LBB2_4-.Ltmp5, $4  }
0x1e8: {  	[hbm4b:s31+s2] =	stream.linear.scatter [tilespmem:s12], [sflag:$0x1], $0x7D0, $0x38;
	[tilespmem:$0x7C00] =	vst v63  }
0x1e9: {  	_ =	swait.ge [sflag:s13], $0x7D0  }
0x1ea: {  	[sflag:s13] =	ssyncset.done $0x0  }
0x1eb: {  	[sflag:s13] =	ssyncadd.s32 $0xFFFFF830  }
.LBB2_6:
0x1ec: {  	_ =	sfence.sel $0x180000  }
0x1ed: {  	[bflag:$0x0] =	sbarrier.arrive $0xFFFF  }
0x1ee: {  	p0 =	sne.s32 s1, $0x0;
	_ =	strace $0x9000004A  }
0x1ef: {  	s0 =	sadd.s32 @!p0 $0x100000, s0;
	[bflag:$0x2] =	sbarrier.arrive $0xFFFF  }
0x1f0: {  	[sflag:s0] =	ssyncadd.tile.s32 @!p0 $0x1;
	_ =	shalt  }
.Lfunc_end2:
_tile_overlayer_lowered:
.L_overlay_start_2:
0x1f1: {  	(tag) =	ssettag $0x2  }
0x1f2: {  	s0 =	rddreg [dreg:$0x0];
	s2 =	stileid.u32  }
0x1f3: {  	s1 =	rddreg [dreg:$0x1];
	p0 =	sne.s32 s2, $0x0  }
0x1f4: {  	s3 =	rddreg [dreg:$0x2];
	[bflag:$0x3] =	sbarrier.arrive $0xFFFF;
	s2 =	simm.s32 @!p0 $0x1C01  }
0x1f5: {  	[timem:s3], [sflag:s2] =	dma.local @!p0 [hbm:s0], s1  }
0x1f6: {  	s0 =	simm.s32 @!p0 $0x1  }
0x1f7: {  	_ =	swait.ge @!p0 [sflag:s0], s1  }
0x1f8: {  	s1 =	ssub.s32 @!p0 $0x0, s1;
	[sflag:s0] =	ssyncset.done @!p0 $0x0  }
0x1f9: {  	[sflag:s0] =	ssyncadd.s32 @!p0 s1  }
0x1fa: {  	[bflag:$0x3] =	sbarrier.arrive $0xFFFF  }
0x1fb: {  	_ =	shalt  }

// kernel: sparse-core-data-format-call.cloned.1.call-start
scs
called_computation_lowered:
.L_overlay_start_0:
0x0: {  	s2 =	sld [smem:$0x3FD9]  }
0x1: {  	s3 =	sld [smem:$0x3FFE];
	_ =	sdelay $0x1  }
0x2: {  	s1 =	srdreg.scid  }
0x3: {  	s0 =	sand.u32 $0x1, s1  }
0x4: {  	s18 =	sshll.u32 s0, $0xA;
	s2 =	sadd.s32 s3, s2  }
0x5: {  	s2 =	sadd.s32 s2, s18  }
0x6: {  	[smem:$0x3FC5] =	sst s2  }
0x7: {  	_ = 	snop  }
0x8: {  	s2 =	sld [smem:$0x3FC9];
	(tm) =	ssettm $0x1  }
0x9: {  	s19 =	sld [smem:$0x3FFB];
	_ =	sdelay $0x3  }
0xa: {  	_ =	strace s19  }
0xb: {  	s3 =	sld [smem:$0x3FFC];
	_ =	sdelay $0x3  }
0xc: {  	_ =	strace s3  }
0xd: {  	s3 =	sld [smem:$0x3FFD];
	_ =	sdelay $0x3  }
0xe: {  	_ =	strace s3  }
0xf: {  	_ =	strace $0x8FFFFFFF  }
0x10: {  	s20 =	sld [smem:$0x3FDB];
	_ =	sdelay $0x1  }
0x11: {  	s4 =	simm.s32 $_scs_section_size  }
0x12: {  	s5 =	simm.s32 $_size__tile_overlayer_lowered;
	s6 =	simm.s32 $_tile_overlayer_lowered  }
0x13: {  	s23 =	simm.s32 $0x1BFF;
	s22 =	sshll.u32 s6, $0x1;
	s3 =	sadd.s32 s4, s20  }
0x14: {  	s7 =	simm.s32 $0x0;
	s21 =	sshll.u32 s5, $0x1;
	s5 =	sadd.s32 s22, s3  }
0x15: {  	[timem:s7], [sflag:s23] =	dma.local [hbm:s5], s21  }
0x16: {  	_ =	swait.ge [sflag:s23], s21  }
0x17: {  	s4 =	ssub.s32 $0x0, s21;
	[sflag:s23] =	ssyncset.done $0x0  }
0x18: {  	[sflag:s23] =	ssyncadd.s32 s4;
	_ =	sdelay $0x1  }
0x19: {  	s24 =	simm.s32 $0x1B8B  }
0x1a: {  	_ =	swait.ge [sflag:s24], $0x1  }
0x1b: {  	[sflag:s24] =	ssyncset.done $0x0  }
0x1c: {  	s26 =	simm.s32 $0x1B8E;
	s25 =	sld [smem:$0x3FFE];
	[sflag:s24] =	ssyncadd.s32 $0xFFFFFFFF  }
0x1d: {  	s27 =	simm.s32 $execute0_lowered;
	[smem:$0x3FD2] =	sst s26  }
0x1e: {  	s5 =	sshll.u32 s27, $0x1;
	_ =	strace $0x80000046;
	[dreg:$0x1] =	wrdreg $0xFFFFFFFF  }
0x1f: {  	s28 =	simm.s32 $_size_execute0_lowered;
	s3 =	sadd.s32 s3, s5;
	[dreg:$0x0] =	wrdreg $0x0  }
0x20: {  	s5 =	sshll.u32 s28, $0x1;
	[dreg:$0x2] =	wrdreg s3  }
0x21: {  	[dreg:$0x3] =	wrdreg s5  }
0x22: {  	[dreg:$0x4] =	wrdreg $0xC0  }
0x23: {  	_ =	task [dreg:s7], $0x5FFFF  }
0x24: {  	[dreg:$0x1] =	wrdreg $0xFFFFFFFF  }
0x25: {  	[dreg:$0x0] =	wrdreg $0x60  }
0x26: {  	[dreg:$0x2] =	wrdreg s2  }
0x27: {  	[dreg:$0x3] =	wrdreg s25  }
0x28: {  	[dreg:$0x4] =	wrdreg $0x9  }
0x29: {  	_ =	task.clear_ibuf [dreg:s7], $0x5FFFF;
	_ =	strace $0x90000046  }
0x2a: {  	s29 =	simm.s32 $0x9;
	_ =	strace $0x80000048  }
0x2b: {  	_ =	swait.ge [sflag:s29], $0x1  }
0x2c: {  	[sflag:s29] =	ssyncadd.s32 $0xFFFFFFFF  }
0x2d: {  	_ =	strace $0x90000048  }
0x2e: {  	_ =	sfence  }
0x2f: {  	s30 =	sld [smem:$0x0];
	_ =	sdelay $0x2  }
0x30: {  	s31 =	sshll.u32 s1, $0xD;
	s1 =	sshrl.u32 s1, $0x2  }
0x31: {  	s3 =	sand.u32 $0x4000, s31;
	s1 =	sadd.s32 s1, s30  }
0x32: {  	s0 =	sor.u32 s3, s0;
	s1 =	sshll.u32 s1, $0x11  }
0x33: {  	s0 =	sor.u32 s1, s0  }
0x34: {  	s0 =	sadd.s32 $0x8F2B, s0  }
0x35: {  	[sflag:s0] =	ssyncadd.remote.s32 $0x1  }
0x36: {  	_ =	sfence.sel $0xFFFF  }
0x37: {  	[dreg:$0x0] =	wrdreg $0xFFFFFFFF;
	(pc) =	sbr.abs _section_cstart, $3  }
0x38: {  	[dreg:$0x1] =	wrdreg $0xFFFFFFFF  }
0x39: {  	_ =	task.clear_ibuf [dreg:s7], $0x2FFFF;
	_ =	strace $0x9FFFFFFF  }
0x3a: {  	(tm) =	ssettm $0x7FFFFFFF  }
0x3b: {  	_ =	shalt  }
tec
execute0_lowered:
.L_overlay_start_1:
0x0: {  	(tag) =	ssettag $0x1  }
0x1: {  	s0 =	srdreg.scid;
	s2 =	rddreg [dreg:$0x0]  }
0x2: {  	s5 =	rddreg [dreg:$0x1];
	s1 =	stileid.u32  }
0x3: {  	s4 =	simm.s32 $0x1;
	s6 =	simm.s32 $0x2;
	s0 =	sshll.u32 s0, $0x4  }
0x4: {  	s8 =	simm.s32 $0x0;
	s9 =	simm.s32 $0x0;
	s3 =	sand.u32 $0x10, s0  }
.Ltmp0:
0x5: {  	s13 =	simm.s32 $0x0;
	s3 =	sor.u32 s1, s3;
	(pc) =	sbr.rel .LBB1_1-.Ltmp0, $4  }
0x6: {  	s0 =	rddreg [dreg:$0x2];
	_ =	strace $0x80000047;
	s3 =	sshll.u32 s3, $0x3  }
0x7: {  	s10 =	simm.s32 $0x0;
	[sflag:s4] =	ssyncpa.u1 $0x0;
	s7 =	ssub.s32 $0x30D0, s3  }
0x8: {  	s12 =	simm.s32 $0x0;
	[sflag:s6] =	ssyncpa.u1 $0x0;
	s6 =	sshrl.u32 s7, $0x8  }
0x9: {  	s5 =	sadd.s32 $0x1600, s5;
	s11 =	smov.u32 s3;
	s7 =	sadd.s32 $0x2, s6  }
.LBB1_9:
0xa: {  	s15 =	sshll.u32 s12, $0xE  }
0xb: {  	s16 =	sshll.u32 s10, $0x8;
	s15 =	sand.u32 $0x4000, s15  }
0xc: {  	s16 =	sadd.s32 s5, s16;
	s15 =	sor.u32 $0x8000, s15  }
0xd: {  	[hbm4b:s16+s8] =	stream.linear.scatter [tilespmem:s15], [sflag:$0x2], s14, $0x38;
	[tilespmem:$0x10000] =	vst v63  }
.LBB1_10:
0xe: {  	p0 =	slt.u32 s12, $0x2  }
0xf: {  	p1 =	sgt.s32 @!p0 s13, $0x30CC  }
0x10: {  	s14 =	smov.u32 s13;
	s15 =	sshra.s32 @!p0 s13, $0x1F;
	p1 =	por !p1, p0  }
0x11: {  	s13 =	sand.u32 @!p0 s15, s13;
	s14 =	simm.s32 @p1 $0x30CC  }
0x12: {  	s13 =	ssub.s32 @!p0 s14, s13  }
0x13: {  	s13 =	sadd.s32 @!p0 $0xFFFFCF34, s13  }
0x14: {  	s14 =	sshll.u32 @!p0 s13, $0xD  }
0x15: {  	p1 =	sgt.s32 @!p0 s13, $0x7;
	s13 =	ssub.s32 @!p0 $0x10000, s14  }
0x16: {  	s15 =	sadd.s32 $0x100, s11;
	p1 =	por !p1, p0;
	s13 =	sshrl.u32 @!p0 s13, $0x2  }
0x17: {  	s13 =	simm.s32 @!p1 $0x0;
	p1 =	sgt.s32 s15, $0x30D3  }
0x18: {  	s15 =	smov.u32 @p1 s3;
	p1 =	sne.s32 s12, s7  }
.Ltmp1:
0x19: {  	_ = 	snop;
	(pc) =	sbr.rel @!p1 .LBB1_11-.Ltmp1, $4  }
0x1a: {  	s14 =	simm.s32 @!p0 $0x2  }
0x1b: {  	s9 =	sadd.s32 $0x4000, s9;
	_ =	swait.ge @!p0 [sflag:s14], s13;
	s16 =	ssub.s32 @!p0 $0x0, s13  }
0x1c: {  	s13 =	smov.u32 s10;
	s12 =	sadd.s32 $0x1, s12;
	[sflag:s14] =	ssyncset.done @!p0 $0x0  }
0x1d: {  	s10 =	smov.u32 s11;
	s11 =	smov.u32 s15;
	[sflag:s14] =	ssyncadd.s32 @!p0 s16  }
.LBB1_1:
0x1e: {  	p0 =	sgt.u32 s12, s6  }
0x1f: {  	p1 =	sgt.s32 @!p0 s11, $0x30CC  }
0x20: {  	s14 =	smov.u32 s11;
	s15 =	sshra.s32 @!p0 s11, $0x1F;
	p1 =	por !p1, p0  }
0x21: {  	s15 =	sand.u32 @!p0 s15, s11;
	s14 =	simm.s32 @p1 $0x30CC  }
0x22: {  	s14 =	ssub.s32 @!p0 s14, s15  }
0x23: {  	s14 =	sadd.s32 @!p0 $0xFFFFCF34, s14  }
0x24: {  	s17 =	simm.s32 @!p0 $0x0;
	s15 =	sxor.u32 @!p0 $0xFFFFFFFF, s12;
	s16 =	sshll.u32 @!p0 s14, $0xD  }
0x25: {  	s15 =	sshll.u32 @!p0 s15, $0xE;
	p1 =	sgt.s32 @!p0 s14, $0x7;
	s14 =	ssub.s32 @!p0 $0x10000, s16  }
0x26: {  	p1 =	por !p1, p0;
	s16 =	sshll.u32 @!p0 s11, $0x8;
	s14 =	sshrl.u32 @!p0 s14, $0x2  }
0x27: {  	s15 =	sand.u32 @!p0 $0x4000, s15;
	s16 =	sadd.s32 @!p0 s2, s16;
	s14 =	simm.s32 @!p1 $0x0  }
0x28: {  	[tilespmem:s15], [sflag:$0x1] =	stream.linear.gather @!p0 [hbm4b:s16+s17], s14, $0x38;
	[tilespmem:$0x10000] =	vst v63  }
0x29: {  	p0 =	seq.s32 s12, $0x0  }
0x2a: {  	p1 =	sge.u32 @!p0 s12, s7  }
0x2b: {  	p0 =	por p0, p1  }
.Ltmp2:
0x2c: {  	_ = 	snop;
	(pc) =	sbr.rel @p0 .LBB1_10-.Ltmp2, $1  }
0x2d: {  	_ =	sdelay $0x3  }
0x2e: {  	p0 =	sgt.s32 s10, $0x30CC;
	s14 =	smov.u32 s10;
	s15 =	sshra.s32 s10, $0x1F  }
0x2f: {  	s14 =	simm.s32 @!p0 $0x30CC;
	s15 =	sand.u32 s15, s10  }
0x30: {  	s14 =	ssub.s32 s14, s15  }
0x31: {  	s16 =	sadd.s32 $0x8, s10;
	s14 =	sadd.s32 $0xFFFFCF34, s14  }
0x32: {  	p1 =	slt.s32 s16, $0x30D4;
	s30 =	sshll.u32 s14, $0xD  }
0x33: {  	s16 =	simm.s32 @!p1 $0x30D4;
	s15 =	ssub.s32 $0x10000, s30  }
0x34: {  	p0 =	sgt.s32 s14, $0x7;
	s14 =	sshrl.u32 s15, $0x2;
	s15 =	ssub.s32 s16, s10  }
0x35: {  	s14 =	simm.s32 @p0 $0x0;
	p0 =	slt.s32 s15, $0x1  }
.Ltmp3:
0x36: {  	_ = 	snop;
	(pc) =	sbr.rel @p0 .LBB1_9-.Ltmp3, $4  }
0x37: {  	_ = 	snop  }
0x38: {  	_ =	swait.ge [sflag:s4], s14  }
0x39: {  	s31 =	ssub.s32 $0x0, s14;
	[sflag:s4] =	ssyncset.done $0x0  }
0x3a: {  	[sflag:s4] =	ssyncadd.s32 s31  }
0x3b: {  	s16 =	sshll.u32 s9, $0x2  }
0x3c: {  	s16 =	sand.u32 $0x10000, s16  }
0x3d: {  	s16 =	sshrl.u32 s16, $0x2  }
0x3e: {  	s18 =	simm.s32 $0x0;
	s19 =	simm.s32 $0x0;
	s17 =	sor.u32 $0x8000, s16  }
.LBB1_4:
0x3f: {  	s20 =	sshra.s32 s18, $0x2  }
0x40: {  	v0 =	vmov s20;
	_ =	sdelay $0x3  }
0x41: {  	p1 =	por $0x1, $0x1;
	s20 =	simm.s32 $0x0  }
.LBB1_5:
0x42: {  	_ = 	snop  }
0x43: {  	s21 =	sshll.u32 s20, $0xA  }
0x44: {  	s21 =	sand.u32 $0x3FFFFC00, s21  }
0x45: {  	s21 =	sadd.s32 s21, s16  }
0x46: {  	v5 =	vld.idx.msk [tilespmem:v0+s21+$0x70 ss:$0x1], $0xffff  }
0x47: {  	v6 =	vld.idx.msk [tilespmem:v0+s21+$0x10 ss:$0x1], $0xffff  }
0x48: {  	v7 =	vld.idx.msk [tilespmem:v0+s21+$0x20 ss:$0x1], $0xffff  }
0x49: {  	s31 =	sshll.u32 s20, $0x7;
	v1 =	vld.idx.msk [tilespmem:v0+s21+$0x30 ss:$0x1], $0xffff  }
0x4a: {  	s20 =	sand.u32 $0x3FFFFF80, s31;
	v2 =	vld.idx.msk [tilespmem:v0+s21+$0x40 ss:$0x1], $0xffff  }
0x4b: {  	s20 =	sadd.s32 s20, s17;
	v3 =	vld.idx.msk [tilespmem:v0+s21+$0x50 ss:$0x1], $0xffff  }
0x4c: {  	v4 =	vld.idx.msk [tilespmem:v0+s21+$0x60 ss:$0x1], $0xffff;
	[tilespmem:v0+s20+$0x70 ss:$0x1] =	vst.idx.msk $0xffff, v5  }
0x4d: {  	v5 =	vld.idx.msk [tilespmem:v0+s21+$0x0 ss:$0x1], $0xffff;
	[tilespmem:v0+s20+$0x10 ss:$0x1] =	vst.idx.msk $0xffff, v6;
	s21 =	sadd.s32 $0x80, s21  }
0x4e: {  	p0 =	por p1, p1;
	s22 =	simm.s32 $0x6;
	[tilespmem:v0+s20+$0x20 ss:$0x1] =	vst.idx.msk $0xffff, v7;
	v6 =	vld.idx.msk [tilespmem:v0+s21+$0x70 ss:$0x1], $0xffff  }
.LBB1_6:
0x4f: {  	p1 =	sne.s32 s22, $0x1;
	v7 =	vld.idx.msk [tilespmem:v0+s21+$0x10 ss:$0x1], $0xffff;
	[tilespmem:v0+s20+$0x30 ss:$0x1] =	vst.idx.msk $0xffff, v1  }
0x50: {  	v8 =	vld.idx.msk [tilespmem:v0+s21+$0x20 ss:$0x1], $0xffff;
	[tilespmem:v0+s20+$0x40 ss:$0x1] =	vst.idx.msk $0xffff, v2  }
0x51: {  	v1 =	vld.idx.msk [tilespmem:v0+s21+$0x30 ss:$0x1], $0xffff;
	[tilespmem:v0+s20+$0x50 ss:$0x1] =	vst.idx.msk $0xffff, v3  }
.Ltmp4:
0x52: {  	v2 =	vld.idx.msk [tilespmem:v0+s21+$0x40 ss:$0x1], $0xffff;
	[tilespmem:v0+s20+$0x60 ss:$0x1] =	vst.idx.msk $0xffff, v4;
	(pc) =	sbr.rel @p1 .LBB1_6-.Ltmp4, $4  }
0x53: {  	v3 =	vld.idx.msk [tilespmem:v0+s21+$0x50 ss:$0x1], $0xffff;
	[tilespmem:v0+s20+$0x0 ss:$0x1] =	vst.idx.msk $0xffff, v5;
	s20 =	sadd.s32 $0x100, s20  }
0x54: {  	v4 =	vld.idx.msk [tilespmem:v0+s21+$0x60 ss:$0x1], $0xffff;
	[tilespmem:v0+s20+$0x70 ss:$0x1] =	vst.idx.msk $0xffff, v6  }
0x55: {  	v5 =	vld.idx.msk [tilespmem:v0+s21+$0x0 ss:$0x1], $0xffff;
	[tilespmem:v0+s20+$0x10 ss:$0x1] =	vst.idx.msk $0xffff, v7;
	s21 =	sadd.s32 $0x80, s21  }
0x56: {  	s22 =	sadd.s32 $0xFFFFFFFF, s22;
	v6 =	vld.idx.msk [tilespmem:v0+s21+$0x70 ss:$0x1], $0xffff;
	[tilespmem:v0+s20+$0x20 ss:$0x1] =	vst.idx.msk $0xffff, v8  }
0x57: {  	_ =	sdelay $0x3  }
0x58: {  	[tilespmem:v0+s20+$0x30 ss:$0x1] =	vst.idx.msk $0xffff, v1  }
0x59: {  	v1 =	vld.idx.msk [tilespmem:v0+s21+$0x10 ss:$0x1], $0xffff;
	[tilespmem:v0+s20+$0x40 ss:$0x1] =	vst.idx.msk $0xffff, v2  }
0x5a: {  	v2 =	vld.idx.msk [tilespmem:v0+s21+$0x20 ss:$0x1], $0xffff;
	[tilespmem:v0+s20+$0x50 ss:$0x1] =	vst.idx.msk $0xffff, v3  }
0x5b: {  	v61 =	vld.idx.msk [tilespmem:v0+s21+$0x40 ss:$0x1], $0xffff;
	[tilespmem:v0+s20+$0x60 ss:$0x1] =	vst.idx.msk $0xffff, v4  }
0x5c: {  	s31 =	sadd.s32 $0x100, s20;
	v62 =	vld.idx.msk [tilespmem:v0+s21+$0x50 ss:$0x1], $0xffff;
	[tilespmem:v0+s20+$0x0 ss:$0x1] =	vst.idx.msk $0xffff, v5  }
0x5d: {  	v63 =	vld.idx.msk [tilespmem:v0+s21+$0x60 ss:$0x1], $0xffff;
	[tilespmem:v0+s31+$0x70 ss:$0x1] =	vst.idx.msk $0xffff, v6  }
0x5e: {  	v3 =	vld.idx.msk [tilespmem:v0+s21+$0x30 ss:$0x1], $0xffff;
	[tilespmem:v0+s31+$0x10 ss:$0x1] =	vst.idx.msk $0xffff, v1  }
0x5f: {  	v1 =	vld.idx.msk [tilespmem:v0+s21+$0x0 ss:$0x1], $0xffff;
	[tilespmem:v0+s31+$0x20 ss:$0x1] =	vst.idx.msk $0xffff, v2  }
.Ltmp5:
0x60: {  	[tilespmem:v0+s31+$0x40 ss:$0x1] =	vst.idx.msk $0xffff, v61;
	(pc) =	sbr.rel @p0 .LBB1_5-.Ltmp5, $4  }
0x61: {  	[tilespmem:v0+s31+$0x50 ss:$0x1] =	vst.idx.msk $0xffff, v62  }
0x62: {  	[tilespmem:v0+s31+$0x60 ss:$0x1] =	vst.idx.msk $0xffff, v63  }
0x63: {  	[tilespmem:v0+s31+$0x30 ss:$0x1] =	vst.idx.msk $0xffff, v3  }
0x64: {  	p1 =	por $0x0, $0x0;
	s20 =	simm.s32 $0x1;
	[tilespmem:v0+s31+$0x0 ss:$0x1] =	vst.idx.msk $0xffff, v1  }
0x65: {  	s19 =	sadd.s32 $0x1, s19  }
0x66: {  	p0 =	sne.s32 s19, s15  }
.Ltmp6:
0x67: {  	_ = 	snop;
	(pc) =	sbr.rel @p0 .LBB1_4-.Ltmp6, $4  }
.Ltmp7:
0x68: {  	_ = 	snop;
	(pc) =	sbr.rel @!p0 .LBB1_9-.Ltmp7, $4  }
0x69: {  	_ = 	snop  }
0x6a: {  	_ = 	snop  }
0x6b: {  	s18 =	sadd.s32 $0x2000, s18  }
0x6c: {  	_ = 	snop  }
.LBB1_11:
0x6d: {  	_ =	sfence.sel $0x180000  }
0x6e: {  	s2 =	simm.s32 $0x1;
	[bflag:$0x0] =	sbarrier.arrive $0xFFFF  }
0x6f: {  	s31 =	simm.s32 $0x2;
	[sflag:s2] =	ssyncpa.u1 $0x1  }
0x70: {  	[sflag:s31] =	ssyncpa.u1 $0x1  }
0x71: {  	p0 =	sne.s32 s1, $0x0;
	_ =	strace $0x90000047  }
0x72: {  	s0 =	sadd.s32 @!p0 $0x100000, s0;
	[bflag:$0x2] =	sbarrier.arrive $0xFFFF  }
0x73: {  	[sflag:s0] =	ssyncadd.tile.s32 @!p0 $0x1;
	_ =	shalt  }
.Lfunc_end1:
_tile_overlayer_lowered:
.L_overlay_start_2:
0x74: {  	(tag) =	ssettag $0x2  }
0x75: {  	s0 =	rddreg [dreg:$0x0];
	s2 =	stileid.u32  }
0x76: {  	s1 =	rddreg [dreg:$0x1];
	p0 =	sne.s32 s2, $0x0  }
0x77: {  	s3 =	rddreg [dreg:$0x2];
	[bflag:$0x3] =	sbarrier.arrive $0xFFFF;
	s2 =	simm.s32 @!p0 $0x1C01  }
0x78: {  	[timem:s3], [sflag:s2] =	dma.local @!p0 [hbm:s0], s1  }
0x79: {  	s0 =	simm.s32 @!p0 $0x1  }
0x7a: {  	_ =	swait.ge @!p0 [sflag:s0], s1  }
0x7b: {  	s1 =	ssub.s32 @!p0 $0x0, s1;
	[sflag:s0] =	ssyncset.done @!p0 $0x0  }
0x7c: {  	[sflag:s0] =	ssyncadd.s32 @!p0 s1  }
0x7d: {  	[bflag:$0x3] =	sbarrier.arrive $0xFFFF  }
0x7e: {  	_ =	shalt  }

</sc_bundles>
